<compile_context>
chip_gen: v7x
topology: tpu7x:2x2x1
jax: 0.10.2.dev20260603
libtpu: 0.0.44.dev20260713+nightly
codegen_flags: <defaults>
</compile_context>

<pallas_src>
import functools

import jax
import jax.numpy as jnp
from jax import lax
from jax.experimental import pallas as pl
from jax.experimental.pallas import tpu as pltpu
from jax.experimental.pallas import tpu_sc as plsc

N = 10000
E = 160000
D_NODE = 64
D_EDGE = 16
H = 32
G = 64

NC = 2
NS = 16
NW = NC * NS
ROWS_DMA = 128
E_PAD = 163840
PER_W = E_PAD // NW
K_DMA = PER_W // ROWS_DMA
GROUP = 1024
N_GROUPS = PER_W // GROUP
DMA_PER_GROUP = GROUP // ROWS_DMA
NP = 10240
ROWS_PER_TILE = NP // NS

@functools.lru_cache(maxsize=None)
def _sc_mesh():
    return plsc.VectorSubcoreMesh(
        core_axis_name="c", subcore_axis_name="s",
        num_cores=NC, num_subcores=NS)


@functools.lru_cache(maxsize=None)
def _make_gather(d_in):
    group_rows = 32768 // d_in
    dpg = group_rows // ROWS_DMA
    ngr = PER_W // group_rows
    rpt = 632
    last = N - rpt * (NS - 1)

    def body(table_hbm, src_hbm, out_hbm, idx_v, rows_v, tab_sh, semg, semo):
        sid = lax.axis_index("s")
        wid = sid * NC + lax.axis_index("c")
        base = wid * PER_W
        pltpu.sync_copy(src_hbm.at[wid], idx_v)

        @pl.when(sid < NS - 1)
        def _():
            pltpu.sync_copy(table_hbm.at[pl.ds(sid * rpt, rpt)],
                            tab_sh.at[pl.ds(sid * rpt, rpt)])

        @pl.when(sid == NS - 1)
        def _():
            pltpu.sync_copy(table_hbm.at[pl.ds((NS - 1) * rpt, last)],
                            tab_sh.at[pl.ds((NS - 1) * rpt, last)])

        plsc.subcore_barrier()

        def fire(g, b):
            for j in range(dpg):
                pltpu.async_copy(
                    tab_sh.at[idx_v.at[g * dpg + j]],
                    rows_v.at[b, pl.ds(j * ROWS_DMA, ROWS_DMA)], semg)

        fire(0, 0)

        def group(g, carry):
            b = lax.rem(g, 2)
            nb = lax.rem(g + 1, 2)
            for j in range(dpg):
                pltpu.make_async_copy(
                    tab_sh.at[idx_v.at[j]],
                    rows_v.at[b, pl.ds(j * ROWS_DMA, ROWS_DMA)], semg).wait()

            @pl.when(g >= 1)
            def _():
                pltpu.make_async_copy(
                    rows_v.at[nb], out_hbm.at[pl.ds(base, group_rows)],
                    semo).wait()

            @pl.when(g + 1 < ngr)
            def _():
                fire(g + 1, nb)

            pltpu.async_copy(
                rows_v.at[b],
                out_hbm.at[pl.ds(base + g * group_rows, group_rows)], semo)
            return carry

        lax.fori_loop(0, ngr, group, 0)
        pltpu.make_async_copy(
            rows_v.at[lax.rem(ngr - 1, 2)],
            out_hbm.at[pl.ds(base, group_rows)], semo).wait()

    return pl.kernel(
        body,
        out_type=jax.ShapeDtypeStruct((E_PAD, d_in), jnp.float32),
        mesh=_sc_mesh(),
        compiler_params=pltpu.CompilerParams(use_tc_tiling_on_sc=False),
        scratch_types=[
            pltpu.VMEM((K_DMA, ROWS_DMA), jnp.int32),
            pltpu.VMEM((2, group_rows, d_in), jnp.float32),
            pltpu.VMEM_SHARED((N, d_in), jnp.float32),
            pltpu.SemaphoreType.DMA,
            pltpu.SemaphoreType.DMA,
        ],
    )


def _scatter_body(msg_hbm, dst_hbm, zeros_hbm, out_hbm,
                  idx_v, msg_v, acc_sh, seml, sems):
    cid = lax.axis_index("c")
    sid = lax.axis_index("s")
    wid = sid * NC + cid
    base = wid * PER_W
    row0 = sid * ROWS_PER_TILE
    pltpu.sync_copy(dst_hbm.at[wid], idx_v)
    pltpu.async_copy(msg_hbm.at[pl.ds(base, GROUP)], msg_v.at[0], seml)
    pltpu.sync_copy(zeros_hbm, acc_sh.at[pl.ds(row0, ROWS_PER_TILE)])
    plsc.subcore_barrier()

    def fire_scatters(g, b):
        for j in range(DMA_PER_GROUP):
            pltpu.async_copy(msg_v.at[b, pl.ds(j * ROWS_DMA, ROWS_DMA)],
                             acc_sh.at[idx_v.at[g * DMA_PER_GROUP + j]],
                             sems, add=True)

    def drain_scatters(b):
        for j in range(DMA_PER_GROUP):
            pltpu.make_async_copy(
                msg_v.at[b, pl.ds(j * ROWS_DMA, ROWS_DMA)],
                acc_sh.at[idx_v.at[j]], sems).wait()

    def group(g, carry):
        b = lax.rem(g, 2)
        nb = lax.rem(g + 1, 2)
        pltpu.make_async_copy(
            msg_hbm.at[pl.ds(base, GROUP)], msg_v.at[b], seml).wait()

        @pl.when(g >= 1)
        def _():
            drain_scatters(nb)

        @pl.when(g + 1 < N_GROUPS)
        def _():
            pltpu.async_copy(
                msg_hbm.at[pl.ds(base + (g + 1) * GROUP, GROUP)],
                msg_v.at[nb], seml)

        fire_scatters(g, b)
        return carry

    lax.fori_loop(0, N_GROUPS, group, 0)
    drain_scatters(lax.rem(N_GROUPS - 1, 2))
    plsc.subcore_barrier()
    pltpu.sync_copy(acc_sh.at[pl.ds(row0, ROWS_PER_TILE)],
                    out_hbm.at[pl.ds(cid * NP + row0, ROWS_PER_TILE)])


@functools.lru_cache(maxsize=None)
def _make_scatter():
    return pl.kernel(
        _scatter_body,
        out_type=jax.ShapeDtypeStruct((NC * NP, H), jnp.float32),
        mesh=_sc_mesh(),
        compiler_params=pltpu.CompilerParams(use_tc_tiling_on_sc=False),
        scratch_types=[
            pltpu.VMEM((K_DMA, ROWS_DMA), jnp.int32),
            pltpu.VMEM((2, GROUP, H), jnp.float32),
            pltpu.VMEM_SHARED((NP, H), jnp.float32),
            pltpu.SemaphoreType.DMA,
            pltpu.SemaphoreType.DMA,
        ],
    )


BE = 2048


KW = (D_EDGE + 1) * H
BE4 = 512
Q4 = E_PAD // 4
GRID_M = Q4 // BE4
NBLK = GRID_M


def _fold(c, y):
    t = c * y[:, :D_EDGE * H]
    a = t[:, :256] + t[:, 256:512]
    a = a[:, :128] + a[:, 128:]
    a = a[:, :64] + a[:, 64:]
    return a[:, :H] + a[:, H:] + y[:, D_EDGE * H:]


def _cexp(eat, r_ref):
    return jax.lax.dot_general(eat, r_ref[...], (((0,), (0,)), ((), ())),
                               preferred_element_type=jnp.float32)


def _msg64_body(xa_ref, xb_ref, ea0_ref, ea1_ref, ea2_ref, ea3_ref,
                w_ref, r_ref, out_ref):
    blka = xa_ref[...]
    blkb = xb_ref[...]
    wl = w_ref[pl.ds(0, 128), :]
    wr = w_ref[pl.ds(128, 128), :]
    m0 = _fold(_cexp(ea0_ref[...], r_ref),
               jnp.dot(blka, wl, preferred_element_type=jnp.float32))
    m1 = _fold(_cexp(ea1_ref[...], r_ref),
               jnp.dot(blkb, wl, preferred_element_type=jnp.float32))
    m2 = _fold(_cexp(ea2_ref[...], r_ref),
               jnp.dot(blka, wr, preferred_element_type=jnp.float32))
    m3 = _fold(_cexp(ea3_ref[...], r_ref),
               jnp.dot(blkb, wr, preferred_element_type=jnp.float32))
    out_ref[...] = jnp.concatenate([m0, m1, m2, m3], axis=1)


def _msg32_body(xj_ref, ea0_ref, ea1_ref, ea2_ref, ea3_ref,
                w_ref, r_ref, out_ref):
    blk = xj_ref[...]
    ea_refs = (ea0_ref, ea1_ref, ea2_ref, ea3_ref)
    msgs = []
    for q in range(4):
        y = jnp.dot(blk, w_ref[pl.ds(q * 128, 128), :],
                    preferred_element_type=jnp.float32)
        msgs.append(_fold(_cexp(ea_refs[q][...], r_ref), y))
    out_ref[...] = jnp.concatenate(msgs, axis=1)


def _ea_specs():
    return [pl.BlockSpec((D_EDGE, BE4), lambda i, q=q: (0, q * NBLK + i))
            for q in range(4)]


_msg64 = pl.pallas_call(
    _msg64_body,
    grid=(GRID_M,),
    in_specs=[
        pl.BlockSpec((BE4, 128), lambda i: (i, 0)),
        pl.BlockSpec((BE4, 128), lambda i: (GRID_M + i, 0)),
        *_ea_specs(),
        pl.BlockSpec((256, KW), lambda i: (0, 0)),
        pl.BlockSpec((D_EDGE, D_EDGE * H), lambda i: (0, 0)),
    ],
    out_specs=pl.BlockSpec((BE4, 4 * H), lambda i: (i, 0)),
    out_shape=jax.ShapeDtypeStruct((Q4, 4 * H), jnp.float32),
)

_msg32 = pl.pallas_call(
    _msg32_body,
    grid=(GRID_M,),
    in_specs=[
        pl.BlockSpec((BE4, 128), lambda i: (i, 0)),
        *_ea_specs(),
        pl.BlockSpec((512, KW), lambda i: (0, 0)),
        pl.BlockSpec((D_EDGE, D_EDGE * H), lambda i: (0, 0)),
    ],
    out_specs=pl.BlockSpec((BE4, 4 * H), lambda i: (i, 0)),
    out_shape=jax.ShapeDtypeStruct((Q4, 4 * H), jnp.float32),
)


def _update_body(x_ref, agg_ref, root_ref, bias_ref, out_ref):
    agg = agg_ref[pl.ds(0, N)] + agg_ref[pl.ds(NP, N)]
    h = (jnp.dot(x_ref[...], root_ref[...], preferred_element_type=jnp.float32)
         + agg + bias_ref[...])
    out_ref[...] = jnp.maximum(h, 0.0)


def _make_update(d_in):
    return pl.pallas_call(
        _update_body,
        out_shape=jax.ShapeDtypeStruct((N, H), jnp.float32),
    )


_update1 = _make_update(D_NODE)


def _final_body(h1_ref, agg_ref, root_ref, bias_ref, batch_ref,
                l1w_ref, l1b_ref, l2w_ref, l2b_ref, out_ref):
    agg = agg_ref[pl.ds(0, N)] + agg_ref[pl.ds(NP, N)]
    h2 = (jnp.dot(h1_ref[...], root_ref[...],
                  preferred_element_type=jnp.float32)
          + agg + bias_ref[...])
    gids = jnp.broadcast_to(batch_ref[...], (G, N))
    oht = (lax.broadcasted_iota(jnp.int32, (G, N), 0) == gids
           ).astype(jnp.float32)
    sums = jnp.dot(oht, h2, preferred_element_type=jnp.float32)
    cnt = jnp.sum(oht, axis=1, keepdims=True)
    pooled = sums / jnp.maximum(cnt, 1.0)
    z = jnp.maximum(
        jnp.dot(pooled, l1w_ref[...], preferred_element_type=jnp.float32)
        + l1b_ref[...], 0.0)
    out_ref[...] = jax.nn.sigmoid(
        jnp.dot(z, l2w_ref[...], preferred_element_type=jnp.float32)
        + l2b_ref[...])


_final = pl.pallas_call(
    _final_body,
    out_shape=jax.ShapeDtypeStruct((G, 1), jnp.float32),
)


def kernel(x, edge_index, edge_attr, batch,
           nn1_W, nn1_b, root1, bias1,
           nn2_W, nn2_b, root2, bias2,
           lin1_W, lin1_b, lin2_W, lin2_b):
    src = edge_index[0].astype(jnp.int32)
    dst = edge_index[1].astype(jnp.int32)
    pad = E_PAD - E

    def slots(a, m):
        ep = E_PAD // m
        parts = [a[q * ep:(q + 1) * ep].reshape(-1, 128 // m)
                 for q in range(m)]
        return jnp.stack(parts, axis=2).reshape(E_PAD)

    src_pad = jnp.concatenate([src, jnp.zeros((pad,), jnp.int32)])
    dst_pad = jnp.concatenate([dst, jnp.full((pad,), NP - 1, jnp.int32)])
    src_p1 = slots(src_pad, 2).reshape(NW, K_DMA, ROWS_DMA)
    src_p2 = slots(src_pad, 4).reshape(NW, K_DMA, ROWS_DMA)
    dst_p = slots(dst_pad, 4).reshape(NW, K_DMA, ROWS_DMA)
    eat = jnp.pad(edge_attr.T, ((0, 0), (0, pad)))

    def wcat(nnW, nnb, d_in):
        w = nnW.reshape(D_EDGE, d_in, H).transpose(1, 0, 2).reshape(d_in, -1)
        return jnp.concatenate([w, nnb.reshape(d_in, H)], axis=1)

    w1 = wcat(nn1_W, nn1_b, D_NODE)
    wall1 = jnp.concatenate(
        [jnp.pad(w1, ((64 * q, 64 * (1 - q)), (0, 0))) for q in (0, 1)],
        axis=0)
    w2 = wcat(nn2_W, nn2_b, H)
    wall2 = jnp.concatenate(
        [jnp.pad(w2, ((32 * q, 32 * (3 - q)), (0, 0))) for q in range(4)],
        axis=0)
    rmat = jnp.repeat(jnp.eye(D_EDGE, dtype=jnp.float32), H, axis=1)
    zeros_np = jnp.zeros((ROWS_PER_TILE, H), jnp.float32)
    batch2d = batch.astype(jnp.int32).reshape(1, N)

    xj = _make_gather(D_NODE)(x, src_p1).reshape(E_PAD // 2, 128)
    msg1 = _msg64(xj, xj, eat, eat, eat, eat, wall1, rmat)
    agg1 = _make_scatter()(msg1.reshape(E_PAD, H), dst_p, zeros_np)
    h1 = _update1(x, agg1, root1, bias1.reshape(1, H))

    hj = _make_gather(H)(h1, src_p2)
    msg2 = _msg32(hj.reshape(Q4, 128), eat, eat, eat, eat, wall2, rmat)
    agg2 = _make_scatter()(msg2.reshape(E_PAD, H), dst_p, zeros_np)

    return _final(h1, agg2, root2, bias2.reshape(1, H),
                  batch2d, lin1_W, lin1_b.reshape(1, H // 2),
                  lin2_W, lin2_b.reshape(1, 1))

# --- scband reference (transcript-rebuilt; emitter-appended) ---
"""Pipeline reference for scband-nnmodel2-20993800143366 (READ-ONLY COPY).

The authoritative reference and input builder live on the scoring server;
editing this copy changes nothing except your own understanding.
"""

import jax, jax.numpy as jnp
import numpy as np

N = 10000
E = 160000
D_NODE = 64
D_EDGE = 16
H = 32
G = 64


def setup_inputs(seed: int = 0) -> dict:
    key = jax.random.key(seed)
    ks = jax.random.split(key, 16)
    x = jax.random.normal(ks[0], (N, D_NODE), dtype=jnp.float32)
    edge_index = jax.random.randint(ks[1], (2, E), 0, N)
    edge_attr = jax.random.normal(ks[2], (E, D_EDGE), dtype=jnp.float32)
    batch = jnp.sort(jax.random.randint(ks[3], (N,), 0, G))
    # NNConv layer 1: nn maps edge_attr -> [D_NODE*H] per-edge weight matrix
    nn1_W = jax.random.normal(ks[4], (D_EDGE, D_NODE * H), dtype=jnp.float32) * 0.05
    nn1_b = jax.random.normal(ks[5], (D_NODE * H,), dtype=jnp.float32) * 0.05
    root1 = jax.random.normal(ks[6], (D_NODE, H), dtype=jnp.float32) * 0.05
    bias1 = jnp.zeros((H,), dtype=jnp.float32)
    # NNConv layer 2
    nn2_W = jax.random.normal(ks[7], (D_EDGE, H * H), dtype=jnp.float32) * 0.05
    nn2_b = jax.random.normal(ks[8], (H * H,), dtype=jnp.float32) * 0.05
    root2 = jax.random.normal(ks[9], (H, H), dtype=jnp.float32) * 0.05
    bias2 = jnp.zeros((H,), dtype=jnp.float32)
    # readout MLP
    lin1_W = jax.random.normal(ks[10], (H, H // 2), dtype=jnp.float32) * 0.1
    lin1_b = jnp.zeros((H // 2,), dtype=jnp.float32)
    lin2_W = jax.random.normal(ks[11], (H // 2, 1), dtype=jnp.float32) * 0.1
    lin2_b = jnp.zeros((1,), dtype=jnp.float32)
    return {"x": x, "edge_index": edge_index, "edge_attr": edge_attr, "batch": batch,
            "nn1_W": nn1_W, "nn1_b": nn1_b, "root1": root1, "bias1": bias1,
            "nn2_W": nn2_W, "nn2_b": nn2_b, "root2": root2, "bias2": bias2,
            "lin1_W": lin1_W, "lin1_b": lin1_b, "lin2_W": lin2_W, "lin2_b": lin2_b}


def _nnconv(x, src, dst, edge_attr, nnW, nnb, root, bias, in_ch, out_ch):
    # PyG NNConv: out_i = x_i @ root + sum_{j->i} x_j @ reshape(nn(e_ji)) + bias
    W_e = (edge_attr @ nnW + nnb).reshape(E, in_ch, out_ch)
    x_j = jnp.take(x, src, axis=0)
    msg = jnp.einsum('ei,eio->eo', x_j, W_e)
    agg = jax.ops.segment_sum(msg, dst, num_segments=N)
    return x @ root + agg + bias


def reference(x, edge_index, edge_attr, batch,
              nn1_W, nn1_b, root1, bias1,
              nn2_W, nn2_b, root2, bias2,
              lin1_W, lin1_b, lin2_W, lin2_b):
    src = edge_index[0]
    dst = edge_index[1]
    h = _nnconv(x, src, dst, edge_attr, nn1_W, nn1_b, root1, bias1, D_NODE, H)
    h = jax.nn.relu(h)
    h = _nnconv(h, src, dst, edge_attr, nn2_W, nn2_b, root2, bias2, H, H)
    # global_mean_pool
    sums = jax.ops.segment_sum(h, batch, num_segments=G)
    cnts = jax.ops.segment_sum(jnp.ones((N, 1), dtype=h.dtype), batch, num_segments=G)
    pooled = sums / jnp.maximum(cnts, 1.0)
    # dropout is identity at inference
    z = jax.nn.relu(pooled @ lin1_W + lin1_b)
    out = jax.nn.sigmoid(z @ lin2_W + lin2_b)
    return out

if __name__ == "__main__":
    import jax
    _d = setup_inputs()
    print(jax.jit(kernel)(*tuple(_d.values())))

</pallas_src>

<mosaic_0001>
#map = affine_map<(d0, d1) -> (0, 0)>
#map1 = affine_map<(d0, d1) -> (0, 0, 0)>
module attributes {stable_mosaic.version = 14 : i64} {
  func.func @_scatter_body(%arg0: i32, %arg1: i32, %arg2: memref<163840x32xf32, #tpu.memory_space<hbm>>, %arg3: memref<32x40x128xi32, #tpu.memory_space<hbm>>, %arg4: memref<640x32xf32, #tpu.memory_space<hbm>>, %arg5: memref<20480x32xf32, #tpu.memory_space<hbm>>, %arg6: memref<40x128xi32, #tpu.memory_space<vmem>>, %arg7: memref<2x1024x32xf32, #tpu.memory_space<vmem>>, %arg8: memref<10240x32xf32, #tpu.memory_space<vmem_shared>>, %arg9: memref<!tpu.dma_semaphore, #tpu.memory_space<semaphore_mem>>, %arg10: memref<!tpu.dma_semaphore, #tpu.memory_space<semaphore_mem>>) attributes {dimension_semantics = [#tpu.dimension_semantics<core_parallel>, #tpu.dimension_semantics<subcore_parallel>], iteration_bounds = array<i64: 2, 16>, scalar_prefetch = 0 : i64, scratch_operands = 5 : i64, tpu.core_type = #tpu.core_type<sc_vector_subcore>, window_params = [{transform_indices = #map}, {transform_indices = #map1}, {transform_indices = #map}, {transform_indices = #map}]} {
    %mul3A = arith.constant 2 : i32
    %mul3A_0 = arith.muli %arg1, %mul3A : i32
    %add3A = arith.addi %mul3A_0, %arg0 : i32
    %mul3A_1 = arith.constant 5120 : i32
    %mul3A_2 = arith.muli %add3A, %mul3A_1 : i32
    %mul3A_3 = arith.constant 640 : i32
    %mul3A_4 = arith.muli %arg1, %mul3A_3 : i32
    "tpu.region"() ({
      %run_scoped3A = tpu.sem_alloc : memref<!tpu.dma_semaphore, #tpu.memory_space<semaphore_mem>>
      %dma_start3A_115 = arith.constant 0 : i32
      %dma_start3A_116 = arith.constant 0 : i32
      %dma_start3A_117 = tpu.memref_slice %arg3[%add3A, %dma_start3A_115, %dma_start3A_116] : memref<32x40x128xi32, #tpu.memory_space<hbm>> -> memref<1x40x128xi32, #tpu.memory_space<hbm>>
      %dma_start3A_118 = tpu.memref_squeeze %dma_start3A_117 : memref<1x40x128xi32, #tpu.memory_space<hbm>> -> memref<40x128xi32, #tpu.memory_space<hbm>>
      %dma_start3A_119 = arith.constant 0 : i32
      %dma_start3A_120 = arith.constant 0 : i32
      %dma_start3A_121 = tpu.memref_slice %arg3[%add3A, %dma_start3A_119, %dma_start3A_120] : memref<32x40x128xi32, #tpu.memory_space<hbm>> -> memref<1x40x128xi32, #tpu.memory_space<hbm>>
      %dma_start3A_122 = tpu.memref_squeeze %dma_start3A_121 : memref<1x40x128xi32, #tpu.memory_space<hbm>> -> memref<40x128xi32, #tpu.memory_space<hbm>>
      tpu.enqueue_dma source(%dma_start3A_122 : memref<40x128xi32, #tpu.memory_space<hbm>>) target(%arg6 : memref<40x128xi32, #tpu.memory_space<vmem>>) target_semaphore(%run_scoped3A : memref<!tpu.dma_semaphore, #tpu.memory_space<semaphore_mem>>)
      %dma_wait3A_123 = arith.constant 0 : i32
      %dma_wait3A_124 = arith.constant 0 : i32
      %dma_wait3A_125 = tpu.memref_slice %arg3[%add3A, %dma_wait3A_123, %dma_wait3A_124] : memref<32x40x128xi32, #tpu.memory_space<hbm>> -> memref<1x40x128xi32, #tpu.memory_space<hbm>>
      %dma_wait3A_126 = tpu.memref_squeeze %dma_wait3A_125 : memref<1x40x128xi32, #tpu.memory_space<hbm>> -> memref<40x128xi32, #tpu.memory_space<hbm>>
      %dma_wait3A_127 = arith.constant 0 : i32
      %dma_wait3A_128 = arith.constant 0 : i32
      %dma_wait3A_129 = tpu.memref_slice %arg3[%add3A, %dma_wait3A_127, %dma_wait3A_128] : memref<32x40x128xi32, #tpu.memory_space<hbm>> -> memref<1x40x128xi32, #tpu.memory_space<hbm>>
      %dma_wait3A_130 = tpu.memref_squeeze %dma_wait3A_129 : memref<1x40x128xi32, #tpu.memory_space<hbm>> -> memref<40x128xi32, #tpu.memory_space<hbm>>
      tpu.wait_dma2 semaphore(%run_scoped3A : memref<!tpu.dma_semaphore, #tpu.memory_space<semaphore_mem>>) src(%dma_wait3A_130 : memref<40x128xi32, #tpu.memory_space<hbm>>) dst(%arg6 : memref<40x128xi32, #tpu.memory_space<vmem>>)
      tpu.yield
    }) : () -> ()
    %dma_start3A = arith.constant 0 : i32
    %dma_start3A_5 = arith.constant 0 : i32
    %dma_start3A_6 = arith.constant 0 : i32
    %dma_start3A_7 = tpu.memref_slice %arg7[%dma_start3A, %dma_start3A_5, %dma_start3A_6] : memref<2x1024x32xf32, #tpu.memory_space<vmem>> -> memref<1x1024x32xf32, #tpu.memory_space<vmem>>
    %dma_start3A_8 = tpu.memref_squeeze %dma_start3A_7 : memref<1x1024x32xf32, #tpu.memory_space<vmem>> -> memref<1024x32xf32, #tpu.memory_space<vmem>>
    %dma_start3A_9 = arith.constant 0 : i32
    %dma_start3A_10 = tpu.memref_slice %arg2[%mul3A_2, %dma_start3A_9] : memref<163840x32xf32, #tpu.memory_space<hbm>> -> memref<1024x32xf32, #tpu.memory_space<hbm>>
    %dma_start3A_11 = arith.constant 0 : i32
    %dma_start3A_12 = arith.constant 0 : i32
    %dma_start3A_13 = tpu.memref_slice %arg7[%dma_start3A, %dma_start3A_11, %dma_start3A_12] : memref<2x1024x32xf32, #tpu.memory_space<vmem>> -> memref<1x1024x32xf32, #tpu.memory_space<vmem>>
    %dma_start3A_14 = tpu.memref_squeeze %dma_start3A_13 : memref<1x1024x32xf32, #tpu.memory_space<vmem>> -> memref<1024x32xf32, #tpu.memory_space<vmem>>
    %dma_start3A_15 = arith.constant 0 : i32
    %dma_start3A_16 = tpu.memref_slice %arg2[%mul3A_2, %dma_start3A_15] : memref<163840x32xf32, #tpu.memory_space<hbm>> -> memref<1024x32xf32, #tpu.memory_space<hbm>>
    tpu.enqueue_dma source(%dma_start3A_16 : memref<1024x32xf32, #tpu.memory_space<hbm>>) target(%dma_start3A_14 : memref<1024x32xf32, #tpu.memory_space<vmem>>) target_semaphore(%arg9 : memref<!tpu.dma_semaphore, #tpu.memory_space<semaphore_mem>>)
    "tpu.region"() ({
      %run_scoped3A = tpu.sem_alloc : memref<!tpu.dma_semaphore, #tpu.memory_space<semaphore_mem>>
      %dma_start3A_115 = arith.constant 0 : i32
      %dma_start3A_116 = tpu.memref_slice %arg8[%mul3A_4, %dma_start3A_115] : memref<10240x32xf32, #tpu.memory_space<vmem_shared>> -> memref<640x32xf32, #tpu.memory_space<vmem_shared>>
      tpu.enqueue_dma source(%arg4 : memref<640x32xf32, #tpu.memory_space<hbm>>) target(%dma_start3A_116 : memref<640x32xf32, #tpu.memory_space<vmem_shared>>) target_semaphore(%run_scoped3A : memref<!tpu.dma_semaphore, #tpu.memory_space<semaphore_mem>>)
      %dma_wait3A_117 = arith.constant 0 : i32
      %dma_wait3A_118 = tpu.memref_slice %arg8[%mul3A_4, %dma_wait3A_117] : memref<10240x32xf32, #tpu.memory_space<vmem_shared>> -> memref<640x32xf32, #tpu.memory_space<vmem_shared>>
      tpu.wait_dma2 semaphore(%run_scoped3A : memref<!tpu.dma_semaphore, #tpu.memory_space<semaphore_mem>>) src(%arg4 : memref<640x32xf32, #tpu.memory_space<hbm>>) dst(%dma_wait3A_118 : memref<640x32xf32, #tpu.memory_space<vmem_shared>>)
      tpu.yield
    }) : () -> ()
    %barrier3A = arith.constant 0 : index
    tpu.barrier barrier_id(%barrier3A)
    %scan3A = arith.constant 0 : i32
    %scan3A_17 = arith.constant 0 : i32
    %scan3A_18 = arith.constant 5 : i32
    %scan3A_19 = arith.addi %scan3A_17, %scan3A_18 : i32
    %scan3A_20 = arith.constant 1 : i32
    scf.for %scan3A_115 = %scan3A_17 to %scan3A_19 step %scan3A_20  : i32 {
      %rem3A_116 = arith.constant 2 : i32
      %rem3A_117 = arith.remsi %scan3A_115, %rem3A_116 : i32
      %add3A_118 = arith.constant 1 : i32
      %add3A_119 = arith.addi %scan3A_115, %add3A_118 : i32
      %rem3A_120 = arith.constant 2 : i32
      %rem3A_121 = arith.remsi %add3A_119, %rem3A_120 : i32
      %dma_wait3A_122 = arith.constant 0 : i32
      %dma_wait3A_123 = arith.constant 0 : i32
      %dma_wait3A_124 = tpu.memref_slice %arg7[%rem3A_117, %dma_wait3A_122, %dma_wait3A_123] : memref<2x1024x32xf32, #tpu.memory_space<vmem>> -> memref<1x1024x32xf32, #tpu.memory_space<vmem>>
      %dma_wait3A_125 = tpu.memref_squeeze %dma_wait3A_124 : memref<1x1024x32xf32, #tpu.memory_space<vmem>> -> memref<1024x32xf32, #tpu.memory_space<vmem>>
      %dma_wait3A_126 = arith.constant 0 : i32
      %dma_wait3A_127 = tpu.memref_slice %arg2[%mul3A_2, %dma_wait3A_126] : memref<163840x32xf32, #tpu.memory_space<hbm>> -> memref<1024x32xf32, #tpu.memory_space<hbm>>
      %dma_wait3A_128 = arith.constant 0 : i32
      %dma_wait3A_129 = arith.constant 0 : i32
      %dma_wait3A_130 = tpu.memref_slice %arg7[%rem3A_117, %dma_wait3A_128, %dma_wait3A_129] : memref<2x1024x32xf32, #tpu.memory_space<vmem>> -> memref<1x1024x32xf32, #tpu.memory_space<vmem>>
      %dma_wait3A_131 = tpu.memref_squeeze %dma_wait3A_130 : memref<1x1024x32xf32, #tpu.memory_space<vmem>> -> memref<1024x32xf32, #tpu.memory_space<vmem>>
      %dma_wait3A_132 = arith.constant 0 : i32
      %dma_wait3A_133 = tpu.memref_slice %arg2[%mul3A_2, %dma_wait3A_132] : memref<163840x32xf32, #tpu.memory_space<hbm>> -> memref<1024x32xf32, #tpu.memory_space<hbm>>
      tpu.wait_dma2 semaphore(%arg9 : memref<!tpu.dma_semaphore, #tpu.memory_space<semaphore_mem>>) src(%dma_wait3A_133 : memref<1024x32xf32, #tpu.memory_space<hbm>>) dst(%dma_wait3A_131 : memref<1024x32xf32, #tpu.memory_space<vmem>>)
      %ge3A = arith.constant 1 : i32
      %ge3A_134 = arith.cmpi sge, %scan3A_115, %ge3A : i32
      %convert_element_type3A = arith.extui %ge3A_134 : i1 to i32
      %cond3A = arith.constant 0 : i32
      %cond3A_135 = arith.cmpi ne, %convert_element_type3A, %cond3A : i32
      scf.if %cond3A_135 {
        %dma_wait3A_254 = arith.constant 0 : i32
        %dma_wait3A_255 = arith.constant 0 : i32
        %dma_wait3A_256 = arith.constant 0 : i32
        %dma_wait3A_257 = tpu.memref_slice %arg7[%rem3A_121, %dma_wait3A_255, %dma_wait3A_256] : memref<2x1024x32xf32, #tpu.memory_space<vmem>> -> memref<1x128x32xf32, #tpu.memory_space<vmem>>
        %dma_wait3A_258 = tpu.memref_squeeze %dma_wait3A_257 : memref<1x128x32xf32, #tpu.memory_space<vmem>> -> memref<128x32xf32, #tpu.memory_space<vmem>>
        %dma_wait3A_259 = arith.constant 0 : i32
        %dma_wait3A_260 = tpu.memref_slice %arg6[%dma_wait3A_254, %dma_wait3A_259] : memref<40x128xi32, #tpu.memory_space<vmem>> -> memref<1x128xi32, #tpu.memory_space<vmem>>
        %dma_wait3A_261 = tpu.memref_squeeze %dma_wait3A_260 : memref<1x128xi32, #tpu.memory_space<vmem>> -> memref<128xi32, #tpu.memory_space<vmem>>
        %dma_wait3A_262 = arith.constant 0 : i32
        %dma_wait3A_263 = arith.constant 0 : i32
        %dma_wait3A_264 = tpu.memref_slice %arg8[%dma_wait3A_262, %dma_wait3A_263] : memref<10240x32xf32, #tpu.memory_space<vmem_shared>> -> memref<10240x32xf32, #tpu.memory_space<vmem_shared>>
        tpu.wait_indirect_dma semaphore(%arg10 : memref<!tpu.dma_semaphore, #tpu.memory_space<semaphore_mem>>) src(%dma_wait3A_258 : memref<128x32xf32, #tpu.memory_space<vmem>>) dst(%dma_wait3A_264 : memref<10240x32xf32, #tpu.memory_space<vmem_shared>>)
        %dma_wait3A_265 = arith.constant 1 : i32
        %dma_wait3A_266 = arith.constant 128 : i32
        %dma_wait3A_267 = arith.constant 0 : i32
        %dma_wait3A_268 = tpu.memref_slice %arg7[%rem3A_121, %dma_wait3A_266, %dma_wait3A_267] : memref<2x1024x32xf32, #tpu.memory_space<vmem>> -> memref<1x128x32xf32, #tpu.memory_space<vmem>>
        %dma_wait3A_269 = tpu.memref_squeeze %dma_wait3A_268 : memref<1x128x32xf32, #tpu.memory_space<vmem>> -> memref<128x32xf32, #tpu.memory_space<vmem>>
        %dma_wait3A_270 = arith.constant 0 : i32
        %dma_wait3A_271 = tpu.memref_slice %arg6[%dma_wait3A_265, %dma_wait3A_270] : memref<40x128xi32, #tpu.memory_space<vmem>> -> memref<1x128xi32, #tpu.memory_space<vmem>>
        %dma_wait3A_272 = tpu.memref_squeeze %dma_wait3A_271 : memref<1x128xi32, #tpu.memory_space<vmem>> -> memref<128xi32, #tpu.memory_space<vmem>>
        %dma_wait3A_273 = arith.constant 0 : i32
        %dma_wait3A_274 = arith.constant 0 : i32
        %dma_wait3A_275 = tpu.memref_slice %arg8[%dma_wait3A_273, %dma_wait3A_274] : memref<10240x32xf32, #tpu.memory_space<vmem_shared>> -> memref<10240x32xf32, #tpu.memory_space<vmem_shared>>
        tpu.wait_indirect_dma semaphore(%arg10 : memref<!tpu.dma_semaphore, #tpu.memory_space<semaphore_mem>>) src(%dma_wait3A_269 : memref<128x32xf32, #tpu.memory_space<vmem>>) dst(%dma_wait3A_275 : memref<10240x32xf32, #tpu.memory_space<vmem_shared>>)
        %dma_wait3A_276 = arith.constant 2 : i32
        %dma_wait3A_277 = arith.constant 256 : i32
        %dma_wait3A_278 = arith.constant 0 : i32
        %dma_wait3A_279 = tpu.memref_slice %arg7[%rem3A_121, %dma_wait3A_277, %dma_wait3A_278] : memref<2x1024x32xf32, #tpu.memory_space<vmem>> -> memref<1x128x32xf32, #tpu.memory_space<vmem>>
        %dma_wait3A_280 = tpu.memref_squeeze %dma_wait3A_279 : memref<1x128x32xf32, #tpu.memory_space<vmem>> -> memref<128x32xf32, #tpu.memory_space<vmem>>
        %dma_wait3A_281 = arith.constant 0 : i32
        %dma_wait3A_282 = tpu.memref_slice %arg6[%dma_wait3A_276, %dma_wait3A_281] : memref<40x128xi32, #tpu.memory_space<vmem>> -> memref<1x128xi32, #tpu.memory_space<vmem>>
        %dma_wait3A_283 = tpu.memref_squeeze %dma_wait3A_282 : memref<1x128xi32, #tpu.memory_space<vmem>> -> memref<128xi32, #tpu.memory_space<vmem>>
        %dma_wait3A_284 = arith.constant 0 : i32
        %dma_wait3A_285 = arith.constant 0 : i32
        %dma_wait3A_286 = tpu.memref_slice %arg8[%dma_wait3A_284, %dma_wait3A_285] : memref<10240x32xf32, #tpu.memory_space<vmem_shared>> -> memref<10240x32xf32, #tpu.memory_space<vmem_shared>>
        tpu.wait_indirect_dma semaphore(%arg10 : memref<!tpu.dma_semaphore, #tpu.memory_space<semaphore_mem>>) src(%dma_wait3A_280 : memref<128x32xf32, #tpu.memory_space<vmem>>) dst(%dma_wait3A_286 : memref<10240x32xf32, #tpu.memory_space<vmem_shared>>)
        %dma_wait3A_287 = arith.constant 3 : i32
        %dma_wait3A_288 = arith.constant 384 : i32
        %dma_wait3A_289 = arith.constant 0 : i32
        %dma_wait3A_290 = tpu.memref_slice %arg7[%rem3A_121, %dma_wait3A_288, %dma_wait3A_289] : memref<2x1024x32xf32, #tpu.memory_space<vmem>> -> memref<1x128x32xf32, #tpu.memory_space<vmem>>
        %dma_wait3A_291 = tpu.memref_squeeze %dma_wait3A_290 : memref<1x128x32xf32, #tpu.memory_space<vmem>> -> memref<128x32xf32, #tpu.memory_space<vmem>>
        %dma_wait3A_292 = arith.constant 0 : i32
        %dma_wait3A_293 = tpu.memref_slice %arg6[%dma_wait3A_287, %dma_wait3A_292] : memref<40x128xi32, #tpu.memory_space<vmem>> -> memref<1x128xi32, #tpu.memory_space<vmem>>
        %dma_wait3A_294 = tpu.memref_squeeze %dma_wait3A_293 : memref<1x128xi32, #tpu.memory_space<vmem>> -> memref<128xi32, #tpu.memory_space<vmem>>
        %dma_wait3A_295 = arith.constant 0 : i32
        %dma_wait3A_296 = arith.constant 0 : i32
        %dma_wait3A_297 = tpu.memref_slice %arg8[%dma_wait3A_295, %dma_wait3A_296] : memref<10240x32xf32, #tpu.memory_space<vmem_shared>> -> memref<10240x32xf32, #tpu.memory_space<vmem_shared>>
        tpu.wait_indirect_dma semaphore(%arg10 : memref<!tpu.dma_semaphore, #tpu.memory_space<semaphore_mem>>) src(%dma_wait3A_291 : memref<128x32xf32, #tpu.memory_space<vmem>>) dst(%dma_wait3A_297 : memref<10240x32xf32, #tpu.memory_space<vmem_shared>>)
        %dma_wait3A_298 = arith.constant 4 : i32
        %dma_wait3A_299 = arith.constant 512 : i32
        %dma_wait3A_300 = arith.constant 0 : i32
        %dma_wait3A_301 = tpu.memref_slice %arg7[%rem3A_121, %dma_wait3A_299, %dma_wait3A_300] : memref<2x1024x32xf32, #tpu.memory_space<vmem>> -> memref<1x128x32xf32, #tpu.memory_space<vmem>>
        %dma_wait3A_302 = tpu.memref_squeeze %dma_wait3A_301 : memref<1x128x32xf32, #tpu.memory_space<vmem>> -> memref<128x32xf32, #tpu.memory_space<vmem>>
        %dma_wait3A_303 = arith.constant 0 : i32
        %dma_wait3A_304 = tpu.memref_slice %arg6[%dma_wait3A_298, %dma_wait3A_303] : memref<40x128xi32, #tpu.memory_space<vmem>> -> memref<1x128xi32, #tpu.memory_space<vmem>>
        %dma_wait3A_305 = tpu.memref_squeeze %dma_wait3A_304 : memref<1x128xi32, #tpu.memory_space<vmem>> -> memref<128xi32, #tpu.memory_space<vmem>>
        %dma_wait3A_306 = arith.constant 0 : i32
        %dma_wait3A_307 = arith.constant 0 : i32
        %dma_wait3A_308 = tpu.memref_slice %arg8[%dma_wait3A_306, %dma_wait3A_307] : memref<10240x32xf32, #tpu.memory_space<vmem_shared>> -> memref<10240x32xf32, #tpu.memory_space<vmem_shared>>
        tpu.wait_indirect_dma semaphore(%arg10 : memref<!tpu.dma_semaphore, #tpu.memory_space<semaphore_mem>>) src(%dma_wait3A_302 : memref<128x32xf32, #tpu.memory_space<vmem>>) dst(%dma_wait3A_308 : memref<10240x32xf32, #tpu.memory_space<vmem_shared>>)
        %dma_wait3A_309 = arith.constant 5 : i32
        %dma_wait3A_310 = arith.constant 640 : i32
        %dma_wait3A_311 = arith.constant 0 : i32
        %dma_wait3A_312 = tpu.memref_slice %arg7[%rem3A_121, %dma_wait3A_310, %dma_wait3A_311] : memref<2x1024x32xf32, #tpu.memory_space<vmem>> -> memref<1x128x32xf32, #tpu.memory_space<vmem>>
        %dma_wait3A_313 = tpu.memref_squeeze %dma_wait3A_312 : memref<1x128x32xf32, #tpu.memory_space<vmem>> -> memref<128x32xf32, #tpu.memory_space<vmem>>
        %dma_wait3A_314 = arith.constant 0 : i32
        %dma_wait3A_315 = tpu.memref_slice %arg6[%dma_wait3A_309, %dma_wait3A_314] : memref<40x128xi32, #tpu.memory_space<vmem>> -> memref<1x128xi32, #tpu.memory_space<vmem>>
        %dma_wait3A_316 = tpu.memref_squeeze %dma_wait3A_315 : memref<1x128xi32, #tpu.memory_space<vmem>> -> memref<128xi32, #tpu.memory_space<vmem>>
        %dma_wait3A_317 = arith.constant 0 : i32
        %dma_wait3A_318 = arith.constant 0 : i32
        %dma_wait3A_319 = tpu.memref_slice %arg8[%dma_wait3A_317, %dma_wait3A_318] : memref<10240x32xf32, #tpu.memory_space<vmem_shared>> -> memref<10240x32xf32, #tpu.memory_space<vmem_shared>>
        tpu.wait_indirect_dma semaphore(%arg10 : memref<!tpu.dma_semaphore, #tpu.memory_space<semaphore_mem>>) src(%dma_wait3A_313 : memref<128x32xf32, #tpu.memory_space<vmem>>) dst(%dma_wait3A_319 : memref<10240x32xf32, #tpu.memory_space<vmem_shared>>)
        %dma_wait3A_320 = arith.constant 6 : i32
        %dma_wait3A_321 = arith.constant 768 : i32
        %dma_wait3A_322 = arith.constant 0 : i32
        %dma_wait3A_323 = tpu.memref_slice %arg7[%rem3A_121, %dma_wait3A_321, %dma_wait3A_322] : memref<2x1024x32xf32, #tpu.memory_space<vmem>> -> memref<1x128x32xf32, #tpu.memory_space<vmem>>
        %dma_wait3A_324 = tpu.memref_squeeze %dma_wait3A_323 : memref<1x128x32xf32, #tpu.memory_space<vmem>> -> memref<128x32xf32, #tpu.memory_space<vmem>>
        %dma_wait3A_325 = arith.constant 0 : i32
        %dma_wait3A_326 = tpu.memref_slice %arg6[%dma_wait3A_320, %dma_wait3A_325] : memref<40x128xi32, #tpu.memory_space<vmem>> -> memref<1x128xi32, #tpu.memory_space<vmem>>
        %dma_wait3A_327 = tpu.memref_squeeze %dma_wait3A_326 : memref<1x128xi32, #tpu.memory_space<vmem>> -> memref<128xi32, #tpu.memory_space<vmem>>
        %dma_wait3A_328 = arith.constant 0 : i32
        %dma_wait3A_329 = arith.constant 0 : i32
        %dma_wait3A_330 = tpu.memref_slice %arg8[%dma_wait3A_328, %dma_wait3A_329] : memref<10240x32xf32, #tpu.memory_space<vmem_shared>> -> memref<10240x32xf32, #tpu.memory_space<vmem_shared>>
        tpu.wait_indirect_dma semaphore(%arg10 : memref<!tpu.dma_semaphore, #tpu.memory_space<semaphore_mem>>) src(%dma_wait3A_324 : memref<128x32xf32, #tpu.memory_space<vmem>>) dst(%dma_wait3A_330 : memref<10240x32xf32, #tpu.memory_space<vmem_shared>>)
        %dma_wait3A_331 = arith.constant 7 : i32
        %dma_wait3A_332 = arith.constant 896 : i32
        %dma_wait3A_333 = arith.constant 0 : i32
        %dma_wait3A_334 = tpu.memref_slice %arg7[%rem3A_121, %dma_wait3A_332, %dma_wait3A_333] : memref<2x1024x32xf32, #tpu.memory_space<vmem>> -> memref<1x128x32xf32, #tpu.memory_space<vmem>>
        %dma_wait3A_335 = tpu.memref_squeeze %dma_wait3A_334 : memref<1x128x32xf32, #tpu.memory_space<vmem>> -> memref<128x32xf32, #tpu.memory_space<vmem>>
        %dma_wait3A_336 = arith.constant 0 : i32
        %dma_wait3A_337 = tpu.memref_slice %arg6[%dma_wait3A_331, %dma_wait3A_336] : memref<40x128xi32, #tpu.memory_space<vmem>> -> memref<1x128xi32, #tpu.memory_space<vmem>>
        %dma_wait3A_338 = tpu.memref_squeeze %dma_wait3A_337 : memref<1x128xi32, #tpu.memory_space<vmem>> -> memref<128xi32, #tpu.memory_space<vmem>>
        %dma_wait3A_339 = arith.constant 0 : i32
        %dma_wait3A_340 = arith.constant 0 : i32
        %dma_wait3A_341 = tpu.memref_slice %arg8[%dma_wait3A_339, %dma_wait3A_340] : memref<10240x32xf32, #tpu.memory_space<vmem_shared>> -> memref<10240x32xf32, #tpu.memory_space<vmem_shared>>
        tpu.wait_indirect_dma semaphore(%arg10 : memref<!tpu.dma_semaphore, #tpu.memory_space<semaphore_mem>>) src(%dma_wait3A_335 : memref<128x32xf32, #tpu.memory_space<vmem>>) dst(%dma_wait3A_341 : memref<10240x32xf32, #tpu.memory_space<vmem_shared>>)
      } else {
      }
      %add3A_136 = arith.constant 1 : i32
      %add3A_137 = arith.addi %scan3A_115, %add3A_136 : i32
      %lt3A = arith.constant 5 : i32
      %lt3A_138 = arith.cmpi slt, %add3A_137, %lt3A : i32
      %convert_element_type3A_139 = arith.extui %lt3A_138 : i1 to i32
      %cond3A_140 = arith.constant 0 : i32
      %cond3A_141 = arith.cmpi ne, %convert_element_type3A_139, %cond3A_140 : i32
      scf.if %cond3A_141 {
        %add3A_254 = arith.constant 1 : i32
        %add3A_255 = arith.addi %scan3A_115, %add3A_254 : i32
        %mul3A_256 = arith.constant 1024 : i32
        %mul3A_257 = arith.muli %add3A_255, %mul3A_256 : i32
        %add3A_258 = arith.addi %mul3A_2, %mul3A_257 : i32
        %dma_start3A_259 = arith.constant 0 : i32
        %dma_start3A_260 = arith.constant 0 : i32
        %dma_start3A_261 = tpu.memref_slice %arg7[%rem3A_121, %dma_start3A_259, %dma_start3A_260] : memref<2x1024x32xf32, #tpu.memory_space<vmem>> -> memref<1x1024x32xf32, #tpu.memory_space<vmem>>
        %dma_start3A_262 = tpu.memref_squeeze %dma_start3A_261 : memref<1x1024x32xf32, #tpu.memory_space<vmem>> -> memref<1024x32xf32, #tpu.memory_space<vmem>>
        %dma_start3A_263 = arith.constant 0 : i32
        %dma_start3A_264 = tpu.memref_slice %arg2[%add3A_258, %dma_start3A_263] : memref<163840x32xf32, #tpu.memory_space<hbm>> -> memref<1024x32xf32, #tpu.memory_space<hbm>>
        %dma_start3A_265 = arith.constant 0 : i32
        %dma_start3A_266 = arith.constant 0 : i32
        %dma_start3A_267 = tpu.memref_slice %arg7[%rem3A_121, %dma_start3A_265, %dma_start3A_266] : memref<2x1024x32xf32, #tpu.memory_space<vmem>> -> memref<1x1024x32xf32, #tpu.memory_space<vmem>>
        %dma_start3A_268 = tpu.memref_squeeze %dma_start3A_267 : memref<1x1024x32xf32, #tpu.memory_space<vmem>> -> memref<1024x32xf32, #tpu.memory_space<vmem>>
        %dma_start3A_269 = arith.constant 0 : i32
        %dma_start3A_270 = tpu.memref_slice %arg2[%add3A_258, %dma_start3A_269] : memref<163840x32xf32, #tpu.memory_space<hbm>> -> memref<1024x32xf32, #tpu.memory_space<hbm>>
        tpu.enqueue_dma source(%dma_start3A_270 : memref<1024x32xf32, #tpu.memory_space<hbm>>) target(%dma_start3A_268 : memref<1024x32xf32, #tpu.memory_space<vmem>>) target_semaphore(%arg9 : memref<!tpu.dma_semaphore, #tpu.memory_space<semaphore_mem>>)
      } else {
      }
      %mul3A_142 = arith.constant 8 : i32
      %mul3A_143 = arith.muli %scan3A_115, %mul3A_142 : i32
      %add3A_144 = arith.constant 0 : i32
      %add3A_145 = arith.addi %mul3A_143, %add3A_144 : i32
      %dma_start3A_146 = arith.constant 0 : i32
      %dma_start3A_147 = arith.constant 0 : i32
      %dma_start3A_148 = tpu.memref_slice %arg7[%rem3A_117, %dma_start3A_146, %dma_start3A_147] : memref<2x1024x32xf32, #tpu.memory_space<vmem>> -> memref<1x128x32xf32, #tpu.memory_space<vmem>>
      %dma_start3A_149 = tpu.memref_squeeze %dma_start3A_148 : memref<1x128x32xf32, #tpu.memory_space<vmem>> -> memref<128x32xf32, #tpu.memory_space<vmem>>
      %dma_start3A_150 = arith.constant 0 : i32
      %dma_start3A_151 = tpu.memref_slice %arg6[%add3A_145, %dma_start3A_150] : memref<40x128xi32, #tpu.memory_space<vmem>> -> memref<1x128xi32, #tpu.memory_space<vmem>>
      %dma_start3A_152 = tpu.memref_squeeze %dma_start3A_151 : memref<1x128xi32, #tpu.memory_space<vmem>> -> memref<128xi32, #tpu.memory_space<vmem>>
      %dma_start3A_153 = arith.constant 0 : i32
      %dma_start3A_154 = arith.constant 0 : i32
      %dma_start3A_155 = tpu.memref_slice %arg8[%dma_start3A_153, %dma_start3A_154] : memref<10240x32xf32, #tpu.memory_space<vmem_shared>> -> memref<10240x32xf32, #tpu.memory_space<vmem_shared>>
      tpu.enqueue_indirect_dma source(%dma_start3A_149 : memref<128x32xf32, #tpu.memory_space<vmem>>) target(%dma_start3A_155 : memref<10240x32xf32, #tpu.memory_space<vmem_shared>>) offsets(%dma_start3A_152 : memref<128xi32, #tpu.memory_space<vmem>>) semaphore(%arg10 : memref<!tpu.dma_semaphore, #tpu.memory_space<semaphore_mem>>) {add = true}
      %mul3A_156 = arith.constant 8 : i32
      %mul3A_157 = arith.muli %scan3A_115, %mul3A_156 : i32
      %add3A_158 = arith.constant 1 : i32
      %add3A_159 = arith.addi %mul3A_157, %add3A_158 : i32
      %dma_start3A_160 = arith.constant 128 : i32
      %dma_start3A_161 = arith.constant 0 : i32
      %dma_start3A_162 = tpu.memref_slice %arg7[%rem3A_117, %dma_start3A_160, %dma_start3A_161] : memref<2x1024x32xf32, #tpu.memory_space<vmem>> -> memref<1x128x32xf32, #tpu.memory_space<vmem>>
      %dma_start3A_163 = tpu.memref_squeeze %dma_start3A_162 : memref<1x128x32xf32, #tpu.memory_space<vmem>> -> memref<128x32xf32, #tpu.memory_space<vmem>>
      %dma_start3A_164 = arith.constant 0 : i32
      %dma_start3A_165 = tpu.memref_slice %arg6[%add3A_159, %dma_start3A_164] : memref<40x128xi32, #tpu.memory_space<vmem>> -> memref<1x128xi32, #tpu.memory_space<vmem>>
      %dma_start3A_166 = tpu.memref_squeeze %dma_start3A_165 : memref<1x128xi32, #tpu.memory_space<vmem>> -> memref<128xi32, #tpu.memory_space<vmem>>
      %dma_start3A_167 = arith.constant 0 : i32
      %dma_start3A_168 = arith.constant 0 : i32
      %dma_start3A_169 = tpu.memref_slice %arg8[%dma_start3A_167, %dma_start3A_168] : memref<10240x32xf32, #tpu.memory_space<vmem_shared>> -> memref<10240x32xf32, #tpu.memory_space<vmem_shared>>
      tpu.enqueue_indirect_dma source(%dma_start3A_163 : memref<128x32xf32, #tpu.memory_space<vmem>>) target(%dma_start3A_169 : memref<10240x32xf32, #tpu.memory_space<vmem_shared>>) offsets(%dma_start3A_166 : memref<128xi32, #tpu.memory_space<vmem>>) semaphore(%arg10 : memref<!tpu.dma_semaphore, #tpu.memory_space<semaphore_mem>>) {add = true}
      %mul3A_170 = arith.constant 8 : i32
      %mul3A_171 = arith.muli %scan3A_115, %mul3A_170 : i32
      %add3A_172 = arith.constant 2 : i32
      %add3A_173 = arith.addi %mul3A_171, %add3A_172 : i32
      %dma_start3A_174 = arith.constant 256 : i32
      %dma_start3A_175 = arith.constant 0 : i32
      %dma_start3A_176 = tpu.memref_slice %arg7[%rem3A_117, %dma_start3A_174, %dma_start3A_175] : memref<2x1024x32xf32, #tpu.memory_space<vmem>> -> memref<1x128x32xf32, #tpu.memory_space<vmem>>
      %dma_start3A_177 = tpu.memref_squeeze %dma_start3A_176 : memref<1x128x32xf32, #tpu.memory_space<vmem>> -> memref<128x32xf32, #tpu.memory_space<vmem>>
      %dma_start3A_178 = arith.constant 0 : i32
      %dma_start3A_179 = tpu.memref_slice %arg6[%add3A_173, %dma_start3A_178] : memref<40x128xi32, #tpu.memory_space<vmem>> -> memref<1x128xi32, #tpu.memory_space<vmem>>
      %dma_start3A_180 = tpu.memref_squeeze %dma_start3A_179 : memref<1x128xi32, #tpu.memory_space<vmem>> -> memref<128xi32, #tpu.memory_space<vmem>>
      %dma_start3A_181 = arith.constant 0 : i32
      %dma_start3A_182 = arith.constant 0 : i32
      %dma_start3A_183 = tpu.memref_slice %arg8[%dma_start3A_181, %dma_start3A_182] : memref<10240x32xf32, #tpu.memory_space<vmem_shared>> -> memref<10240x32xf32, #tpu.memory_space<vmem_shared>>
      tpu.enqueue_indirect_dma source(%dma_start3A_177 : memref<128x32xf32, #tpu.memory_space<vmem>>) target(%dma_start3A_183 : memref<10240x32xf32, #tpu.memory_space<vmem_shared>>) offsets(%dma_start3A_180 : memref<128xi32, #tpu.memory_space<vmem>>) semaphore(%arg10 : memref<!tpu.dma_semaphore, #tpu.memory_space<semaphore_mem>>) {add = true}
      %mul3A_184 = arith.constant 8 : i32
      %mul3A_185 = arith.muli %scan3A_115, %mul3A_184 : i32
      %add3A_186 = arith.constant 3 : i32
      %add3A_187 = arith.addi %mul3A_185, %add3A_186 : i32
      %dma_start3A_188 = arith.constant 384 : i32
      %dma_start3A_189 = arith.constant 0 : i32
      %dma_start3A_190 = tpu.memref_slice %arg7[%rem3A_117, %dma_start3A_188, %dma_start3A_189] : memref<2x1024x32xf32, #tpu.memory_space<vmem>> -> memref<1x128x32xf32, #tpu.memory_space<vmem>>
      %dma_start3A_191 = tpu.memref_squeeze %dma_start3A_190 : memref<1x128x32xf32, #tpu.memory_space<vmem>> -> memref<128x32xf32, #tpu.memory_space<vmem>>
      %dma_start3A_192 = arith.constant 0 : i32
      %dma_start3A_193 = tpu.memref_slice %arg6[%add3A_187, %dma_start3A_192] : memref<40x128xi32, #tpu.memory_space<vmem>> -> memref<1x128xi32, #tpu.memory_space<vmem>>
      %dma_start3A_194 = tpu.memref_squeeze %dma_start3A_193 : memref<1x128xi32, #tpu.memory_space<vmem>> -> memref<128xi32, #tpu.memory_space<vmem>>
      %dma_start3A_195 = arith.constant 0 : i32
      %dma_start3A_196 = arith.constant 0 : i32
      %dma_start3A_197 = tpu.memref_slice %arg8[%dma_start3A_195, %dma_start3A_196] : memref<10240x32xf32, #tpu.memory_space<vmem_shared>> -> memref<10240x32xf32, #tpu.memory_space<vmem_shared>>
      tpu.enqueue_indirect_dma source(%dma_start3A_191 : memref<128x32xf32, #tpu.memory_space<vmem>>) target(%dma_start3A_197 : memref<10240x32xf32, #tpu.memory_space<vmem_shared>>) offsets(%dma_start3A_194 : memref<128xi32, #tpu.memory_space<vmem>>) semaphore(%arg10 : memref<!tpu.dma_semaphore, #tpu.memory_space<semaphore_mem>>) {add = true}
      %mul3A_198 = arith.constant 8 : i32
      %mul3A_199 = arith.muli %scan3A_115, %mul3A_198 : i32
      %add3A_200 = arith.constant 4 : i32
      %add3A_201 = arith.addi %mul3A_199, %add3A_200 : i32
      %dma_start3A_202 = arith.constant 512 : i32
      %dma_start3A_203 = arith.constant 0 : i32
      %dma_start3A_204 = tpu.memref_slice %arg7[%rem3A_117, %dma_start3A_202, %dma_start3A_203] : memref<2x1024x32xf32, #tpu.memory_space<vmem>> -> memref<1x128x32xf32, #tpu.memory_space<vmem>>
      %dma_start3A_205 = tpu.memref_squeeze %dma_start3A_204 : memref<1x128x32xf32, #tpu.memory_space<vmem>> -> memref<128x32xf32, #tpu.memory_space<vmem>>
      %dma_start3A_206 = arith.constant 0 : i32
      %dma_start3A_207 = tpu.memref_slice %arg6[%add3A_201, %dma_start3A_206] : memref<40x128xi32, #tpu.memory_space<vmem>> -> memref<1x128xi32, #tpu.memory_space<vmem>>
      %dma_start3A_208 = tpu.memref_squeeze %dma_start3A_207 : memref<1x128xi32, #tpu.memory_space<vmem>> -> memref<128xi32, #tpu.memory_space<vmem>>
      %dma_start3A_209 = arith.constant 0 : i32
      %dma_start3A_210 = arith.constant 0 : i32
      %dma_start3A_211 = tpu.memref_slice %arg8[%dma_start3A_209, %dma_start3A_210] : memref<10240x32xf32, #tpu.memory_space<vmem_shared>> -> memref<10240x32xf32, #tpu.memory_space<vmem_shared>>
      tpu.enqueue_indirect_dma source(%dma_start3A_205 : memref<128x32xf32, #tpu.memory_space<vmem>>) target(%dma_start3A_211 : memref<10240x32xf32, #tpu.memory_space<vmem_shared>>) offsets(%dma_start3A_208 : memref<128xi32, #tpu.memory_space<vmem>>) semaphore(%arg10 : memref<!tpu.dma_semaphore, #tpu.memory_space<semaphore_mem>>) {add = true}
      %mul3A_212 = arith.constant 8 : i32
      %mul3A_213 = arith.muli %scan3A_115, %mul3A_212 : i32
      %add3A_214 = arith.constant 5 : i32
      %add3A_215 = arith.addi %mul3A_213, %add3A_214 : i32
      %dma_start3A_216 = arith.constant 640 : i32
      %dma_start3A_217 = arith.constant 0 : i32
      %dma_start3A_218 = tpu.memref_slice %arg7[%rem3A_117, %dma_start3A_216, %dma_start3A_217] : memref<2x1024x32xf32, #tpu.memory_space<vmem>> -> memref<1x128x32xf32, #tpu.memory_space<vmem>>
      %dma_start3A_219 = tpu.memref_squeeze %dma_start3A_218 : memref<1x128x32xf32, #tpu.memory_space<vmem>> -> memref<128x32xf32, #tpu.memory_space<vmem>>
      %dma_start3A_220 = arith.constant 0 : i32
      %dma_start3A_221 = tpu.memref_slice %arg6[%add3A_215, %dma_start3A_220] : memref<40x128xi32, #tpu.memory_space<vmem>> -> memref<1x128xi32, #tpu.memory_space<vmem>>
      %dma_start3A_222 = tpu.memref_squeeze %dma_start3A_221 : memref<1x128xi32, #tpu.memory_space<vmem>> -> memref<128xi32, #tpu.memory_space<vmem>>
      %dma_start3A_223 = arith.constant 0 : i32
      %dma_start3A_224 = arith.constant 0 : i32
      %dma_start3A_225 = tpu.memref_slice %arg8[%dma_start3A_223, %dma_start3A_224] : memref<10240x32xf32, #tpu.memory_space<vmem_shared>> -> memref<10240x32xf32, #tpu.memory_space<vmem_shared>>
      tpu.enqueue_indirect_dma source(%dma_start3A_219 : memref<128x32xf32, #tpu.memory_space<vmem>>) target(%dma_start3A_225 : memref<10240x32xf32, #tpu.memory_space<vmem_shared>>) offsets(%dma_start3A_222 : memref<128xi32, #tpu.memory_space<vmem>>) semaphore(%arg10 : memref<!tpu.dma_semaphore, #tpu.memory_space<semaphore_mem>>) {add = true}
      %mul3A_226 = arith.constant 8 : i32
      %mul3A_227 = arith.muli %scan3A_115, %mul3A_226 : i32
      %add3A_228 = arith.constant 6 : i32
      %add3A_229 = arith.addi %mul3A_227, %add3A_228 : i32
      %dma_start3A_230 = arith.constant 768 : i32
      %dma_start3A_231 = arith.constant 0 : i32
      %dma_start3A_232 = tpu.memref_slice %arg7[%rem3A_117, %dma_start3A_230, %dma_start3A_231] : memref<2x1024x32xf32, #tpu.memory_space<vmem>> -> memref<1x128x32xf32, #tpu.memory_space<vmem>>
      %dma_start3A_233 = tpu.memref_squeeze %dma_start3A_232 : memref<1x128x32xf32, #tpu.memory_space<vmem>> -> memref<128x32xf32, #tpu.memory_space<vmem>>
      %dma_start3A_234 = arith.constant 0 : i32
      %dma_start3A_235 = tpu.memref_slice %arg6[%add3A_229, %dma_start3A_234] : memref<40x128xi32, #tpu.memory_space<vmem>> -> memref<1x128xi32, #tpu.memory_space<vmem>>
      %dma_start3A_236 = tpu.memref_squeeze %dma_start3A_235 : memref<1x128xi32, #tpu.memory_space<vmem>> -> memref<128xi32, #tpu.memory_space<vmem>>
      %dma_start3A_237 = arith.constant 0 : i32
      %dma_start3A_238 = arith.constant 0 : i32
      %dma_start3A_239 = tpu.memref_slice %arg8[%dma_start3A_237, %dma_start3A_238] : memref<10240x32xf32, #tpu.memory_space<vmem_shared>> -> memref<10240x32xf32, #tpu.memory_space<vmem_shared>>
      tpu.enqueue_indirect_dma source(%dma_start3A_233 : memref<128x32xf32, #tpu.memory_space<vmem>>) target(%dma_start3A_239 : memref<10240x32xf32, #tpu.memory_space<vmem_shared>>) offsets(%dma_start3A_236 : memref<128xi32, #tpu.memory_space<vmem>>) semaphore(%arg10 : memref<!tpu.dma_semaphore, #tpu.memory_space<semaphore_mem>>) {add = true}
      %mul3A_240 = arith.constant 8 : i32
      %mul3A_241 = arith.muli %scan3A_115, %mul3A_240 : i32
      %add3A_242 = arith.constant 7 : i32
      %add3A_243 = arith.addi %mul3A_241, %add3A_242 : i32
      %dma_start3A_244 = arith.constant 896 : i32
      %dma_start3A_245 = arith.constant 0 : i32
      %dma_start3A_246 = tpu.memref_slice %arg7[%rem3A_117, %dma_start3A_244, %dma_start3A_245] : memref<2x1024x32xf32, #tpu.memory_space<vmem>> -> memref<1x128x32xf32, #tpu.memory_space<vmem>>
      %dma_start3A_247 = tpu.memref_squeeze %dma_start3A_246 : memref<1x128x32xf32, #tpu.memory_space<vmem>> -> memref<128x32xf32, #tpu.memory_space<vmem>>
      %dma_start3A_248 = arith.constant 0 : i32
      %dma_start3A_249 = tpu.memref_slice %arg6[%add3A_243, %dma_start3A_248] : memref<40x128xi32, #tpu.memory_space<vmem>> -> memref<1x128xi32, #tpu.memory_space<vmem>>
      %dma_start3A_250 = tpu.memref_squeeze %dma_start3A_249 : memref<1x128xi32, #tpu.memory_space<vmem>> -> memref<128xi32, #tpu.memory_space<vmem>>
      %dma_start3A_251 = arith.constant 0 : i32
      %dma_start3A_252 = arith.constant 0 : i32
      %dma_start3A_253 = tpu.memref_slice %arg8[%dma_start3A_251, %dma_start3A_252] : memref<10240x32xf32, #tpu.memory_space<vmem_shared>> -> memref<10240x32xf32, #tpu.memory_space<vmem_shared>>
      tpu.enqueue_indirect_dma source(%dma_start3A_247 : memref<128x32xf32, #tpu.memory_space<vmem>>) target(%dma_start3A_253 : memref<10240x32xf32, #tpu.memory_space<vmem_shared>>) offsets(%dma_start3A_250 : memref<128xi32, #tpu.memory_space<vmem>>) semaphore(%arg10 : memref<!tpu.dma_semaphore, #tpu.memory_space<semaphore_mem>>) {add = true}
    }
    %scan3A_21 = arith.constant 5 : i32
    %rem3A = arith.constant 4 : i32
    %rem3A_22 = arith.constant 2 : i32
    %rem3A_23 = arith.remsi %rem3A, %rem3A_22 : i32
    %dma_wait3A = arith.constant 0 : i32
    %dma_wait3A_24 = arith.constant 0 : i32
    %dma_wait3A_25 = arith.constant 0 : i32
    %dma_wait3A_26 = tpu.memref_slice %arg7[%rem3A_23, %dma_wait3A_24, %dma_wait3A_25] : memref<2x1024x32xf32, #tpu.memory_space<vmem>> -> memref<1x128x32xf32, #tpu.memory_space<vmem>>
    %dma_wait3A_27 = tpu.memref_squeeze %dma_wait3A_26 : memref<1x128x32xf32, #tpu.memory_space<vmem>> -> memref<128x32xf32, #tpu.memory_space<vmem>>
    %dma_wait3A_28 = arith.constant 0 : i32
    %dma_wait3A_29 = tpu.memref_slice %arg6[%dma_wait3A, %dma_wait3A_28] : memref<40x128xi32, #tpu.memory_space<vmem>> -> memref<1x128xi32, #tpu.memory_space<vmem>>
    %dma_wait3A_30 = tpu.memref_squeeze %dma_wait3A_29 : memref<1x128xi32, #tpu.memory_space<vmem>> -> memref<128xi32, #tpu.memory_space<vmem>>
    %dma_wait3A_31 = arith.constant 0 : i32
    %dma_wait3A_32 = arith.constant 0 : i32
    %dma_wait3A_33 = tpu.memref_slice %arg8[%dma_wait3A_31, %dma_wait3A_32] : memref<10240x32xf32, #tpu.memory_space<vmem_shared>> -> memref<10240x32xf32, #tpu.memory_space<vmem_shared>>
    tpu.wait_indirect_dma semaphore(%arg10 : memref<!tpu.dma_semaphore, #tpu.memory_space<semaphore_mem>>) src(%dma_wait3A_27 : memref<128x32xf32, #tpu.memory_space<vmem>>) dst(%dma_wait3A_33 : memref<10240x32xf32, #tpu.memory_space<vmem_shared>>)
    %dma_wait3A_34 = arith.constant 1 : i32
    %dma_wait3A_35 = arith.constant 128 : i32
    %dma_wait3A_36 = arith.constant 0 : i32
    %dma_wait3A_37 = tpu.memref_slice %arg7[%rem3A_23, %dma_wait3A_35, %dma_wait3A_36] : memref<2x1024x32xf32, #tpu.memory_space<vmem>> -> memref<1x128x32xf32, #tpu.memory_space<vmem>>
    %dma_wait3A_38 = tpu.memref_squeeze %dma_wait3A_37 : memref<1x128x32xf32, #tpu.memory_space<vmem>> -> memref<128x32xf32, #tpu.memory_space<vmem>>
    %dma_wait3A_39 = arith.constant 0 : i32
    %dma_wait3A_40 = tpu.memref_slice %arg6[%dma_wait3A_34, %dma_wait3A_39] : memref<40x128xi32, #tpu.memory_space<vmem>> -> memref<1x128xi32, #tpu.memory_space<vmem>>
    %dma_wait3A_41 = tpu.memref_squeeze %dma_wait3A_40 : memref<1x128xi32, #tpu.memory_space<vmem>> -> memref<128xi32, #tpu.memory_space<vmem>>
    %dma_wait3A_42 = arith.constant 0 : i32
    %dma_wait3A_43 = arith.constant 0 : i32
    %dma_wait3A_44 = tpu.memref_slice %arg8[%dma_wait3A_42, %dma_wait3A_43] : memref<10240x32xf32, #tpu.memory_space<vmem_shared>> -> memref<10240x32xf32, #tpu.memory_space<vmem_shared>>
    tpu.wait_indirect_dma semaphore(%arg10 : memref<!tpu.dma_semaphore, #tpu.memory_space<semaphore_mem>>) src(%dma_wait3A_38 : memref<128x32xf32, #tpu.memory_space<vmem>>) dst(%dma_wait3A_44 : memref<10240x32xf32, #tpu.memory_space<vmem_shared>>)
    %dma_wait3A_45 = arith.constant 2 : i32
    %dma_wait3A_46 = arith.constant 256 : i32
    %dma_wait3A_47 = arith.constant 0 : i32
    %dma_wait3A_48 = tpu.memref_slice %arg7[%rem3A_23, %dma_wait3A_46, %dma_wait3A_47] : memref<2x1024x32xf32, #tpu.memory_space<vmem>> -> memref<1x128x32xf32, #tpu.memory_space<vmem>>
    %dma_wait3A_49 = tpu.memref_squeeze %dma_wait3A_48 : memref<1x128x32xf32, #tpu.memory_space<vmem>> -> memref<128x32xf32, #tpu.memory_space<vmem>>
    %dma_wait3A_50 = arith.constant 0 : i32
    %dma_wait3A_51 = tpu.memref_slice %arg6[%dma_wait3A_45, %dma_wait3A_50] : memref<40x128xi32, #tpu.memory_space<vmem>> -> memref<1x128xi32, #tpu.memory_space<vmem>>
    %dma_wait3A_52 = tpu.memref_squeeze %dma_wait3A_51 : memref<1x128xi32, #tpu.memory_space<vmem>> -> memref<128xi32, #tpu.memory_space<vmem>>
    %dma_wait3A_53 = arith.constant 0 : i32
    %dma_wait3A_54 = arith.constant 0 : i32
    %dma_wait3A_55 = tpu.memref_slice %arg8[%dma_wait3A_53, %dma_wait3A_54] : memref<10240x32xf32, #tpu.memory_space<vmem_shared>> -> memref<10240x32xf32, #tpu.memory_space<vmem_shared>>
    tpu.wait_indirect_dma semaphore(%arg10 : memref<!tpu.dma_semaphore, #tpu.memory_space<semaphore_mem>>) src(%dma_wait3A_49 : memref<128x32xf32, #tpu.memory_space<vmem>>) dst(%dma_wait3A_55 : memref<10240x32xf32, #tpu.memory_space<vmem_shared>>)
    %dma_wait3A_56 = arith.constant 3 : i32
    %dma_wait3A_57 = arith.constant 384 : i32
    %dma_wait3A_58 = arith.constant 0 : i32
    %dma_wait3A_59 = tpu.memref_slice %arg7[%rem3A_23, %dma_wait3A_57, %dma_wait3A_58] : memref<2x1024x32xf32, #tpu.memory_space<vmem>> -> memref<1x128x32xf32, #tpu.memory_space<vmem>>
    %dma_wait3A_60 = tpu.memref_squeeze %dma_wait3A_59 : memref<1x128x32xf32, #tpu.memory_space<vmem>> -> memref<128x32xf32, #tpu.memory_space<vmem>>
    %dma_wait3A_61 = arith.constant 0 : i32
    %dma_wait3A_62 = tpu.memref_slice %arg6[%dma_wait3A_56, %dma_wait3A_61] : memref<40x128xi32, #tpu.memory_space<vmem>> -> memref<1x128xi32, #tpu.memory_space<vmem>>
    %dma_wait3A_63 = tpu.memref_squeeze %dma_wait3A_62 : memref<1x128xi32, #tpu.memory_space<vmem>> -> memref<128xi32, #tpu.memory_space<vmem>>
    %dma_wait3A_64 = arith.constant 0 : i32
    %dma_wait3A_65 = arith.constant 0 : i32
    %dma_wait3A_66 = tpu.memref_slice %arg8[%dma_wait3A_64, %dma_wait3A_65] : memref<10240x32xf32, #tpu.memory_space<vmem_shared>> -> memref<10240x32xf32, #tpu.memory_space<vmem_shared>>
    tpu.wait_indirect_dma semaphore(%arg10 : memref<!tpu.dma_semaphore, #tpu.memory_space<semaphore_mem>>) src(%dma_wait3A_60 : memref<128x32xf32, #tpu.memory_space<vmem>>) dst(%dma_wait3A_66 : memref<10240x32xf32, #tpu.memory_space<vmem_shared>>)
    %dma_wait3A_67 = arith.constant 4 : i32
    %dma_wait3A_68 = arith.constant 512 : i32
    %dma_wait3A_69 = arith.constant 0 : i32
    %dma_wait3A_70 = tpu.memref_slice %arg7[%rem3A_23, %dma_wait3A_68, %dma_wait3A_69] : memref<2x1024x32xf32, #tpu.memory_space<vmem>> -> memref<1x128x32xf32, #tpu.memory_space<vmem>>
    %dma_wait3A_71 = tpu.memref_squeeze %dma_wait3A_70 : memref<1x128x32xf32, #tpu.memory_space<vmem>> -> memref<128x32xf32, #tpu.memory_space<vmem>>
    %dma_wait3A_72 = arith.constant 0 : i32
    %dma_wait3A_73 = tpu.memref_slice %arg6[%dma_wait3A_67, %dma_wait3A_72] : memref<40x128xi32, #tpu.memory_space<vmem>> -> memref<1x128xi32, #tpu.memory_space<vmem>>
    %dma_wait3A_74 = tpu.memref_squeeze %dma_wait3A_73 : memref<1x128xi32, #tpu.memory_space<vmem>> -> memref<128xi32, #tpu.memory_space<vmem>>
    %dma_wait3A_75 = arith.constant 0 : i32
    %dma_wait3A_76 = arith.constant 0 : i32
    %dma_wait3A_77 = tpu.memref_slice %arg8[%dma_wait3A_75, %dma_wait3A_76] : memref<10240x32xf32, #tpu.memory_space<vmem_shared>> -> memref<10240x32xf32, #tpu.memory_space<vmem_shared>>
    tpu.wait_indirect_dma semaphore(%arg10 : memref<!tpu.dma_semaphore, #tpu.memory_space<semaphore_mem>>) src(%dma_wait3A_71 : memref<128x32xf32, #tpu.memory_space<vmem>>) dst(%dma_wait3A_77 : memref<10240x32xf32, #tpu.memory_space<vmem_shared>>)
    %dma_wait3A_78 = arith.constant 5 : i32
    %dma_wait3A_79 = arith.constant 640 : i32
    %dma_wait3A_80 = arith.constant 0 : i32
    %dma_wait3A_81 = tpu.memref_slice %arg7[%rem3A_23, %dma_wait3A_79, %dma_wait3A_80] : memref<2x1024x32xf32, #tpu.memory_space<vmem>> -> memref<1x128x32xf32, #tpu.memory_space<vmem>>
    %dma_wait3A_82 = tpu.memref_squeeze %dma_wait3A_81 : memref<1x128x32xf32, #tpu.memory_space<vmem>> -> memref<128x32xf32, #tpu.memory_space<vmem>>
    %dma_wait3A_83 = arith.constant 0 : i32
    %dma_wait3A_84 = tpu.memref_slice %arg6[%dma_wait3A_78, %dma_wait3A_83] : memref<40x128xi32, #tpu.memory_space<vmem>> -> memref<1x128xi32, #tpu.memory_space<vmem>>
    %dma_wait3A_85 = tpu.memref_squeeze %dma_wait3A_84 : memref<1x128xi32, #tpu.memory_space<vmem>> -> memref<128xi32, #tpu.memory_space<vmem>>
    %dma_wait3A_86 = arith.constant 0 : i32
    %dma_wait3A_87 = arith.constant 0 : i32
    %dma_wait3A_88 = tpu.memref_slice %arg8[%dma_wait3A_86, %dma_wait3A_87] : memref<10240x32xf32, #tpu.memory_space<vmem_shared>> -> memref<10240x32xf32, #tpu.memory_space<vmem_shared>>
    tpu.wait_indirect_dma semaphore(%arg10 : memref<!tpu.dma_semaphore, #tpu.memory_space<semaphore_mem>>) src(%dma_wait3A_82 : memref<128x32xf32, #tpu.memory_space<vmem>>) dst(%dma_wait3A_88 : memref<10240x32xf32, #tpu.memory_space<vmem_shared>>)
    %dma_wait3A_89 = arith.constant 6 : i32
    %dma_wait3A_90 = arith.constant 768 : i32
    %dma_wait3A_91 = arith.constant 0 : i32
    %dma_wait3A_92 = tpu.memref_slice %arg7[%rem3A_23, %dma_wait3A_90, %dma_wait3A_91] : memref<2x1024x32xf32, #tpu.memory_space<vmem>> -> memref<1x128x32xf32, #tpu.memory_space<vmem>>
    %dma_wait3A_93 = tpu.memref_squeeze %dma_wait3A_92 : memref<1x128x32xf32, #tpu.memory_space<vmem>> -> memref<128x32xf32, #tpu.memory_space<vmem>>
    %dma_wait3A_94 = arith.constant 0 : i32
    %dma_wait3A_95 = tpu.memref_slice %arg6[%dma_wait3A_89, %dma_wait3A_94] : memref<40x128xi32, #tpu.memory_space<vmem>> -> memref<1x128xi32, #tpu.memory_space<vmem>>
    %dma_wait3A_96 = tpu.memref_squeeze %dma_wait3A_95 : memref<1x128xi32, #tpu.memory_space<vmem>> -> memref<128xi32, #tpu.memory_space<vmem>>
    %dma_wait3A_97 = arith.constant 0 : i32
    %dma_wait3A_98 = arith.constant 0 : i32
    %dma_wait3A_99 = tpu.memref_slice %arg8[%dma_wait3A_97, %dma_wait3A_98] : memref<10240x32xf32, #tpu.memory_space<vmem_shared>> -> memref<10240x32xf32, #tpu.memory_space<vmem_shared>>
    tpu.wait_indirect_dma semaphore(%arg10 : memref<!tpu.dma_semaphore, #tpu.memory_space<semaphore_mem>>) src(%dma_wait3A_93 : memref<128x32xf32, #tpu.memory_space<vmem>>) dst(%dma_wait3A_99 : memref<10240x32xf32, #tpu.memory_space<vmem_shared>>)
    %dma_wait3A_100 = arith.constant 7 : i32
    %dma_wait3A_101 = arith.constant 896 : i32
    %dma_wait3A_102 = arith.constant 0 : i32
    %dma_wait3A_103 = tpu.memref_slice %arg7[%rem3A_23, %dma_wait3A_101, %dma_wait3A_102] : memref<2x1024x32xf32, #tpu.memory_space<vmem>> -> memref<1x128x32xf32, #tpu.memory_space<vmem>>
    %dma_wait3A_104 = tpu.memref_squeeze %dma_wait3A_103 : memref<1x128x32xf32, #tpu.memory_space<vmem>> -> memref<128x32xf32, #tpu.memory_space<vmem>>
    %dma_wait3A_105 = arith.constant 0 : i32
    %dma_wait3A_106 = tpu.memref_slice %arg6[%dma_wait3A_100, %dma_wait3A_105] : memref<40x128xi32, #tpu.memory_space<vmem>> -> memref<1x128xi32, #tpu.memory_space<vmem>>
    %dma_wait3A_107 = tpu.memref_squeeze %dma_wait3A_106 : memref<1x128xi32, #tpu.memory_space<vmem>> -> memref<128xi32, #tpu.memory_space<vmem>>
    %dma_wait3A_108 = arith.constant 0 : i32
    %dma_wait3A_109 = arith.constant 0 : i32
    %dma_wait3A_110 = tpu.memref_slice %arg8[%dma_wait3A_108, %dma_wait3A_109] : memref<10240x32xf32, #tpu.memory_space<vmem_shared>> -> memref<10240x32xf32, #tpu.memory_space<vmem_shared>>
    tpu.wait_indirect_dma semaphore(%arg10 : memref<!tpu.dma_semaphore, #tpu.memory_space<semaphore_mem>>) src(%dma_wait3A_104 : memref<128x32xf32, #tpu.memory_space<vmem>>) dst(%dma_wait3A_110 : memref<10240x32xf32, #tpu.memory_space<vmem_shared>>)
    %barrier3A_111 = arith.constant 0 : index
    tpu.barrier barrier_id(%barrier3A_111)
    %mul3A_112 = arith.constant 10240 : i32
    %mul3A_113 = arith.muli %arg0, %mul3A_112 : i32
    %add3A_114 = arith.addi %mul3A_113, %mul3A_4 : i32
    "tpu.region"() ({
      %run_scoped3A = tpu.sem_alloc : memref<!tpu.dma_semaphore, #tpu.memory_space<semaphore_mem>>
      %dma_start3A_115 = arith.constant 0 : i32
      %dma_start3A_116 = tpu.memref_slice %arg5[%add3A_114, %dma_start3A_115] : memref<20480x32xf32, #tpu.memory_space<hbm>> -> memref<640x32xf32, #tpu.memory_space<hbm>>
      %dma_start3A_117 = arith.constant 0 : i32
      %dma_start3A_118 = tpu.memref_slice %arg8[%mul3A_4, %dma_start3A_117] : memref<10240x32xf32, #tpu.memory_space<vmem_shared>> -> memref<640x32xf32, #tpu.memory_space<vmem_shared>>
      tpu.enqueue_dma source(%dma_start3A_118 : memref<640x32xf32, #tpu.memory_space<vmem_shared>>) target(%dma_start3A_116 : memref<640x32xf32, #tpu.memory_space<hbm>>) target_semaphore(%run_scoped3A : memref<!tpu.dma_semaphore, #tpu.memory_space<semaphore_mem>>)
      %dma_wait3A_119 = arith.constant 0 : i32
      %dma_wait3A_120 = tpu.memref_slice %arg5[%add3A_114, %dma_wait3A_119] : memref<20480x32xf32, #tpu.memory_space<hbm>> -> memref<640x32xf32, #tpu.memory_space<hbm>>
      %dma_wait3A_121 = arith.constant 0 : i32
      %dma_wait3A_122 = tpu.memref_slice %arg8[%mul3A_4, %dma_wait3A_121] : memref<10240x32xf32, #tpu.memory_space<vmem_shared>> -> memref<640x32xf32, #tpu.memory_space<vmem_shared>>
      tpu.wait_dma2 semaphore(%run_scoped3A : memref<!tpu.dma_semaphore, #tpu.memory_space<semaphore_mem>>) src(%dma_wait3A_122 : memref<640x32xf32, #tpu.memory_space<vmem_shared>>) dst(%dma_wait3A_120 : memref<640x32xf32, #tpu.memory_space<hbm>>)
      tpu.yield
    }) : () -> ()
    return
  }
}

#map = affine_map<(d0, d1) -> (0, 0)>
#map1 = affine_map<(d0, d1) -> (0, 0, 0)>
module attributes {stable_mosaic.version = 14 : i64} {
  func.func @body(%arg0: i32, %arg1: i32, %arg2: memref<10000x64xf32, #tpu.memory_space<hbm>>, %arg3: memref<32x40x128xi32, #tpu.memory_space<hbm>>, %arg4: memref<163840x64xf32, #tpu.memory_space<hbm>>, %arg5: memref<40x128xi32, #tpu.memory_space<vmem>>, %arg6: memref<2x512x64xf32, #tpu.memory_space<vmem>>, %arg7: memref<10000x64xf32, #tpu.memory_space<vmem_shared>>, %arg8: memref<!tpu.dma_semaphore, #tpu.memory_space<semaphore_mem>>, %arg9: memref<!tpu.dma_semaphore, #tpu.memory_space<semaphore_mem>>) attributes {dimension_semantics = [#tpu.dimension_semantics<core_parallel>, #tpu.dimension_semantics<subcore_parallel>], iteration_bounds = array<i64: 2, 16>, scalar_prefetch = 0 : i64, scratch_operands = 5 : i64, tpu.core_type = #tpu.core_type<sc_vector_subcore>, window_params = [{transform_indices = #map}, {transform_indices = #map1}, {transform_indices = #map}]} {
    %mul3A = arith.constant 2 : i32
    %mul3A_0 = arith.muli %arg1, %mul3A : i32
    %add3A = arith.addi %mul3A_0, %arg0 : i32
    %mul3A_1 = arith.constant 5120 : i32
    %mul3A_2 = arith.muli %add3A, %mul3A_1 : i32
    "tpu.region"() ({
      %run_scoped3A = tpu.sem_alloc : memref<!tpu.dma_semaphore, #tpu.memory_space<semaphore_mem>>
      %dma_start3A_74 = arith.constant 0 : i32
      %dma_start3A_75 = arith.constant 0 : i32
      %dma_start3A_76 = tpu.memref_slice %arg3[%add3A, %dma_start3A_74, %dma_start3A_75] : memref<32x40x128xi32, #tpu.memory_space<hbm>> -> memref<1x40x128xi32, #tpu.memory_space<hbm>>
      %dma_start3A_77 = tpu.memref_squeeze %dma_start3A_76 : memref<1x40x128xi32, #tpu.memory_space<hbm>> -> memref<40x128xi32, #tpu.memory_space<hbm>>
      %dma_start3A_78 = arith.constant 0 : i32
      %dma_start3A_79 = arith.constant 0 : i32
      %dma_start3A_80 = tpu.memref_slice %arg3[%add3A, %dma_start3A_78, %dma_start3A_79] : memref<32x40x128xi32, #tpu.memory_space<hbm>> -> memref<1x40x128xi32, #tpu.memory_space<hbm>>
      %dma_start3A_81 = tpu.memref_squeeze %dma_start3A_80 : memref<1x40x128xi32, #tpu.memory_space<hbm>> -> memref<40x128xi32, #tpu.memory_space<hbm>>
      tpu.enqueue_dma source(%dma_start3A_81 : memref<40x128xi32, #tpu.memory_space<hbm>>) target(%arg5 : memref<40x128xi32, #tpu.memory_space<vmem>>) target_semaphore(%run_scoped3A : memref<!tpu.dma_semaphore, #tpu.memory_space<semaphore_mem>>)
      %dma_wait3A_82 = arith.constant 0 : i32
      %dma_wait3A_83 = arith.constant 0 : i32
      %dma_wait3A_84 = tpu.memref_slice %arg3[%add3A, %dma_wait3A_82, %dma_wait3A_83] : memref<32x40x128xi32, #tpu.memory_space<hbm>> -> memref<1x40x128xi32, #tpu.memory_space<hbm>>
      %dma_wait3A_85 = tpu.memref_squeeze %dma_wait3A_84 : memref<1x40x128xi32, #tpu.memory_space<hbm>> -> memref<40x128xi32, #tpu.memory_space<hbm>>
      %dma_wait3A_86 = arith.constant 0 : i32
      %dma_wait3A_87 = arith.constant 0 : i32
      %dma_wait3A_88 = tpu.memref_slice %arg3[%add3A, %dma_wait3A_86, %dma_wait3A_87] : memref<32x40x128xi32, #tpu.memory_space<hbm>> -> memref<1x40x128xi32, #tpu.memory_space<hbm>>
      %dma_wait3A_89 = tpu.memref_squeeze %dma_wait3A_88 : memref<1x40x128xi32, #tpu.memory_space<hbm>> -> memref<40x128xi32, #tpu.memory_space<hbm>>
      tpu.wait_dma2 semaphore(%run_scoped3A : memref<!tpu.dma_semaphore, #tpu.memory_space<semaphore_mem>>) src(%dma_wait3A_89 : memref<40x128xi32, #tpu.memory_space<hbm>>) dst(%arg5 : memref<40x128xi32, #tpu.memory_space<vmem>>)
      tpu.yield
    }) : () -> ()
    %lt3A = arith.constant 15 : i32
    %lt3A_3 = arith.cmpi slt, %arg1, %lt3A : i32
    %convert_element_type3A = arith.extui %lt3A_3 : i1 to i32
    %cond3A = arith.constant 0 : i32
    %cond3A_4 = arith.cmpi ne, %convert_element_type3A, %cond3A : i32
    scf.if %cond3A_4 {
      %mul3A_74 = arith.constant 632 : i32
      %mul3A_75 = arith.muli %arg1, %mul3A_74 : i32
      %mul3A_76 = arith.constant 632 : i32
      %mul3A_77 = arith.muli %arg1, %mul3A_76 : i32
      "tpu.region"() ({
        %run_scoped3A = tpu.sem_alloc : memref<!tpu.dma_semaphore, #tpu.memory_space<semaphore_mem>>
        %dma_start3A_78 = arith.constant 0 : i32
        %dma_start3A_79 = tpu.memref_slice %arg7[%mul3A_77, %dma_start3A_78] : memref<10000x64xf32, #tpu.memory_space<vmem_shared>> -> memref<632x64xf32, #tpu.memory_space<vmem_shared>>
        %dma_start3A_80 = arith.constant 0 : i32
        %dma_start3A_81 = tpu.memref_slice %arg2[%mul3A_75, %dma_start3A_80] : memref<10000x64xf32, #tpu.memory_space<hbm>> -> memref<632x64xf32, #tpu.memory_space<hbm>>
        tpu.enqueue_dma source(%dma_start3A_81 : memref<632x64xf32, #tpu.memory_space<hbm>>) target(%dma_start3A_79 : memref<632x64xf32, #tpu.memory_space<vmem_shared>>) target_semaphore(%run_scoped3A : memref<!tpu.dma_semaphore, #tpu.memory_space<semaphore_mem>>)
        %dma_wait3A_82 = arith.constant 0 : i32
        %dma_wait3A_83 = tpu.memref_slice %arg7[%mul3A_77, %dma_wait3A_82] : memref<10000x64xf32, #tpu.memory_space<vmem_shared>> -> memref<632x64xf32, #tpu.memory_space<vmem_shared>>
        %dma_wait3A_84 = arith.constant 0 : i32
        %dma_wait3A_85 = tpu.memref_slice %arg2[%mul3A_75, %dma_wait3A_84] : memref<10000x64xf32, #tpu.memory_space<hbm>> -> memref<632x64xf32, #tpu.memory_space<hbm>>
        tpu.wait_dma2 semaphore(%run_scoped3A : memref<!tpu.dma_semaphore, #tpu.memory_space<semaphore_mem>>) src(%dma_wait3A_85 : memref<632x64xf32, #tpu.memory_space<hbm>>) dst(%dma_wait3A_83 : memref<632x64xf32, #tpu.memory_space<vmem_shared>>)
        tpu.yield
      }) : () -> ()
    } else {
    }
    %eq3A = arith.constant 15 : i32
    %eq3A_5 = arith.cmpi eq, %arg1, %eq3A : i32
    %convert_element_type3A_6 = arith.extui %eq3A_5 : i1 to i32
    %cond3A_7 = arith.constant 0 : i32
    %cond3A_8 = arith.cmpi ne, %convert_element_type3A_6, %cond3A_7 : i32
    scf.if %cond3A_8 {
      "tpu.region"() ({
        %run_scoped3A = tpu.sem_alloc : memref<!tpu.dma_semaphore, #tpu.memory_space<semaphore_mem>>
        %dma_start3A_74 = arith.constant 9480 : i32
        %dma_start3A_75 = arith.constant 0 : i32
        %dma_start3A_76 = tpu.memref_slice %arg7[%dma_start3A_74, %dma_start3A_75] : memref<10000x64xf32, #tpu.memory_space<vmem_shared>> -> memref<520x64xf32, #tpu.memory_space<vmem_shared>>
        %dma_start3A_77 = arith.constant 9480 : i32
        %dma_start3A_78 = arith.constant 0 : i32
        %dma_start3A_79 = tpu.memref_slice %arg2[%dma_start3A_77, %dma_start3A_78] : memref<10000x64xf32, #tpu.memory_space<hbm>> -> memref<520x64xf32, #tpu.memory_space<hbm>>
        tpu.enqueue_dma source(%dma_start3A_79 : memref<520x64xf32, #tpu.memory_space<hbm>>) target(%dma_start3A_76 : memref<520x64xf32, #tpu.memory_space<vmem_shared>>) target_semaphore(%run_scoped3A : memref<!tpu.dma_semaphore, #tpu.memory_space<semaphore_mem>>)
        %dma_wait3A_80 = arith.constant 9480 : i32
        %dma_wait3A_81 = arith.constant 0 : i32
        %dma_wait3A_82 = tpu.memref_slice %arg7[%dma_wait3A_80, %dma_wait3A_81] : memref<10000x64xf32, #tpu.memory_space<vmem_shared>> -> memref<520x64xf32, #tpu.memory_space<vmem_shared>>
        %dma_wait3A_83 = arith.constant 9480 : i32
        %dma_wait3A_84 = arith.constant 0 : i32
        %dma_wait3A_85 = tpu.memref_slice %arg2[%dma_wait3A_83, %dma_wait3A_84] : memref<10000x64xf32, #tpu.memory_space<hbm>> -> memref<520x64xf32, #tpu.memory_space<hbm>>
        tpu.wait_dma2 semaphore(%run_scoped3A : memref<!tpu.dma_semaphore, #tpu.memory_space<semaphore_mem>>) src(%dma_wait3A_85 : memref<520x64xf32, #tpu.memory_space<hbm>>) dst(%dma_wait3A_82 : memref<520x64xf32, #tpu.memory_space<vmem_shared>>)
        tpu.yield
      }) : () -> ()
    } else {
    }
    %barrier3A = arith.constant 0 : index
    tpu.barrier barrier_id(%barrier3A)
    %dma_start3A = arith.constant 0 : i32
    %dma_start3A_9 = arith.constant 0 : i32
    %dma_start3A_10 = arith.constant 0 : i32
    %dma_start3A_11 = arith.constant 0 : i32
    %dma_start3A_12 = tpu.memref_slice %arg6[%dma_start3A_9, %dma_start3A_10, %dma_start3A_11] : memref<2x512x64xf32, #tpu.memory_space<vmem>> -> memref<1x128x64xf32, #tpu.memory_space<vmem>>
    %dma_start3A_13 = tpu.memref_squeeze %dma_start3A_12 : memref<1x128x64xf32, #tpu.memory_space<vmem>> -> memref<128x64xf32, #tpu.memory_space<vmem>>
    %dma_start3A_14 = arith.constant 0 : i32
    %dma_start3A_15 = tpu.memref_slice %arg5[%dma_start3A, %dma_start3A_14] : memref<40x128xi32, #tpu.memory_space<vmem>> -> memref<1x128xi32, #tpu.memory_space<vmem>>
    %dma_start3A_16 = tpu.memref_squeeze %dma_start3A_15 : memref<1x128xi32, #tpu.memory_space<vmem>> -> memref<128xi32, #tpu.memory_space<vmem>>
    %dma_start3A_17 = arith.constant 0 : i32
    %dma_start3A_18 = arith.constant 0 : i32
    %dma_start3A_19 = tpu.memref_slice %arg7[%dma_start3A_17, %dma_start3A_18] : memref<10000x64xf32, #tpu.memory_space<vmem_shared>> -> memref<10000x64xf32, #tpu.memory_space<vmem_shared>>
    tpu.enqueue_indirect_dma source(%dma_start3A_19 : memref<10000x64xf32, #tpu.memory_space<vmem_shared>>) target(%dma_start3A_13 : memref<128x64xf32, #tpu.memory_space<vmem>>) offsets(%dma_start3A_16 : memref<128xi32, #tpu.memory_space<vmem>>) semaphore(%arg8 : memref<!tpu.dma_semaphore, #tpu.memory_space<semaphore_mem>>)
    %dma_start3A_20 = arith.constant 1 : i32
    %dma_start3A_21 = arith.constant 0 : i32
    %dma_start3A_22 = arith.constant 128 : i32
    %dma_start3A_23 = arith.constant 0 : i32
    %dma_start3A_24 = tpu.memref_slice %arg6[%dma_start3A_21, %dma_start3A_22, %dma_start3A_23] : memref<2x512x64xf32, #tpu.memory_space<vmem>> -> memref<1x128x64xf32, #tpu.memory_space<vmem>>
    %dma_start3A_25 = tpu.memref_squeeze %dma_start3A_24 : memref<1x128x64xf32, #tpu.memory_space<vmem>> -> memref<128x64xf32, #tpu.memory_space<vmem>>
    %dma_start3A_26 = arith.constant 0 : i32
    %dma_start3A_27 = tpu.memref_slice %arg5[%dma_start3A_20, %dma_start3A_26] : memref<40x128xi32, #tpu.memory_space<vmem>> -> memref<1x128xi32, #tpu.memory_space<vmem>>
    %dma_start3A_28 = tpu.memref_squeeze %dma_start3A_27 : memref<1x128xi32, #tpu.memory_space<vmem>> -> memref<128xi32, #tpu.memory_space<vmem>>
    %dma_start3A_29 = arith.constant 0 : i32
    %dma_start3A_30 = arith.constant 0 : i32
    %dma_start3A_31 = tpu.memref_slice %arg7[%dma_start3A_29, %dma_start3A_30] : memref<10000x64xf32, #tpu.memory_space<vmem_shared>> -> memref<10000x64xf32, #tpu.memory_space<vmem_shared>>
    tpu.enqueue_indirect_dma source(%dma_start3A_31 : memref<10000x64xf32, #tpu.memory_space<vmem_shared>>) target(%dma_start3A_25 : memref<128x64xf32, #tpu.memory_space<vmem>>) offsets(%dma_start3A_28 : memref<128xi32, #tpu.memory_space<vmem>>) semaphore(%arg8 : memref<!tpu.dma_semaphore, #tpu.memory_space<semaphore_mem>>)
    %dma_start3A_32 = arith.constant 2 : i32
    %dma_start3A_33 = arith.constant 0 : i32
    %dma_start3A_34 = arith.constant 256 : i32
    %dma_start3A_35 = arith.constant 0 : i32
    %dma_start3A_36 = tpu.memref_slice %arg6[%dma_start3A_33, %dma_start3A_34, %dma_start3A_35] : memref<2x512x64xf32, #tpu.memory_space<vmem>> -> memref<1x128x64xf32, #tpu.memory_space<vmem>>
    %dma_start3A_37 = tpu.memref_squeeze %dma_start3A_36 : memref<1x128x64xf32, #tpu.memory_space<vmem>> -> memref<128x64xf32, #tpu.memory_space<vmem>>
    %dma_start3A_38 = arith.constant 0 : i32
    %dma_start3A_39 = tpu.memref_slice %arg5[%dma_start3A_32, %dma_start3A_38] : memref<40x128xi32, #tpu.memory_space<vmem>> -> memref<1x128xi32, #tpu.memory_space<vmem>>
    %dma_start3A_40 = tpu.memref_squeeze %dma_start3A_39 : memref<1x128xi32, #tpu.memory_space<vmem>> -> memref<128xi32, #tpu.memory_space<vmem>>
    %dma_start3A_41 = arith.constant 0 : i32
    %dma_start3A_42 = arith.constant 0 : i32
    %dma_start3A_43 = tpu.memref_slice %arg7[%dma_start3A_41, %dma_start3A_42] : memref<10000x64xf32, #tpu.memory_space<vmem_shared>> -> memref<10000x64xf32, #tpu.memory_space<vmem_shared>>
    tpu.enqueue_indirect_dma source(%dma_start3A_43 : memref<10000x64xf32, #tpu.memory_space<vmem_shared>>) target(%dma_start3A_37 : memref<128x64xf32, #tpu.memory_space<vmem>>) offsets(%dma_start3A_40 : memref<128xi32, #tpu.memory_space<vmem>>) semaphore(%arg8 : memref<!tpu.dma_semaphore, #tpu.memory_space<semaphore_mem>>)
    %dma_start3A_44 = arith.constant 3 : i32
    %dma_start3A_45 = arith.constant 0 : i32
    %dma_start3A_46 = arith.constant 384 : i32
    %dma_start3A_47 = arith.constant 0 : i32
    %dma_start3A_48 = tpu.memref_slice %arg6[%dma_start3A_45, %dma_start3A_46, %dma_start3A_47] : memref<2x512x64xf32, #tpu.memory_space<vmem>> -> memref<1x128x64xf32, #tpu.memory_space<vmem>>
    %dma_start3A_49 = tpu.memref_squeeze %dma_start3A_48 : memref<1x128x64xf32, #tpu.memory_space<vmem>> -> memref<128x64xf32, #tpu.memory_space<vmem>>
    %dma_start3A_50 = arith.constant 0 : i32
    %dma_start3A_51 = tpu.memref_slice %arg5[%dma_start3A_44, %dma_start3A_50] : memref<40x128xi32, #tpu.memory_space<vmem>> -> memref<1x128xi32, #tpu.memory_space<vmem>>
    %dma_start3A_52 = tpu.memref_squeeze %dma_start3A_51 : memref<1x128xi32, #tpu.memory_space<vmem>> -> memref<128xi32, #tpu.memory_space<vmem>>
    %dma_start3A_53 = arith.constant 0 : i32
    %dma_start3A_54 = arith.constant 0 : i32
    %dma_start3A_55 = tpu.memref_slice %arg7[%dma_start3A_53, %dma_start3A_54] : memref<10000x64xf32, #tpu.memory_space<vmem_shared>> -> memref<10000x64xf32, #tpu.memory_space<vmem_shared>>
    tpu.enqueue_indirect_dma source(%dma_start3A_55 : memref<10000x64xf32, #tpu.memory_space<vmem_shared>>) target(%dma_start3A_49 : memref<128x64xf32, #tpu.memory_space<vmem>>) offsets(%dma_start3A_52 : memref<128xi32, #tpu.memory_space<vmem>>) semaphore(%arg8 : memref<!tpu.dma_semaphore, #tpu.memory_space<semaphore_mem>>)
    %scan3A = arith.constant 0 : i32
    %scan3A_56 = arith.constant 0 : i32
    %scan3A_57 = arith.constant 10 : i32
    %scan3A_58 = arith.addi %scan3A_56, %scan3A_57 : i32
    %scan3A_59 = arith.constant 1 : i32
    scf.for %scan3A_74 = %scan3A_56 to %scan3A_58 step %scan3A_59  : i32 {
      %rem3A_75 = arith.constant 2 : i32
      %rem3A_76 = arith.remsi %scan3A_74, %rem3A_75 : i32
      %add3A_77 = arith.constant 1 : i32
      %add3A_78 = arith.addi %scan3A_74, %add3A_77 : i32
      %rem3A_79 = arith.constant 2 : i32
      %rem3A_80 = arith.remsi %add3A_78, %rem3A_79 : i32
      %dma_wait3A_81 = arith.constant 0 : i32
      %dma_wait3A_82 = arith.constant 0 : i32
      %dma_wait3A_83 = arith.constant 0 : i32
      %dma_wait3A_84 = tpu.memref_slice %arg6[%rem3A_76, %dma_wait3A_82, %dma_wait3A_83] : memref<2x512x64xf32, #tpu.memory_space<vmem>> -> memref<1x128x64xf32, #tpu.memory_space<vmem>>
      %dma_wait3A_85 = tpu.memref_squeeze %dma_wait3A_84 : memref<1x128x64xf32, #tpu.memory_space<vmem>> -> memref<128x64xf32, #tpu.memory_space<vmem>>
      %dma_wait3A_86 = arith.constant 0 : i32
      %dma_wait3A_87 = tpu.memref_slice %arg5[%dma_wait3A_81, %dma_wait3A_86] : memref<40x128xi32, #tpu.memory_space<vmem>> -> memref<1x128xi32, #tpu.memory_space<vmem>>
      %dma_wait3A_88 = tpu.memref_squeeze %dma_wait3A_87 : memref<1x128xi32, #tpu.memory_space<vmem>> -> memref<128xi32, #tpu.memory_space<vmem>>
      %dma_wait3A_89 = arith.constant 0 : i32
      %dma_wait3A_90 = arith.constant 0 : i32
      %dma_wait3A_91 = tpu.memref_slice %arg7[%dma_wait3A_89, %dma_wait3A_90] : memref<10000x64xf32, #tpu.memory_space<vmem_shared>> -> memref<10000x64xf32, #tpu.memory_space<vmem_shared>>
      tpu.wait_indirect_dma semaphore(%arg8 : memref<!tpu.dma_semaphore, #tpu.memory_space<semaphore_mem>>) src(%dma_wait3A_91 : memref<10000x64xf32, #tpu.memory_space<vmem_shared>>) dst(%dma_wait3A_85 : memref<128x64xf32, #tpu.memory_space<vmem>>)
      %dma_wait3A_92 = arith.constant 1 : i32
      %dma_wait3A_93 = arith.constant 128 : i32
      %dma_wait3A_94 = arith.constant 0 : i32
      %dma_wait3A_95 = tpu.memref_slice %arg6[%rem3A_76, %dma_wait3A_93, %dma_wait3A_94] : memref<2x512x64xf32, #tpu.memory_space<vmem>> -> memref<1x128x64xf32, #tpu.memory_space<vmem>>
      %dma_wait3A_96 = tpu.memref_squeeze %dma_wait3A_95 : memref<1x128x64xf32, #tpu.memory_space<vmem>> -> memref<128x64xf32, #tpu.memory_space<vmem>>
      %dma_wait3A_97 = arith.constant 0 : i32
      %dma_wait3A_98 = tpu.memref_slice %arg5[%dma_wait3A_92, %dma_wait3A_97] : memref<40x128xi32, #tpu.memory_space<vmem>> -> memref<1x128xi32, #tpu.memory_space<vmem>>
      %dma_wait3A_99 = tpu.memref_squeeze %dma_wait3A_98 : memref<1x128xi32, #tpu.memory_space<vmem>> -> memref<128xi32, #tpu.memory_space<vmem>>
      %dma_wait3A_100 = arith.constant 0 : i32
      %dma_wait3A_101 = arith.constant 0 : i32
      %dma_wait3A_102 = tpu.memref_slice %arg7[%dma_wait3A_100, %dma_wait3A_101] : memref<10000x64xf32, #tpu.memory_space<vmem_shared>> -> memref<10000x64xf32, #tpu.memory_space<vmem_shared>>
      tpu.wait_indirect_dma semaphore(%arg8 : memref<!tpu.dma_semaphore, #tpu.memory_space<semaphore_mem>>) src(%dma_wait3A_102 : memref<10000x64xf32, #tpu.memory_space<vmem_shared>>) dst(%dma_wait3A_96 : memref<128x64xf32, #tpu.memory_space<vmem>>)
      %dma_wait3A_103 = arith.constant 2 : i32
      %dma_wait3A_104 = arith.constant 256 : i32
      %dma_wait3A_105 = arith.constant 0 : i32
      %dma_wait3A_106 = tpu.memref_slice %arg6[%rem3A_76, %dma_wait3A_104, %dma_wait3A_105] : memref<2x512x64xf32, #tpu.memory_space<vmem>> -> memref<1x128x64xf32, #tpu.memory_space<vmem>>
      %dma_wait3A_107 = tpu.memref_squeeze %dma_wait3A_106 : memref<1x128x64xf32, #tpu.memory_space<vmem>> -> memref<128x64xf32, #tpu.memory_space<vmem>>
      %dma_wait3A_108 = arith.constant 0 : i32
      %dma_wait3A_109 = tpu.memref_slice %arg5[%dma_wait3A_103, %dma_wait3A_108] : memref<40x128xi32, #tpu.memory_space<vmem>> -> memref<1x128xi32, #tpu.memory_space<vmem>>
      %dma_wait3A_110 = tpu.memref_squeeze %dma_wait3A_109 : memref<1x128xi32, #tpu.memory_space<vmem>> -> memref<128xi32, #tpu.memory_space<vmem>>
      %dma_wait3A_111 = arith.constant 0 : i32
      %dma_wait3A_112 = arith.constant 0 : i32
      %dma_wait3A_113 = tpu.memref_slice %arg7[%dma_wait3A_111, %dma_wait3A_112] : memref<10000x64xf32, #tpu.memory_space<vmem_shared>> -> memref<10000x64xf32, #tpu.memory_space<vmem_shared>>
      tpu.wait_indirect_dma semaphore(%arg8 : memref<!tpu.dma_semaphore, #tpu.memory_space<semaphore_mem>>) src(%dma_wait3A_113 : memref<10000x64xf32, #tpu.memory_space<vmem_shared>>) dst(%dma_wait3A_107 : memref<128x64xf32, #tpu.memory_space<vmem>>)
      %dma_wait3A_114 = arith.constant 3 : i32
      %dma_wait3A_115 = arith.constant 384 : i32
      %dma_wait3A_116 = arith.constant 0 : i32
      %dma_wait3A_117 = tpu.memref_slice %arg6[%rem3A_76, %dma_wait3A_115, %dma_wait3A_116] : memref<2x512x64xf32, #tpu.memory_space<vmem>> -> memref<1x128x64xf32, #tpu.memory_space<vmem>>
      %dma_wait3A_118 = tpu.memref_squeeze %dma_wait3A_117 : memref<1x128x64xf32, #tpu.memory_space<vmem>> -> memref<128x64xf32, #tpu.memory_space<vmem>>
      %dma_wait3A_119 = arith.constant 0 : i32
      %dma_wait3A_120 = tpu.memref_slice %arg5[%dma_wait3A_114, %dma_wait3A_119] : memref<40x128xi32, #tpu.memory_space<vmem>> -> memref<1x128xi32, #tpu.memory_space<vmem>>
      %dma_wait3A_121 = tpu.memref_squeeze %dma_wait3A_120 : memref<1x128xi32, #tpu.memory_space<vmem>> -> memref<128xi32, #tpu.memory_space<vmem>>
      %dma_wait3A_122 = arith.constant 0 : i32
      %dma_wait3A_123 = arith.constant 0 : i32
      %dma_wait3A_124 = tpu.memref_slice %arg7[%dma_wait3A_122, %dma_wait3A_123] : memref<10000x64xf32, #tpu.memory_space<vmem_shared>> -> memref<10000x64xf32, #tpu.memory_space<vmem_shared>>
      tpu.wait_indirect_dma semaphore(%arg8 : memref<!tpu.dma_semaphore, #tpu.memory_space<semaphore_mem>>) src(%dma_wait3A_124 : memref<10000x64xf32, #tpu.memory_space<vmem_shared>>) dst(%dma_wait3A_118 : memref<128x64xf32, #tpu.memory_space<vmem>>)
      %ge3A = arith.constant 1 : i32
      %ge3A_125 = arith.cmpi sge, %scan3A_74, %ge3A : i32
      %convert_element_type3A_126 = arith.extui %ge3A_125 : i1 to i32
      %cond3A_127 = arith.constant 0 : i32
      %cond3A_128 = arith.cmpi ne, %convert_element_type3A_126, %cond3A_127 : i32
      scf.if %cond3A_128 {
        %dma_wait3A_151 = arith.constant 0 : i32
        %dma_wait3A_152 = arith.constant 0 : i32
        %dma_wait3A_153 = tpu.memref_slice %arg6[%rem3A_80, %dma_wait3A_151, %dma_wait3A_152] : memref<2x512x64xf32, #tpu.memory_space<vmem>> -> memref<1x512x64xf32, #tpu.memory_space<vmem>>
        %dma_wait3A_154 = tpu.memref_squeeze %dma_wait3A_153 : memref<1x512x64xf32, #tpu.memory_space<vmem>> -> memref<512x64xf32, #tpu.memory_space<vmem>>
        %dma_wait3A_155 = arith.constant 0 : i32
        %dma_wait3A_156 = tpu.memref_slice %arg4[%mul3A_2, %dma_wait3A_155] : memref<163840x64xf32, #tpu.memory_space<hbm>> -> memref<512x64xf32, #tpu.memory_space<hbm>>
        %dma_wait3A_157 = arith.constant 0 : i32
        %dma_wait3A_158 = tpu.memref_slice %arg4[%mul3A_2, %dma_wait3A_157] : memref<163840x64xf32, #tpu.memory_space<hbm>> -> memref<512x64xf32, #tpu.memory_space<hbm>>
        %dma_wait3A_159 = arith.constant 0 : i32
        %dma_wait3A_160 = arith.constant 0 : i32
        %dma_wait3A_161 = tpu.memref_slice %arg6[%rem3A_80, %dma_wait3A_159, %dma_wait3A_160] : memref<2x512x64xf32, #tpu.memory_space<vmem>> -> memref<1x512x64xf32, #tpu.memory_space<vmem>>
        %dma_wait3A_162 = tpu.memref_squeeze %dma_wait3A_161 : memref<1x512x64xf32, #tpu.memory_space<vmem>> -> memref<512x64xf32, #tpu.memory_space<vmem>>
        tpu.wait_dma2 semaphore(%arg9 : memref<!tpu.dma_semaphore, #tpu.memory_space<semaphore_mem>>) src(%dma_wait3A_162 : memref<512x64xf32, #tpu.memory_space<vmem>>) dst(%dma_wait3A_158 : memref<512x64xf32, #tpu.memory_space<hbm>>)
      } else {
      }
      %add3A_129 = arith.constant 1 : i32
      %add3A_130 = arith.addi %scan3A_74, %add3A_129 : i32
      %lt3A_131 = arith.constant 10 : i32
      %lt3A_132 = arith.cmpi slt, %add3A_130, %lt3A_131 : i32
      %convert_element_type3A_133 = arith.extui %lt3A_132 : i1 to i32
      %cond3A_134 = arith.constant 0 : i32
      %cond3A_135 = arith.cmpi ne, %convert_element_type3A_133, %cond3A_134 : i32
      scf.if %cond3A_135 {
        %add3A_151 = arith.constant 1 : i32
        %add3A_152 = arith.addi %scan3A_74, %add3A_151 : i32
        %mul3A_153 = arith.constant 4 : i32
        %mul3A_154 = arith.muli %add3A_152, %mul3A_153 : i32
        %add3A_155 = arith.constant 0 : i32
        %add3A_156 = arith.addi %mul3A_154, %add3A_155 : i32
        %dma_start3A_157 = arith.constant 0 : i32
        %dma_start3A_158 = arith.constant 0 : i32
        %dma_start3A_159 = tpu.memref_slice %arg6[%rem3A_80, %dma_start3A_157, %dma_start3A_158] : memref<2x512x64xf32, #tpu.memory_space<vmem>> -> memref<1x128x64xf32, #tpu.memory_space<vmem>>
        %dma_start3A_160 = tpu.memref_squeeze %dma_start3A_159 : memref<1x128x64xf32, #tpu.memory_space<vmem>> -> memref<128x64xf32, #tpu.memory_space<vmem>>
        %dma_start3A_161 = arith.constant 0 : i32
        %dma_start3A_162 = tpu.memref_slice %arg5[%add3A_156, %dma_start3A_161] : memref<40x128xi32, #tpu.memory_space<vmem>> -> memref<1x128xi32, #tpu.memory_space<vmem>>
        %dma_start3A_163 = tpu.memref_squeeze %dma_start3A_162 : memref<1x128xi32, #tpu.memory_space<vmem>> -> memref<128xi32, #tpu.memory_space<vmem>>
        %dma_start3A_164 = arith.constant 0 : i32
        %dma_start3A_165 = arith.constant 0 : i32
        %dma_start3A_166 = tpu.memref_slice %arg7[%dma_start3A_164, %dma_start3A_165] : memref<10000x64xf32, #tpu.memory_space<vmem_shared>> -> memref<10000x64xf32, #tpu.memory_space<vmem_shared>>
        tpu.enqueue_indirect_dma source(%dma_start3A_166 : memref<10000x64xf32, #tpu.memory_space<vmem_shared>>) target(%dma_start3A_160 : memref<128x64xf32, #tpu.memory_space<vmem>>) offsets(%dma_start3A_163 : memref<128xi32, #tpu.memory_space<vmem>>) semaphore(%arg8 : memref<!tpu.dma_semaphore, #tpu.memory_space<semaphore_mem>>)
        %mul3A_167 = arith.constant 4 : i32
        %mul3A_168 = arith.muli %add3A_152, %mul3A_167 : i32
        %add3A_169 = arith.constant 1 : i32
        %add3A_170 = arith.addi %mul3A_168, %add3A_169 : i32
        %dma_start3A_171 = arith.constant 128 : i32
        %dma_start3A_172 = arith.constant 0 : i32
        %dma_start3A_173 = tpu.memref_slice %arg6[%rem3A_80, %dma_start3A_171, %dma_start3A_172] : memref<2x512x64xf32, #tpu.memory_space<vmem>> -> memref<1x128x64xf32, #tpu.memory_space<vmem>>
        %dma_start3A_174 = tpu.memref_squeeze %dma_start3A_173 : memref<1x128x64xf32, #tpu.memory_space<vmem>> -> memref<128x64xf32, #tpu.memory_space<vmem>>
        %dma_start3A_175 = arith.constant 0 : i32
        %dma_start3A_176 = tpu.memref_slice %arg5[%add3A_170, %dma_start3A_175] : memref<40x128xi32, #tpu.memory_space<vmem>> -> memref<1x128xi32, #tpu.memory_space<vmem>>
        %dma_start3A_177 = tpu.memref_squeeze %dma_start3A_176 : memref<1x128xi32, #tpu.memory_space<vmem>> -> memref<128xi32, #tpu.memory_space<vmem>>
        %dma_start3A_178 = arith.constant 0 : i32
        %dma_start3A_179 = arith.constant 0 : i32
        %dma_start3A_180 = tpu.memref_slice %arg7[%dma_start3A_178, %dma_start3A_179] : memref<10000x64xf32, #tpu.memory_space<vmem_shared>> -> memref<10000x64xf32, #tpu.memory_space<vmem_shared>>
        tpu.enqueue_indirect_dma source(%dma_start3A_180 : memref<10000x64xf32, #tpu.memory_space<vmem_shared>>) target(%dma_start3A_174 : memref<128x64xf32, #tpu.memory_space<vmem>>) offsets(%dma_start3A_177 : memref<128xi32, #tpu.memory_space<vmem>>) semaphore(%arg8 : memref<!tpu.dma_semaphore, #tpu.memory_space<semaphore_mem>>)
        %mul3A_181 = arith.constant 4 : i32
        %mul3A_182 = arith.muli %add3A_152, %mul3A_181 : i32
        %add3A_183 = arith.constant 2 : i32
        %add3A_184 = arith.addi %mul3A_182, %add3A_183 : i32
        %dma_start3A_185 = arith.constant 256 : i32
        %dma_start3A_186 = arith.constant 0 : i32
        %dma_start3A_187 = tpu.memref_slice %arg6[%rem3A_80, %dma_start3A_185, %dma_start3A_186] : memref<2x512x64xf32, #tpu.memory_space<vmem>> -> memref<1x128x64xf32, #tpu.memory_space<vmem>>
        %dma_start3A_188 = tpu.memref_squeeze %dma_start3A_187 : memref<1x128x64xf32, #tpu.memory_space<vmem>> -> memref<128x64xf32, #tpu.memory_space<vmem>>
        %dma_start3A_189 = arith.constant 0 : i32
        %dma_start3A_190 = tpu.memref_slice %arg5[%add3A_184, %dma_start3A_189] : memref<40x128xi32, #tpu.memory_space<vmem>> -> memref<1x128xi32, #tpu.memory_space<vmem>>
        %dma_start3A_191 = tpu.memref_squeeze %dma_start3A_190 : memref<1x128xi32, #tpu.memory_space<vmem>> -> memref<128xi32, #tpu.memory_space<vmem>>
        %dma_start3A_192 = arith.constant 0 : i32
        %dma_start3A_193 = arith.constant 0 : i32
        %dma_start3A_194 = tpu.memref_slice %arg7[%dma_start3A_192, %dma_start3A_193] : memref<10000x64xf32, #tpu.memory_space<vmem_shared>> -> memref<10000x64xf32, #tpu.memory_space<vmem_shared>>
        tpu.enqueue_indirect_dma source(%dma_start3A_194 : memref<10000x64xf32, #tpu.memory_space<vmem_shared>>) target(%dma_start3A_188 : memref<128x64xf32, #tpu.memory_space<vmem>>) offsets(%dma_start3A_191 : memref<128xi32, #tpu.memory_space<vmem>>) semaphore(%arg8 : memref<!tpu.dma_semaphore, #tpu.memory_space<semaphore_mem>>)
        %mul3A_195 = arith.constant 4 : i32
        %mul3A_196 = arith.muli %add3A_152, %mul3A_195 : i32
        %add3A_197 = arith.constant 3 : i32
        %add3A_198 = arith.addi %mul3A_196, %add3A_197 : i32
        %dma_start3A_199 = arith.constant 384 : i32
        %dma_start3A_200 = arith.constant 0 : i32
        %dma_start3A_201 = tpu.memref_slice %arg6[%rem3A_80, %dma_start3A_199, %dma_start3A_200] : memref<2x512x64xf32, #tpu.memory_space<vmem>> -> memref<1x128x64xf32, #tpu.memory_space<vmem>>
        %dma_start3A_202 = tpu.memref_squeeze %dma_start3A_201 : memref<1x128x64xf32, #tpu.memory_space<vmem>> -> memref<128x64xf32, #tpu.memory_space<vmem>>
        %dma_start3A_203 = arith.constant 0 : i32
        %dma_start3A_204 = tpu.memref_slice %arg5[%add3A_198, %dma_start3A_203] : memref<40x128xi32, #tpu.memory_space<vmem>> -> memref<1x128xi32, #tpu.memory_space<vmem>>
        %dma_start3A_205 = tpu.memref_squeeze %dma_start3A_204 : memref<1x128xi32, #tpu.memory_space<vmem>> -> memref<128xi32, #tpu.memory_space<vmem>>
        %dma_start3A_206 = arith.constant 0 : i32
        %dma_start3A_207 = arith.constant 0 : i32
        %dma_start3A_208 = tpu.memref_slice %arg7[%dma_start3A_206, %dma_start3A_207] : memref<10000x64xf32, #tpu.memory_space<vmem_shared>> -> memref<10000x64xf32, #tpu.memory_space<vmem_shared>>
        tpu.enqueue_indirect_dma source(%dma_start3A_208 : memref<10000x64xf32, #tpu.memory_space<vmem_shared>>) target(%dma_start3A_202 : memref<128x64xf32, #tpu.memory_space<vmem>>) offsets(%dma_start3A_205 : memref<128xi32, #tpu.memory_space<vmem>>) semaphore(%arg8 : memref<!tpu.dma_semaphore, #tpu.memory_space<semaphore_mem>>)
      } else {
      }
      %mul3A_136 = arith.constant 512 : i32
      %mul3A_137 = arith.muli %scan3A_74, %mul3A_136 : i32
      %add3A_138 = arith.addi %mul3A_2, %mul3A_137 : i32
      %dma_start3A_139 = arith.constant 0 : i32
      %dma_start3A_140 = arith.constant 0 : i32
      %dma_start3A_141 = tpu.memref_slice %arg6[%rem3A_76, %dma_start3A_139, %dma_start3A_140] : memref<2x512x64xf32, #tpu.memory_space<vmem>> -> memref<1x512x64xf32, #tpu.memory_space<vmem>>
      %dma_start3A_142 = tpu.memref_squeeze %dma_start3A_141 : memref<1x512x64xf32, #tpu.memory_space<vmem>> -> memref<512x64xf32, #tpu.memory_space<vmem>>
      %dma_start3A_143 = arith.constant 0 : i32
      %dma_start3A_144 = tpu.memref_slice %arg4[%add3A_138, %dma_start3A_143] : memref<163840x64xf32, #tpu.memory_space<hbm>> -> memref<512x64xf32, #tpu.memory_space<hbm>>
      %dma_start3A_145 = arith.constant 0 : i32
      %dma_start3A_146 = tpu.memref_slice %arg4[%add3A_138, %dma_start3A_145] : memref<163840x64xf32, #tpu.memory_space<hbm>> -> memref<512x64xf32, #tpu.memory_space<hbm>>
      %dma_start3A_147 = arith.constant 0 : i32
      %dma_start3A_148 = arith.constant 0 : i32
      %dma_start3A_149 = tpu.memref_slice %arg6[%rem3A_76, %dma_start3A_147, %dma_start3A_148] : memref<2x512x64xf32, #tpu.memory_space<vmem>> -> memref<1x512x64xf32, #tpu.memory_space<vmem>>
      %dma_start3A_150 = tpu.memref_squeeze %dma_start3A_149 : memref<1x512x64xf32, #tpu.memory_space<vmem>> -> memref<512x64xf32, #tpu.memory_space<vmem>>
      tpu.enqueue_dma source(%dma_start3A_150 : memref<512x64xf32, #tpu.memory_space<vmem>>) target(%dma_start3A_146 : memref<512x64xf32, #tpu.memory_space<hbm>>) target_semaphore(%arg9 : memref<!tpu.dma_semaphore, #tpu.memory_space<semaphore_mem>>)
    }
    %scan3A_60 = arith.constant 10 : i32
    %rem3A = arith.constant 9 : i32
    %rem3A_61 = arith.constant 2 : i32
    %rem3A_62 = arith.remsi %rem3A, %rem3A_61 : i32
    %dma_wait3A = arith.constant 0 : i32
    %dma_wait3A_63 = arith.constant 0 : i32
    %dma_wait3A_64 = tpu.memref_slice %arg6[%rem3A_62, %dma_wait3A, %dma_wait3A_63] : memref<2x512x64xf32, #tpu.memory_space<vmem>> -> memref<1x512x64xf32, #tpu.memory_space<vmem>>
    %dma_wait3A_65 = tpu.memref_squeeze %dma_wait3A_64 : memref<1x512x64xf32, #tpu.memory_space<vmem>> -> memref<512x64xf32, #tpu.memory_space<vmem>>
    %dma_wait3A_66 = arith.constant 0 : i32
    %dma_wait3A_67 = tpu.memref_slice %arg4[%mul3A_2, %dma_wait3A_66] : memref<163840x64xf32, #tpu.memory_space<hbm>> -> memref<512x64xf32, #tpu.memory_space<hbm>>
    %dma_wait3A_68 = arith.constant 0 : i32
    %dma_wait3A_69 = tpu.memref_slice %arg4[%mul3A_2, %dma_wait3A_68] : memref<163840x64xf32, #tpu.memory_space<hbm>> -> memref<512x64xf32, #tpu.memory_space<hbm>>
    %dma_wait3A_70 = arith.constant 0 : i32
    %dma_wait3A_71 = arith.constant 0 : i32
    %dma_wait3A_72 = tpu.memref_slice %arg6[%rem3A_62, %dma_wait3A_70, %dma_wait3A_71] : memref<2x512x64xf32, #tpu.memory_space<vmem>> -> memref<1x512x64xf32, #tpu.memory_space<vmem>>
    %dma_wait3A_73 = tpu.memref_squeeze %dma_wait3A_72 : memref<1x512x64xf32, #tpu.memory_space<vmem>> -> memref<512x64xf32, #tpu.memory_space<vmem>>
    tpu.wait_dma2 semaphore(%arg9 : memref<!tpu.dma_semaphore, #tpu.memory_space<semaphore_mem>>) src(%dma_wait3A_73 : memref<512x64xf32, #tpu.memory_space<vmem>>) dst(%dma_wait3A_69 : memref<512x64xf32, #tpu.memory_space<hbm>>)
    return
  }
}

#map = affine_map<(d0, d1) -> (0, 0)>
#map1 = affine_map<(d0, d1) -> (0, 0, 0)>
module attributes {stable_mosaic.version = 14 : i64} {
  func.func @_scatter_body(%arg0: i32, %arg1: i32, %arg2: memref<163840x32xf32, #tpu.memory_space<hbm>>, %arg3: memref<32x40x128xi32, #tpu.memory_space<hbm>>, %arg4: memref<640x32xf32, #tpu.memory_space<hbm>>, %arg5: memref<20480x32xf32, #tpu.memory_space<hbm>>, %arg6: memref<40x128xi32, #tpu.memory_space<vmem>>, %arg7: memref<2x1024x32xf32, #tpu.memory_space<vmem>>, %arg8: memref<10240x32xf32, #tpu.memory_space<vmem_shared>>, %arg9: memref<!tpu.dma_semaphore, #tpu.memory_space<semaphore_mem>>, %arg10: memref<!tpu.dma_semaphore, #tpu.memory_space<semaphore_mem>>) attributes {dimension_semantics = [#tpu.dimension_semantics<core_parallel>, #tpu.dimension_semantics<subcore_parallel>], iteration_bounds = array<i64: 2, 16>, scalar_prefetch = 0 : i64, scratch_operands = 5 : i64, tpu.core_type = #tpu.core_type<sc_vector_subcore>, window_params = [{transform_indices = #map}, {transform_indices = #map1}, {transform_indices = #map}, {transform_indices = #map}]} {
    %mul3A = arith.constant 2 : i32
    %mul3A_0 = arith.muli %arg1, %mul3A : i32
    %add3A = arith.addi %mul3A_0, %arg0 : i32
    %mul3A_1 = arith.constant 5120 : i32
    %mul3A_2 = arith.muli %add3A, %mul3A_1 : i32
    %mul3A_3 = arith.constant 640 : i32
    %mul3A_4 = arith.muli %arg1, %mul3A_3 : i32
    "tpu.region"() ({
      %run_scoped3A = tpu.sem_alloc : memref<!tpu.dma_semaphore, #tpu.memory_space<semaphore_mem>>
      %dma_start3A_115 = arith.constant 0 : i32
      %dma_start3A_116 = arith.constant 0 : i32
      %dma_start3A_117 = tpu.memref_slice %arg3[%add3A, %dma_start3A_115, %dma_start3A_116] : memref<32x40x128xi32, #tpu.memory_space<hbm>> -> memref<1x40x128xi32, #tpu.memory_space<hbm>>
      %dma_start3A_118 = tpu.memref_squeeze %dma_start3A_117 : memref<1x40x128xi32, #tpu.memory_space<hbm>> -> memref<40x128xi32, #tpu.memory_space<hbm>>
      %dma_start3A_119 = arith.constant 0 : i32
      %dma_start3A_120 = arith.constant 0 : i32
      %dma_start3A_121 = tpu.memref_slice %arg3[%add3A, %dma_start3A_119, %dma_start3A_120] : memref<32x40x128xi32, #tpu.memory_space<hbm>> -> memref<1x40x128xi32, #tpu.memory_space<hbm>>
      %dma_start3A_122 = tpu.memref_squeeze %dma_start3A_121 : memref<1x40x128xi32, #tpu.memory_space<hbm>> -> memref<40x128xi32, #tpu.memory_space<hbm>>
      tpu.enqueue_dma source(%dma_start3A_122 : memref<40x128xi32, #tpu.memory_space<hbm>>) target(%arg6 : memref<40x128xi32, #tpu.memory_space<vmem>>) target_semaphore(%run_scoped3A : memref<!tpu.dma_semaphore, #tpu.memory_space<semaphore_mem>>)
      %dma_wait3A_123 = arith.constant 0 : i32
      %dma_wait3A_124 = arith.constant 0 : i32
      %dma_wait3A_125 = tpu.memref_slice %arg3[%add3A, %dma_wait3A_123, %dma_wait3A_124] : memref<32x40x128xi32, #tpu.memory_space<hbm>> -> memref<1x40x128xi32, #tpu.memory_space<hbm>>
      %dma_wait3A_126 = tpu.memref_squeeze %dma_wait3A_125 : memref<1x40x128xi32, #tpu.memory_space<hbm>> -> memref<40x128xi32, #tpu.memory_space<hbm>>
      %dma_wait3A_127 = arith.constant 0 : i32
      %dma_wait3A_128 = arith.constant 0 : i32
      %dma_wait3A_129 = tpu.memref_slice %arg3[%add3A, %dma_wait3A_127, %dma_wait3A_128] : memref<32x40x128xi32, #tpu.memory_space<hbm>> -> memref<1x40x128xi32, #tpu.memory_space<hbm>>
      %dma_wait3A_130 = tpu.memref_squeeze %dma_wait3A_129 : memref<1x40x128xi32, #tpu.memory_space<hbm>> -> memref<40x128xi32, #tpu.memory_space<hbm>>
      tpu.wait_dma2 semaphore(%run_scoped3A : memref<!tpu.dma_semaphore, #tpu.memory_space<semaphore_mem>>) src(%dma_wait3A_130 : memref<40x128xi32, #tpu.memory_space<hbm>>) dst(%arg6 : memref<40x128xi32, #tpu.memory_space<vmem>>)
      tpu.yield
    }) : () -> ()
    %dma_start3A = arith.constant 0 : i32
    %dma_start3A_5 = arith.constant 0 : i32
    %dma_start3A_6 = arith.constant 0 : i32
    %dma_start3A_7 = tpu.memref_slice %arg7[%dma_start3A, %dma_start3A_5, %dma_start3A_6] : memref<2x1024x32xf32, #tpu.memory_space<vmem>> -> memref<1x1024x32xf32, #tpu.memory_space<vmem>>
    %dma_start3A_8 = tpu.memref_squeeze %dma_start3A_7 : memref<1x1024x32xf32, #tpu.memory_space<vmem>> -> memref<1024x32xf32, #tpu.memory_space<vmem>>
    %dma_start3A_9 = arith.constant 0 : i32
    %dma_start3A_10 = tpu.memref_slice %arg2[%mul3A_2, %dma_start3A_9] : memref<163840x32xf32, #tpu.memory_space<hbm>> -> memref<1024x32xf32, #tpu.memory_space<hbm>>
    %dma_start3A_11 = arith.constant 0 : i32
    %dma_start3A_12 = arith.constant 0 : i32
    %dma_start3A_13 = tpu.memref_slice %arg7[%dma_start3A, %dma_start3A_11, %dma_start3A_12] : memref<2x1024x32xf32, #tpu.memory_space<vmem>> -> memref<1x1024x32xf32, #tpu.memory_space<vmem>>
    %dma_start3A_14 = tpu.memref_squeeze %dma_start3A_13 : memref<1x1024x32xf32, #tpu.memory_space<vmem>> -> memref<1024x32xf32, #tpu.memory_space<vmem>>
    %dma_start3A_15 = arith.constant 0 : i32
    %dma_start3A_16 = tpu.memref_slice %arg2[%mul3A_2, %dma_start3A_15] : memref<163840x32xf32, #tpu.memory_space<hbm>> -> memref<1024x32xf32, #tpu.memory_space<hbm>>
    tpu.enqueue_dma source(%dma_start3A_16 : memref<1024x32xf32, #tpu.memory_space<hbm>>) target(%dma_start3A_14 : memref<1024x32xf32, #tpu.memory_space<vmem>>) target_semaphore(%arg9 : memref<!tpu.dma_semaphore, #tpu.memory_space<semaphore_mem>>)
    "tpu.region"() ({
      %run_scoped3A = tpu.sem_alloc : memref<!tpu.dma_semaphore, #tpu.memory_space<semaphore_mem>>
      %dma_start3A_115 = arith.constant 0 : i32
      %dma_start3A_116 = tpu.memref_slice %arg8[%mul3A_4, %dma_start3A_115] : memref<10240x32xf32, #tpu.memory_space<vmem_shared>> -> memref<640x32xf32, #tpu.memory_space<vmem_shared>>
      tpu.enqueue_dma source(%arg4 : memref<640x32xf32, #tpu.memory_space<hbm>>) target(%dma_start3A_116 : memref<640x32xf32, #tpu.memory_space<vmem_shared>>) target_semaphore(%run_scoped3A : memref<!tpu.dma_semaphore, #tpu.memory_space<semaphore_mem>>)
      %dma_wait3A_117 = arith.constant 0 : i32
      %dma_wait3A_118 = tpu.memref_slice %arg8[%mul3A_4, %dma_wait3A_117] : memref<10240x32xf32, #tpu.memory_space<vmem_shared>> -> memref<640x32xf32, #tpu.memory_space<vmem_shared>>
      tpu.wait_dma2 semaphore(%run_scoped3A : memref<!tpu.dma_semaphore, #tpu.memory_space<semaphore_mem>>) src(%arg4 : memref<640x32xf32, #tpu.memory_space<hbm>>) dst(%dma_wait3A_118 : memref<640x32xf32, #tpu.memory_space<vmem_shared>>)
      tpu.yield
    }) : () -> ()
    %barrier3A = arith.constant 0 : index
    tpu.barrier barrier_id(%barrier3A)
    %scan3A = arith.constant 0 : i32
    %scan3A_17 = arith.constant 0 : i32
    %scan3A_18 = arith.constant 5 : i32
    %scan3A_19 = arith.addi %scan3A_17, %scan3A_18 : i32
    %scan3A_20 = arith.constant 1 : i32
    scf.for %scan3A_115 = %scan3A_17 to %scan3A_19 step %scan3A_20  : i32 {
      %rem3A_116 = arith.constant 2 : i32
      %rem3A_117 = arith.remsi %scan3A_115, %rem3A_116 : i32
      %add3A_118 = arith.constant 1 : i32
      %add3A_119 = arith.addi %scan3A_115, %add3A_118 : i32
      %rem3A_120 = arith.constant 2 : i32
      %rem3A_121 = arith.remsi %add3A_119, %rem3A_120 : i32
      %dma_wait3A_122 = arith.constant 0 : i32
      %dma_wait3A_123 = arith.constant 0 : i32
      %dma_wait3A_124 = tpu.memref_slice %arg7[%rem3A_117, %dma_wait3A_122, %dma_wait3A_123] : memref<2x1024x32xf32, #tpu.memory_space<vmem>> -> memref<1x1024x32xf32, #tpu.memory_space<vmem>>
      %dma_wait3A_125 = tpu.memref_squeeze %dma_wait3A_124 : memref<1x1024x32xf32, #tpu.memory_space<vmem>> -> memref<1024x32xf32, #tpu.memory_space<vmem>>
      %dma_wait3A_126 = arith.constant 0 : i32
      %dma_wait3A_127 = tpu.memref_slice %arg2[%mul3A_2, %dma_wait3A_126] : memref<163840x32xf32, #tpu.memory_space<hbm>> -> memref<1024x32xf32, #tpu.memory_space<hbm>>
      %dma_wait3A_128 = arith.constant 0 : i32
      %dma_wait3A_129 = arith.constant 0 : i32
      %dma_wait3A_130 = tpu.memref_slice %arg7[%rem3A_117, %dma_wait3A_128, %dma_wait3A_129] : memref<2x1024x32xf32, #tpu.memory_space<vmem>> -> memref<1x1024x32xf32, #tpu.memory_space<vmem>>
      %dma_wait3A_131 = tpu.memref_squeeze %dma_wait3A_130 : memref<1x1024x32xf32, #tpu.memory_space<vmem>> -> memref<1024x32xf32, #tpu.memory_space<vmem>>
      %dma_wait3A_132 = arith.constant 0 : i32
      %dma_wait3A_133 = tpu.memref_slice %arg2[%mul3A_2, %dma_wait3A_132] : memref<163840x32xf32, #tpu.memory_space<hbm>> -> memref<1024x32xf32, #tpu.memory_space<hbm>>
      tpu.wait_dma2 semaphore(%arg9 : memref<!tpu.dma_semaphore, #tpu.memory_space<semaphore_mem>>) src(%dma_wait3A_133 : memref<1024x32xf32, #tpu.memory_space<hbm>>) dst(%dma_wait3A_131 : memref<1024x32xf32, #tpu.memory_space<vmem>>)
      %ge3A = arith.constant 1 : i32
      %ge3A_134 = arith.cmpi sge, %scan3A_115, %ge3A : i32
      %convert_element_type3A = arith.extui %ge3A_134 : i1 to i32
      %cond3A = arith.constant 0 : i32
      %cond3A_135 = arith.cmpi ne, %convert_element_type3A, %cond3A : i32
      scf.if %cond3A_135 {
        %dma_wait3A_254 = arith.constant 0 : i32
        %dma_wait3A_255 = arith.constant 0 : i32
        %dma_wait3A_256 = arith.constant 0 : i32
        %dma_wait3A_257 = tpu.memref_slice %arg7[%rem3A_121, %dma_wait3A_255, %dma_wait3A_256] : memref<2x1024x32xf32, #tpu.memory_space<vmem>> -> memref<1x128x32xf32, #tpu.memory_space<vmem>>
        %dma_wait3A_258 = tpu.memref_squeeze %dma_wait3A_257 : memref<1x128x32xf32, #tpu.memory_space<vmem>> -> memref<128x32xf32, #tpu.memory_space<vmem>>
        %dma_wait3A_259 = arith.constant 0 : i32
        %dma_wait3A_260 = tpu.memref_slice %arg6[%dma_wait3A_254, %dma_wait3A_259] : memref<40x128xi32, #tpu.memory_space<vmem>> -> memref<1x128xi32, #tpu.memory_space<vmem>>
        %dma_wait3A_261 = tpu.memref_squeeze %dma_wait3A_260 : memref<1x128xi32, #tpu.memory_space<vmem>> -> memref<128xi32, #tpu.memory_space<vmem>>
        %dma_wait3A_262 = arith.constant 0 : i32
        %dma_wait3A_263 = arith.constant 0 : i32
        %dma_wait3A_264 = tpu.memref_slice %arg8[%dma_wait3A_262, %dma_wait3A_263] : memref<10240x32xf32, #tpu.memory_space<vmem_shared>> -> memref<10240x32xf32, #tpu.memory_space<vmem_shared>>
        tpu.wait_indirect_dma semaphore(%arg10 : memref<!tpu.dma_semaphore, #tpu.memory_space<semaphore_mem>>) src(%dma_wait3A_258 : memref<128x32xf32, #tpu.memory_space<vmem>>) dst(%dma_wait3A_264 : memref<10240x32xf32, #tpu.memory_space<vmem_shared>>)
        %dma_wait3A_265 = arith.constant 1 : i32
        %dma_wait3A_266 = arith.constant 128 : i32
        %dma_wait3A_267 = arith.constant 0 : i32
        %dma_wait3A_268 = tpu.memref_slice %arg7[%rem3A_121, %dma_wait3A_266, %dma_wait3A_267] : memref<2x1024x32xf32, #tpu.memory_space<vmem>> -> memref<1x128x32xf32, #tpu.memory_space<vmem>>
        %dma_wait3A_269 = tpu.memref_squeeze %dma_wait3A_268 : memref<1x128x32xf32, #tpu.memory_space<vmem>> -> memref<128x32xf32, #tpu.memory_space<vmem>>
        %dma_wait3A_270 = arith.constant 0 : i32
        %dma_wait3A_271 = tpu.memref_slice %arg6[%dma_wait3A_265, %dma_wait3A_270] : memref<40x128xi32, #tpu.memory_space<vmem>> -> memref<1x128xi32, #tpu.memory_space<vmem>>
        %dma_wait3A_272 = tpu.memref_squeeze %dma_wait3A_271 : memref<1x128xi32, #tpu.memory_space<vmem>> -> memref<128xi32, #tpu.memory_space<vmem>>
        %dma_wait3A_273 = arith.constant 0 : i32
        %dma_wait3A_274 = arith.constant 0 : i32
        %dma_wait3A_275 = tpu.memref_slice %arg8[%dma_wait3A_273, %dma_wait3A_274] : memref<10240x32xf32, #tpu.memory_space<vmem_shared>> -> memref<10240x32xf32, #tpu.memory_space<vmem_shared>>
        tpu.wait_indirect_dma semaphore(%arg10 : memref<!tpu.dma_semaphore, #tpu.memory_space<semaphore_mem>>) src(%dma_wait3A_269 : memref<128x32xf32, #tpu.memory_space<vmem>>) dst(%dma_wait3A_275 : memref<10240x32xf32, #tpu.memory_space<vmem_shared>>)
        %dma_wait3A_276 = arith.constant 2 : i32
        %dma_wait3A_277 = arith.constant 256 : i32
        %dma_wait3A_278 = arith.constant 0 : i32
        %dma_wait3A_279 = tpu.memref_slice %arg7[%rem3A_121, %dma_wait3A_277, %dma_wait3A_278] : memref<2x1024x32xf32, #tpu.memory_space<vmem>> -> memref<1x128x32xf32, #tpu.memory_space<vmem>>
        %dma_wait3A_280 = tpu.memref_squeeze %dma_wait3A_279 : memref<1x128x32xf32, #tpu.memory_space<vmem>> -> memref<128x32xf32, #tpu.memory_space<vmem>>
        %dma_wait3A_281 = arith.constant 0 : i32
        %dma_wait3A_282 = tpu.memref_slice %arg6[%dma_wait3A_276, %dma_wait3A_281] : memref<40x128xi32, #tpu.memory_space<vmem>> -> memref<1x128xi32, #tpu.memory_space<vmem>>
        %dma_wait3A_283 = tpu.memref_squeeze %dma_wait3A_282 : memref<1x128xi32, #tpu.memory_space<vmem>> -> memref<128xi32, #tpu.memory_space<vmem>>
        %dma_wait3A_284 = arith.constant 0 : i32
        %dma_wait3A_285 = arith.constant 0 : i32
        %dma_wait3A_286 = tpu.memref_slice %arg8[%dma_wait3A_284, %dma_wait3A_285] : memref<10240x32xf32, #tpu.memory_space<vmem_shared>> -> memref<10240x32xf32, #tpu.memory_space<vmem_shared>>
        tpu.wait_indirect_dma semaphore(%arg10 : memref<!tpu.dma_semaphore, #tpu.memory_space<semaphore_mem>>) src(%dma_wait3A_280 : memref<128x32xf32, #tpu.memory_space<vmem>>) dst(%dma_wait3A_286 : memref<10240x32xf32, #tpu.memory_space<vmem_shared>>)
        %dma_wait3A_287 = arith.constant 3 : i32
        %dma_wait3A_288 = arith.constant 384 : i32
        %dma_wait3A_289 = arith.constant 0 : i32
        %dma_wait3A_290 = tpu.memref_slice %arg7[%rem3A_121, %dma_wait3A_288, %dma_wait3A_289] : memref<2x1024x32xf32, #tpu.memory_space<vmem>> -> memref<1x128x32xf32, #tpu.memory_space<vmem>>
        %dma_wait3A_291 = tpu.memref_squeeze %dma_wait3A_290 : memref<1x128x32xf32, #tpu.memory_space<vmem>> -> memref<128x32xf32, #tpu.memory_space<vmem>>
        %dma_wait3A_292 = arith.constant 0 : i32
        %dma_wait3A_293 = tpu.memref_slice %arg6[%dma_wait3A_287, %dma_wait3A_292] : memref<40x128xi32, #tpu.memory_space<vmem>> -> memref<1x128xi32, #tpu.memory_space<vmem>>
        %dma_wait3A_294 = tpu.memref_squeeze %dma_wait3A_293 : memref<1x128xi32, #tpu.memory_space<vmem>> -> memref<128xi32, #tpu.memory_space<vmem>>
        %dma_wait3A_295 = arith.constant 0 : i32
        %dma_wait3A_296 = arith.constant 0 : i32
        %dma_wait3A_297 = tpu.memref_slice %arg8[%dma_wait3A_295, %dma_wait3A_296] : memref<10240x32xf32, #tpu.memory_space<vmem_shared>> -> memref<10240x32xf32, #tpu.memory_space<vmem_shared>>
        tpu.wait_indirect_dma semaphore(%arg10 : memref<!tpu.dma_semaphore, #tpu.memory_space<semaphore_mem>>) src(%dma_wait3A_291 : memref<128x32xf32, #tpu.memory_space<vmem>>) dst(%dma_wait3A_297 : memref<10240x32xf32, #tpu.memory_space<vmem_shared>>)
        %dma_wait3A_298 = arith.constant 4 : i32
        %dma_wait3A_299 = arith.constant 512 : i32
        %dma_wait3A_300 = arith.constant 0 : i32
        %dma_wait3A_301 = tpu.memref_slice %arg7[%rem3A_121, %dma_wait3A_299, %dma_wait3A_300] : memref<2x1024x32xf32, #tpu.memory_space<vmem>> -> memref<1x128x32xf32, #tpu.memory_space<vmem>>
        %dma_wait3A_302 = tpu.memref_squeeze %dma_wait3A_301 : memref<1x128x32xf32, #tpu.memory_space<vmem>> -> memref<128x32xf32, #tpu.memory_space<vmem>>
        %dma_wait3A_303 = arith.constant 0 : i32
        %dma_wait3A_304 = tpu.memref_slice %arg6[%dma_wait3A_298, %dma_wait3A_303] : memref<40x128xi32, #tpu.memory_space<vmem>> -> memref<1x128xi32, #tpu.memory_space<vmem>>
        %dma_wait3A_305 = tpu.memref_squeeze %dma_wait3A_304 : memref<1x128xi32, #tpu.memory_space<vmem>> -> memref<128xi32, #tpu.memory_space<vmem>>
        %dma_wait3A_306 = arith.constant 0 : i32
        %dma_wait3A_307 = arith.constant 0 : i32
        %dma_wait3A_308 = tpu.memref_slice %arg8[%dma_wait3A_306, %dma_wait3A_307] : memref<10240x32xf32, #tpu.memory_space<vmem_shared>> -> memref<10240x32xf32, #tpu.memory_space<vmem_shared>>
        tpu.wait_indirect_dma semaphore(%arg10 : memref<!tpu.dma_semaphore, #tpu.memory_space<semaphore_mem>>) src(%dma_wait3A_302 : memref<128x32xf32, #tpu.memory_space<vmem>>) dst(%dma_wait3A_308 : memref<10240x32xf32, #tpu.memory_space<vmem_shared>>)
        %dma_wait3A_309 = arith.constant 5 : i32
        %dma_wait3A_310 = arith.constant 640 : i32
        %dma_wait3A_311 = arith.constant 0 : i32
        %dma_wait3A_312 = tpu.memref_slice %arg7[%rem3A_121, %dma_wait3A_310, %dma_wait3A_311] : memref<2x1024x32xf32, #tpu.memory_space<vmem>> -> memref<1x128x32xf32, #tpu.memory_space<vmem>>
        %dma_wait3A_313 = tpu.memref_squeeze %dma_wait3A_312 : memref<1x128x32xf32, #tpu.memory_space<vmem>> -> memref<128x32xf32, #tpu.memory_space<vmem>>
        %dma_wait3A_314 = arith.constant 0 : i32
        %dma_wait3A_315 = tpu.memref_slice %arg6[%dma_wait3A_309, %dma_wait3A_314] : memref<40x128xi32, #tpu.memory_space<vmem>> -> memref<1x128xi32, #tpu.memory_space<vmem>>
        %dma_wait3A_316 = tpu.memref_squeeze %dma_wait3A_315 : memref<1x128xi32, #tpu.memory_space<vmem>> -> memref<128xi32, #tpu.memory_space<vmem>>
        %dma_wait3A_317 = arith.constant 0 : i32
        %dma_wait3A_318 = arith.constant 0 : i32
        %dma_wait3A_319 = tpu.memref_slice %arg8[%dma_wait3A_317, %dma_wait3A_318] : memref<10240x32xf32, #tpu.memory_space<vmem_shared>> -> memref<10240x32xf32, #tpu.memory_space<vmem_shared>>
        tpu.wait_indirect_dma semaphore(%arg10 : memref<!tpu.dma_semaphore, #tpu.memory_space<semaphore_mem>>) src(%dma_wait3A_313 : memref<128x32xf32, #tpu.memory_space<vmem>>) dst(%dma_wait3A_319 : memref<10240x32xf32, #tpu.memory_space<vmem_shared>>)
        %dma_wait3A_320 = arith.constant 6 : i32
        %dma_wait3A_321 = arith.constant 768 : i32
        %dma_wait3A_322 = arith.constant 0 : i32
        %dma_wait3A_323 = tpu.memref_slice %arg7[%rem3A_121, %dma_wait3A_321, %dma_wait3A_322] : memref<2x1024x32xf32, #tpu.memory_space<vmem>> -> memref<1x128x32xf32, #tpu.memory_space<vmem>>
        %dma_wait3A_324 = tpu.memref_squeeze %dma_wait3A_323 : memref<1x128x32xf32, #tpu.memory_space<vmem>> -> memref<128x32xf32, #tpu.memory_space<vmem>>
        %dma_wait3A_325 = arith.constant 0 : i32
        %dma_wait3A_326 = tpu.memref_slice %arg6[%dma_wait3A_320, %dma_wait3A_325] : memref<40x128xi32, #tpu.memory_space<vmem>> -> memref<1x128xi32, #tpu.memory_space<vmem>>
        %dma_wait3A_327 = tpu.memref_squeeze %dma_wait3A_326 : memref<1x128xi32, #tpu.memory_space<vmem>> -> memref<128xi32, #tpu.memory_space<vmem>>
        %dma_wait3A_328 = arith.constant 0 : i32
        %dma_wait3A_329 = arith.constant 0 : i32
        %dma_wait3A_330 = tpu.memref_slice %arg8[%dma_wait3A_328, %dma_wait3A_329] : memref<10240x32xf32, #tpu.memory_space<vmem_shared>> -> memref<10240x32xf32, #tpu.memory_space<vmem_shared>>
        tpu.wait_indirect_dma semaphore(%arg10 : memref<!tpu.dma_semaphore, #tpu.memory_space<semaphore_mem>>) src(%dma_wait3A_324 : memref<128x32xf32, #tpu.memory_space<vmem>>) dst(%dma_wait3A_330 : memref<10240x32xf32, #tpu.memory_space<vmem_shared>>)
        %dma_wait3A_331 = arith.constant 7 : i32
        %dma_wait3A_332 = arith.constant 896 : i32
        %dma_wait3A_333 = arith.constant 0 : i32
        %dma_wait3A_334 = tpu.memref_slice %arg7[%rem3A_121, %dma_wait3A_332, %dma_wait3A_333] : memref<2x1024x32xf32, #tpu.memory_space<vmem>> -> memref<1x128x32xf32, #tpu.memory_space<vmem>>
        %dma_wait3A_335 = tpu.memref_squeeze %dma_wait3A_334 : memref<1x128x32xf32, #tpu.memory_space<vmem>> -> memref<128x32xf32, #tpu.memory_space<vmem>>
        %dma_wait3A_336 = arith.constant 0 : i32
        %dma_wait3A_337 = tpu.memref_slice %arg6[%dma_wait3A_331, %dma_wait3A_336] : memref<40x128xi32, #tpu.memory_space<vmem>> -> memref<1x128xi32, #tpu.memory_space<vmem>>
        %dma_wait3A_338 = tpu.memref_squeeze %dma_wait3A_337 : memref<1x128xi32, #tpu.memory_space<vmem>> -> memref<128xi32, #tpu.memory_space<vmem>>
        %dma_wait3A_339 = arith.constant 0 : i32
        %dma_wait3A_340 = arith.constant 0 : i32
        %dma_wait3A_341 = tpu.memref_slice %arg8[%dma_wait3A_339, %dma_wait3A_340] : memref<10240x32xf32, #tpu.memory_space<vmem_shared>> -> memref<10240x32xf32, #tpu.memory_space<vmem_shared>>
        tpu.wait_indirect_dma semaphore(%arg10 : memref<!tpu.dma_semaphore, #tpu.memory_space<semaphore_mem>>) src(%dma_wait3A_335 : memref<128x32xf32, #tpu.memory_space<vmem>>) dst(%dma_wait3A_341 : memref<10240x32xf32, #tpu.memory_space<vmem_shared>>)
      } else {
      }
      %add3A_136 = arith.constant 1 : i32
      %add3A_137 = arith.addi %scan3A_115, %add3A_136 : i32
      %lt3A = arith.constant 5 : i32
      %lt3A_138 = arith.cmpi slt, %add3A_137, %lt3A : i32
      %convert_element_type3A_139 = arith.extui %lt3A_138 : i1 to i32
      %cond3A_140 = arith.constant 0 : i32
      %cond3A_141 = arith.cmpi ne, %convert_element_type3A_139, %cond3A_140 : i32
      scf.if %cond3A_141 {
        %add3A_254 = arith.constant 1 : i32
        %add3A_255 = arith.addi %scan3A_115, %add3A_254 : i32
        %mul3A_256 = arith.constant 1024 : i32
        %mul3A_257 = arith.muli %add3A_255, %mul3A_256 : i32
        %add3A_258 = arith.addi %mul3A_2, %mul3A_257 : i32
        %dma_start3A_259 = arith.constant 0 : i32
        %dma_start3A_260 = arith.constant 0 : i32
        %dma_start3A_261 = tpu.memref_slice %arg7[%rem3A_121, %dma_start3A_259, %dma_start3A_260] : memref<2x1024x32xf32, #tpu.memory_space<vmem>> -> memref<1x1024x32xf32, #tpu.memory_space<vmem>>
        %dma_start3A_262 = tpu.memref_squeeze %dma_start3A_261 : memref<1x1024x32xf32, #tpu.memory_space<vmem>> -> memref<1024x32xf32, #tpu.memory_space<vmem>>
        %dma_start3A_263 = arith.constant 0 : i32
        %dma_start3A_264 = tpu.memref_slice %arg2[%add3A_258, %dma_start3A_263] : memref<163840x32xf32, #tpu.memory_space<hbm>> -> memref<1024x32xf32, #tpu.memory_space<hbm>>
        %dma_start3A_265 = arith.constant 0 : i32
        %dma_start3A_266 = arith.constant 0 : i32
        %dma_start3A_267 = tpu.memref_slice %arg7[%rem3A_121, %dma_start3A_265, %dma_start3A_266] : memref<2x1024x32xf32, #tpu.memory_space<vmem>> -> memref<1x1024x32xf32, #tpu.memory_space<vmem>>
        %dma_start3A_268 = tpu.memref_squeeze %dma_start3A_267 : memref<1x1024x32xf32, #tpu.memory_space<vmem>> -> memref<1024x32xf32, #tpu.memory_space<vmem>>
        %dma_start3A_269 = arith.constant 0 : i32
        %dma_start3A_270 = tpu.memref_slice %arg2[%add3A_258, %dma_start3A_269] : memref<163840x32xf32, #tpu.memory_space<hbm>> -> memref<1024x32xf32, #tpu.memory_space<hbm>>
        tpu.enqueue_dma source(%dma_start3A_270 : memref<1024x32xf32, #tpu.memory_space<hbm>>) target(%dma_start3A_268 : memref<1024x32xf32, #tpu.memory_space<vmem>>) target_semaphore(%arg9 : memref<!tpu.dma_semaphore, #tpu.memory_space<semaphore_mem>>)
      } else {
      }
      %mul3A_142 = arith.constant 8 : i32
      %mul3A_143 = arith.muli %scan3A_115, %mul3A_142 : i32
      %add3A_144 = arith.constant 0 : i32
      %add3A_145 = arith.addi %mul3A_143, %add3A_144 : i32
      %dma_start3A_146 = arith.constant 0 : i32
      %dma_start3A_147 = arith.constant 0 : i32
      %dma_start3A_148 = tpu.memref_slice %arg7[%rem3A_117, %dma_start3A_146, %dma_start3A_147] : memref<2x1024x32xf32, #tpu.memory_space<vmem>> -> memref<1x128x32xf32, #tpu.memory_space<vmem>>
      %dma_start3A_149 = tpu.memref_squeeze %dma_start3A_148 : memref<1x128x32xf32, #tpu.memory_space<vmem>> -> memref<128x32xf32, #tpu.memory_space<vmem>>
      %dma_start3A_150 = arith.constant 0 : i32
      %dma_start3A_151 = tpu.memref_slice %arg6[%add3A_145, %dma_start3A_150] : memref<40x128xi32, #tpu.memory_space<vmem>> -> memref<1x128xi32, #tpu.memory_space<vmem>>
      %dma_start3A_152 = tpu.memref_squeeze %dma_start3A_151 : memref<1x128xi32, #tpu.memory_space<vmem>> -> memref<128xi32, #tpu.memory_space<vmem>>
      %dma_start3A_153 = arith.constant 0 : i32
      %dma_start3A_154 = arith.constant 0 : i32
      %dma_start3A_155 = tpu.memref_slice %arg8[%dma_start3A_153, %dma_start3A_154] : memref<10240x32xf32, #tpu.memory_space<vmem_shared>> -> memref<10240x32xf32, #tpu.memory_space<vmem_shared>>
      tpu.enqueue_indirect_dma source(%dma_start3A_149 : memref<128x32xf32, #tpu.memory_space<vmem>>) target(%dma_start3A_155 : memref<10240x32xf32, #tpu.memory_space<vmem_shared>>) offsets(%dma_start3A_152 : memref<128xi32, #tpu.memory_space<vmem>>) semaphore(%arg10 : memref<!tpu.dma_semaphore, #tpu.memory_space<semaphore_mem>>) {add = true}
      %mul3A_156 = arith.constant 8 : i32
      %mul3A_157 = arith.muli %scan3A_115, %mul3A_156 : i32
      %add3A_158 = arith.constant 1 : i32
      %add3A_159 = arith.addi %mul3A_157, %add3A_158 : i32
      %dma_start3A_160 = arith.constant 128 : i32
      %dma_start3A_161 = arith.constant 0 : i32
      %dma_start3A_162 = tpu.memref_slice %arg7[%rem3A_117, %dma_start3A_160, %dma_start3A_161] : memref<2x1024x32xf32, #tpu.memory_space<vmem>> -> memref<1x128x32xf32, #tpu.memory_space<vmem>>
      %dma_start3A_163 = tpu.memref_squeeze %dma_start3A_162 : memref<1x128x32xf32, #tpu.memory_space<vmem>> -> memref<128x32xf32, #tpu.memory_space<vmem>>
      %dma_start3A_164 = arith.constant 0 : i32
      %dma_start3A_165 = tpu.memref_slice %arg6[%add3A_159, %dma_start3A_164] : memref<40x128xi32, #tpu.memory_space<vmem>> -> memref<1x128xi32, #tpu.memory_space<vmem>>
      %dma_start3A_166 = tpu.memref_squeeze %dma_start3A_165 : memref<1x128xi32, #tpu.memory_space<vmem>> -> memref<128xi32, #tpu.memory_space<vmem>>
      %dma_start3A_167 = arith.constant 0 : i32
      %dma_start3A_168 = arith.constant 0 : i32
      %dma_start3A_169 = tpu.memref_slice %arg8[%dma_start3A_167, %dma_start3A_168] : memref<10240x32xf32, #tpu.memory_space<vmem_shared>> -> memref<10240x32xf32, #tpu.memory_space<vmem_shared>>
      tpu.enqueue_indirect_dma source(%dma_start3A_163 : memref<128x32xf32, #tpu.memory_space<vmem>>) target(%dma_start3A_169 : memref<10240x32xf32, #tpu.memory_space<vmem_shared>>) offsets(%dma_start3A_166 : memref<128xi32, #tpu.memory_space<vmem>>) semaphore(%arg10 : memref<!tpu.dma_semaphore, #tpu.memory_space<semaphore_mem>>) {add = true}
      %mul3A_170 = arith.constant 8 : i32
      %mul3A_171 = arith.muli %scan3A_115, %mul3A_170 : i32
      %add3A_172 = arith.constant 2 : i32
      %add3A_173 = arith.addi %mul3A_171, %add3A_172 : i32
      %dma_start3A_174 = arith.constant 256 : i32
      %dma_start3A_175 = arith.constant 0 : i32
      %dma_start3A_176 = tpu.memref_slice %arg7[%rem3A_117, %dma_start3A_174, %dma_start3A_175] : memref<2x1024x32xf32, #tpu.memory_space<vmem>> -> memref<1x128x32xf32, #tpu.memory_space<vmem>>
      %dma_start3A_177 = tpu.memref_squeeze %dma_start3A_176 : memref<1x128x32xf32, #tpu.memory_space<vmem>> -> memref<128x32xf32, #tpu.memory_space<vmem>>
      %dma_start3A_178 = arith.constant 0 : i32
      %dma_start3A_179 = tpu.memref_slice %arg6[%add3A_173, %dma_start3A_178] : memref<40x128xi32, #tpu.memory_space<vmem>> -> memref<1x128xi32, #tpu.memory_space<vmem>>
      %dma_start3A_180 = tpu.memref_squeeze %dma_start3A_179 : memref<1x128xi32, #tpu.memory_space<vmem>> -> memref<128xi32, #tpu.memory_space<vmem>>
      %dma_start3A_181 = arith.constant 0 : i32
      %dma_start3A_182 = arith.constant 0 : i32
      %dma_start3A_183 = tpu.memref_slice %arg8[%dma_start3A_181, %dma_start3A_182] : memref<10240x32xf32, #tpu.memory_space<vmem_shared>> -> memref<10240x32xf32, #tpu.memory_space<vmem_shared>>
      tpu.enqueue_indirect_dma source(%dma_start3A_177 : memref<128x32xf32, #tpu.memory_space<vmem>>) target(%dma_start3A_183 : memref<10240x32xf32, #tpu.memory_space<vmem_shared>>) offsets(%dma_start3A_180 : memref<128xi32, #tpu.memory_space<vmem>>) semaphore(%arg10 : memref<!tpu.dma_semaphore, #tpu.memory_space<semaphore_mem>>) {add = true}
      %mul3A_184 = arith.constant 8 : i32
      %mul3A_185 = arith.muli %scan3A_115, %mul3A_184 : i32
      %add3A_186 = arith.constant 3 : i32
      %add3A_187 = arith.addi %mul3A_185, %add3A_186 : i32
      %dma_start3A_188 = arith.constant 384 : i32
      %dma_start3A_189 = arith.constant 0 : i32
      %dma_start3A_190 = tpu.memref_slice %arg7[%rem3A_117, %dma_start3A_188, %dma_start3A_189] : memref<2x1024x32xf32, #tpu.memory_space<vmem>> -> memref<1x128x32xf32, #tpu.memory_space<vmem>>
      %dma_start3A_191 = tpu.memref_squeeze %dma_start3A_190 : memref<1x128x32xf32, #tpu.memory_space<vmem>> -> memref<128x32xf32, #tpu.memory_space<vmem>>
      %dma_start3A_192 = arith.constant 0 : i32
      %dma_start3A_193 = tpu.memref_slice %arg6[%add3A_187, %dma_start3A_192] : memref<40x128xi32, #tpu.memory_space<vmem>> -> memref<1x128xi32, #tpu.memory_space<vmem>>
      %dma_start3A_194 = tpu.memref_squeeze %dma_start3A_193 : memref<1x128xi32, #tpu.memory_space<vmem>> -> memref<128xi32, #tpu.memory_space<vmem>>
      %dma_start3A_195 = arith.constant 0 : i32
      %dma_start3A_196 = arith.constant 0 : i32
      %dma_start3A_197 = tpu.memref_slice %arg8[%dma_start3A_195, %dma_start3A_196] : memref<10240x32xf32, #tpu.memory_space<vmem_shared>> -> memref<10240x32xf32, #tpu.memory_space<vmem_shared>>
      tpu.enqueue_indirect_dma source(%dma_start3A_191 : memref<128x32xf32, #tpu.memory_space<vmem>>) target(%dma_start3A_197 : memref<10240x32xf32, #tpu.memory_space<vmem_shared>>) offsets(%dma_start3A_194 : memref<128xi32, #tpu.memory_space<vmem>>) semaphore(%arg10 : memref<!tpu.dma_semaphore, #tpu.memory_space<semaphore_mem>>) {add = true}
      %mul3A_198 = arith.constant 8 : i32
      %mul3A_199 = arith.muli %scan3A_115, %mul3A_198 : i32
      %add3A_200 = arith.constant 4 : i32
      %add3A_201 = arith.addi %mul3A_199, %add3A_200 : i32
      %dma_start3A_202 = arith.constant 512 : i32
      %dma_start3A_203 = arith.constant 0 : i32
      %dma_start3A_204 = tpu.memref_slice %arg7[%rem3A_117, %dma_start3A_202, %dma_start3A_203] : memref<2x1024x32xf32, #tpu.memory_space<vmem>> -> memref<1x128x32xf32, #tpu.memory_space<vmem>>
      %dma_start3A_205 = tpu.memref_squeeze %dma_start3A_204 : memref<1x128x32xf32, #tpu.memory_space<vmem>> -> memref<128x32xf32, #tpu.memory_space<vmem>>
      %dma_start3A_206 = arith.constant 0 : i32
      %dma_start3A_207 = tpu.memref_slice %arg6[%add3A_201, %dma_start3A_206] : memref<40x128xi32, #tpu.memory_space<vmem>> -> memref<1x128xi32, #tpu.memory_space<vmem>>
      %dma_start3A_208 = tpu.memref_squeeze %dma_start3A_207 : memref<1x128xi32, #tpu.memory_space<vmem>> -> memref<128xi32, #tpu.memory_space<vmem>>
      %dma_start3A_209 = arith.constant 0 : i32
      %dma_start3A_210 = arith.constant 0 : i32
      %dma_start3A_211 = tpu.memref_slice %arg8[%dma_start3A_209, %dma_start3A_210] : memref<10240x32xf32, #tpu.memory_space<vmem_shared>> -> memref<10240x32xf32, #tpu.memory_space<vmem_shared>>
      tpu.enqueue_indirect_dma source(%dma_start3A_205 : memref<128x32xf32, #tpu.memory_space<vmem>>) target(%dma_start3A_211 : memref<10240x32xf32, #tpu.memory_space<vmem_shared>>) offsets(%dma_start3A_208 : memref<128xi32, #tpu.memory_space<vmem>>) semaphore(%arg10 : memref<!tpu.dma_semaphore, #tpu.memory_space<semaphore_mem>>) {add = true}
      %mul3A_212 = arith.constant 8 : i32
      %mul3A_213 = arith.muli %scan3A_115, %mul3A_212 : i32
      %add3A_214 = arith.constant 5 : i32
      %add3A_215 = arith.addi %mul3A_213, %add3A_214 : i32
      %dma_start3A_216 = arith.constant 640 : i32
      %dma_start3A_217 = arith.constant 0 : i32
      %dma_start3A_218 = tpu.memref_slice %arg7[%rem3A_117, %dma_start3A_216, %dma_start3A_217] : memref<2x1024x32xf32, #tpu.memory_space<vmem>> -> memref<1x128x32xf32, #tpu.memory_space<vmem>>
      %dma_start3A_219 = tpu.memref_squeeze %dma_start3A_218 : memref<1x128x32xf32, #tpu.memory_space<vmem>> -> memref<128x32xf32, #tpu.memory_space<vmem>>
      %dma_start3A_220 = arith.constant 0 : i32
      %dma_start3A_221 = tpu.memref_slice %arg6[%add3A_215, %dma_start3A_220] : memref<40x128xi32, #tpu.memory_space<vmem>> -> memref<1x128xi32, #tpu.memory_space<vmem>>
      %dma_start3A_222 = tpu.memref_squeeze %dma_start3A_221 : memref<1x128xi32, #tpu.memory_space<vmem>> -> memref<128xi32, #tpu.memory_space<vmem>>
      %dma_start3A_223 = arith.constant 0 : i32
      %dma_start3A_224 = arith.constant 0 : i32
      %dma_start3A_225 = tpu.memref_slice %arg8[%dma_start3A_223, %dma_start3A_224] : memref<10240x32xf32, #tpu.memory_space<vmem_shared>> -> memref<10240x32xf32, #tpu.memory_space<vmem_shared>>
      tpu.enqueue_indirect_dma source(%dma_start3A_219 : memref<128x32xf32, #tpu.memory_space<vmem>>) target(%dma_start3A_225 : memref<10240x32xf32, #tpu.memory_space<vmem_shared>>) offsets(%dma_start3A_222 : memref<128xi32, #tpu.memory_space<vmem>>) semaphore(%arg10 : memref<!tpu.dma_semaphore, #tpu.memory_space<semaphore_mem>>) {add = true}
      %mul3A_226 = arith.constant 8 : i32
      %mul3A_227 = arith.muli %scan3A_115, %mul3A_226 : i32
      %add3A_228 = arith.constant 6 : i32
      %add3A_229 = arith.addi %mul3A_227, %add3A_228 : i32
      %dma_start3A_230 = arith.constant 768 : i32
      %dma_start3A_231 = arith.constant 0 : i32
      %dma_start3A_232 = tpu.memref_slice %arg7[%rem3A_117, %dma_start3A_230, %dma_start3A_231] : memref<2x1024x32xf32, #tpu.memory_space<vmem>> -> memref<1x128x32xf32, #tpu.memory_space<vmem>>
      %dma_start3A_233 = tpu.memref_squeeze %dma_start3A_232 : memref<1x128x32xf32, #tpu.memory_space<vmem>> -> memref<128x32xf32, #tpu.memory_space<vmem>>
      %dma_start3A_234 = arith.constant 0 : i32
      %dma_start3A_235 = tpu.memref_slice %arg6[%add3A_229, %dma_start3A_234] : memref<40x128xi32, #tpu.memory_space<vmem>> -> memref<1x128xi32, #tpu.memory_space<vmem>>
      %dma_start3A_236 = tpu.memref_squeeze %dma_start3A_235 : memref<1x128xi32, #tpu.memory_space<vmem>> -> memref<128xi32, #tpu.memory_space<vmem>>
      %dma_start3A_237 = arith.constant 0 : i32
      %dma_start3A_238 = arith.constant 0 : i32
      %dma_start3A_239 = tpu.memref_slice %arg8[%dma_start3A_237, %dma_start3A_238] : memref<10240x32xf32, #tpu.memory_space<vmem_shared>> -> memref<10240x32xf32, #tpu.memory_space<vmem_shared>>
      tpu.enqueue_indirect_dma source(%dma_start3A_233 : memref<128x32xf32, #tpu.memory_space<vmem>>) target(%dma_start3A_239 : memref<10240x32xf32, #tpu.memory_space<vmem_shared>>) offsets(%dma_start3A_236 : memref<128xi32, #tpu.memory_space<vmem>>) semaphore(%arg10 : memref<!tpu.dma_semaphore, #tpu.memory_space<semaphore_mem>>) {add = true}
      %mul3A_240 = arith.constant 8 : i32
      %mul3A_241 = arith.muli %scan3A_115, %mul3A_240 : i32
      %add3A_242 = arith.constant 7 : i32
      %add3A_243 = arith.addi %mul3A_241, %add3A_242 : i32
      %dma_start3A_244 = arith.constant 896 : i32
      %dma_start3A_245 = arith.constant 0 : i32
      %dma_start3A_246 = tpu.memref_slice %arg7[%rem3A_117, %dma_start3A_244, %dma_start3A_245] : memref<2x1024x32xf32, #tpu.memory_space<vmem>> -> memref<1x128x32xf32, #tpu.memory_space<vmem>>
      %dma_start3A_247 = tpu.memref_squeeze %dma_start3A_246 : memref<1x128x32xf32, #tpu.memory_space<vmem>> -> memref<128x32xf32, #tpu.memory_space<vmem>>
      %dma_start3A_248 = arith.constant 0 : i32
      %dma_start3A_249 = tpu.memref_slice %arg6[%add3A_243, %dma_start3A_248] : memref<40x128xi32, #tpu.memory_space<vmem>> -> memref<1x128xi32, #tpu.memory_space<vmem>>
      %dma_start3A_250 = tpu.memref_squeeze %dma_start3A_249 : memref<1x128xi32, #tpu.memory_space<vmem>> -> memref<128xi32, #tpu.memory_space<vmem>>
      %dma_start3A_251 = arith.constant 0 : i32
      %dma_start3A_252 = arith.constant 0 : i32
      %dma_start3A_253 = tpu.memref_slice %arg8[%dma_start3A_251, %dma_start3A_252] : memref<10240x32xf32, #tpu.memory_space<vmem_shared>> -> memref<10240x32xf32, #tpu.memory_space<vmem_shared>>
      tpu.enqueue_indirect_dma source(%dma_start3A_247 : memref<128x32xf32, #tpu.memory_space<vmem>>) target(%dma_start3A_253 : memref<10240x32xf32, #tpu.memory_space<vmem_shared>>) offsets(%dma_start3A_250 : memref<128xi32, #tpu.memory_space<vmem>>) semaphore(%arg10 : memref<!tpu.dma_semaphore, #tpu.memory_space<semaphore_mem>>) {add = true}
    }
    %scan3A_21 = arith.constant 5 : i32
    %rem3A = arith.constant 4 : i32
    %rem3A_22 = arith.constant 2 : i32
    %rem3A_23 = arith.remsi %rem3A, %rem3A_22 : i32
    %dma_wait3A = arith.constant 0 : i32
    %dma_wait3A_24 = arith.constant 0 : i32
    %dma_wait3A_25 = arith.constant 0 : i32
    %dma_wait3A_26 = tpu.memref_slice %arg7[%rem3A_23, %dma_wait3A_24, %dma_wait3A_25] : memref<2x1024x32xf32, #tpu.memory_space<vmem>> -> memref<1x128x32xf32, #tpu.memory_space<vmem>>
    %dma_wait3A_27 = tpu.memref_squeeze %dma_wait3A_26 : memref<1x128x32xf32, #tpu.memory_space<vmem>> -> memref<128x32xf32, #tpu.memory_space<vmem>>
    %dma_wait3A_28 = arith.constant 0 : i32
    %dma_wait3A_29 = tpu.memref_slice %arg6[%dma_wait3A, %dma_wait3A_28] : memref<40x128xi32, #tpu.memory_space<vmem>> -> memref<1x128xi32, #tpu.memory_space<vmem>>
    %dma_wait3A_30 = tpu.memref_squeeze %dma_wait3A_29 : memref<1x128xi32, #tpu.memory_space<vmem>> -> memref<128xi32, #tpu.memory_space<vmem>>
    %dma_wait3A_31 = arith.constant 0 : i32
    %dma_wait3A_32 = arith.constant 0 : i32
    %dma_wait3A_33 = tpu.memref_slice %arg8[%dma_wait3A_31, %dma_wait3A_32] : memref<10240x32xf32, #tpu.memory_space<vmem_shared>> -> memref<10240x32xf32, #tpu.memory_space<vmem_shared>>
    tpu.wait_indirect_dma semaphore(%arg10 : memref<!tpu.dma_semaphore, #tpu.memory_space<semaphore_mem>>) src(%dma_wait3A_27 : memref<128x32xf32, #tpu.memory_space<vmem>>) dst(%dma_wait3A_33 : memref<10240x32xf32, #tpu.memory_space<vmem_shared>>)
    %dma_wait3A_34 = arith.constant 1 : i32
    %dma_wait3A_35 = arith.constant 128 : i32
    %dma_wait3A_36 = arith.constant 0 : i32
    %dma_wait3A_37 = tpu.memref_slice %arg7[%rem3A_23, %dma_wait3A_35, %dma_wait3A_36] : memref<2x1024x32xf32, #tpu.memory_space<vmem>> -> memref<1x128x32xf32, #tpu.memory_space<vmem>>
    %dma_wait3A_38 = tpu.memref_squeeze %dma_wait3A_37 : memref<1x128x32xf32, #tpu.memory_space<vmem>> -> memref<128x32xf32, #tpu.memory_space<vmem>>
    %dma_wait3A_39 = arith.constant 0 : i32
    %dma_wait3A_40 = tpu.memref_slice %arg6[%dma_wait3A_34, %dma_wait3A_39] : memref<40x128xi32, #tpu.memory_space<vmem>> -> memref<1x128xi32, #tpu.memory_space<vmem>>
    %dma_wait3A_41 = tpu.memref_squeeze %dma_wait3A_40 : memref<1x128xi32, #tpu.memory_space<vmem>> -> memref<128xi32, #tpu.memory_space<vmem>>
    %dma_wait3A_42 = arith.constant 0 : i32
    %dma_wait3A_43 = arith.constant 0 : i32
    %dma_wait3A_44 = tpu.memref_slice %arg8[%dma_wait3A_42, %dma_wait3A_43] : memref<10240x32xf32, #tpu.memory_space<vmem_shared>> -> memref<10240x32xf32, #tpu.memory_space<vmem_shared>>
    tpu.wait_indirect_dma semaphore(%arg10 : memref<!tpu.dma_semaphore, #tpu.memory_space<semaphore_mem>>) src(%dma_wait3A_38 : memref<128x32xf32, #tpu.memory_space<vmem>>) dst(%dma_wait3A_44 : memref<10240x32xf32, #tpu.memory_space<vmem_shared>>)
    %dma_wait3A_45 = arith.constant 2 : i32
    %dma_wait3A_46 = arith.constant 256 : i32
    %dma_wait3A_47 = arith.constant 0 : i32
    %dma_wait3A_48 = tpu.memref_slice %arg7[%rem3A_23, %dma_wait3A_46, %dma_wait3A_47] : memref<2x1024x32xf32, #tpu.memory_space<vmem>> -> memref<1x128x32xf32, #tpu.memory_space<vmem>>
    %dma_wait3A_49 = tpu.memref_squeeze %dma_wait3A_48 : memref<1x128x32xf32, #tpu.memory_space<vmem>> -> memref<128x32xf32, #tpu.memory_space<vmem>>
    %dma_wait3A_50 = arith.constant 0 : i32
    %dma_wait3A_51 = tpu.memref_slice %arg6[%dma_wait3A_45, %dma_wait3A_50] : memref<40x128xi32, #tpu.memory_space<vmem>> -> memref<1x128xi32, #tpu.memory_space<vmem>>
    %dma_wait3A_52 = tpu.memref_squeeze %dma_wait3A_51 : memref<1x128xi32, #tpu.memory_space<vmem>> -> memref<128xi32, #tpu.memory_space<vmem>>
    %dma_wait3A_53 = arith.constant 0 : i32
    %dma_wait3A_54 = arith.constant 0 : i32
    %dma_wait3A_55 = tpu.memref_slice %arg8[%dma_wait3A_53, %dma_wait3A_54] : memref<10240x32xf32, #tpu.memory_space<vmem_shared>> -> memref<10240x32xf32, #tpu.memory_space<vmem_shared>>
    tpu.wait_indirect_dma semaphore(%arg10 : memref<!tpu.dma_semaphore, #tpu.memory_space<semaphore_mem>>) src(%dma_wait3A_49 : memref<128x32xf32, #tpu.memory_space<vmem>>) dst(%dma_wait3A_55 : memref<10240x32xf32, #tpu.memory_space<vmem_shared>>)
    %dma_wait3A_56 = arith.constant 3 : i32
    %dma_wait3A_57 = arith.constant 384 : i32
    %dma_wait3A_58 = arith.constant 0 : i32
    %dma_wait3A_59 = tpu.memref_slice %arg7[%rem3A_23, %dma_wait3A_57, %dma_wait3A_58] : memref<2x1024x32xf32, #tpu.memory_space<vmem>> -> memref<1x128x32xf32, #tpu.memory_space<vmem>>
    %dma_wait3A_60 = tpu.memref_squeeze %dma_wait3A_59 : memref<1x128x32xf32, #tpu.memory_space<vmem>> -> memref<128x32xf32, #tpu.memory_space<vmem>>
    %dma_wait3A_61 = arith.constant 0 : i32
    %dma_wait3A_62 = tpu.memref_slice %arg6[%dma_wait3A_56, %dma_wait3A_61] : memref<40x128xi32, #tpu.memory_space<vmem>> -> memref<1x128xi32, #tpu.memory_space<vmem>>
    %dma_wait3A_63 = tpu.memref_squeeze %dma_wait3A_62 : memref<1x128xi32, #tpu.memory_space<vmem>> -> memref<128xi32, #tpu.memory_space<vmem>>
    %dma_wait3A_64 = arith.constant 0 : i32
    %dma_wait3A_65 = arith.constant 0 : i32
    %dma_wait3A_66 = tpu.memref_slice %arg8[%dma_wait3A_64, %dma_wait3A_65] : memref<10240x32xf32, #tpu.memory_space<vmem_shared>> -> memref<10240x32xf32, #tpu.memory_space<vmem_shared>>
    tpu.wait_indirect_dma semaphore(%arg10 : memref<!tpu.dma_semaphore, #tpu.memory_space<semaphore_mem>>) src(%dma_wait3A_60 : memref<128x32xf32, #tpu.memory_space<vmem>>) dst(%dma_wait3A_66 : memref<10240x32xf32, #tpu.memory_space<vmem_shared>>)
    %dma_wait3A_67 = arith.constant 4 : i32
    %dma_wait3A_68 = arith.constant 512 : i32
    %dma_wait3A_69 = arith.constant 0 : i32
    %dma_wait3A_70 = tpu.memref_slice %arg7[%rem3A_23, %dma_wait3A_68, %dma_wait3A_69] : memref<2x1024x32xf32, #tpu.memory_space<vmem>> -> memref<1x128x32xf32, #tpu.memory_space<vmem>>
    %dma_wait3A_71 = tpu.memref_squeeze %dma_wait3A_70 : memref<1x128x32xf32, #tpu.memory_space<vmem>> -> memref<128x32xf32, #tpu.memory_space<vmem>>
    %dma_wait3A_72 = arith.constant 0 : i32
    %dma_wait3A_73 = tpu.memref_slice %arg6[%dma_wait3A_67, %dma_wait3A_72] : memref<40x128xi32, #tpu.memory_space<vmem>> -> memref<1x128xi32, #tpu.memory_space<vmem>>
    %dma_wait3A_74 = tpu.memref_squeeze %dma_wait3A_73 : memref<1x128xi32, #tpu.memory_space<vmem>> -> memref<128xi32, #tpu.memory_space<vmem>>
    %dma_wait3A_75 = arith.constant 0 : i32
    %dma_wait3A_76 = arith.constant 0 : i32
    %dma_wait3A_77 = tpu.memref_slice %arg8[%dma_wait3A_75, %dma_wait3A_76] : memref<10240x32xf32, #tpu.memory_space<vmem_shared>> -> memref<10240x32xf32, #tpu.memory_space<vmem_shared>>
    tpu.wait_indirect_dma semaphore(%arg10 : memref<!tpu.dma_semaphore, #tpu.memory_space<semaphore_mem>>) src(%dma_wait3A_71 : memref<128x32xf32, #tpu.memory_space<vmem>>) dst(%dma_wait3A_77 : memref<10240x32xf32, #tpu.memory_space<vmem_shared>>)
    %dma_wait3A_78 = arith.constant 5 : i32
    %dma_wait3A_79 = arith.constant 640 : i32
    %dma_wait3A_80 = arith.constant 0 : i32
    %dma_wait3A_81 = tpu.memref_slice %arg7[%rem3A_23, %dma_wait3A_79, %dma_wait3A_80] : memref<2x1024x32xf32, #tpu.memory_space<vmem>> -> memref<1x128x32xf32, #tpu.memory_space<vmem>>
    %dma_wait3A_82 = tpu.memref_squeeze %dma_wait3A_81 : memref<1x128x32xf32, #tpu.memory_space<vmem>> -> memref<128x32xf32, #tpu.memory_space<vmem>>
    %dma_wait3A_83 = arith.constant 0 : i32
    %dma_wait3A_84 = tpu.memref_slice %arg6[%dma_wait3A_78, %dma_wait3A_83] : memref<40x128xi32, #tpu.memory_space<vmem>> -> memref<1x128xi32, #tpu.memory_space<vmem>>
    %dma_wait3A_85 = tpu.memref_squeeze %dma_wait3A_84 : memref<1x128xi32, #tpu.memory_space<vmem>> -> memref<128xi32, #tpu.memory_space<vmem>>
    %dma_wait3A_86 = arith.constant 0 : i32
    %dma_wait3A_87 = arith.constant 0 : i32
    %dma_wait3A_88 = tpu.memref_slice %arg8[%dma_wait3A_86, %dma_wait3A_87] : memref<10240x32xf32, #tpu.memory_space<vmem_shared>> -> memref<10240x32xf32, #tpu.memory_space<vmem_shared>>
    tpu.wait_indirect_dma semaphore(%arg10 : memref<!tpu.dma_semaphore, #tpu.memory_space<semaphore_mem>>) src(%dma_wait3A_82 : memref<128x32xf32, #tpu.memory_space<vmem>>) dst(%dma_wait3A_88 : memref<10240x32xf32, #tpu.memory_space<vmem_shared>>)
    %dma_wait3A_89 = arith.constant 6 : i32
    %dma_wait3A_90 = arith.constant 768 : i32
    %dma_wait3A_91 = arith.constant 0 : i32
    %dma_wait3A_92 = tpu.memref_slice %arg7[%rem3A_23, %dma_wait3A_90, %dma_wait3A_91] : memref<2x1024x32xf32, #tpu.memory_space<vmem>> -> memref<1x128x32xf32, #tpu.memory_space<vmem>>
    %dma_wait3A_93 = tpu.memref_squeeze %dma_wait3A_92 : memref<1x128x32xf32, #tpu.memory_space<vmem>> -> memref<128x32xf32, #tpu.memory_space<vmem>>
    %dma_wait3A_94 = arith.constant 0 : i32
    %dma_wait3A_95 = tpu.memref_slice %arg6[%dma_wait3A_89, %dma_wait3A_94] : memref<40x128xi32, #tpu.memory_space<vmem>> -> memref<1x128xi32, #tpu.memory_space<vmem>>
    %dma_wait3A_96 = tpu.memref_squeeze %dma_wait3A_95 : memref<1x128xi32, #tpu.memory_space<vmem>> -> memref<128xi32, #tpu.memory_space<vmem>>
    %dma_wait3A_97 = arith.constant 0 : i32
    %dma_wait3A_98 = arith.constant 0 : i32
    %dma_wait3A_99 = tpu.memref_slice %arg8[%dma_wait3A_97, %dma_wait3A_98] : memref<10240x32xf32, #tpu.memory_space<vmem_shared>> -> memref<10240x32xf32, #tpu.memory_space<vmem_shared>>
    tpu.wait_indirect_dma semaphore(%arg10 : memref<!tpu.dma_semaphore, #tpu.memory_space<semaphore_mem>>) src(%dma_wait3A_93 : memref<128x32xf32, #tpu.memory_space<vmem>>) dst(%dma_wait3A_99 : memref<10240x32xf32, #tpu.memory_space<vmem_shared>>)
    %dma_wait3A_100 = arith.constant 7 : i32
    %dma_wait3A_101 = arith.constant 896 : i32
    %dma_wait3A_102 = arith.constant 0 : i32
    %dma_wait3A_103 = tpu.memref_slice %arg7[%rem3A_23, %dma_wait3A_101, %dma_wait3A_102] : memref<2x1024x32xf32, #tpu.memory_space<vmem>> -> memref<1x128x32xf32, #tpu.memory_space<vmem>>
    %dma_wait3A_104 = tpu.memref_squeeze %dma_wait3A_103 : memref<1x128x32xf32, #tpu.memory_space<vmem>> -> memref<128x32xf32, #tpu.memory_space<vmem>>
    %dma_wait3A_105 = arith.constant 0 : i32
    %dma_wait3A_106 = tpu.memref_slice %arg6[%dma_wait3A_100, %dma_wait3A_105] : memref<40x128xi32, #tpu.memory_space<vmem>> -> memref<1x128xi32, #tpu.memory_space<vmem>>
    %dma_wait3A_107 = tpu.memref_squeeze %dma_wait3A_106 : memref<1x128xi32, #tpu.memory_space<vmem>> -> memref<128xi32, #tpu.memory_space<vmem>>
    %dma_wait3A_108 = arith.constant 0 : i32
    %dma_wait3A_109 = arith.constant 0 : i32
    %dma_wait3A_110 = tpu.memref_slice %arg8[%dma_wait3A_108, %dma_wait3A_109] : memref<10240x32xf32, #tpu.memory_space<vmem_shared>> -> memref<10240x32xf32, #tpu.memory_space<vmem_shared>>
    tpu.wait_indirect_dma semaphore(%arg10 : memref<!tpu.dma_semaphore, #tpu.memory_space<semaphore_mem>>) src(%dma_wait3A_104 : memref<128x32xf32, #tpu.memory_space<vmem>>) dst(%dma_wait3A_110 : memref<10240x32xf32, #tpu.memory_space<vmem_shared>>)
    %barrier3A_111 = arith.constant 0 : index
    tpu.barrier barrier_id(%barrier3A_111)
    %mul3A_112 = arith.constant 10240 : i32
    %mul3A_113 = arith.muli %arg0, %mul3A_112 : i32
    %add3A_114 = arith.addi %mul3A_113, %mul3A_4 : i32
    "tpu.region"() ({
      %run_scoped3A = tpu.sem_alloc : memref<!tpu.dma_semaphore, #tpu.memory_space<semaphore_mem>>
      %dma_start3A_115 = arith.constant 0 : i32
      %dma_start3A_116 = tpu.memref_slice %arg5[%add3A_114, %dma_start3A_115] : memref<20480x32xf32, #tpu.memory_space<hbm>> -> memref<640x32xf32, #tpu.memory_space<hbm>>
      %dma_start3A_117 = arith.constant 0 : i32
      %dma_start3A_118 = tpu.memref_slice %arg8[%mul3A_4, %dma_start3A_117] : memref<10240x32xf32, #tpu.memory_space<vmem_shared>> -> memref<640x32xf32, #tpu.memory_space<vmem_shared>>
      tpu.enqueue_dma source(%dma_start3A_118 : memref<640x32xf32, #tpu.memory_space<vmem_shared>>) target(%dma_start3A_116 : memref<640x32xf32, #tpu.memory_space<hbm>>) target_semaphore(%run_scoped3A : memref<!tpu.dma_semaphore, #tpu.memory_space<semaphore_mem>>)
      %dma_wait3A_119 = arith.constant 0 : i32
      %dma_wait3A_120 = tpu.memref_slice %arg5[%add3A_114, %dma_wait3A_119] : memref<20480x32xf32, #tpu.memory_space<hbm>> -> memref<640x32xf32, #tpu.memory_space<hbm>>
      %dma_wait3A_121 = arith.constant 0 : i32
      %dma_wait3A_122 = tpu.memref_slice %arg8[%mul3A_4, %dma_wait3A_121] : memref<10240x32xf32, #tpu.memory_space<vmem_shared>> -> memref<640x32xf32, #tpu.memory_space<vmem_shared>>
      tpu.wait_dma2 semaphore(%run_scoped3A : memref<!tpu.dma_semaphore, #tpu.memory_space<semaphore_mem>>) src(%dma_wait3A_122 : memref<640x32xf32, #tpu.memory_space<vmem_shared>>) dst(%dma_wait3A_120 : memref<640x32xf32, #tpu.memory_space<hbm>>)
      tpu.yield
    }) : () -> ()
    return
  }
}

#map = affine_map<(d0, d1) -> (0, 0)>
#map1 = affine_map<(d0, d1) -> (0, 0, 0)>
module attributes {stable_mosaic.version = 14 : i64} {
  func.func @body(%arg0: i32, %arg1: i32, %arg2: memref<10000x32xf32, #tpu.memory_space<hbm>>, %arg3: memref<32x40x128xi32, #tpu.memory_space<hbm>>, %arg4: memref<163840x32xf32, #tpu.memory_space<hbm>>, %arg5: memref<40x128xi32, #tpu.memory_space<vmem>>, %arg6: memref<2x1024x32xf32, #tpu.memory_space<vmem>>, %arg7: memref<10000x32xf32, #tpu.memory_space<vmem_shared>>, %arg8: memref<!tpu.dma_semaphore, #tpu.memory_space<semaphore_mem>>, %arg9: memref<!tpu.dma_semaphore, #tpu.memory_space<semaphore_mem>>) attributes {dimension_semantics = [#tpu.dimension_semantics<core_parallel>, #tpu.dimension_semantics<subcore_parallel>], iteration_bounds = array<i64: 2, 16>, scalar_prefetch = 0 : i64, scratch_operands = 5 : i64, tpu.core_type = #tpu.core_type<sc_vector_subcore>, window_params = [{transform_indices = #map}, {transform_indices = #map1}, {transform_indices = #map}]} {
    %mul3A = arith.constant 2 : i32
    %mul3A_0 = arith.muli %arg1, %mul3A : i32
    %add3A = arith.addi %mul3A_0, %arg0 : i32
    %mul3A_1 = arith.constant 5120 : i32
    %mul3A_2 = arith.muli %add3A, %mul3A_1 : i32
    "tpu.region"() ({
      %run_scoped3A = tpu.sem_alloc : memref<!tpu.dma_semaphore, #tpu.memory_space<semaphore_mem>>
      %dma_start3A_122 = arith.constant 0 : i32
      %dma_start3A_123 = arith.constant 0 : i32
      %dma_start3A_124 = tpu.memref_slice %arg3[%add3A, %dma_start3A_122, %dma_start3A_123] : memref<32x40x128xi32, #tpu.memory_space<hbm>> -> memref<1x40x128xi32, #tpu.memory_space<hbm>>
      %dma_start3A_125 = tpu.memref_squeeze %dma_start3A_124 : memref<1x40x128xi32, #tpu.memory_space<hbm>> -> memref<40x128xi32, #tpu.memory_space<hbm>>
      %dma_start3A_126 = arith.constant 0 : i32
      %dma_start3A_127 = arith.constant 0 : i32
      %dma_start3A_128 = tpu.memref_slice %arg3[%add3A, %dma_start3A_126, %dma_start3A_127] : memref<32x40x128xi32, #tpu.memory_space<hbm>> -> memref<1x40x128xi32, #tpu.memory_space<hbm>>
      %dma_start3A_129 = tpu.memref_squeeze %dma_start3A_128 : memref<1x40x128xi32, #tpu.memory_space<hbm>> -> memref<40x128xi32, #tpu.memory_space<hbm>>
      tpu.enqueue_dma source(%dma_start3A_129 : memref<40x128xi32, #tpu.memory_space<hbm>>) target(%arg5 : memref<40x128xi32, #tpu.memory_space<vmem>>) target_semaphore(%run_scoped3A : memref<!tpu.dma_semaphore, #tpu.memory_space<semaphore_mem>>)
      %dma_wait3A_130 = arith.constant 0 : i32
      %dma_wait3A_131 = arith.constant 0 : i32
      %dma_wait3A_132 = tpu.memref_slice %arg3[%add3A, %dma_wait3A_130, %dma_wait3A_131] : memref<32x40x128xi32, #tpu.memory_space<hbm>> -> memref<1x40x128xi32, #tpu.memory_space<hbm>>
      %dma_wait3A_133 = tpu.memref_squeeze %dma_wait3A_132 : memref<1x40x128xi32, #tpu.memory_space<hbm>> -> memref<40x128xi32, #tpu.memory_space<hbm>>
      %dma_wait3A_134 = arith.constant 0 : i32
      %dma_wait3A_135 = arith.constant 0 : i32
      %dma_wait3A_136 = tpu.memref_slice %arg3[%add3A, %dma_wait3A_134, %dma_wait3A_135] : memref<32x40x128xi32, #tpu.memory_space<hbm>> -> memref<1x40x128xi32, #tpu.memory_space<hbm>>
      %dma_wait3A_137 = tpu.memref_squeeze %dma_wait3A_136 : memref<1x40x128xi32, #tpu.memory_space<hbm>> -> memref<40x128xi32, #tpu.memory_space<hbm>>
      tpu.wait_dma2 semaphore(%run_scoped3A : memref<!tpu.dma_semaphore, #tpu.memory_space<semaphore_mem>>) src(%dma_wait3A_137 : memref<40x128xi32, #tpu.memory_space<hbm>>) dst(%arg5 : memref<40x128xi32, #tpu.memory_space<vmem>>)
      tpu.yield
    }) : () -> ()
    %lt3A = arith.constant 15 : i32
    %lt3A_3 = arith.cmpi slt, %arg1, %lt3A : i32
    %convert_element_type3A = arith.extui %lt3A_3 : i1 to i32
    %cond3A = arith.constant 0 : i32
    %cond3A_4 = arith.cmpi ne, %convert_element_type3A, %cond3A : i32
    scf.if %cond3A_4 {
      %mul3A_122 = arith.constant 632 : i32
      %mul3A_123 = arith.muli %arg1, %mul3A_122 : i32
      %mul3A_124 = arith.constant 632 : i32
      %mul3A_125 = arith.muli %arg1, %mul3A_124 : i32
      "tpu.region"() ({
        %run_scoped3A = tpu.sem_alloc : memref<!tpu.dma_semaphore, #tpu.memory_space<semaphore_mem>>
        %dma_start3A_126 = arith.constant 0 : i32
        %dma_start3A_127 = tpu.memref_slice %arg7[%mul3A_125, %dma_start3A_126] : memref<10000x32xf32, #tpu.memory_space<vmem_shared>> -> memref<632x32xf32, #tpu.memory_space<vmem_shared>>
        %dma_start3A_128 = arith.constant 0 : i32
        %dma_start3A_129 = tpu.memref_slice %arg2[%mul3A_123, %dma_start3A_128] : memref<10000x32xf32, #tpu.memory_space<hbm>> -> memref<632x32xf32, #tpu.memory_space<hbm>>
        tpu.enqueue_dma source(%dma_start3A_129 : memref<632x32xf32, #tpu.memory_space<hbm>>) target(%dma_start3A_127 : memref<632x32xf32, #tpu.memory_space<vmem_shared>>) target_semaphore(%run_scoped3A : memref<!tpu.dma_semaphore, #tpu.memory_space<semaphore_mem>>)
        %dma_wait3A_130 = arith.constant 0 : i32
        %dma_wait3A_131 = tpu.memref_slice %arg7[%mul3A_125, %dma_wait3A_130] : memref<10000x32xf32, #tpu.memory_space<vmem_shared>> -> memref<632x32xf32, #tpu.memory_space<vmem_shared>>
        %dma_wait3A_132 = arith.constant 0 : i32
        %dma_wait3A_133 = tpu.memref_slice %arg2[%mul3A_123, %dma_wait3A_132] : memref<10000x32xf32, #tpu.memory_space<hbm>> -> memref<632x32xf32, #tpu.memory_space<hbm>>
        tpu.wait_dma2 semaphore(%run_scoped3A : memref<!tpu.dma_semaphore, #tpu.memory_space<semaphore_mem>>) src(%dma_wait3A_133 : memref<632x32xf32, #tpu.memory_space<hbm>>) dst(%dma_wait3A_131 : memref<632x32xf32, #tpu.memory_space<vmem_shared>>)
        tpu.yield
      }) : () -> ()
    } else {
    }
    %eq3A = arith.constant 15 : i32
    %eq3A_5 = arith.cmpi eq, %arg1, %eq3A : i32
    %convert_element_type3A_6 = arith.extui %eq3A_5 : i1 to i32
    %cond3A_7 = arith.constant 0 : i32
    %cond3A_8 = arith.cmpi ne, %convert_element_type3A_6, %cond3A_7 : i32
    scf.if %cond3A_8 {
      "tpu.region"() ({
        %run_scoped3A = tpu.sem_alloc : memref<!tpu.dma_semaphore, #tpu.memory_space<semaphore_mem>>
        %dma_start3A_122 = arith.constant 9480 : i32
        %dma_start3A_123 = arith.constant 0 : i32
        %dma_start3A_124 = tpu.memref_slice %arg7[%dma_start3A_122, %dma_start3A_123] : memref<10000x32xf32, #tpu.memory_space<vmem_shared>> -> memref<520x32xf32, #tpu.memory_space<vmem_shared>>
        %dma_start3A_125 = arith.constant 9480 : i32
        %dma_start3A_126 = arith.constant 0 : i32
        %dma_start3A_127 = tpu.memref_slice %arg2[%dma_start3A_125, %dma_start3A_126] : memref<10000x32xf32, #tpu.memory_space<hbm>> -> memref<520x32xf32, #tpu.memory_space<hbm>>
        tpu.enqueue_dma source(%dma_start3A_127 : memref<520x32xf32, #tpu.memory_space<hbm>>) target(%dma_start3A_124 : memref<520x32xf32, #tpu.memory_space<vmem_shared>>) target_semaphore(%run_scoped3A : memref<!tpu.dma_semaphore, #tpu.memory_space<semaphore_mem>>)
        %dma_wait3A_128 = arith.constant 9480 : i32
        %dma_wait3A_129 = arith.constant 0 : i32
        %dma_wait3A_130 = tpu.memref_slice %arg7[%dma_wait3A_128, %dma_wait3A_129] : memref<10000x32xf32, #tpu.memory_space<vmem_shared>> -> memref<520x32xf32, #tpu.memory_space<vmem_shared>>
        %dma_wait3A_131 = arith.constant 9480 : i32
        %dma_wait3A_132 = arith.constant 0 : i32
        %dma_wait3A_133 = tpu.memref_slice %arg2[%dma_wait3A_131, %dma_wait3A_132] : memref<10000x32xf32, #tpu.memory_space<hbm>> -> memref<520x32xf32, #tpu.memory_space<hbm>>
        tpu.wait_dma2 semaphore(%run_scoped3A : memref<!tpu.dma_semaphore, #tpu.memory_space<semaphore_mem>>) src(%dma_wait3A_133 : memref<520x32xf32, #tpu.memory_space<hbm>>) dst(%dma_wait3A_130 : memref<520x32xf32, #tpu.memory_space<vmem_shared>>)
        tpu.yield
      }) : () -> ()
    } else {
    }
    %barrier3A = arith.constant 0 : index
    tpu.barrier barrier_id(%barrier3A)
    %dma_start3A = arith.constant 0 : i32
    %dma_start3A_9 = arith.constant 0 : i32
    %dma_start3A_10 = arith.constant 0 : i32
    %dma_start3A_11 = arith.constant 0 : i32
    %dma_start3A_12 = tpu.memref_slice %arg6[%dma_start3A_9, %dma_start3A_10, %dma_start3A_11] : memref<2x1024x32xf32, #tpu.memory_space<vmem>> -> memref<1x128x32xf32, #tpu.memory_space<vmem>>
    %dma_start3A_13 = tpu.memref_squeeze %dma_start3A_12 : memref<1x128x32xf32, #tpu.memory_space<vmem>> -> memref<128x32xf32, #tpu.memory_space<vmem>>
    %dma_start3A_14 = arith.constant 0 : i32
    %dma_start3A_15 = tpu.memref_slice %arg5[%dma_start3A, %dma_start3A_14] : memref<40x128xi32, #tpu.memory_space<vmem>> -> memref<1x128xi32, #tpu.memory_space<vmem>>
    %dma_start3A_16 = tpu.memref_squeeze %dma_start3A_15 : memref<1x128xi32, #tpu.memory_space<vmem>> -> memref<128xi32, #tpu.memory_space<vmem>>
    %dma_start3A_17 = arith.constant 0 : i32
    %dma_start3A_18 = arith.constant 0 : i32
    %dma_start3A_19 = tpu.memref_slice %arg7[%dma_start3A_17, %dma_start3A_18] : memref<10000x32xf32, #tpu.memory_space<vmem_shared>> -> memref<10000x32xf32, #tpu.memory_space<vmem_shared>>
    tpu.enqueue_indirect_dma source(%dma_start3A_19 : memref<10000x32xf32, #tpu.memory_space<vmem_shared>>) target(%dma_start3A_13 : memref<128x32xf32, #tpu.memory_space<vmem>>) offsets(%dma_start3A_16 : memref<128xi32, #tpu.memory_space<vmem>>) semaphore(%arg8 : memref<!tpu.dma_semaphore, #tpu.memory_space<semaphore_mem>>)
    %dma_start3A_20 = arith.constant 1 : i32
    %dma_start3A_21 = arith.constant 0 : i32
    %dma_start3A_22 = arith.constant 128 : i32
    %dma_start3A_23 = arith.constant 0 : i32
    %dma_start3A_24 = tpu.memref_slice %arg6[%dma_start3A_21, %dma_start3A_22, %dma_start3A_23] : memref<2x1024x32xf32, #tpu.memory_space<vmem>> -> memref<1x128x32xf32, #tpu.memory_space<vmem>>
    %dma_start3A_25 = tpu.memref_squeeze %dma_start3A_24 : memref<1x128x32xf32, #tpu.memory_space<vmem>> -> memref<128x32xf32, #tpu.memory_space<vmem>>
    %dma_start3A_26 = arith.constant 0 : i32
    %dma_start3A_27 = tpu.memref_slice %arg5[%dma_start3A_20, %dma_start3A_26] : memref<40x128xi32, #tpu.memory_space<vmem>> -> memref<1x128xi32, #tpu.memory_space<vmem>>
    %dma_start3A_28 = tpu.memref_squeeze %dma_start3A_27 : memref<1x128xi32, #tpu.memory_space<vmem>> -> memref<128xi32, #tpu.memory_space<vmem>>
    %dma_start3A_29 = arith.constant 0 : i32
    %dma_start3A_30 = arith.constant 0 : i32
    %dma_start3A_31 = tpu.memref_slice %arg7[%dma_start3A_29, %dma_start3A_30] : memref<10000x32xf32, #tpu.memory_space<vmem_shared>> -> memref<10000x32xf32, #tpu.memory_space<vmem_shared>>
    tpu.enqueue_indirect_dma source(%dma_start3A_31 : memref<10000x32xf32, #tpu.memory_space<vmem_shared>>) target(%dma_start3A_25 : memref<128x32xf32, #tpu.memory_space<vmem>>) offsets(%dma_start3A_28 : memref<128xi32, #tpu.memory_space<vmem>>) semaphore(%arg8 : memref<!tpu.dma_semaphore, #tpu.memory_space<semaphore_mem>>)
    %dma_start3A_32 = arith.constant 2 : i32
    %dma_start3A_33 = arith.constant 0 : i32
    %dma_start3A_34 = arith.constant 256 : i32
    %dma_start3A_35 = arith.constant 0 : i32
    %dma_start3A_36 = tpu.memref_slice %arg6[%dma_start3A_33, %dma_start3A_34, %dma_start3A_35] : memref<2x1024x32xf32, #tpu.memory_space<vmem>> -> memref<1x128x32xf32, #tpu.memory_space<vmem>>
    %dma_start3A_37 = tpu.memref_squeeze %dma_start3A_36 : memref<1x128x32xf32, #tpu.memory_space<vmem>> -> memref<128x32xf32, #tpu.memory_space<vmem>>
    %dma_start3A_38 = arith.constant 0 : i32
    %dma_start3A_39 = tpu.memref_slice %arg5[%dma_start3A_32, %dma_start3A_38] : memref<40x128xi32, #tpu.memory_space<vmem>> -> memref<1x128xi32, #tpu.memory_space<vmem>>
    %dma_start3A_40 = tpu.memref_squeeze %dma_start3A_39 : memref<1x128xi32, #tpu.memory_space<vmem>> -> memref<128xi32, #tpu.memory_space<vmem>>
    %dma_start3A_41 = arith.constant 0 : i32
    %dma_start3A_42 = arith.constant 0 : i32
    %dma_start3A_43 = tpu.memref_slice %arg7[%dma_start3A_41, %dma_start3A_42] : memref<10000x32xf32, #tpu.memory_space<vmem_shared>> -> memref<10000x32xf32, #tpu.memory_space<vmem_shared>>
    tpu.enqueue_indirect_dma source(%dma_start3A_43 : memref<10000x32xf32, #tpu.memory_space<vmem_shared>>) target(%dma_start3A_37 : memref<128x32xf32, #tpu.memory_space<vmem>>) offsets(%dma_start3A_40 : memref<128xi32, #tpu.memory_space<vmem>>) semaphore(%arg8 : memref<!tpu.dma_semaphore, #tpu.memory_space<semaphore_mem>>)
    %dma_start3A_44 = arith.constant 3 : i32
    %dma_start3A_45 = arith.constant 0 : i32
    %dma_start3A_46 = arith.constant 384 : i32
    %dma_start3A_47 = arith.constant 0 : i32
    %dma_start3A_48 = tpu.memref_slice %arg6[%dma_start3A_45, %dma_start3A_46, %dma_start3A_47] : memref<2x1024x32xf32, #tpu.memory_space<vmem>> -> memref<1x128x32xf32, #tpu.memory_space<vmem>>
    %dma_start3A_49 = tpu.memref_squeeze %dma_start3A_48 : memref<1x128x32xf32, #tpu.memory_space<vmem>> -> memref<128x32xf32, #tpu.memory_space<vmem>>
    %dma_start3A_50 = arith.constant 0 : i32
    %dma_start3A_51 = tpu.memref_slice %arg5[%dma_start3A_44, %dma_start3A_50] : memref<40x128xi32, #tpu.memory_space<vmem>> -> memref<1x128xi32, #tpu.memory_space<vmem>>
    %dma_start3A_52 = tpu.memref_squeeze %dma_start3A_51 : memref<1x128xi32, #tpu.memory_space<vmem>> -> memref<128xi32, #tpu.memory_space<vmem>>
    %dma_start3A_53 = arith.constant 0 : i32
    %dma_start3A_54 = arith.constant 0 : i32
    %dma_start3A_55 = tpu.memref_slice %arg7[%dma_start3A_53, %dma_start3A_54] : memref<10000x32xf32, #tpu.memory_space<vmem_shared>> -> memref<10000x32xf32, #tpu.memory_space<vmem_shared>>
    tpu.enqueue_indirect_dma source(%dma_start3A_55 : memref<10000x32xf32, #tpu.memory_space<vmem_shared>>) target(%dma_start3A_49 : memref<128x32xf32, #tpu.memory_space<vmem>>) offsets(%dma_start3A_52 : memref<128xi32, #tpu.memory_space<vmem>>) semaphore(%arg8 : memref<!tpu.dma_semaphore, #tpu.memory_space<semaphore_mem>>)
    %dma_start3A_56 = arith.constant 4 : i32
    %dma_start3A_57 = arith.constant 0 : i32
    %dma_start3A_58 = arith.constant 512 : i32
    %dma_start3A_59 = arith.constant 0 : i32
    %dma_start3A_60 = tpu.memref_slice %arg6[%dma_start3A_57, %dma_start3A_58, %dma_start3A_59] : memref<2x1024x32xf32, #tpu.memory_space<vmem>> -> memref<1x128x32xf32, #tpu.memory_space<vmem>>
    %dma_start3A_61 = tpu.memref_squeeze %dma_start3A_60 : memref<1x128x32xf32, #tpu.memory_space<vmem>> -> memref<128x32xf32, #tpu.memory_space<vmem>>
    %dma_start3A_62 = arith.constant 0 : i32
    %dma_start3A_63 = tpu.memref_slice %arg5[%dma_start3A_56, %dma_start3A_62] : memref<40x128xi32, #tpu.memory_space<vmem>> -> memref<1x128xi32, #tpu.memory_space<vmem>>
    %dma_start3A_64 = tpu.memref_squeeze %dma_start3A_63 : memref<1x128xi32, #tpu.memory_space<vmem>> -> memref<128xi32, #tpu.memory_space<vmem>>
    %dma_start3A_65 = arith.constant 0 : i32
    %dma_start3A_66 = arith.constant 0 : i32
    %dma_start3A_67 = tpu.memref_slice %arg7[%dma_start3A_65, %dma_start3A_66] : memref<10000x32xf32, #tpu.memory_space<vmem_shared>> -> memref<10000x32xf32, #tpu.memory_space<vmem_shared>>
    tpu.enqueue_indirect_dma source(%dma_start3A_67 : memref<10000x32xf32, #tpu.memory_space<vmem_shared>>) target(%dma_start3A_61 : memref<128x32xf32, #tpu.memory_space<vmem>>) offsets(%dma_start3A_64 : memref<128xi32, #tpu.memory_space<vmem>>) semaphore(%arg8 : memref<!tpu.dma_semaphore, #tpu.memory_space<semaphore_mem>>)
    %dma_start3A_68 = arith.constant 5 : i32
    %dma_start3A_69 = arith.constant 0 : i32
    %dma_start3A_70 = arith.constant 640 : i32
    %dma_start3A_71 = arith.constant 0 : i32
    %dma_start3A_72 = tpu.memref_slice %arg6[%dma_start3A_69, %dma_start3A_70, %dma_start3A_71] : memref<2x1024x32xf32, #tpu.memory_space<vmem>> -> memref<1x128x32xf32, #tpu.memory_space<vmem>>
    %dma_start3A_73 = tpu.memref_squeeze %dma_start3A_72 : memref<1x128x32xf32, #tpu.memory_space<vmem>> -> memref<128x32xf32, #tpu.memory_space<vmem>>
    %dma_start3A_74 = arith.constant 0 : i32
    %dma_start3A_75 = tpu.memref_slice %arg5[%dma_start3A_68, %dma_start3A_74] : memref<40x128xi32, #tpu.memory_space<vmem>> -> memref<1x128xi32, #tpu.memory_space<vmem>>
    %dma_start3A_76 = tpu.memref_squeeze %dma_start3A_75 : memref<1x128xi32, #tpu.memory_space<vmem>> -> memref<128xi32, #tpu.memory_space<vmem>>
    %dma_start3A_77 = arith.constant 0 : i32
    %dma_start3A_78 = arith.constant 0 : i32
    %dma_start3A_79 = tpu.memref_slice %arg7[%dma_start3A_77, %dma_start3A_78] : memref<10000x32xf32, #tpu.memory_space<vmem_shared>> -> memref<10000x32xf32, #tpu.memory_space<vmem_shared>>
    tpu.enqueue_indirect_dma source(%dma_start3A_79 : memref<10000x32xf32, #tpu.memory_space<vmem_shared>>) target(%dma_start3A_73 : memref<128x32xf32, #tpu.memory_space<vmem>>) offsets(%dma_start3A_76 : memref<128xi32, #tpu.memory_space<vmem>>) semaphore(%arg8 : memref<!tpu.dma_semaphore, #tpu.memory_space<semaphore_mem>>)
    %dma_start3A_80 = arith.constant 6 : i32
    %dma_start3A_81 = arith.constant 0 : i32
    %dma_start3A_82 = arith.constant 768 : i32
    %dma_start3A_83 = arith.constant 0 : i32
    %dma_start3A_84 = tpu.memref_slice %arg6[%dma_start3A_81, %dma_start3A_82, %dma_start3A_83] : memref<2x1024x32xf32, #tpu.memory_space<vmem>> -> memref<1x128x32xf32, #tpu.memory_space<vmem>>
    %dma_start3A_85 = tpu.memref_squeeze %dma_start3A_84 : memref<1x128x32xf32, #tpu.memory_space<vmem>> -> memref<128x32xf32, #tpu.memory_space<vmem>>
    %dma_start3A_86 = arith.constant 0 : i32
    %dma_start3A_87 = tpu.memref_slice %arg5[%dma_start3A_80, %dma_start3A_86] : memref<40x128xi32, #tpu.memory_space<vmem>> -> memref<1x128xi32, #tpu.memory_space<vmem>>
    %dma_start3A_88 = tpu.memref_squeeze %dma_start3A_87 : memref<1x128xi32, #tpu.memory_space<vmem>> -> memref<128xi32, #tpu.memory_space<vmem>>
    %dma_start3A_89 = arith.constant 0 : i32
    %dma_start3A_90 = arith.constant 0 : i32
    %dma_start3A_91 = tpu.memref_slice %arg7[%dma_start3A_89, %dma_start3A_90] : memref<10000x32xf32, #tpu.memory_space<vmem_shared>> -> memref<10000x32xf32, #tpu.memory_space<vmem_shared>>
    tpu.enqueue_indirect_dma source(%dma_start3A_91 : memref<10000x32xf32, #tpu.memory_space<vmem_shared>>) target(%dma_start3A_85 : memref<128x32xf32, #tpu.memory_space<vmem>>) offsets(%dma_start3A_88 : memref<128xi32, #tpu.memory_space<vmem>>) semaphore(%arg8 : memref<!tpu.dma_semaphore, #tpu.memory_space<semaphore_mem>>)
    %dma_start3A_92 = arith.constant 7 : i32
    %dma_start3A_93 = arith.constant 0 : i32
    %dma_start3A_94 = arith.constant 896 : i32
    %dma_start3A_95 = arith.constant 0 : i32
    %dma_start3A_96 = tpu.memref_slice %arg6[%dma_start3A_93, %dma_start3A_94, %dma_start3A_95] : memref<2x1024x32xf32, #tpu.memory_space<vmem>> -> memref<1x128x32xf32, #tpu.memory_space<vmem>>
    %dma_start3A_97 = tpu.memref_squeeze %dma_start3A_96 : memref<1x128x32xf32, #tpu.memory_space<vmem>> -> memref<128x32xf32, #tpu.memory_space<vmem>>
    %dma_start3A_98 = arith.constant 0 : i32
    %dma_start3A_99 = tpu.memref_slice %arg5[%dma_start3A_92, %dma_start3A_98] : memref<40x128xi32, #tpu.memory_space<vmem>> -> memref<1x128xi32, #tpu.memory_space<vmem>>
    %dma_start3A_100 = tpu.memref_squeeze %dma_start3A_99 : memref<1x128xi32, #tpu.memory_space<vmem>> -> memref<128xi32, #tpu.memory_space<vmem>>
    %dma_start3A_101 = arith.constant 0 : i32
    %dma_start3A_102 = arith.constant 0 : i32
    %dma_start3A_103 = tpu.memref_slice %arg7[%dma_start3A_101, %dma_start3A_102] : memref<10000x32xf32, #tpu.memory_space<vmem_shared>> -> memref<10000x32xf32, #tpu.memory_space<vmem_shared>>
    tpu.enqueue_indirect_dma source(%dma_start3A_103 : memref<10000x32xf32, #tpu.memory_space<vmem_shared>>) target(%dma_start3A_97 : memref<128x32xf32, #tpu.memory_space<vmem>>) offsets(%dma_start3A_100 : memref<128xi32, #tpu.memory_space<vmem>>) semaphore(%arg8 : memref<!tpu.dma_semaphore, #tpu.memory_space<semaphore_mem>>)
    %scan3A = arith.constant 0 : i32
    %scan3A_104 = arith.constant 0 : i32
    %scan3A_105 = arith.constant 5 : i32
    %scan3A_106 = arith.addi %scan3A_104, %scan3A_105 : i32
    %scan3A_107 = arith.constant 1 : i32
    scf.for %scan3A_122 = %scan3A_104 to %scan3A_106 step %scan3A_107  : i32 {
      %rem3A_123 = arith.constant 2 : i32
      %rem3A_124 = arith.remsi %scan3A_122, %rem3A_123 : i32
      %add3A_125 = arith.constant 1 : i32
      %add3A_126 = arith.addi %scan3A_122, %add3A_125 : i32
      %rem3A_127 = arith.constant 2 : i32
      %rem3A_128 = arith.remsi %add3A_126, %rem3A_127 : i32
      %dma_wait3A_129 = arith.constant 0 : i32
      %dma_wait3A_130 = arith.constant 0 : i32
      %dma_wait3A_131 = arith.constant 0 : i32
      %dma_wait3A_132 = tpu.memref_slice %arg6[%rem3A_124, %dma_wait3A_130, %dma_wait3A_131] : memref<2x1024x32xf32, #tpu.memory_space<vmem>> -> memref<1x128x32xf32, #tpu.memory_space<vmem>>
      %dma_wait3A_133 = tpu.memref_squeeze %dma_wait3A_132 : memref<1x128x32xf32, #tpu.memory_space<vmem>> -> memref<128x32xf32, #tpu.memory_space<vmem>>
      %dma_wait3A_134 = arith.constant 0 : i32
      %dma_wait3A_135 = tpu.memref_slice %arg5[%dma_wait3A_129, %dma_wait3A_134] : memref<40x128xi32, #tpu.memory_space<vmem>> -> memref<1x128xi32, #tpu.memory_space<vmem>>
      %dma_wait3A_136 = tpu.memref_squeeze %dma_wait3A_135 : memref<1x128xi32, #tpu.memory_space<vmem>> -> memref<128xi32, #tpu.memory_space<vmem>>
      %dma_wait3A_137 = arith.constant 0 : i32
      %dma_wait3A_138 = arith.constant 0 : i32
      %dma_wait3A_139 = tpu.memref_slice %arg7[%dma_wait3A_137, %dma_wait3A_138] : memref<10000x32xf32, #tpu.memory_space<vmem_shared>> -> memref<10000x32xf32, #tpu.memory_space<vmem_shared>>
      tpu.wait_indirect_dma semaphore(%arg8 : memref<!tpu.dma_semaphore, #tpu.memory_space<semaphore_mem>>) src(%dma_wait3A_139 : memref<10000x32xf32, #tpu.memory_space<vmem_shared>>) dst(%dma_wait3A_133 : memref<128x32xf32, #tpu.memory_space<vmem>>)
      %dma_wait3A_140 = arith.constant 1 : i32
      %dma_wait3A_141 = arith.constant 128 : i32
      %dma_wait3A_142 = arith.constant 0 : i32
      %dma_wait3A_143 = tpu.memref_slice %arg6[%rem3A_124, %dma_wait3A_141, %dma_wait3A_142] : memref<2x1024x32xf32, #tpu.memory_space<vmem>> -> memref<1x128x32xf32, #tpu.memory_space<vmem>>
      %dma_wait3A_144 = tpu.memref_squeeze %dma_wait3A_143 : memref<1x128x32xf32, #tpu.memory_space<vmem>> -> memref<128x32xf32, #tpu.memory_space<vmem>>
      %dma_wait3A_145 = arith.constant 0 : i32
      %dma_wait3A_146 = tpu.memref_slice %arg5[%dma_wait3A_140, %dma_wait3A_145] : memref<40x128xi32, #tpu.memory_space<vmem>> -> memref<1x128xi32, #tpu.memory_space<vmem>>
      %dma_wait3A_147 = tpu.memref_squeeze %dma_wait3A_146 : memref<1x128xi32, #tpu.memory_space<vmem>> -> memref<128xi32, #tpu.memory_space<vmem>>
      %dma_wait3A_148 = arith.constant 0 : i32
      %dma_wait3A_149 = arith.constant 0 : i32
      %dma_wait3A_150 = tpu.memref_slice %arg7[%dma_wait3A_148, %dma_wait3A_149] : memref<10000x32xf32, #tpu.memory_space<vmem_shared>> -> memref<10000x32xf32, #tpu.memory_space<vmem_shared>>
      tpu.wait_indirect_dma semaphore(%arg8 : memref<!tpu.dma_semaphore, #tpu.memory_space<semaphore_mem>>) src(%dma_wait3A_150 : memref<10000x32xf32, #tpu.memory_space<vmem_shared>>) dst(%dma_wait3A_144 : memref<128x32xf32, #tpu.memory_space<vmem>>)
      %dma_wait3A_151 = arith.constant 2 : i32
      %dma_wait3A_152 = arith.constant 256 : i32
      %dma_wait3A_153 = arith.constant 0 : i32
      %dma_wait3A_154 = tpu.memref_slice %arg6[%rem3A_124, %dma_wait3A_152, %dma_wait3A_153] : memref<2x1024x32xf32, #tpu.memory_space<vmem>> -> memref<1x128x32xf32, #tpu.memory_space<vmem>>
      %dma_wait3A_155 = tpu.memref_squeeze %dma_wait3A_154 : memref<1x128x32xf32, #tpu.memory_space<vmem>> -> memref<128x32xf32, #tpu.memory_space<vmem>>
      %dma_wait3A_156 = arith.constant 0 : i32
      %dma_wait3A_157 = tpu.memref_slice %arg5[%dma_wait3A_151, %dma_wait3A_156] : memref<40x128xi32, #tpu.memory_space<vmem>> -> memref<1x128xi32, #tpu.memory_space<vmem>>
      %dma_wait3A_158 = tpu.memref_squeeze %dma_wait3A_157 : memref<1x128xi32, #tpu.memory_space<vmem>> -> memref<128xi32, #tpu.memory_space<vmem>>
      %dma_wait3A_159 = arith.constant 0 : i32
      %dma_wait3A_160 = arith.constant 0 : i32
      %dma_wait3A_161 = tpu.memref_slice %arg7[%dma_wait3A_159, %dma_wait3A_160] : memref<10000x32xf32, #tpu.memory_space<vmem_shared>> -> memref<10000x32xf32, #tpu.memory_space<vmem_shared>>
      tpu.wait_indirect_dma semaphore(%arg8 : memref<!tpu.dma_semaphore, #tpu.memory_space<semaphore_mem>>) src(%dma_wait3A_161 : memref<10000x32xf32, #tpu.memory_space<vmem_shared>>) dst(%dma_wait3A_155 : memref<128x32xf32, #tpu.memory_space<vmem>>)
      %dma_wait3A_162 = arith.constant 3 : i32
      %dma_wait3A_163 = arith.constant 384 : i32
      %dma_wait3A_164 = arith.constant 0 : i32
      %dma_wait3A_165 = tpu.memref_slice %arg6[%rem3A_124, %dma_wait3A_163, %dma_wait3A_164] : memref<2x1024x32xf32, #tpu.memory_space<vmem>> -> memref<1x128x32xf32, #tpu.memory_space<vmem>>
      %dma_wait3A_166 = tpu.memref_squeeze %dma_wait3A_165 : memref<1x128x32xf32, #tpu.memory_space<vmem>> -> memref<128x32xf32, #tpu.memory_space<vmem>>
      %dma_wait3A_167 = arith.constant 0 : i32
      %dma_wait3A_168 = tpu.memref_slice %arg5[%dma_wait3A_162, %dma_wait3A_167] : memref<40x128xi32, #tpu.memory_space<vmem>> -> memref<1x128xi32, #tpu.memory_space<vmem>>
      %dma_wait3A_169 = tpu.memref_squeeze %dma_wait3A_168 : memref<1x128xi32, #tpu.memory_space<vmem>> -> memref<128xi32, #tpu.memory_space<vmem>>
      %dma_wait3A_170 = arith.constant 0 : i32
      %dma_wait3A_171 = arith.constant 0 : i32
      %dma_wait3A_172 = tpu.memref_slice %arg7[%dma_wait3A_170, %dma_wait3A_171] : memref<10000x32xf32, #tpu.memory_space<vmem_shared>> -> memref<10000x32xf32, #tpu.memory_space<vmem_shared>>
      tpu.wait_indirect_dma semaphore(%arg8 : memref<!tpu.dma_semaphore, #tpu.memory_space<semaphore_mem>>) src(%dma_wait3A_172 : memref<10000x32xf32, #tpu.memory_space<vmem_shared>>) dst(%dma_wait3A_166 : memref<128x32xf32, #tpu.memory_space<vmem>>)
      %dma_wait3A_173 = arith.constant 4 : i32
      %dma_wait3A_174 = arith.constant 512 : i32
      %dma_wait3A_175 = arith.constant 0 : i32
      %dma_wait3A_176 = tpu.memref_slice %arg6[%rem3A_124, %dma_wait3A_174, %dma_wait3A_175] : memref<2x1024x32xf32, #tpu.memory_space<vmem>> -> memref<1x128x32xf32, #tpu.memory_space<vmem>>
      %dma_wait3A_177 = tpu.memref_squeeze %dma_wait3A_176 : memref<1x128x32xf32, #tpu.memory_space<vmem>> -> memref<128x32xf32, #tpu.memory_space<vmem>>
      %dma_wait3A_178 = arith.constant 0 : i32
      %dma_wait3A_179 = tpu.memref_slice %arg5[%dma_wait3A_173, %dma_wait3A_178] : memref<40x128xi32, #tpu.memory_space<vmem>> -> memref<1x128xi32, #tpu.memory_space<vmem>>
      %dma_wait3A_180 = tpu.memref_squeeze %dma_wait3A_179 : memref<1x128xi32, #tpu.memory_space<vmem>> -> memref<128xi32, #tpu.memory_space<vmem>>
      %dma_wait3A_181 = arith.constant 0 : i32
      %dma_wait3A_182 = arith.constant 0 : i32
      %dma_wait3A_183 = tpu.memref_slice %arg7[%dma_wait3A_181, %dma_wait3A_182] : memref<10000x32xf32, #tpu.memory_space<vmem_shared>> -> memref<10000x32xf32, #tpu.memory_space<vmem_shared>>
      tpu.wait_indirect_dma semaphore(%arg8 : memref<!tpu.dma_semaphore, #tpu.memory_space<semaphore_mem>>) src(%dma_wait3A_183 : memref<10000x32xf32, #tpu.memory_space<vmem_shared>>) dst(%dma_wait3A_177 : memref<128x32xf32, #tpu.memory_space<vmem>>)
      %dma_wait3A_184 = arith.constant 5 : i32
      %dma_wait3A_185 = arith.constant 640 : i32
      %dma_wait3A_186 = arith.constant 0 : i32
      %dma_wait3A_187 = tpu.memref_slice %arg6[%rem3A_124, %dma_wait3A_185, %dma_wait3A_186] : memref<2x1024x32xf32, #tpu.memory_space<vmem>> -> memref<1x128x32xf32, #tpu.memory_space<vmem>>
      %dma_wait3A_188 = tpu.memref_squeeze %dma_wait3A_187 : memref<1x128x32xf32, #tpu.memory_space<vmem>> -> memref<128x32xf32, #tpu.memory_space<vmem>>
      %dma_wait3A_189 = arith.constant 0 : i32
      %dma_wait3A_190 = tpu.memref_slice %arg5[%dma_wait3A_184, %dma_wait3A_189] : memref<40x128xi32, #tpu.memory_space<vmem>> -> memref<1x128xi32, #tpu.memory_space<vmem>>
      %dma_wait3A_191 = tpu.memref_squeeze %dma_wait3A_190 : memref<1x128xi32, #tpu.memory_space<vmem>> -> memref<128xi32, #tpu.memory_space<vmem>>
      %dma_wait3A_192 = arith.constant 0 : i32
      %dma_wait3A_193 = arith.constant 0 : i32
      %dma_wait3A_194 = tpu.memref_slice %arg7[%dma_wait3A_192, %dma_wait3A_193] : memref<10000x32xf32, #tpu.memory_space<vmem_shared>> -> memref<10000x32xf32, #tpu.memory_space<vmem_shared>>
      tpu.wait_indirect_dma semaphore(%arg8 : memref<!tpu.dma_semaphore, #tpu.memory_space<semaphore_mem>>) src(%dma_wait3A_194 : memref<10000x32xf32, #tpu.memory_space<vmem_shared>>) dst(%dma_wait3A_188 : memref<128x32xf32, #tpu.memory_space<vmem>>)
      %dma_wait3A_195 = arith.constant 6 : i32
      %dma_wait3A_196 = arith.constant 768 : i32
      %dma_wait3A_197 = arith.constant 0 : i32
      %dma_wait3A_198 = tpu.memref_slice %arg6[%rem3A_124, %dma_wait3A_196, %dma_wait3A_197] : memref<2x1024x32xf32, #tpu.memory_space<vmem>> -> memref<1x128x32xf32, #tpu.memory_space<vmem>>
      %dma_wait3A_199 = tpu.memref_squeeze %dma_wait3A_198 : memref<1x128x32xf32, #tpu.memory_space<vmem>> -> memref<128x32xf32, #tpu.memory_space<vmem>>
      %dma_wait3A_200 = arith.constant 0 : i32
      %dma_wait3A_201 = tpu.memref_slice %arg5[%dma_wait3A_195, %dma_wait3A_200] : memref<40x128xi32, #tpu.memory_space<vmem>> -> memref<1x128xi32, #tpu.memory_space<vmem>>
      %dma_wait3A_202 = tpu.memref_squeeze %dma_wait3A_201 : memref<1x128xi32, #tpu.memory_space<vmem>> -> memref<128xi32, #tpu.memory_space<vmem>>
      %dma_wait3A_203 = arith.constant 0 : i32
      %dma_wait3A_204 = arith.constant 0 : i32
      %dma_wait3A_205 = tpu.memref_slice %arg7[%dma_wait3A_203, %dma_wait3A_204] : memref<10000x32xf32, #tpu.memory_space<vmem_shared>> -> memref<10000x32xf32, #tpu.memory_space<vmem_shared>>
      tpu.wait_indirect_dma semaphore(%arg8 : memref<!tpu.dma_semaphore, #tpu.memory_space<semaphore_mem>>) src(%dma_wait3A_205 : memref<10000x32xf32, #tpu.memory_space<vmem_shared>>) dst(%dma_wait3A_199 : memref<128x32xf32, #tpu.memory_space<vmem>>)
      %dma_wait3A_206 = arith.constant 7 : i32
      %dma_wait3A_207 = arith.constant 896 : i32
      %dma_wait3A_208 = arith.constant 0 : i32
      %dma_wait3A_209 = tpu.memref_slice %arg6[%rem3A_124, %dma_wait3A_207, %dma_wait3A_208] : memref<2x1024x32xf32, #tpu.memory_space<vmem>> -> memref<1x128x32xf32, #tpu.memory_space<vmem>>
      %dma_wait3A_210 = tpu.memref_squeeze %dma_wait3A_209 : memref<1x128x32xf32, #tpu.memory_space<vmem>> -> memref<128x32xf32, #tpu.memory_space<vmem>>
      %dma_wait3A_211 = arith.constant 0 : i32
      %dma_wait3A_212 = tpu.memref_slice %arg5[%dma_wait3A_206, %dma_wait3A_211] : memref<40x128xi32, #tpu.memory_space<vmem>> -> memref<1x128xi32, #tpu.memory_space<vmem>>
      %dma_wait3A_213 = tpu.memref_squeeze %dma_wait3A_212 : memref<1x128xi32, #tpu.memory_space<vmem>> -> memref<128xi32, #tpu.memory_space<vmem>>
      %dma_wait3A_214 = arith.constant 0 : i32
      %dma_wait3A_215 = arith.constant 0 : i32
      %dma_wait3A_216 = tpu.memref_slice %arg7[%dma_wait3A_214, %dma_wait3A_215] : memref<10000x32xf32, #tpu.memory_space<vmem_shared>> -> memref<10000x32xf32, #tpu.memory_space<vmem_shared>>
      tpu.wait_indirect_dma semaphore(%arg8 : memref<!tpu.dma_semaphore, #tpu.memory_space<semaphore_mem>>) src(%dma_wait3A_216 : memref<10000x32xf32, #tpu.memory_space<vmem_shared>>) dst(%dma_wait3A_210 : memref<128x32xf32, #tpu.memory_space<vmem>>)
      %ge3A = arith.constant 1 : i32
      %ge3A_217 = arith.cmpi sge, %scan3A_122, %ge3A : i32
      %convert_element_type3A_218 = arith.extui %ge3A_217 : i1 to i32
      %cond3A_219 = arith.constant 0 : i32
      %cond3A_220 = arith.cmpi ne, %convert_element_type3A_218, %cond3A_219 : i32
      scf.if %cond3A_220 {
        %dma_wait3A_243 = arith.constant 0 : i32
        %dma_wait3A_244 = arith.constant 0 : i32
        %dma_wait3A_245 = tpu.memref_slice %arg6[%rem3A_128, %dma_wait3A_243, %dma_wait3A_244] : memref<2x1024x32xf32, #tpu.memory_space<vmem>> -> memref<1x1024x32xf32, #tpu.memory_space<vmem>>
        %dma_wait3A_246 = tpu.memref_squeeze %dma_wait3A_245 : memref<1x1024x32xf32, #tpu.memory_space<vmem>> -> memref<1024x32xf32, #tpu.memory_space<vmem>>
        %dma_wait3A_247 = arith.constant 0 : i32
        %dma_wait3A_248 = tpu.memref_slice %arg4[%mul3A_2, %dma_wait3A_247] : memref<163840x32xf32, #tpu.memory_space<hbm>> -> memref<1024x32xf32, #tpu.memory_space<hbm>>
        %dma_wait3A_249 = arith.constant 0 : i32
        %dma_wait3A_250 = tpu.memref_slice %arg4[%mul3A_2, %dma_wait3A_249] : memref<163840x32xf32, #tpu.memory_space<hbm>> -> memref<1024x32xf32, #tpu.memory_space<hbm>>
        %dma_wait3A_251 = arith.constant 0 : i32
        %dma_wait3A_252 = arith.constant 0 : i32
        %dma_wait3A_253 = tpu.memref_slice %arg6[%rem3A_128, %dma_wait3A_251, %dma_wait3A_252] : memref<2x1024x32xf32, #tpu.memory_space<vmem>> -> memref<1x1024x32xf32, #tpu.memory_space<vmem>>
        %dma_wait3A_254 = tpu.memref_squeeze %dma_wait3A_253 : memref<1x1024x32xf32, #tpu.memory_space<vmem>> -> memref<1024x32xf32, #tpu.memory_space<vmem>>
        tpu.wait_dma2 semaphore(%arg9 : memref<!tpu.dma_semaphore, #tpu.memory_space<semaphore_mem>>) src(%dma_wait3A_254 : memref<1024x32xf32, #tpu.memory_space<vmem>>) dst(%dma_wait3A_250 : memref<1024x32xf32, #tpu.memory_space<hbm>>)
      } else {
      }
      %add3A_221 = arith.constant 1 : i32
      %add3A_222 = arith.addi %scan3A_122, %add3A_221 : i32
      %lt3A_223 = arith.constant 5 : i32
      %lt3A_224 = arith.cmpi slt, %add3A_222, %lt3A_223 : i32
      %convert_element_type3A_225 = arith.extui %lt3A_224 : i1 to i32
      %cond3A_226 = arith.constant 0 : i32
      %cond3A_227 = arith.cmpi ne, %convert_element_type3A_225, %cond3A_226 : i32
      scf.if %cond3A_227 {
        %add3A_243 = arith.constant 1 : i32
        %add3A_244 = arith.addi %scan3A_122, %add3A_243 : i32
        %mul3A_245 = arith.constant 8 : i32
        %mul3A_246 = arith.muli %add3A_244, %mul3A_245 : i32
        %add3A_247 = arith.constant 0 : i32
        %add3A_248 = arith.addi %mul3A_246, %add3A_247 : i32
        %dma_start3A_249 = arith.constant 0 : i32
        %dma_start3A_250 = arith.constant 0 : i32
        %dma_start3A_251 = tpu.memref_slice %arg6[%rem3A_128, %dma_start3A_249, %dma_start3A_250] : memref<2x1024x32xf32, #tpu.memory_space<vmem>> -> memref<1x128x32xf32, #tpu.memory_space<vmem>>
        %dma_start3A_252 = tpu.memref_squeeze %dma_start3A_251 : memref<1x128x32xf32, #tpu.memory_space<vmem>> -> memref<128x32xf32, #tpu.memory_space<vmem>>
        %dma_start3A_253 = arith.constant 0 : i32
        %dma_start3A_254 = tpu.memref_slice %arg5[%add3A_248, %dma_start3A_253] : memref<40x128xi32, #tpu.memory_space<vmem>> -> memref<1x128xi32, #tpu.memory_space<vmem>>
        %dma_start3A_255 = tpu.memref_squeeze %dma_start3A_254 : memref<1x128xi32, #tpu.memory_space<vmem>> -> memref<128xi32, #tpu.memory_space<vmem>>
        %dma_start3A_256 = arith.constant 0 : i32
        %dma_start3A_257 = arith.constant 0 : i32
        %dma_start3A_258 = tpu.memref_slice %arg7[%dma_start3A_256, %dma_start3A_257] : memref<10000x32xf32, #tpu.memory_space<vmem_shared>> -> memref<10000x32xf32, #tpu.memory_space<vmem_shared>>
        tpu.enqueue_indirect_dma source(%dma_start3A_258 : memref<10000x32xf32, #tpu.memory_space<vmem_shared>>) target(%dma_start3A_252 : memref<128x32xf32, #tpu.memory_space<vmem>>) offsets(%dma_start3A_255 : memref<128xi32, #tpu.memory_space<vmem>>) semaphore(%arg8 : memref<!tpu.dma_semaphore, #tpu.memory_space<semaphore_mem>>)
        %mul3A_259 = arith.constant 8 : i32
        %mul3A_260 = arith.muli %add3A_244, %mul3A_259 : i32
        %add3A_261 = arith.constant 1 : i32
        %add3A_262 = arith.addi %mul3A_260, %add3A_261 : i32
        %dma_start3A_263 = arith.constant 128 : i32
        %dma_start3A_264 = arith.constant 0 : i32
        %dma_start3A_265 = tpu.memref_slice %arg6[%rem3A_128, %dma_start3A_263, %dma_start3A_264] : memref<2x1024x32xf32, #tpu.memory_space<vmem>> -> memref<1x128x32xf32, #tpu.memory_space<vmem>>
        %dma_start3A_266 = tpu.memref_squeeze %dma_start3A_265 : memref<1x128x32xf32, #tpu.memory_space<vmem>> -> memref<128x32xf32, #tpu.memory_space<vmem>>
        %dma_start3A_267 = arith.constant 0 : i32
        %dma_start3A_268 = tpu.memref_slice %arg5[%add3A_262, %dma_start3A_267] : memref<40x128xi32, #tpu.memory_space<vmem>> -> memref<1x128xi32, #tpu.memory_space<vmem>>
        %dma_start3A_269 = tpu.memref_squeeze %dma_start3A_268 : memref<1x128xi32, #tpu.memory_space<vmem>> -> memref<128xi32, #tpu.memory_space<vmem>>
        %dma_start3A_270 = arith.constant 0 : i32
        %dma_start3A_271 = arith.constant 0 : i32
        %dma_start3A_272 = tpu.memref_slice %arg7[%dma_start3A_270, %dma_start3A_271] : memref<10000x32xf32, #tpu.memory_space<vmem_shared>> -> memref<10000x32xf32, #tpu.memory_space<vmem_shared>>
        tpu.enqueue_indirect_dma source(%dma_start3A_272 : memref<10000x32xf32, #tpu.memory_space<vmem_shared>>) target(%dma_start3A_266 : memref<128x32xf32, #tpu.memory_space<vmem>>) offsets(%dma_start3A_269 : memref<128xi32, #tpu.memory_space<vmem>>) semaphore(%arg8 : memref<!tpu.dma_semaphore, #tpu.memory_space<semaphore_mem>>)
        %mul3A_273 = arith.constant 8 : i32
        %mul3A_274 = arith.muli %add3A_244, %mul3A_273 : i32
        %add3A_275 = arith.constant 2 : i32
        %add3A_276 = arith.addi %mul3A_274, %add3A_275 : i32
        %dma_start3A_277 = arith.constant 256 : i32
        %dma_start3A_278 = arith.constant 0 : i32
        %dma_start3A_279 = tpu.memref_slice %arg6[%rem3A_128, %dma_start3A_277, %dma_start3A_278] : memref<2x1024x32xf32, #tpu.memory_space<vmem>> -> memref<1x128x32xf32, #tpu.memory_space<vmem>>
        %dma_start3A_280 = tpu.memref_squeeze %dma_start3A_279 : memref<1x128x32xf32, #tpu.memory_space<vmem>> -> memref<128x32xf32, #tpu.memory_space<vmem>>
        %dma_start3A_281 = arith.constant 0 : i32
        %dma_start3A_282 = tpu.memref_slice %arg5[%add3A_276, %dma_start3A_281] : memref<40x128xi32, #tpu.memory_space<vmem>> -> memref<1x128xi32, #tpu.memory_space<vmem>>
        %dma_start3A_283 = tpu.memref_squeeze %dma_start3A_282 : memref<1x128xi32, #tpu.memory_space<vmem>> -> memref<128xi32, #tpu.memory_space<vmem>>
        %dma_start3A_284 = arith.constant 0 : i32
        %dma_start3A_285 = arith.constant 0 : i32
        %dma_start3A_286 = tpu.memref_slice %arg7[%dma_start3A_284, %dma_start3A_285] : memref<10000x32xf32, #tpu.memory_space<vmem_shared>> -> memref<10000x32xf32, #tpu.memory_space<vmem_shared>>
        tpu.enqueue_indirect_dma source(%dma_start3A_286 : memref<10000x32xf32, #tpu.memory_space<vmem_shared>>) target(%dma_start3A_280 : memref<128x32xf32, #tpu.memory_space<vmem>>) offsets(%dma_start3A_283 : memref<128xi32, #tpu.memory_space<vmem>>) semaphore(%arg8 : memref<!tpu.dma_semaphore, #tpu.memory_space<semaphore_mem>>)
        %mul3A_287 = arith.constant 8 : i32
        %mul3A_288 = arith.muli %add3A_244, %mul3A_287 : i32
        %add3A_289 = arith.constant 3 : i32
        %add3A_290 = arith.addi %mul3A_288, %add3A_289 : i32
        %dma_start3A_291 = arith.constant 384 : i32
        %dma_start3A_292 = arith.constant 0 : i32
        %dma_start3A_293 = tpu.memref_slice %arg6[%rem3A_128, %dma_start3A_291, %dma_start3A_292] : memref<2x1024x32xf32, #tpu.memory_space<vmem>> -> memref<1x128x32xf32, #tpu.memory_space<vmem>>
        %dma_start3A_294 = tpu.memref_squeeze %dma_start3A_293 : memref<1x128x32xf32, #tpu.memory_space<vmem>> -> memref<128x32xf32, #tpu.memory_space<vmem>>
        %dma_start3A_295 = arith.constant 0 : i32
        %dma_start3A_296 = tpu.memref_slice %arg5[%add3A_290, %dma_start3A_295] : memref<40x128xi32, #tpu.memory_space<vmem>> -> memref<1x128xi32, #tpu.memory_space<vmem>>
        %dma_start3A_297 = tpu.memref_squeeze %dma_start3A_296 : memref<1x128xi32, #tpu.memory_space<vmem>> -> memref<128xi32, #tpu.memory_space<vmem>>
        %dma_start3A_298 = arith.constant 0 : i32
        %dma_start3A_299 = arith.constant 0 : i32
        %dma_start3A_300 = tpu.memref_slice %arg7[%dma_start3A_298, %dma_start3A_299] : memref<10000x32xf32, #tpu.memory_space<vmem_shared>> -> memref<10000x32xf32, #tpu.memory_space<vmem_shared>>
        tpu.enqueue_indirect_dma source(%dma_start3A_300 : memref<10000x32xf32, #tpu.memory_space<vmem_shared>>) target(%dma_start3A_294 : memref<128x32xf32, #tpu.memory_space<vmem>>) offsets(%dma_start3A_297 : memref<128xi32, #tpu.memory_space<vmem>>) semaphore(%arg8 : memref<!tpu.dma_semaphore, #tpu.memory_space<semaphore_mem>>)
        %mul3A_301 = arith.constant 8 : i32
        %mul3A_302 = arith.muli %add3A_244, %mul3A_301 : i32
        %add3A_303 = arith.constant 4 : i32
        %add3A_304 = arith.addi %mul3A_302, %add3A_303 : i32
        %dma_start3A_305 = arith.constant 512 : i32
        %dma_start3A_306 = arith.constant 0 : i32
        %dma_start3A_307 = tpu.memref_slice %arg6[%rem3A_128, %dma_start3A_305, %dma_start3A_306] : memref<2x1024x32xf32, #tpu.memory_space<vmem>> -> memref<1x128x32xf32, #tpu.memory_space<vmem>>
        %dma_start3A_308 = tpu.memref_squeeze %dma_start3A_307 : memref<1x128x32xf32, #tpu.memory_space<vmem>> -> memref<128x32xf32, #tpu.memory_space<vmem>>
        %dma_start3A_309 = arith.constant 0 : i32
        %dma_start3A_310 = tpu.memref_slice %arg5[%add3A_304, %dma_start3A_309] : memref<40x128xi32, #tpu.memory_space<vmem>> -> memref<1x128xi32, #tpu.memory_space<vmem>>
        %dma_start3A_311 = tpu.memref_squeeze %dma_start3A_310 : memref<1x128xi32, #tpu.memory_space<vmem>> -> memref<128xi32, #tpu.memory_space<vmem>>
        %dma_start3A_312 = arith.constant 0 : i32
        %dma_start3A_313 = arith.constant 0 : i32
        %dma_start3A_314 = tpu.memref_slice %arg7[%dma_start3A_312, %dma_start3A_313] : memref<10000x32xf32, #tpu.memory_space<vmem_shared>> -> memref<10000x32xf32, #tpu.memory_space<vmem_shared>>
        tpu.enqueue_indirect_dma source(%dma_start3A_314 : memref<10000x32xf32, #tpu.memory_space<vmem_shared>>) target(%dma_start3A_308 : memref<128x32xf32, #tpu.memory_space<vmem>>) offsets(%dma_start3A_311 : memref<128xi32, #tpu.memory_space<vmem>>) semaphore(%arg8 : memref<!tpu.dma_semaphore, #tpu.memory_space<semaphore_mem>>)
        %mul3A_315 = arith.constant 8 : i32
        %mul3A_316 = arith.muli %add3A_244, %mul3A_315 : i32
        %add3A_317 = arith.constant 5 : i32
        %add3A_318 = arith.addi %mul3A_316, %add3A_317 : i32
        %dma_start3A_319 = arith.constant 640 : i32
        %dma_start3A_320 = arith.constant 0 : i32
        %dma_start3A_321 = tpu.memref_slice %arg6[%rem3A_128, %dma_start3A_319, %dma_start3A_320] : memref<2x1024x32xf32, #tpu.memory_space<vmem>> -> memref<1x128x32xf32, #tpu.memory_space<vmem>>
        %dma_start3A_322 = tpu.memref_squeeze %dma_start3A_321 : memref<1x128x32xf32, #tpu.memory_space<vmem>> -> memref<128x32xf32, #tpu.memory_space<vmem>>
        %dma_start3A_323 = arith.constant 0 : i32
        %dma_start3A_324 = tpu.memref_slice %arg5[%add3A_318, %dma_start3A_323] : memref<40x128xi32, #tpu.memory_space<vmem>> -> memref<1x128xi32, #tpu.memory_space<vmem>>
        %dma_start3A_325 = tpu.memref_squeeze %dma_start3A_324 : memref<1x128xi32, #tpu.memory_space<vmem>> -> memref<128xi32, #tpu.memory_space<vmem>>
        %dma_start3A_326 = arith.constant 0 : i32
        %dma_start3A_327 = arith.constant 0 : i32
        %dma_start3A_328 = tpu.memref_slice %arg7[%dma_start3A_326, %dma_start3A_327] : memref<10000x32xf32, #tpu.memory_space<vmem_shared>> -> memref<10000x32xf32, #tpu.memory_space<vmem_shared>>
        tpu.enqueue_indirect_dma source(%dma_start3A_328 : memref<10000x32xf32, #tpu.memory_space<vmem_shared>>) target(%dma_start3A_322 : memref<128x32xf32, #tpu.memory_space<vmem>>) offsets(%dma_start3A_325 : memref<128xi32, #tpu.memory_space<vmem>>) semaphore(%arg8 : memref<!tpu.dma_semaphore, #tpu.memory_space<semaphore_mem>>)
        %mul3A_329 = arith.constant 8 : i32
        %mul3A_330 = arith.muli %add3A_244, %mul3A_329 : i32
        %add3A_331 = arith.constant 6 : i32
        %add3A_332 = arith.addi %mul3A_330, %add3A_331 : i32
        %dma_start3A_333 = arith.constant 768 : i32
        %dma_start3A_334 = arith.constant 0 : i32
        %dma_start3A_335 = tpu.memref_slice %arg6[%rem3A_128, %dma_start3A_333, %dma_start3A_334] : memref<2x1024x32xf32, #tpu.memory_space<vmem>> -> memref<1x128x32xf32, #tpu.memory_space<vmem>>
        %dma_start3A_336 = tpu.memref_squeeze %dma_start3A_335 : memref<1x128x32xf32, #tpu.memory_space<vmem>> -> memref<128x32xf32, #tpu.memory_space<vmem>>
        %dma_start3A_337 = arith.constant 0 : i32
        %dma_start3A_338 = tpu.memref_slice %arg5[%add3A_332, %dma_start3A_337] : memref<40x128xi32, #tpu.memory_space<vmem>> -> memref<1x128xi32, #tpu.memory_space<vmem>>
        %dma_start3A_339 = tpu.memref_squeeze %dma_start3A_338 : memref<1x128xi32, #tpu.memory_space<vmem>> -> memref<128xi32, #tpu.memory_space<vmem>>
        %dma_start3A_340 = arith.constant 0 : i32
        %dma_start3A_341 = arith.constant 0 : i32
        %dma_start3A_342 = tpu.memref_slice %arg7[%dma_start3A_340, %dma_start3A_341] : memref<10000x32xf32, #tpu.memory_space<vmem_shared>> -> memref<10000x32xf32, #tpu.memory_space<vmem_shared>>
        tpu.enqueue_indirect_dma source(%dma_start3A_342 : memref<10000x32xf32, #tpu.memory_space<vmem_shared>>) target(%dma_start3A_336 : memref<128x32xf32, #tpu.memory_space<vmem>>) offsets(%dma_start3A_339 : memref<128xi32, #tpu.memory_space<vmem>>) semaphore(%arg8 : memref<!tpu.dma_semaphore, #tpu.memory_space<semaphore_mem>>)
        %mul3A_343 = arith.constant 8 : i32
        %mul3A_344 = arith.muli %add3A_244, %mul3A_343 : i32
        %add3A_345 = arith.constant 7 : i32
        %add3A_346 = arith.addi %mul3A_344, %add3A_345 : i32
        %dma_start3A_347 = arith.constant 896 : i32
        %dma_start3A_348 = arith.constant 0 : i32
        %dma_start3A_349 = tpu.memref_slice %arg6[%rem3A_128, %dma_start3A_347, %dma_start3A_348] : memref<2x1024x32xf32, #tpu.memory_space<vmem>> -> memref<1x128x32xf32, #tpu.memory_space<vmem>>
        %dma_start3A_350 = tpu.memref_squeeze %dma_start3A_349 : memref<1x128x32xf32, #tpu.memory_space<vmem>> -> memref<128x32xf32, #tpu.memory_space<vmem>>
        %dma_start3A_351 = arith.constant 0 : i32
        %dma_start3A_352 = tpu.memref_slice %arg5[%add3A_346, %dma_start3A_351] : memref<40x128xi32, #tpu.memory_space<vmem>> -> memref<1x128xi32, #tpu.memory_space<vmem>>
        %dma_start3A_353 = tpu.memref_squeeze %dma_start3A_352 : memref<1x128xi32, #tpu.memory_space<vmem>> -> memref<128xi32, #tpu.memory_space<vmem>>
        %dma_start3A_354 = arith.constant 0 : i32
        %dma_start3A_355 = arith.constant 0 : i32
        %dma_start3A_356 = tpu.memref_slice %arg7[%dma_start3A_354, %dma_start3A_355] : memref<10000x32xf32, #tpu.memory_space<vmem_shared>> -> memref<10000x32xf32, #tpu.memory_space<vmem_shared>>
        tpu.enqueue_indirect_dma source(%dma_start3A_356 : memref<10000x32xf32, #tpu.memory_space<vmem_shared>>) target(%dma_start3A_350 : memref<128x32xf32, #tpu.memory_space<vmem>>) offsets(%dma_start3A_353 : memref<128xi32, #tpu.memory_space<vmem>>) semaphore(%arg8 : memref<!tpu.dma_semaphore, #tpu.memory_space<semaphore_mem>>)
      } else {
      }
      %mul3A_228 = arith.constant 1024 : i32
      %mul3A_229 = arith.muli %scan3A_122, %mul3A_228 : i32
      %add3A_230 = arith.addi %mul3A_2, %mul3A_229 : i32
      %dma_start3A_231 = arith.constant 0 : i32
      %dma_start3A_232 = arith.constant 0 : i32
      %dma_start3A_233 = tpu.memref_slice %arg6[%rem3A_124, %dma_start3A_231, %dma_start3A_232] : memref<2x1024x32xf32, #tpu.memory_space<vmem>> -> memref<1x1024x32xf32, #tpu.memory_space<vmem>>
      %dma_start3A_234 = tpu.memref_squeeze %dma_start3A_233 : memref<1x1024x32xf32, #tpu.memory_space<vmem>> -> memref<1024x32xf32, #tpu.memory_space<vmem>>
      %dma_start3A_235 = arith.constant 0 : i32
      %dma_start3A_236 = tpu.memref_slice %arg4[%add3A_230, %dma_start3A_235] : memref<163840x32xf32, #tpu.memory_space<hbm>> -> memref<1024x32xf32, #tpu.memory_space<hbm>>
      %dma_start3A_237 = arith.constant 0 : i32
      %dma_start3A_238 = tpu.memref_slice %arg4[%add3A_230, %dma_start3A_237] : memref<163840x32xf32, #tpu.memory_space<hbm>> -> memref<1024x32xf32, #tpu.memory_space<hbm>>
      %dma_start3A_239 = arith.constant 0 : i32
      %dma_start3A_240 = arith.constant 0 : i32
      %dma_start3A_241 = tpu.memref_slice %arg6[%rem3A_124, %dma_start3A_239, %dma_start3A_240] : memref<2x1024x32xf32, #tpu.memory_space<vmem>> -> memref<1x1024x32xf32, #tpu.memory_space<vmem>>
      %dma_start3A_242 = tpu.memref_squeeze %dma_start3A_241 : memref<1x1024x32xf32, #tpu.memory_space<vmem>> -> memref<1024x32xf32, #tpu.memory_space<vmem>>
      tpu.enqueue_dma source(%dma_start3A_242 : memref<1024x32xf32, #tpu.memory_space<vmem>>) target(%dma_start3A_238 : memref<1024x32xf32, #tpu.memory_space<hbm>>) target_semaphore(%arg9 : memref<!tpu.dma_semaphore, #tpu.memory_space<semaphore_mem>>)
    }
    %scan3A_108 = arith.constant 5 : i32
    %rem3A = arith.constant 4 : i32
    %rem3A_109 = arith.constant 2 : i32
    %rem3A_110 = arith.remsi %rem3A, %rem3A_109 : i32
    %dma_wait3A = arith.constant 0 : i32
    %dma_wait3A_111 = arith.constant 0 : i32
    %dma_wait3A_112 = tpu.memref_slice %arg6[%rem3A_110, %dma_wait3A, %dma_wait3A_111] : memref<2x1024x32xf32, #tpu.memory_space<vmem>> -> memref<1x1024x32xf32, #tpu.memory_space<vmem>>
    %dma_wait3A_113 = tpu.memref_squeeze %dma_wait3A_112 : memref<1x1024x32xf32, #tpu.memory_space<vmem>> -> memref<1024x32xf32, #tpu.memory_space<vmem>>
    %dma_wait3A_114 = arith.constant 0 : i32
    %dma_wait3A_115 = tpu.memref_slice %arg4[%mul3A_2, %dma_wait3A_114] : memref<163840x32xf32, #tpu.memory_space<hbm>> -> memref<1024x32xf32, #tpu.memory_space<hbm>>
    %dma_wait3A_116 = arith.constant 0 : i32
    %dma_wait3A_117 = tpu.memref_slice %arg4[%mul3A_2, %dma_wait3A_116] : memref<163840x32xf32, #tpu.memory_space<hbm>> -> memref<1024x32xf32, #tpu.memory_space<hbm>>
    %dma_wait3A_118 = arith.constant 0 : i32
    %dma_wait3A_119 = arith.constant 0 : i32
    %dma_wait3A_120 = tpu.memref_slice %arg6[%rem3A_110, %dma_wait3A_118, %dma_wait3A_119] : memref<2x1024x32xf32, #tpu.memory_space<vmem>> -> memref<1x1024x32xf32, #tpu.memory_space<vmem>>
    %dma_wait3A_121 = tpu.memref_squeeze %dma_wait3A_120 : memref<1x1024x32xf32, #tpu.memory_space<vmem>> -> memref<1024x32xf32, #tpu.memory_space<vmem>>
    tpu.wait_dma2 semaphore(%arg9 : memref<!tpu.dma_semaphore, #tpu.memory_space<semaphore_mem>>) src(%dma_wait3A_121 : memref<1024x32xf32, #tpu.memory_space<vmem>>) dst(%dma_wait3A_117 : memref<1024x32xf32, #tpu.memory_space<hbm>>)
    return
  }
}

module attributes {stable_mosaic.version = 14 : i64} {
  func.func @_msg64_body(%arg0: i32, %arg1: memref<512x128xf32, #tpu.memory_space<vmem>>, %arg2: memref<512x128xf32, #tpu.memory_space<vmem>>, %arg3: memref<16x512xf32, #tpu.memory_space<vmem>>, %arg4: memref<16x512xf32, #tpu.memory_space<vmem>>, %arg5: memref<16x512xf32, #tpu.memory_space<vmem>>, %arg6: memref<16x512xf32, #tpu.memory_space<vmem>>, %arg7: memref<256x544xf32, #tpu.memory_space<vmem>>, %arg8: memref<16x512xf32, #tpu.memory_space<vmem>>, %arg9: memref<512x128xf32, #tpu.memory_space<vmem>>) attributes {dimension_semantics = [#tpu.dimension_semantics<arbitrary>], iteration_bounds = array<i64: 80>, scalar_prefetch = 0 : i64, scratch_operands = 0 : i64, tpu.core_type = #tpu.core_type<tc>, window_params = [{transform_indices = @transform_0, window_bounds = array<i64: 512, 128>}, {transform_indices = @transform_1, window_bounds = array<i64: 512, 128>}, {transform_indices = @transform_2, window_bounds = array<i64: 16, 512>}, {transform_indices = @transform_3, window_bounds = array<i64: 16, 512>}, {transform_indices = @transform_4, window_bounds = array<i64: 16, 512>}, {transform_indices = @transform_5, window_bounds = array<i64: 16, 512>}, {pipeline_mode = #tpu.pipeline_mode<synchronous>, transform_indices = @transform_6, window_bounds = array<i64: 256, 544>}, {pipeline_mode = #tpu.pipeline_mode<synchronous>, transform_indices = @transform_7, window_bounds = array<i64: 16, 512>}, {transform_indices = @transform_8, window_bounds = array<i64: 512, 128>}]} {
    %get3A = arith.constant 0 : index
    %get3A_0 = arith.constant 0 : index
    %get3A_1 = vector.load %arg1[%get3A, %get3A_0] : memref<512x128xf32, #tpu.memory_space<vmem>>, vector<512x128xf32>
    %get3A_2 = arith.constant 0 : index
    %get3A_3 = arith.constant 0 : index
    %get3A_4 = vector.load %arg2[%get3A_2, %get3A_3] : memref<512x128xf32, #tpu.memory_space<vmem>>, vector<512x128xf32>
    %get3A_5 = arith.constant 0 : index
    %get3A_6 = arith.constant 0 : index
    %get3A_7 = vector.load %arg7[%get3A_5, %get3A_6] : memref<256x544xf32, #tpu.memory_space<vmem>>, vector<128x544xf32>
    %get3A_8 = arith.constant 128 : index
    %get3A_9 = arith.constant 0 : index
    %get3A_10 = vector.load %arg7[%get3A_8, %get3A_9] : memref<256x544xf32, #tpu.memory_space<vmem>>, vector<128x544xf32>
    %get3A_11 = arith.constant 0 : index
    %get3A_12 = arith.constant 0 : index
    %get3A_13 = vector.load %arg3[%get3A_11, %get3A_12] : memref<16x512xf32, #tpu.memory_space<vmem>>, vector<16x512xf32>
    %get3A_14 = arith.constant 0 : index
    %get3A_15 = arith.constant 0 : index
    %get3A_16 = vector.load %arg8[%get3A_14, %get3A_15] : memref<16x512xf32, #tpu.memory_space<vmem>>, vector<16x512xf32>
    %dot_general3A = arith.constant dense<0.000000e+00> : vector<512x512xf32>
    %dot_general3A_17 = tpu.matmul %get3A_13, %get3A_16, %dot_general3A {dimension_numbers = #tpu.dot_dimension_numbers<[0], [0], [1], [1], [0, 1, 1, 1], [], []>, transpose_lhs_hint = false} : vector<16x512xf32>, vector<16x512xf32>, vector<512x512xf32> -> vector<512x512xf32>
    %dot_general3A_18 = arith.constant dense<0.000000e+00> : vector<512x544xf32>
    %dot_general3A_19 = tpu.matmul %get3A_1, %get3A_7, %dot_general3A_18 {dimension_numbers = #tpu.dot_dimension_numbers<[1], [0], [0], [1], [0, 0, 1, 1], [], []>, transpose_lhs_hint = false} : vector<512x128xf32>, vector<128x544xf32>, vector<512x544xf32> -> vector<512x544xf32>
    %slice3A = vector.extract_strided_slice %dot_general3A_19 {offsets = [0, 0], sizes = [512, 512], strides = [1, 1]} : vector<512x544xf32> to vector<512x512xf32>
    %mul3A = arith.mulf %dot_general3A_17, %slice3A : vector<512x512xf32>
    %slice3A_20 = vector.extract_strided_slice %mul3A {offsets = [0, 0], sizes = [512, 256], strides = [1, 1]} : vector<512x512xf32> to vector<512x256xf32>
    %slice3A_21 = vector.extract_strided_slice %mul3A {offsets = [0, 256], sizes = [512, 256], strides = [1, 1]} : vector<512x512xf32> to vector<512x256xf32>
    %add3A = arith.addf %slice3A_20, %slice3A_21 : vector<512x256xf32>
    %slice3A_22 = vector.extract_strided_slice %add3A {offsets = [0, 0], sizes = [512, 128], strides = [1, 1]} : vector<512x256xf32> to vector<512x128xf32>
    %slice3A_23 = vector.extract_strided_slice %add3A {offsets = [0, 128], sizes = [512, 128], strides = [1, 1]} : vector<512x256xf32> to vector<512x128xf32>
    %add3A_24 = arith.addf %slice3A_22, %slice3A_23 : vector<512x128xf32>
    %slice3A_25 = vector.extract_strided_slice %add3A_24 {offsets = [0, 0], sizes = [512, 64], strides = [1, 1]} : vector<512x128xf32> to vector<512x64xf32>
    %slice3A_26 = vector.extract_strided_slice %add3A_24 {offsets = [0, 64], sizes = [512, 64], strides = [1, 1]} : vector<512x128xf32> to vector<512x64xf32>
    %add3A_27 = arith.addf %slice3A_25, %slice3A_26 : vector<512x64xf32>
    %slice3A_28 = vector.extract_strided_slice %add3A_27 {offsets = [0, 0], sizes = [512, 32], strides = [1, 1]} : vector<512x64xf32> to vector<512x32xf32>
    %slice3A_29 = vector.extract_strided_slice %add3A_27 {offsets = [0, 32], sizes = [512, 32], strides = [1, 1]} : vector<512x64xf32> to vector<512x32xf32>
    %add3A_30 = arith.addf %slice3A_28, %slice3A_29 : vector<512x32xf32>
    %slice3A_31 = vector.extract_strided_slice %dot_general3A_19 {offsets = [0, 512], sizes = [512, 32], strides = [1, 1]} : vector<512x544xf32> to vector<512x32xf32>
    %add3A_32 = arith.addf %add3A_30, %slice3A_31 : vector<512x32xf32>
    %get3A_33 = arith.constant 0 : index
    %get3A_34 = arith.constant 0 : index
    %get3A_35 = vector.load %arg4[%get3A_33, %get3A_34] : memref<16x512xf32, #tpu.memory_space<vmem>>, vector<16x512xf32>
    %get3A_36 = arith.constant 0 : index
    %get3A_37 = arith.constant 0 : index
    %get3A_38 = vector.load %arg8[%get3A_36, %get3A_37] : memref<16x512xf32, #tpu.memory_space<vmem>>, vector<16x512xf32>
    %dot_general3A_39 = arith.constant dense<0.000000e+00> : vector<512x512xf32>
    %dot_general3A_40 = tpu.matmul %get3A_35, %get3A_38, %dot_general3A_39 {dimension_numbers = #tpu.dot_dimension_numbers<[0], [0], [1], [1], [0, 1, 1, 1], [], []>, transpose_lhs_hint = false} : vector<16x512xf32>, vector<16x512xf32>, vector<512x512xf32> -> vector<512x512xf32>
    %dot_general3A_41 = arith.constant dense<0.000000e+00> : vector<512x544xf32>
    %dot_general3A_42 = tpu.matmul %get3A_4, %get3A_7, %dot_general3A_41 {dimension_numbers = #tpu.dot_dimension_numbers<[1], [0], [0], [1], [0, 0, 1, 1], [], []>, transpose_lhs_hint = false} : vector<512x128xf32>, vector<128x544xf32>, vector<512x544xf32> -> vector<512x544xf32>
    %slice3A_43 = vector.extract_strided_slice %dot_general3A_42 {offsets = [0, 0], sizes = [512, 512], strides = [1, 1]} : vector<512x544xf32> to vector<512x512xf32>
    %mul3A_44 = arith.mulf %dot_general3A_40, %slice3A_43 : vector<512x512xf32>
    %slice3A_45 = vector.extract_strided_slice %mul3A_44 {offsets = [0, 0], sizes = [512, 256], strides = [1, 1]} : vector<512x512xf32> to vector<512x256xf32>
    %slice3A_46 = vector.extract_strided_slice %mul3A_44 {offsets = [0, 256], sizes = [512, 256], strides = [1, 1]} : vector<512x512xf32> to vector<512x256xf32>
    %add3A_47 = arith.addf %slice3A_45, %slice3A_46 : vector<512x256xf32>
    %slice3A_48 = vector.extract_strided_slice %add3A_47 {offsets = [0, 0], sizes = [512, 128], strides = [1, 1]} : vector<512x256xf32> to vector<512x128xf32>
    %slice3A_49 = vector.extract_strided_slice %add3A_47 {offsets = [0, 128], sizes = [512, 128], strides = [1, 1]} : vector<512x256xf32> to vector<512x128xf32>
    %add3A_50 = arith.addf %slice3A_48, %slice3A_49 : vector<512x128xf32>
    %slice3A_51 = vector.extract_strided_slice %add3A_50 {offsets = [0, 0], sizes = [512, 64], strides = [1, 1]} : vector<512x128xf32> to vector<512x64xf32>
    %slice3A_52 = vector.extract_strided_slice %add3A_50 {offsets = [0, 64], sizes = [512, 64], strides = [1, 1]} : vector<512x128xf32> to vector<512x64xf32>
    %add3A_53 = arith.addf %slice3A_51, %slice3A_52 : vector<512x64xf32>
    %slice3A_54 = vector.extract_strided_slice %add3A_53 {offsets = [0, 0], sizes = [512, 32], strides = [1, 1]} : vector<512x64xf32> to vector<512x32xf32>
    %slice3A_55 = vector.extract_strided_slice %add3A_53 {offsets = [0, 32], sizes = [512, 32], strides = [1, 1]} : vector<512x64xf32> to vector<512x32xf32>
    %add3A_56 = arith.addf %slice3A_54, %slice3A_55 : vector<512x32xf32>
    %slice3A_57 = vector.extract_strided_slice %dot_general3A_42 {offsets = [0, 512], sizes = [512, 32], strides = [1, 1]} : vector<512x544xf32> to vector<512x32xf32>
    %add3A_58 = arith.addf %add3A_56, %slice3A_57 : vector<512x32xf32>
    %get3A_59 = arith.constant 0 : index
    %get3A_60 = arith.constant 0 : index
    %get3A_61 = vector.load %arg5[%get3A_59, %get3A_60] : memref<16x512xf32, #tpu.memory_space<vmem>>, vector<16x512xf32>
    %get3A_62 = arith.constant 0 : index
    %get3A_63 = arith.constant 0 : index
    %get3A_64 = vector.load %arg8[%get3A_62, %get3A_63] : memref<16x512xf32, #tpu.memory_space<vmem>>, vector<16x512xf32>
    %dot_general3A_65 = arith.constant dense<0.000000e+00> : vector<512x512xf32>
    %dot_general3A_66 = tpu.matmul %get3A_61, %get3A_64, %dot_general3A_65 {dimension_numbers = #tpu.dot_dimension_numbers<[0], [0], [1], [1], [0, 1, 1, 1], [], []>, transpose_lhs_hint = false} : vector<16x512xf32>, vector<16x512xf32>, vector<512x512xf32> -> vector<512x512xf32>
    %dot_general3A_67 = arith.constant dense<0.000000e+00> : vector<512x544xf32>
    %dot_general3A_68 = tpu.matmul %get3A_1, %get3A_10, %dot_general3A_67 {dimension_numbers = #tpu.dot_dimension_numbers<[1], [0], [0], [1], [0, 0, 1, 1], [], []>, transpose_lhs_hint = false} : vector<512x128xf32>, vector<128x544xf32>, vector<512x544xf32> -> vector<512x544xf32>
    %slice3A_69 = vector.extract_strided_slice %dot_general3A_68 {offsets = [0, 0], sizes = [512, 512], strides = [1, 1]} : vector<512x544xf32> to vector<512x512xf32>
    %mul3A_70 = arith.mulf %dot_general3A_66, %slice3A_69 : vector<512x512xf32>
    %slice3A_71 = vector.extract_strided_slice %mul3A_70 {offsets = [0, 0], sizes = [512, 256], strides = [1, 1]} : vector<512x512xf32> to vector<512x256xf32>
    %slice3A_72 = vector.extract_strided_slice %mul3A_70 {offsets = [0, 256], sizes = [512, 256], strides = [1, 1]} : vector<512x512xf32> to vector<512x256xf32>
    %add3A_73 = arith.addf %slice3A_71, %slice3A_72 : vector<512x256xf32>
    %slice3A_74 = vector.extract_strided_slice %add3A_73 {offsets = [0, 0], sizes = [512, 128], strides = [1, 1]} : vector<512x256xf32> to vector<512x128xf32>
    %slice3A_75 = vector.extract_strided_slice %add3A_73 {offsets = [0, 128], sizes = [512, 128], strides = [1, 1]} : vector<512x256xf32> to vector<512x128xf32>
    %add3A_76 = arith.addf %slice3A_74, %slice3A_75 : vector<512x128xf32>
    %slice3A_77 = vector.extract_strided_slice %add3A_76 {offsets = [0, 0], sizes = [512, 64], strides = [1, 1]} : vector<512x128xf32> to vector<512x64xf32>
    %slice3A_78 = vector.extract_strided_slice %add3A_76 {offsets = [0, 64], sizes = [512, 64], strides = [1, 1]} : vector<512x128xf32> to vector<512x64xf32>
    %add3A_79 = arith.addf %slice3A_77, %slice3A_78 : vector<512x64xf32>
    %slice3A_80 = vector.extract_strided_slice %add3A_79 {offsets = [0, 0], sizes = [512, 32], strides = [1, 1]} : vector<512x64xf32> to vector<512x32xf32>
    %slice3A_81 = vector.extract_strided_slice %add3A_79 {offsets = [0, 32], sizes = [512, 32], strides = [1, 1]} : vector<512x64xf32> to vector<512x32xf32>
    %add3A_82 = arith.addf %slice3A_80, %slice3A_81 : vector<512x32xf32>
    %slice3A_83 = vector.extract_strided_slice %dot_general3A_68 {offsets = [0, 512], sizes = [512, 32], strides = [1, 1]} : vector<512x544xf32> to vector<512x32xf32>
    %add3A_84 = arith.addf %add3A_82, %slice3A_83 : vector<512x32xf32>
    %get3A_85 = arith.constant 0 : index
    %get3A_86 = arith.constant 0 : index
    %get3A_87 = vector.load %arg6[%get3A_85, %get3A_86] : memref<16x512xf32, #tpu.memory_space<vmem>>, vector<16x512xf32>
    %get3A_88 = arith.constant 0 : index
    %get3A_89 = arith.constant 0 : index
    %get3A_90 = vector.load %arg8[%get3A_88, %get3A_89] : memref<16x512xf32, #tpu.memory_space<vmem>>, vector<16x512xf32>
    %dot_general3A_91 = arith.constant dense<0.000000e+00> : vector<512x512xf32>
    %dot_general3A_92 = tpu.matmul %get3A_87, %get3A_90, %dot_general3A_91 {dimension_numbers = #tpu.dot_dimension_numbers<[0], [0], [1], [1], [0, 1, 1, 1], [], []>, transpose_lhs_hint = false} : vector<16x512xf32>, vector<16x512xf32>, vector<512x512xf32> -> vector<512x512xf32>
    %dot_general3A_93 = arith.constant dense<0.000000e+00> : vector<512x544xf32>
    %dot_general3A_94 = tpu.matmul %get3A_4, %get3A_10, %dot_general3A_93 {dimension_numbers = #tpu.dot_dimension_numbers<[1], [0], [0], [1], [0, 0, 1, 1], [], []>, transpose_lhs_hint = false} : vector<512x128xf32>, vector<128x544xf32>, vector<512x544xf32> -> vector<512x544xf32>
    %slice3A_95 = vector.extract_strided_slice %dot_general3A_94 {offsets = [0, 0], sizes = [512, 512], strides = [1, 1]} : vector<512x544xf32> to vector<512x512xf32>
    %mul3A_96 = arith.mulf %dot_general3A_92, %slice3A_95 : vector<512x512xf32>
    %slice3A_97 = vector.extract_strided_slice %mul3A_96 {offsets = [0, 0], sizes = [512, 256], strides = [1, 1]} : vector<512x512xf32> to vector<512x256xf32>
    %slice3A_98 = vector.extract_strided_slice %mul3A_96 {offsets = [0, 256], sizes = [512, 256], strides = [1, 1]} : vector<512x512xf32> to vector<512x256xf32>
    %add3A_99 = arith.addf %slice3A_97, %slice3A_98 : vector<512x256xf32>
    %slice3A_100 = vector.extract_strided_slice %add3A_99 {offsets = [0, 0], sizes = [512, 128], strides = [1, 1]} : vector<512x256xf32> to vector<512x128xf32>
    %slice3A_101 = vector.extract_strided_slice %add3A_99 {offsets = [0, 128], sizes = [512, 128], strides = [1, 1]} : vector<512x256xf32> to vector<512x128xf32>
    %add3A_102 = arith.addf %slice3A_100, %slice3A_101 : vector<512x128xf32>
    %slice3A_103 = vector.extract_strided_slice %add3A_102 {offsets = [0, 0], sizes = [512, 64], strides = [1, 1]} : vector<512x128xf32> to vector<512x64xf32>
    %slice3A_104 = vector.extract_strided_slice %add3A_102 {offsets = [0, 64], sizes = [512, 64], strides = [1, 1]} : vector<512x128xf32> to vector<512x64xf32>
    %add3A_105 = arith.addf %slice3A_103, %slice3A_104 : vector<512x64xf32>
    %slice3A_106 = vector.extract_strided_slice %add3A_105 {offsets = [0, 0], sizes = [512, 32], strides = [1, 1]} : vector<512x64xf32> to vector<512x32xf32>
    %slice3A_107 = vector.extract_strided_slice %add3A_105 {offsets = [0, 32], sizes = [512, 32], strides = [1, 1]} : vector<512x64xf32> to vector<512x32xf32>
    %add3A_108 = arith.addf %slice3A_106, %slice3A_107 : vector<512x32xf32>
    %slice3A_109 = vector.extract_strided_slice %dot_general3A_94 {offsets = [0, 512], sizes = [512, 32], strides = [1, 1]} : vector<512x544xf32> to vector<512x32xf32>
    %add3A_110 = arith.addf %add3A_108, %slice3A_109 : vector<512x32xf32>
    %concatenate3A = tpu.concatenate %add3A_32, %add3A_58, %add3A_84, %add3A_110 in 1 : vector<512x32xf32>, vector<512x32xf32>, vector<512x32xf32>, vector<512x32xf32> -> vector<512x128xf32>
    %swap3A = arith.constant 0 : index
    %swap3A_111 = arith.constant 0 : index
    %swap3A_112 = vector.load %arg9[%swap3A, %swap3A_111] : memref<512x128xf32, #tpu.memory_space<vmem>>, vector<512x128xf32>
    tpu.vector_store %arg9[%swap3A, %swap3A_111], %concatenate3A {strides = array<i32>} : memref<512x128xf32, #tpu.memory_space<vmem>>, vector<512x128xf32>,
    return
  }
  func.func @transform_0(%arg0: i32) -> (i32, i32) {
    %c0_i32 = arith.constant 0 : i32
    %c0_i32_0 = arith.constant 0 : i32
    return %arg0, %c0_i32 : i32, i32
  }
  func.func @transform_1(%arg0: i32) -> (i32, i32) {
    %add3A = arith.constant 80 : i32
    %add3A_0 = arith.addi %add3A, %arg0 : i32
    %c0_i32 = arith.constant 0 : i32
    %c0_i32_1 = arith.constant 0 : i32
    return %add3A_0, %c0_i32 : i32, i32
  }
  func.func @transform_2(%arg0: i32) -> (i32, i32) {
    %add3A = arith.constant 0 : i32
    %add3A_0 = arith.addi %add3A, %arg0 : i32
    %c0_i32 = arith.constant 0 : i32
    %c0_i32_1 = arith.constant 0 : i32
    return %c0_i32, %add3A_0 : i32, i32
  }
  func.func @transform_3(%arg0: i32) -> (i32, i32) {
    %add3A = arith.constant 80 : i32
    %add3A_0 = arith.addi %add3A, %arg0 : i32
    %c0_i32 = arith.constant 0 : i32
    %c0_i32_1 = arith.constant 0 : i32
    return %c0_i32, %add3A_0 : i32, i32
  }
  func.func @transform_4(%arg0: i32) -> (i32, i32) {
    %add3A = arith.constant 160 : i32
    %add3A_0 = arith.addi %add3A, %arg0 : i32
    %c0_i32 = arith.constant 0 : i32
    %c0_i32_1 = arith.constant 0 : i32
    return %c0_i32, %add3A_0 : i32, i32
  }
  func.func @transform_5(%arg0: i32) -> (i32, i32) {
    %add3A = arith.constant 240 : i32
    %add3A_0 = arith.addi %add3A, %arg0 : i32
    %c0_i32 = arith.constant 0 : i32
    %c0_i32_1 = arith.constant 0 : i32
    return %c0_i32, %add3A_0 : i32, i32
  }
  func.func @transform_6(%arg0: i32) -> (i32, i32) {
    %c0_i32 = arith.constant 0 : i32
    %c0_i32_0 = arith.constant 0 : i32
    %c0_i32_1 = arith.constant 0 : i32
    return %c0_i32, %c0_i32_0 : i32, i32
  }
  func.func @transform_7(%arg0: i32) -> (i32, i32) {
    %c0_i32 = arith.constant 0 : i32
    %c0_i32_0 = arith.constant 0 : i32
    %c0_i32_1 = arith.constant 0 : i32
    return %c0_i32, %c0_i32_0 : i32, i32
  }
  func.func @transform_8(%arg0: i32) -> (i32, i32) {
    %c0_i32 = arith.constant 0 : i32
    %c0_i32_0 = arith.constant 0 : i32
    return %arg0, %c0_i32 : i32, i32
  }
}

module attributes {stable_mosaic.version = 14 : i64} {
  func.func @_update_body(%arg0: memref<10000x64xf32, #tpu.memory_space<vmem>>, %arg1: memref<20480x32xf32, #tpu.memory_space<vmem>>, %arg2: memref<64x32xf32, #tpu.memory_space<vmem>>, %arg3: memref<1x32xf32, #tpu.memory_space<vmem>>, %arg4: memref<10000x32xf32, #tpu.memory_space<vmem>>) attributes {dimension_semantics = [], scalar_prefetch = 0 : i64, scratch_operands = 0 : i64, tpu.core_type = #tpu.core_type<tc>} {
    %get3A = arith.constant 0 : index
    %get3A_0 = arith.constant 0 : index
    %get3A_1 = vector.load %arg1[%get3A, %get3A_0] : memref<20480x32xf32, #tpu.memory_space<vmem>>, vector<10000x32xf32>
    %get3A_2 = arith.constant 10240 : index
    %get3A_3 = arith.constant 0 : index
    %get3A_4 = vector.load %arg1[%get3A_2, %get3A_3] : memref<20480x32xf32, #tpu.memory_space<vmem>>, vector<10000x32xf32>
    %add3A = arith.addf %get3A_1, %get3A_4 : vector<10000x32xf32>
    %get3A_5 = arith.constant 0 : index
    %get3A_6 = arith.constant 0 : index
    %get3A_7 = vector.load %arg0[%get3A_5, %get3A_6] : memref<10000x64xf32, #tpu.memory_space<vmem>>, vector<10000x64xf32>
    %get3A_8 = arith.constant 0 : index
    %get3A_9 = arith.constant 0 : index
    %get3A_10 = vector.load %arg2[%get3A_8, %get3A_9] : memref<64x32xf32, #tpu.memory_space<vmem>>, vector<64x32xf32>
    %dot_general3A = arith.constant dense<0.000000e+00> : vector<10000x32xf32>
    %dot_general3A_11 = tpu.matmul %get3A_7, %get3A_10, %dot_general3A {dimension_numbers = #tpu.dot_dimension_numbers<[1], [0], [0], [1], [0, 0, 1, 1], [], []>, transpose_lhs_hint = false} : vector<10000x64xf32>, vector<64x32xf32>, vector<10000x32xf32> -> vector<10000x32xf32>
    %add3A_12 = arith.addf %dot_general3A_11, %add3A : vector<10000x32xf32>
    %get3A_13 = arith.constant 0 : index
    %get3A_14 = arith.constant 0 : index
    %get3A_15 = vector.load %arg3[%get3A_13, %get3A_14] : memref<1x32xf32, #tpu.memory_space<vmem>>, vector<1x32xf32>
    %add3A_16 = vector.broadcast %get3A_15 : vector<1x32xf32> to vector<10000x32xf32>
    %add3A_17 = arith.addf %add3A_12, %add3A_16 : vector<10000x32xf32>
    %max3A = arith.constant 0.000000e+00 : f32
    %max3A_18 = vector.broadcast %max3A : f32 to vector<10000x32xf32>
    %max3A_19 = arith.maximumf %add3A_17, %max3A_18 : vector<10000x32xf32>
    %swap3A = arith.constant 0 : index
    %swap3A_20 = arith.constant 0 : index
    %swap3A_21 = vector.load %arg4[%swap3A, %swap3A_20] : memref<10000x32xf32, #tpu.memory_space<vmem>>, vector<10000x32xf32>
    tpu.vector_store %arg4[%swap3A, %swap3A_20], %max3A_19 {strides = array<i32>} : memref<10000x32xf32, #tpu.memory_space<vmem>>, vector<10000x32xf32>,
    return
  }
}

module attributes {stable_mosaic.version = 14 : i64} {
  func.func @_msg32_body(%arg0: i32, %arg1: memref<512x128xf32, #tpu.memory_space<vmem>>, %arg2: memref<16x512xf32, #tpu.memory_space<vmem>>, %arg3: memref<16x512xf32, #tpu.memory_space<vmem>>, %arg4: memref<16x512xf32, #tpu.memory_space<vmem>>, %arg5: memref<16x512xf32, #tpu.memory_space<vmem>>, %arg6: memref<512x544xf32, #tpu.memory_space<vmem>>, %arg7: memref<16x512xf32, #tpu.memory_space<vmem>>, %arg8: memref<512x128xf32, #tpu.memory_space<vmem>>) attributes {dimension_semantics = [#tpu.dimension_semantics<arbitrary>], iteration_bounds = array<i64: 80>, scalar_prefetch = 0 : i64, scratch_operands = 0 : i64, tpu.core_type = #tpu.core_type<tc>, window_params = [{transform_indices = @transform_0, window_bounds = array<i64: 512, 128>}, {transform_indices = @transform_1, window_bounds = array<i64: 16, 512>}, {transform_indices = @transform_2, window_bounds = array<i64: 16, 512>}, {transform_indices = @transform_3, window_bounds = array<i64: 16, 512>}, {transform_indices = @transform_4, window_bounds = array<i64: 16, 512>}, {pipeline_mode = #tpu.pipeline_mode<synchronous>, transform_indices = @transform_5, window_bounds = array<i64: 512, 544>}, {pipeline_mode = #tpu.pipeline_mode<synchronous>, transform_indices = @transform_6, window_bounds = array<i64: 16, 512>}, {transform_indices = @transform_7, window_bounds = array<i64: 512, 128>}]} {
    %get3A = arith.constant 0 : index
    %get3A_0 = arith.constant 0 : index
    %get3A_1 = vector.load %arg1[%get3A, %get3A_0] : memref<512x128xf32, #tpu.memory_space<vmem>>, vector<512x128xf32>
    %get3A_2 = arith.constant 0 : index
    %get3A_3 = arith.constant 0 : index
    %get3A_4 = vector.load %arg6[%get3A_2, %get3A_3] : memref<512x544xf32, #tpu.memory_space<vmem>>, vector<128x544xf32>
    %dot_general3A = arith.constant dense<0.000000e+00> : vector<512x544xf32>
    %dot_general3A_5 = tpu.matmul %get3A_1, %get3A_4, %dot_general3A {dimension_numbers = #tpu.dot_dimension_numbers<[1], [0], [0], [1], [0, 0, 1, 1], [], []>, transpose_lhs_hint = false} : vector<512x128xf32>, vector<128x544xf32>, vector<512x544xf32> -> vector<512x544xf32>
    %get3A_6 = arith.constant 0 : index
    %get3A_7 = arith.constant 0 : index
    %get3A_8 = vector.load %arg2[%get3A_6, %get3A_7] : memref<16x512xf32, #tpu.memory_space<vmem>>, vector<16x512xf32>
    %get3A_9 = arith.constant 0 : index
    %get3A_10 = arith.constant 0 : index
    %get3A_11 = vector.load %arg7[%get3A_9, %get3A_10] : memref<16x512xf32, #tpu.memory_space<vmem>>, vector<16x512xf32>
    %dot_general3A_12 = arith.constant dense<0.000000e+00> : vector<512x512xf32>
    %dot_general3A_13 = tpu.matmul %get3A_8, %get3A_11, %dot_general3A_12 {dimension_numbers = #tpu.dot_dimension_numbers<[0], [0], [1], [1], [0, 1, 1, 1], [], []>, transpose_lhs_hint = false} : vector<16x512xf32>, vector<16x512xf32>, vector<512x512xf32> -> vector<512x512xf32>
    %slice3A = vector.extract_strided_slice %dot_general3A_5 {offsets = [0, 0], sizes = [512, 512], strides = [1, 1]} : vector<512x544xf32> to vector<512x512xf32>
    %mul3A = arith.mulf %dot_general3A_13, %slice3A : vector<512x512xf32>
    %slice3A_14 = vector.extract_strided_slice %mul3A {offsets = [0, 0], sizes = [512, 256], strides = [1, 1]} : vector<512x512xf32> to vector<512x256xf32>
    %slice3A_15 = vector.extract_strided_slice %mul3A {offsets = [0, 256], sizes = [512, 256], strides = [1, 1]} : vector<512x512xf32> to vector<512x256xf32>
    %add3A = arith.addf %slice3A_14, %slice3A_15 : vector<512x256xf32>
    %slice3A_16 = vector.extract_strided_slice %add3A {offsets = [0, 0], sizes = [512, 128], strides = [1, 1]} : vector<512x256xf32> to vector<512x128xf32>
    %slice3A_17 = vector.extract_strided_slice %add3A {offsets = [0, 128], sizes = [512, 128], strides = [1, 1]} : vector<512x256xf32> to vector<512x128xf32>
    %add3A_18 = arith.addf %slice3A_16, %slice3A_17 : vector<512x128xf32>
    %slice3A_19 = vector.extract_strided_slice %add3A_18 {offsets = [0, 0], sizes = [512, 64], strides = [1, 1]} : vector<512x128xf32> to vector<512x64xf32>
    %slice3A_20 = vector.extract_strided_slice %add3A_18 {offsets = [0, 64], sizes = [512, 64], strides = [1, 1]} : vector<512x128xf32> to vector<512x64xf32>
    %add3A_21 = arith.addf %slice3A_19, %slice3A_20 : vector<512x64xf32>
    %slice3A_22 = vector.extract_strided_slice %add3A_21 {offsets = [0, 0], sizes = [512, 32], strides = [1, 1]} : vector<512x64xf32> to vector<512x32xf32>
    %slice3A_23 = vector.extract_strided_slice %add3A_21 {offsets = [0, 32], sizes = [512, 32], strides = [1, 1]} : vector<512x64xf32> to vector<512x32xf32>
    %add3A_24 = arith.addf %slice3A_22, %slice3A_23 : vector<512x32xf32>
    %slice3A_25 = vector.extract_strided_slice %dot_general3A_5 {offsets = [0, 512], sizes = [512, 32], strides = [1, 1]} : vector<512x544xf32> to vector<512x32xf32>
    %add3A_26 = arith.addf %add3A_24, %slice3A_25 : vector<512x32xf32>
    %get3A_27 = arith.constant 128 : index
    %get3A_28 = arith.constant 0 : index
    %get3A_29 = vector.load %arg6[%get3A_27, %get3A_28] : memref<512x544xf32, #tpu.memory_space<vmem>>, vector<128x544xf32>
    %dot_general3A_30 = arith.constant dense<0.000000e+00> : vector<512x544xf32>
    %dot_general3A_31 = tpu.matmul %get3A_1, %get3A_29, %dot_general3A_30 {dimension_numbers = #tpu.dot_dimension_numbers<[1], [0], [0], [1], [0, 0, 1, 1], [], []>, transpose_lhs_hint = false} : vector<512x128xf32>, vector<128x544xf32>, vector<512x544xf32> -> vector<512x544xf32>
    %get3A_32 = arith.constant 0 : index
    %get3A_33 = arith.constant 0 : index
    %get3A_34 = vector.load %arg3[%get3A_32, %get3A_33] : memref<16x512xf32, #tpu.memory_space<vmem>>, vector<16x512xf32>
    %get3A_35 = arith.constant 0 : index
    %get3A_36 = arith.constant 0 : index
    %get3A_37 = vector.load %arg7[%get3A_35, %get3A_36] : memref<16x512xf32, #tpu.memory_space<vmem>>, vector<16x512xf32>
    %dot_general3A_38 = arith.constant dense<0.000000e+00> : vector<512x512xf32>
    %dot_general3A_39 = tpu.matmul %get3A_34, %get3A_37, %dot_general3A_38 {dimension_numbers = #tpu.dot_dimension_numbers<[0], [0], [1], [1], [0, 1, 1, 1], [], []>, transpose_lhs_hint = false} : vector<16x512xf32>, vector<16x512xf32>, vector<512x512xf32> -> vector<512x512xf32>
    %slice3A_40 = vector.extract_strided_slice %dot_general3A_31 {offsets = [0, 0], sizes = [512, 512], strides = [1, 1]} : vector<512x544xf32> to vector<512x512xf32>
    %mul3A_41 = arith.mulf %dot_general3A_39, %slice3A_40 : vector<512x512xf32>
    %slice3A_42 = vector.extract_strided_slice %mul3A_41 {offsets = [0, 0], sizes = [512, 256], strides = [1, 1]} : vector<512x512xf32> to vector<512x256xf32>
    %slice3A_43 = vector.extract_strided_slice %mul3A_41 {offsets = [0, 256], sizes = [512, 256], strides = [1, 1]} : vector<512x512xf32> to vector<512x256xf32>
    %add3A_44 = arith.addf %slice3A_42, %slice3A_43 : vector<512x256xf32>
    %slice3A_45 = vector.extract_strided_slice %add3A_44 {offsets = [0, 0], sizes = [512, 128], strides = [1, 1]} : vector<512x256xf32> to vector<512x128xf32>
    %slice3A_46 = vector.extract_strided_slice %add3A_44 {offsets = [0, 128], sizes = [512, 128], strides = [1, 1]} : vector<512x256xf32> to vector<512x128xf32>
    %add3A_47 = arith.addf %slice3A_45, %slice3A_46 : vector<512x128xf32>
    %slice3A_48 = vector.extract_strided_slice %add3A_47 {offsets = [0, 0], sizes = [512, 64], strides = [1, 1]} : vector<512x128xf32> to vector<512x64xf32>
    %slice3A_49 = vector.extract_strided_slice %add3A_47 {offsets = [0, 64], sizes = [512, 64], strides = [1, 1]} : vector<512x128xf32> to vector<512x64xf32>
    %add3A_50 = arith.addf %slice3A_48, %slice3A_49 : vector<512x64xf32>
    %slice3A_51 = vector.extract_strided_slice %add3A_50 {offsets = [0, 0], sizes = [512, 32], strides = [1, 1]} : vector<512x64xf32> to vector<512x32xf32>
    %slice3A_52 = vector.extract_strided_slice %add3A_50 {offsets = [0, 32], sizes = [512, 32], strides = [1, 1]} : vector<512x64xf32> to vector<512x32xf32>
    %add3A_53 = arith.addf %slice3A_51, %slice3A_52 : vector<512x32xf32>
    %slice3A_54 = vector.extract_strided_slice %dot_general3A_31 {offsets = [0, 512], sizes = [512, 32], strides = [1, 1]} : vector<512x544xf32> to vector<512x32xf32>
    %add3A_55 = arith.addf %add3A_53, %slice3A_54 : vector<512x32xf32>
    %get3A_56 = arith.constant 256 : index
    %get3A_57 = arith.constant 0 : index
    %get3A_58 = vector.load %arg6[%get3A_56, %get3A_57] : memref<512x544xf32, #tpu.memory_space<vmem>>, vector<128x544xf32>
    %dot_general3A_59 = arith.constant dense<0.000000e+00> : vector<512x544xf32>
    %dot_general3A_60 = tpu.matmul %get3A_1, %get3A_58, %dot_general3A_59 {dimension_numbers = #tpu.dot_dimension_numbers<[1], [0], [0], [1], [0, 0, 1, 1], [], []>, transpose_lhs_hint = false} : vector<512x128xf32>, vector<128x544xf32>, vector<512x544xf32> -> vector<512x544xf32>
    %get3A_61 = arith.constant 0 : index
    %get3A_62 = arith.constant 0 : index
    %get3A_63 = vector.load %arg4[%get3A_61, %get3A_62] : memref<16x512xf32, #tpu.memory_space<vmem>>, vector<16x512xf32>
    %get3A_64 = arith.constant 0 : index
    %get3A_65 = arith.constant 0 : index
    %get3A_66 = vector.load %arg7[%get3A_64, %get3A_65] : memref<16x512xf32, #tpu.memory_space<vmem>>, vector<16x512xf32>
    %dot_general3A_67 = arith.constant dense<0.000000e+00> : vector<512x512xf32>
    %dot_general3A_68 = tpu.matmul %get3A_63, %get3A_66, %dot_general3A_67 {dimension_numbers = #tpu.dot_dimension_numbers<[0], [0], [1], [1], [0, 1, 1, 1], [], []>, transpose_lhs_hint = false} : vector<16x512xf32>, vector<16x512xf32>, vector<512x512xf32> -> vector<512x512xf32>
    %slice3A_69 = vector.extract_strided_slice %dot_general3A_60 {offsets = [0, 0], sizes = [512, 512], strides = [1, 1]} : vector<512x544xf32> to vector<512x512xf32>
    %mul3A_70 = arith.mulf %dot_general3A_68, %slice3A_69 : vector<512x512xf32>
    %slice3A_71 = vector.extract_strided_slice %mul3A_70 {offsets = [0, 0], sizes = [512, 256], strides = [1, 1]} : vector<512x512xf32> to vector<512x256xf32>
    %slice3A_72 = vector.extract_strided_slice %mul3A_70 {offsets = [0, 256], sizes = [512, 256], strides = [1, 1]} : vector<512x512xf32> to vector<512x256xf32>
    %add3A_73 = arith.addf %slice3A_71, %slice3A_72 : vector<512x256xf32>
    %slice3A_74 = vector.extract_strided_slice %add3A_73 {offsets = [0, 0], sizes = [512, 128], strides = [1, 1]} : vector<512x256xf32> to vector<512x128xf32>
    %slice3A_75 = vector.extract_strided_slice %add3A_73 {offsets = [0, 128], sizes = [512, 128], strides = [1, 1]} : vector<512x256xf32> to vector<512x128xf32>
    %add3A_76 = arith.addf %slice3A_74, %slice3A_75 : vector<512x128xf32>
    %slice3A_77 = vector.extract_strided_slice %add3A_76 {offsets = [0, 0], sizes = [512, 64], strides = [1, 1]} : vector<512x128xf32> to vector<512x64xf32>
    %slice3A_78 = vector.extract_strided_slice %add3A_76 {offsets = [0, 64], sizes = [512, 64], strides = [1, 1]} : vector<512x128xf32> to vector<512x64xf32>
    %add3A_79 = arith.addf %slice3A_77, %slice3A_78 : vector<512x64xf32>
    %slice3A_80 = vector.extract_strided_slice %add3A_79 {offsets = [0, 0], sizes = [512, 32], strides = [1, 1]} : vector<512x64xf32> to vector<512x32xf32>
    %slice3A_81 = vector.extract_strided_slice %add3A_79 {offsets = [0, 32], sizes = [512, 32], strides = [1, 1]} : vector<512x64xf32> to vector<512x32xf32>
    %add3A_82 = arith.addf %slice3A_80, %slice3A_81 : vector<512x32xf32>
    %slice3A_83 = vector.extract_strided_slice %dot_general3A_60 {offsets = [0, 512], sizes = [512, 32], strides = [1, 1]} : vector<512x544xf32> to vector<512x32xf32>
    %add3A_84 = arith.addf %add3A_82, %slice3A_83 : vector<512x32xf32>
    %get3A_85 = arith.constant 384 : index
    %get3A_86 = arith.constant 0 : index
    %get3A_87 = vector.load %arg6[%get3A_85, %get3A_86] : memref<512x544xf32, #tpu.memory_space<vmem>>, vector<128x544xf32>
    %dot_general3A_88 = arith.constant dense<0.000000e+00> : vector<512x544xf32>
    %dot_general3A_89 = tpu.matmul %get3A_1, %get3A_87, %dot_general3A_88 {dimension_numbers = #tpu.dot_dimension_numbers<[1], [0], [0], [1], [0, 0, 1, 1], [], []>, transpose_lhs_hint = false} : vector<512x128xf32>, vector<128x544xf32>, vector<512x544xf32> -> vector<512x544xf32>
    %get3A_90 = arith.constant 0 : index
    %get3A_91 = arith.constant 0 : index
    %get3A_92 = vector.load %arg5[%get3A_90, %get3A_91] : memref<16x512xf32, #tpu.memory_space<vmem>>, vector<16x512xf32>
    %get3A_93 = arith.constant 0 : index
    %get3A_94 = arith.constant 0 : index
    %get3A_95 = vector.load %arg7[%get3A_93, %get3A_94] : memref<16x512xf32, #tpu.memory_space<vmem>>, vector<16x512xf32>
    %dot_general3A_96 = arith.constant dense<0.000000e+00> : vector<512x512xf32>
    %dot_general3A_97 = tpu.matmul %get3A_92, %get3A_95, %dot_general3A_96 {dimension_numbers = #tpu.dot_dimension_numbers<[0], [0], [1], [1], [0, 1, 1, 1], [], []>, transpose_lhs_hint = false} : vector<16x512xf32>, vector<16x512xf32>, vector<512x512xf32> -> vector<512x512xf32>
    %slice3A_98 = vector.extract_strided_slice %dot_general3A_89 {offsets = [0, 0], sizes = [512, 512], strides = [1, 1]} : vector<512x544xf32> to vector<512x512xf32>
    %mul3A_99 = arith.mulf %dot_general3A_97, %slice3A_98 : vector<512x512xf32>
    %slice3A_100 = vector.extract_strided_slice %mul3A_99 {offsets = [0, 0], sizes = [512, 256], strides = [1, 1]} : vector<512x512xf32> to vector<512x256xf32>
    %slice3A_101 = vector.extract_strided_slice %mul3A_99 {offsets = [0, 256], sizes = [512, 256], strides = [1, 1]} : vector<512x512xf32> to vector<512x256xf32>
    %add3A_102 = arith.addf %slice3A_100, %slice3A_101 : vector<512x256xf32>
    %slice3A_103 = vector.extract_strided_slice %add3A_102 {offsets = [0, 0], sizes = [512, 128], strides = [1, 1]} : vector<512x256xf32> to vector<512x128xf32>
    %slice3A_104 = vector.extract_strided_slice %add3A_102 {offsets = [0, 128], sizes = [512, 128], strides = [1, 1]} : vector<512x256xf32> to vector<512x128xf32>
    %add3A_105 = arith.addf %slice3A_103, %slice3A_104 : vector<512x128xf32>
    %slice3A_106 = vector.extract_strided_slice %add3A_105 {offsets = [0, 0], sizes = [512, 64], strides = [1, 1]} : vector<512x128xf32> to vector<512x64xf32>
    %slice3A_107 = vector.extract_strided_slice %add3A_105 {offsets = [0, 64], sizes = [512, 64], strides = [1, 1]} : vector<512x128xf32> to vector<512x64xf32>
    %add3A_108 = arith.addf %slice3A_106, %slice3A_107 : vector<512x64xf32>
    %slice3A_109 = vector.extract_strided_slice %add3A_108 {offsets = [0, 0], sizes = [512, 32], strides = [1, 1]} : vector<512x64xf32> to vector<512x32xf32>
    %slice3A_110 = vector.extract_strided_slice %add3A_108 {offsets = [0, 32], sizes = [512, 32], strides = [1, 1]} : vector<512x64xf32> to vector<512x32xf32>
    %add3A_111 = arith.addf %slice3A_109, %slice3A_110 : vector<512x32xf32>
    %slice3A_112 = vector.extract_strided_slice %dot_general3A_89 {offsets = [0, 512], sizes = [512, 32], strides = [1, 1]} : vector<512x544xf32> to vector<512x32xf32>
    %add3A_113 = arith.addf %add3A_111, %slice3A_112 : vector<512x32xf32>
    %concatenate3A = tpu.concatenate %add3A_26, %add3A_55, %add3A_84, %add3A_113 in 1 : vector<512x32xf32>, vector<512x32xf32>, vector<512x32xf32>, vector<512x32xf32> -> vector<512x128xf32>
    %swap3A = arith.constant 0 : index
    %swap3A_114 = arith.constant 0 : index
    %swap3A_115 = vector.load %arg8[%swap3A, %swap3A_114] : memref<512x128xf32, #tpu.memory_space<vmem>>, vector<512x128xf32>
    tpu.vector_store %arg8[%swap3A, %swap3A_114], %concatenate3A {strides = array<i32>} : memref<512x128xf32, #tpu.memory_space<vmem>>, vector<512x128xf32>,
    return
  }
  func.func @transform_0(%arg0: i32) -> (i32, i32) {
    %c0_i32 = arith.constant 0 : i32
    %c0_i32_0 = arith.constant 0 : i32
    return %arg0, %c0_i32 : i32, i32
  }
  func.func @transform_1(%arg0: i32) -> (i32, i32) {
    %add3A = arith.constant 0 : i32
    %add3A_0 = arith.addi %add3A, %arg0 : i32
    %c0_i32 = arith.constant 0 : i32
    %c0_i32_1 = arith.constant 0 : i32
    return %c0_i32, %add3A_0 : i32, i32
  }
  func.func @transform_2(%arg0: i32) -> (i32, i32) {
    %add3A = arith.constant 80 : i32
    %add3A_0 = arith.addi %add3A, %arg0 : i32
    %c0_i32 = arith.constant 0 : i32
    %c0_i32_1 = arith.constant 0 : i32
    return %c0_i32, %add3A_0 : i32, i32
  }
  func.func @transform_3(%arg0: i32) -> (i32, i32) {
    %add3A = arith.constant 160 : i32
    %add3A_0 = arith.addi %add3A, %arg0 : i32
    %c0_i32 = arith.constant 0 : i32
    %c0_i32_1 = arith.constant 0 : i32
    return %c0_i32, %add3A_0 : i32, i32
  }
  func.func @transform_4(%arg0: i32) -> (i32, i32) {
    %add3A = arith.constant 240 : i32
    %add3A_0 = arith.addi %add3A, %arg0 : i32
    %c0_i32 = arith.constant 0 : i32
    %c0_i32_1 = arith.constant 0 : i32
    return %c0_i32, %add3A_0 : i32, i32
  }
  func.func @transform_5(%arg0: i32) -> (i32, i32) {
    %c0_i32 = arith.constant 0 : i32
    %c0_i32_0 = arith.constant 0 : i32
    %c0_i32_1 = arith.constant 0 : i32
    return %c0_i32, %c0_i32_0 : i32, i32
  }
  func.func @transform_6(%arg0: i32) -> (i32, i32) {
    %c0_i32 = arith.constant 0 : i32
    %c0_i32_0 = arith.constant 0 : i32
    %c0_i32_1 = arith.constant 0 : i32
    return %c0_i32, %c0_i32_0 : i32, i32
  }
  func.func @transform_7(%arg0: i32) -> (i32, i32) {
    %c0_i32 = arith.constant 0 : i32
    %c0_i32_0 = arith.constant 0 : i32
    return %arg0, %c0_i32 : i32, i32
  }
}

module attributes {stable_mosaic.version = 14 : i64} {
  func.func @_final_body(%arg0: memref<10000x32xf32, #tpu.memory_space<vmem>>, %arg1: memref<20480x32xf32, #tpu.memory_space<vmem>>, %arg2: memref<32x32xf32, #tpu.memory_space<vmem>>, %arg3: memref<1x32xf32, #tpu.memory_space<vmem>>, %arg4: memref<1x10000xi32, #tpu.memory_space<vmem>>, %arg5: memref<32x16xf32, #tpu.memory_space<vmem>>, %arg6: memref<1x16xf32, #tpu.memory_space<vmem>>, %arg7: memref<16x1xf32, #tpu.memory_space<vmem>>, %arg8: memref<1x1xf32, #tpu.memory_space<vmem>>, %arg9: memref<64x1xf32, #tpu.memory_space<vmem>>) attributes {dimension_semantics = [], scalar_prefetch = 0 : i64, scratch_operands = 0 : i64, tpu.core_type = #tpu.core_type<tc>} {
    %get3A = arith.constant 0 : index
    %get3A_0 = arith.constant 0 : index
    %get3A_1 = vector.load %arg1[%get3A, %get3A_0] : memref<20480x32xf32, #tpu.memory_space<vmem>>, vector<10000x32xf32>
    %get3A_2 = arith.constant 10240 : index
    %get3A_3 = arith.constant 0 : index
    %get3A_4 = vector.load %arg1[%get3A_2, %get3A_3] : memref<20480x32xf32, #tpu.memory_space<vmem>>, vector<10000x32xf32>
    %add3A = arith.addf %get3A_1, %get3A_4 : vector<10000x32xf32>
    %get3A_5 = arith.constant 0 : index
    %get3A_6 = arith.constant 0 : index
    %get3A_7 = vector.load %arg0[%get3A_5, %get3A_6] : memref<10000x32xf32, #tpu.memory_space<vmem>>, vector<10000x32xf32>
    %get3A_8 = arith.constant 0 : index
    %get3A_9 = arith.constant 0 : index
    %get3A_10 = vector.load %arg2[%get3A_8, %get3A_9] : memref<32x32xf32, #tpu.memory_space<vmem>>, vector<32x32xf32>
    %dot_general3A = arith.constant dense<0.000000e+00> : vector<10000x32xf32>
    %dot_general3A_11 = tpu.matmul %get3A_7, %get3A_10, %dot_general3A {dimension_numbers = #tpu.dot_dimension_numbers<[1], [0], [0], [1], [0, 0, 1, 1], [], []>, transpose_lhs_hint = false} : vector<10000x32xf32>, vector<32x32xf32>, vector<10000x32xf32> -> vector<10000x32xf32>
    %add3A_12 = arith.addf %dot_general3A_11, %add3A : vector<10000x32xf32>
    %get3A_13 = arith.constant 0 : index
    %get3A_14 = arith.constant 0 : index
    %get3A_15 = vector.load %arg3[%get3A_13, %get3A_14] : memref<1x32xf32, #tpu.memory_space<vmem>>, vector<1x32xf32>
    %add3A_16 = vector.broadcast %get3A_15 : vector<1x32xf32> to vector<10000x32xf32>
    %add3A_17 = arith.addf %add3A_12, %add3A_16 : vector<10000x32xf32>
    %get3A_18 = arith.constant 0 : index
    %get3A_19 = arith.constant 0 : index
    %get3A_20 = vector.load %arg4[%get3A_18, %get3A_19] : memref<1x10000xi32, #tpu.memory_space<vmem>>, vector<1x10000xi32>
    %broadcast_in_dim3A = vector.shape_cast %get3A_20 : vector<1x10000xi32> to vector<1x10000xi32>
    %broadcast_in_dim3A_21 = vector.broadcast %broadcast_in_dim3A : vector<1x10000xi32> to vector<64x10000xi32>
    %iota3A = tpu.iota {dimensions = array<i32: 0>} : vector<64x10000xi32>
    %eq3A = arith.cmpi eq, %iota3A, %broadcast_in_dim3A_21 : vector<64x10000xi32>
    %convert_element_type3A = arith.extui %eq3A : vector<64x10000xi1> to vector<64x10000xi32>
    %convert_element_type3A_22 = arith.sitofp %convert_element_type3A : vector<64x10000xi32> to vector<64x10000xf32>
    %dot_general3A_23 = arith.constant dense<0.000000e+00> : vector<64x32xf32>
    %dot_general3A_24 = tpu.matmul %convert_element_type3A_22, %add3A_17, %dot_general3A_23 {dimension_numbers = #tpu.dot_dimension_numbers<[1], [0], [0], [1], [0, 0, 1, 1], [], []>, transpose_lhs_hint = false} : vector<64x10000xf32>, vector<10000x32xf32>, vector<64x32xf32> -> vector<64x32xf32>
    %reduce_sum3A = arith.constant dense<0.000000e+00> : vector<64xf32>
    %reduce_sum3A_25 = vector.multi_reduction <add>, %convert_element_type3A_22, %reduce_sum3A [1] : vector<64x10000xf32> to vector<64xf32>
    %broadcast_in_dim3A_26 = vector.shape_cast %reduce_sum3A_25 : vector<64xf32> to vector<64x1xf32>
    %max3A = arith.constant 1.000000e+00 : f32
    %max3A_27 = vector.broadcast %max3A : f32 to vector<64x1xf32>
    %max3A_28 = arith.maximumf %broadcast_in_dim3A_26, %max3A_27 : vector<64x1xf32>
    %div3A = vector.broadcast %max3A_28 : vector<64x1xf32> to vector<64x32xf32>
    %div3A_29 = arith.divf %dot_general3A_24, %div3A : vector<64x32xf32>
    %get3A_30 = arith.constant 0 : index
    %get3A_31 = arith.constant 0 : index
    %get3A_32 = vector.load %arg5[%get3A_30, %get3A_31] : memref<32x16xf32, #tpu.memory_space<vmem>>, vector<32x16xf32>
    %dot_general3A_33 = arith.constant dense<0.000000e+00> : vector<64x16xf32>
    %dot_general3A_34 = tpu.matmul %div3A_29, %get3A_32, %dot_general3A_33 {dimension_numbers = #tpu.dot_dimension_numbers<[1], [0], [0], [1], [0, 0, 1, 1], [], []>, transpose_lhs_hint = false} : vector<64x32xf32>, vector<32x16xf32>, vector<64x16xf32> -> vector<64x16xf32>
    %get3A_35 = arith.constant 0 : index
    %get3A_36 = arith.constant 0 : index
    %get3A_37 = vector.load %arg6[%get3A_35, %get3A_36] : memref<1x16xf32, #tpu.memory_space<vmem>>, vector<1x16xf32>
    %add3A_38 = vector.broadcast %get3A_37 : vector<1x16xf32> to vector<64x16xf32>
    %add3A_39 = arith.addf %dot_general3A_34, %add3A_38 : vector<64x16xf32>
    %max3A_40 = arith.constant 0.000000e+00 : f32
    %max3A_41 = vector.broadcast %max3A_40 : f32 to vector<64x16xf32>
    %max3A_42 = arith.maximumf %add3A_39, %max3A_41 : vector<64x16xf32>
    %get3A_43 = arith.constant 0 : index
    %get3A_44 = arith.constant 0 : index
    %get3A_45 = vector.load %arg7[%get3A_43, %get3A_44] : memref<16x1xf32, #tpu.memory_space<vmem>>, vector<16x1xf32>
    %dot_general3A_46 = arith.constant dense<0.000000e+00> : vector<64x1xf32>
    %dot_general3A_47 = tpu.matmul %max3A_42, %get3A_45, %dot_general3A_46 {dimension_numbers = #tpu.dot_dimension_numbers<[1], [0], [0], [1], [0, 0, 1, 1], [], []>, transpose_lhs_hint = false} : vector<64x16xf32>, vector<16x1xf32>, vector<64x1xf32> -> vector<64x1xf32>
    %get3A_48 = arith.constant 0 : index
    %get3A_49 = arith.constant 0 : index
    %get3A_50 = vector.load %arg8[%get3A_48, %get3A_49] : memref<1x1xf32, #tpu.memory_space<vmem>>, vector<1x1xf32>
    %add3A_51 = vector.broadcast %get3A_50 : vector<1x1xf32> to vector<64x1xf32>
    %add3A_52 = arith.addf %dot_general3A_47, %add3A_51 : vector<64x1xf32>
    %logistic3A = arith.negf %add3A_52 : vector<64x1xf32>
    %logistic3A_53 = math.exp %logistic3A : vector<64x1xf32>
    %logistic3A_54 = arith.constant 1.000000e+00 : f32
    %logistic3A_55 = vector.broadcast %logistic3A_54 : f32 to vector<64x1xf32>
    %logistic3A_56 = arith.addf %logistic3A_55, %logistic3A_53 : vector<64x1xf32>
    %logistic3A_57 = arith.divf %logistic3A_55, %logistic3A_56 : vector<64x1xf32>
    %swap3A = arith.constant 0 : index
    %swap3A_58 = arith.constant 0 : index
    %swap3A_59 = vector.load %arg9[%swap3A, %swap3A_58] : memref<64x1xf32, #tpu.memory_space<vmem>>, vector<64x1xf32>
    tpu.vector_store %arg9[%swap3A, %swap3A_58], %logistic3A_57 {strides = array<i32>} : memref<64x1xf32, #tpu.memory_space<vmem>>, vector<64x1xf32>,
    return
  }
}

</mosaic_0001>

<sc_bundles>
// kernel: kernel.10.cloned.1.call-start
scs
__scs_entry_jumppad:
0x0: {  	(pc) =	sbr.rel $0x88, $3  }
0x1: {  	(tag) =	ssettag $0x0;
	lr =	simm.s32 $0x1  }
0x2: {  	[smem:$0x3F91] =	sst lr;
	_ =	strace $0xD0000000  }
0x3: {  	_ = 	snop  }
0x4: {  	_ = 	snop  }
0x5: {  	_ = 	snop  }
0x6: {  	_ = 	snop  }
0x7: {  	_ = 	snop  }
__scs_overlays_trampoline_lowered:
0x8: {  	[smem:$0x3FA0] =	sst s0  }
0x9: {  	[smem:$0x3FA1] =	sst s1  }
0xa: {  	[smem:$0x3FA2] =	sst s2  }
0xb: {  	[smem:$0x3FA3] =	sst s3  }
0xc: {  	[smem:$0x3FA4] =	sst s4  }
0xd: {  	[smem:$0x3FA5] =	sst s5  }
0xe: {  	[smem:$0x3FA6] =	sst s6  }
0xf: {  	[smem:$0x3FA7] =	sst s7  }
0x10: {  	[smem:$0x3FA8] =	sst s8  }
0x11: {  	[smem:$0x3FA9] =	sst s9;
	s0 =	simm.s32 @!p0 $0x0  }
0x12: {  	s1 =	sld [smem:$0x3F8F];
	s0 =	simm.s32 @p0 $0x1  }
0x13: {  	[smem:$0x3FAA] =	sst s0;
	s0 =	simm.s32 @!p1 $0x0  }
0x14: {  	s2 =	sld [smem:$0x3F8E];
	s0 =	simm.s32 @p1 $0x1  }
0x15: {  	[smem:$0x3FAB] =	sst s0;
	s0 =	simm.s32 @!p2 $0x0  }
0x16: {  	s3 =	sld [smem:$0x3FDB];
	s0 =	simm.s32 @p2 $0x1  }
0x17: {  	s4 =	simm.s32 $0x1BF5;
	[smem:$0x3FAD] =	sst s0  }
0x18: {  	s0 =	sld [smem:$0x3F90];
	_ =	swait.ge [sflag:s4], $0x0  }
0x19: {  	s7 =	sld [smem:$0x3F91]  }
0x1a: {  	s8 =	sadd.s32 $0xFFFFE003, lr  }
0x1b: {  	s9 =	sadd.s32 $0xFFFFFEF7, lr;
	s5 =	simm.s32 $0xFFFFFFFF;
	p2 =	slt.u32 s8, $0xFFFFF086  }
0x1c: {  	p1 =	slt.u32 s9, $0xF7A;
	s5 =	simm.s32 @!p2 $0x0  }
0x1d: {  	s5 =	simm.s32 @p1 $0x1;
	p0 =	seq.s32 s7, s2  }
0x1e: {  	s7 =	smul.u32 @!p0 $0xF7A, s2;
	p2 =	seq.s32 @!p0 s5, $0x0  }
0x1f: {  	s9 =	smul.u32 $0xF7A, s1;
	s8 =	simm.s32 @!p0 $0x1BF5;
	p2 =	por !p2, p0  }
0x20: {  	[sflag:s8] =	ssyncset.s32 @!p0 $0xFFFFF086;
	s6 =	sadd.s32 @!p0 s3, s7;
	s7 =	simm.s32 @!p0 $0x108  }
0x21: {  	s3 =	sadd.s32 s3, s9;
	s6 =	sadd.s32 @!p0 $0x88, s6;
	s7 =	simm.s32 @p2 $0x1082  }
0x22: {  	[simem:s7], [sflag:s8] =	dma.local @!p0 [hbm:s6], $0xF7A  }
0x23: {  	s9 =	sor.u32 $0xD0000000, s2;
	s6 =	simm.s32 $0x108;
	_ =	swait.ge @!p0 [sflag:s8], $0x0  }
0x24: {  	s3 =	sadd.s32 $0x88, s3;
	s6 =	simm.s32 @!p1 $0x1082;
	[sflag:s4] =	ssyncset.s32 $0xFFFFF086  }
0x25: {  	[simem:s6], [sflag:s4] =	dma.local [hbm:s3], $0xF7A  }
0x26: {  	[smem:$0x3F91] =	sst s1;
	(tag) =	ssettag s2;
	_ =	strace s9  }
0x27: {  	s1 =	sld [smem:$0x3FA1]  }
0x28: {  	s2 =	sld [smem:$0x3FA2]  }
0x29: {  	s4 =	sld [smem:$0x3FA4]  }
0x2a: {  	p0 =	seq.s32 s5, $0x0;
	s5 =	sld [smem:$0x3FA5]  }
0x2b: {  	s6 =	sld [smem:$0x3FA6]  }
0x2c: {  	s7 =	sld [smem:$0x3FA7]  }
0x2d: {  	s3 =	simm.s32 $0x108;
	s8 =	sld [smem:$0x3FA8]  }
0x2e: {  	s3 =	simm.s32 @!p0 $0x1082;
	s9 =	sld [smem:$0x3FA9]  }
0x2f: {  	lr =	sadd.s32 s0, s3;
	s0 =	sld [smem:$0x3FA0]  }
0x30: {  	s3 =	sld [smem:$0x3FA3]  }
0x31: {  	[smem:$0x3FAC] =	sst s10  }
0x32: {  	s10 =	sld [smem:$0x3FAA];
	_ =	sdelay $0x3  }
0x33: {  	p0 =	seq.s32 s10, $0x1;
	s10 =	sld [smem:$0x3FAC];
	_ =	sdelay $0x3  }
0x34: {  	[smem:$0x3FAC] =	sst s10  }
0x35: {  	s10 =	sld [smem:$0x3FAB];
	_ =	sdelay $0x3  }
0x36: {  	p1 =	seq.s32 s10, $0x1;
	s10 =	sld [smem:$0x3FAC];
	_ =	sdelay $0x3  }
0x37: {  	[smem:$0x3FAC] =	sst s10  }
0x38: {  	s10 =	sld [smem:$0x3FAD]  }
0x39: {  	_ = 	snop;
	(pc) =	sbr.ind lr, $3  }
0x3a: {  	_ = 	snop  }
0x3b: {  	_ = 	snop  }
0x3c: {  	p2 =	seq.s32 s10, $0x1;
	s10 =	sld [smem:$0x3FAC]  }
0x3d: {  	_ =	shalt  }
0x3e: {  	_ =	shalt  }
0x3f: {  	_ =	shalt  }
0x40: {  	_ =	shalt  }
0x41: {  	_ =	shalt  }
0x42: {  	_ =	shalt  }
0x43: {  	_ =	shalt  }
0x44: {  	_ =	shalt  }
0x45: {  	_ =	shalt  }
0x46: {  	_ =	shalt  }
0x47: {  	_ =	shalt  }
0x48: {  	_ =	shalt  }
0x49: {  	_ =	shalt  }
0x4a: {  	_ =	shalt  }
0x4b: {  	_ =	shalt  }
0x4c: {  	_ =	shalt  }
0x4d: {  	_ =	shalt  }
0x4e: {  	_ =	shalt  }
0x4f: {  	_ =	shalt  }
0x50: {  	_ =	shalt  }
0x51: {  	_ =	shalt  }
0x52: {  	_ =	shalt  }
0x53: {  	_ =	shalt  }
0x54: {  	_ =	shalt  }
0x55: {  	_ =	shalt  }
0x56: {  	_ =	shalt  }
0x57: {  	_ =	shalt  }
0x58: {  	_ =	shalt  }
0x59: {  	_ =	shalt  }
0x5a: {  	_ =	shalt  }
0x5b: {  	_ =	shalt  }
0x5c: {  	_ =	shalt  }
0x5d: {  	_ =	shalt  }
0x5e: {  	_ =	shalt  }
0x5f: {  	_ =	shalt  }
0x60: {  	_ =	shalt  }
0x61: {  	_ =	shalt  }
0x62: {  	_ =	shalt  }
0x63: {  	_ =	shalt  }
0x64: {  	_ =	shalt  }
0x65: {  	_ =	shalt  }
0x66: {  	_ =	shalt  }
0x67: {  	_ =	shalt  }
0x68: {  	_ =	shalt  }
0x69: {  	_ =	shalt  }
0x6a: {  	_ =	shalt  }
0x6b: {  	_ =	shalt  }
0x6c: {  	_ =	shalt  }
0x6d: {  	_ =	shalt  }
0x6e: {  	_ =	shalt  }
0x6f: {  	_ =	shalt  }
0x70: {  	_ =	shalt  }
0x71: {  	_ =	shalt  }
0x72: {  	_ =	shalt  }
0x73: {  	_ =	shalt  }
0x74: {  	_ =	shalt  }
0x75: {  	_ =	shalt  }
0x76: {  	_ =	shalt  }
0x77: {  	_ =	shalt  }
0x78: {  	_ =	shalt  }
0x79: {  	_ =	shalt  }
0x7a: {  	_ =	shalt  }
0x7b: {  	_ =	shalt  }
0x7c: {  	_ =	shalt  }
0x7d: {  	_ =	shalt  }
0x7e: {  	_ =	shalt  }
0x7f: {  	_ =	shalt  }
0x80: {  	_ =	shalt  }
0x81: {  	_ =	shalt  }
0x82: {  	_ =	shalt  }
0x83: {  	_ =	shalt  }
0x84: {  	_ =	shalt  }
0x85: {  	_ =	shalt  }
0x86: {  	_ =	shalt  }
0x87: {  	_ =	shalt  }
.Lfunc_end0:
.L_simem_size_0:
called_computation_lowered:
.L_overlay_start_0:
0x88: {  	s2 =	sld [smem:$0x3FD9]  }
0x89: {  	s3 =	sld [smem:$0x3FFE];
	_ =	sdelay $0x1  }
0x8a: {  	s1 =	srdreg.scid  }
0x8b: {  	s0 =	sand.u32 $0x1, s1  }
0x8c: {  	s16 =	sshll.u32 s0, $0xA;
	s2 =	sadd.s32 s3, s2  }
0x8d: {  	s2 =	sadd.s32 s2, s16  }
0x8e: {  	[smem:$0x3FB8] =	sst s2  }
0x8f: {  	_ = 	snop  }
0x90: {  	(tm) =	ssettm $0x1  }
0x91: {  	s17 =	sld [smem:$0x3FFB];
	_ =	sdelay $0x3  }
0x92: {  	_ =	strace s17  }
0x93: {  	s2 =	sld [smem:$0x3FFC];
	_ =	sdelay $0x3  }
0x94: {  	_ =	strace s2  }
0x95: {  	s2 =	sld [smem:$0x3FFD];
	_ =	sdelay $0x3  }
0x96: {  	_ =	strace s2  }
0x97: {  	_ =	strace $0x8FFFFFFF  }
0x98: {  	s18 =	sld [smem:$0x3FDB];
	_ =	sdelay $0x1  }
0x99: {  	s19 =	simm.s32 $_scs_section_size  }
0x9a: {  	s4 =	simm.s32 $_size__tile_overlayer_lowered;
	s5 =	simm.s32 $_tile_overlayer_lowered  }
0x9b: {  	s22 =	simm.s32 $0x1BFF;
	s21 =	sshll.u32 s5, $0x1;
	s2 =	sadd.s32 s19, s18  }
0x9c: {  	s6 =	simm.s32 $0x0;
	s20 =	sshll.u32 s4, $0x1;
	s4 =	sadd.s32 s21, s2  }
0x9d: {  	[timem:s6], [sflag:s22] =	dma.local [hbm:s4], s20  }
0x9e: {  	_ =	swait.ge [sflag:s22], s20  }
0x9f: {  	s3 =	ssub.s32 $0x0, s20;
	[sflag:s22] =	ssyncset.done $0x0  }
0xa0: {  	[sflag:s22] =	ssyncadd.s32 s3;
	_ =	sdelay $0x1  }
0xa1: {  	s23 =	simm.s32 $0x1B8B  }
0xa2: {  	_ =	swait.ge [sflag:s23], $0x1  }
0xa3: {  	[sflag:s23] =	ssyncset.done $0x0  }
0xa4: {  	s25 =	simm.s32 $0x1B8E;
	s24 =	sld [smem:$0x3FFE];
	[sflag:s23] =	ssyncadd.s32 $0xFFFFFFFF  }
0xa5: {  	s26 =	simm.s32 $execute0_lowered;
	[smem:$0x3FD2] =	sst s25  }
0xa6: {  	s4 =	sshll.u32 s26, $0x1;
	_ =	strace $0x80000046;
	[dreg:$0x1] =	wrdreg $0xFFFFFFFF  }
0xa7: {  	s28 =	simm.s32 $_size_execute0_lowered;
	s2 =	sadd.s32 s2, s4;
	[dreg:$0x0] =	wrdreg $0x0  }
0xa8: {  	s4 =	sshll.u32 s28, $0x1;
	[dreg:$0x2] =	wrdreg s2  }
0xa9: {  	[dreg:$0x3] =	wrdreg s4  }
0xaa: {  	[dreg:$0x4] =	wrdreg $0xC0  }
0xab: {  	_ =	task [dreg:s6], $0x5FFFF  }
0xac: {  	[dreg:$0x1] =	wrdreg $0xFFFFFFFF  }
0xad: {  	[dreg:$0x0] =	wrdreg $0x60  }
0xae: {  	[dreg:$0x2] =	wrdreg s24  }
0xaf: {  	[dreg:$0x3] =	wrdreg $0x114000  }
0xb0: {  	[dreg:$0x4] =	wrdreg $0x9  }
0xb1: {  	_ =	task.clear_ibuf [dreg:s6], $0x5FFFF;
	_ =	strace $0x90000046  }
0xb2: {  	s29 =	simm.s32 $0x9;
	_ =	strace $0x80000048  }
0xb3: {  	_ =	swait.ge [sflag:s29], $0x1  }
0xb4: {  	[sflag:s29] =	ssyncadd.s32 $0xFFFFFFFF  }
0xb5: {  	_ =	strace $0x90000048  }
0xb6: {  	_ =	sfence  }
0xb7: {  	s30 =	sld [smem:$0x0];
	_ =	sdelay $0x2  }
0xb8: {  	s31 =	sshll.u32 s1, $0xD;
	s1 =	sshrl.u32 s1, $0x2  }
0xb9: {  	s3 =	sand.u32 $0x4000, s31;
	s1 =	sadd.s32 s1, s30  }
0xba: {  	s0 =	sor.u32 s3, s0;
	s1 =	sshll.u32 s1, $0x11  }
0xbb: {  	s0 =	sor.u32 s1, s0  }
0xbc: {  	s0 =	sadd.s32 $0x8F2B, s0  }
0xbd: {  	[sflag:s0] =	ssyncadd.remote.s32 $0x1  }
0xbe: {  	_ =	sfence.sel $0xFFFF  }
0xbf: {  	[dreg:$0x0] =	wrdreg $0xFFFFFFFF;
	(pc) =	sbr.abs _section_cstart, $3  }
0xc0: {  	[dreg:$0x1] =	wrdreg $0xFFFFFFFF  }
0xc1: {  	_ =	task.clear_ibuf [dreg:s6], $0x2FFFF;
	_ =	strace $0x9FFFFFFF  }
0xc2: {  	(tm) =	ssettm $0x7FFFFFFF  }
0xc3: {  	_ =	shalt  }
tec
execute0_lowered:
.L_overlay_start_1:
0x0: {  	(tag) =	ssettag $0x1  }
0x1: {  	s0 =	rddreg [dreg:$0x0]  }
0x2: {  	s2 =	rddreg [dreg:$0x1]  }
0x3: {  	s13 =	stileid.u32;
	s1 =	srdreg.scid;
	s3 =	simm.s32 $0x0  }
0x4: {  	s15 =	simm.s32 $0x80;
	s16 =	simm.s32 $0x1400;
	s22 =	simm.s32 $0x1  }
0x5: {  	s24 =	simm.s32 $0x9400;
	s29 =	simm.s32 $0xD400;
	s30 =	simm.s32 $0x380  }
0x6: {  	s31 =	simm.s32 $0xF400;
	s5 =	smul.u32 $0x9E00, s13;
	s1 =	sand.u32 $0x1, s1  }
0x7: {  	s4 =	sshll.u32 s13, $0x1;
	[smem:$0x7FF] =	sst s3;
	s10 =	sadd.s32 $0x1B600, s0  }
0x8: {  	s11 =	smul.u32 $0xA0000, s13;
	s12 =	sadd.s32 $0x94200, s2;
	p0 =	seq.s32 s13, $0xF  }
0x9: {  	s4 =	sor.u32 s1, s4;
	s8 =	ssub.s32 $0x2, s1;
	s1 =	smul.u32 $0x50000, s1  }
0xa: {  	_ =	strace $0x80000047;
	s12 =	sshrl.u32 @p0 s12, $0x3;
	s7 =	smul.u32 $0x280, s4  }
0xb: {  	s6 =	sshrl.u32 s5, $0x3;
	s9 =	smul.u32 $0x50000, s4;
	s25 =	sshrl.u32 s8, $0x1  }
0xc: {  	s14 =	sadd.s32 s5, s2;
	s6 =	sadd.s32 s6, s0;
	s8 =	ssub.s32 s8, s25  }
0xd: {  	s1 =	sadd.s32 s1, s11;
	s11 =	simm.s32 $0x3;
	s14 =	sshrl.u32 @!p0 s14, $0x3  }
0xe: {  	s7 =	sadd.s32 s7, s0;
	s5 =	sadd.s32 $0x2C00, s6;
	s6 =	sadd.s32 $0x15440, s0  }
0xf: {  	s26 =	sshrl.u32 s9, $0x3;
	s28 =	sor.u32 $0x8000, s1;
	s1 =	simm.s32 $0x2  }
0x10: {  	s4 =	sadd.s32 $0x16600, s7;
	s7 =	smax.u32 s8, $0x1;
	s0 =	sshrl.u32 s28, $0x3  }
0x11: {  	s8 =	sadd.s32 s10, s26;
	s21 =	sadd.s32 s0, s10;
	s0 =	sshll.u32 @!p0 s13, $0x6  }
0x12: {  	s9 =	sadd.s32 $0x9000, s8;
	s13 =	sor.u32 @!p0 $0x1C03, s0;
	s0 =	simm.s32 $0x0  }
.LBB2_1:
0x13: {  	[tilespmem:s3], [sflag:$0x3] =	stream.linear.gather [hbm4b:s4+s3], $0x1400, $0x38;
	[tilespmem:$0x1B040] =	vst v63  }
0x14: {  	_ =	swait.ge [sflag:s11], $0x1400  }
0x15: {  	[sflag:s11] =	ssyncset.done $0x0  }
0x16: {  	s10 =	simm.s32 @p0 $0x1FC3;
	[sflag:s11] =	ssyncadd.s32 $0xFFFFEC00  }
0x17: {  	[spmem:s12], [sflag:s10] =	dma.local @p0 [hbm:s6], $0x1040  }
0x18: {  	s10 =	simm.s32 @p0 $0x3  }
0x19: {  	_ =	swait.ge @p0 [sflag:s10], $0x1040  }
0x1a: {  	[sflag:s10] =	ssyncset.done @p0 $0x0  }
0x1b: {  	[sflag:s10] =	ssyncadd.s32 @p0 $0xFFFFEFC0;
	s10 =	simm.s32 @!p0 $0x3  }
0x1c: {  	[spmem:s14], [sflag:s13] =	dma.local @!p0 [hbm:s5], $0x13C0  }
0x1d: {  	_ =	swait.ge @!p0 [sflag:s10], $0x13C0  }
0x1e: {  	[sflag:s10] =	ssyncset.done @!p0 $0x0  }
0x1f: {  	[sflag:s10] =	ssyncadd.s32 @!p0 $0xFFFFEC40  }
0x20: {  	[bflag:$0x0] =	sbarrier.arrive $0xFFFF  }
0x21: {  	[tilespmem:s16], [sflag:$0x1] =	stream.indirect.gather [spmem:s2], $0x40, s3, s15, $0xb8;
	[tilespmem:$0x1B040] =	vst v63  }
0x22: {  	s26 =	simm.s32 $0x3400  }
0x23: {  	[tilespmem:s26], [sflag:$0x1] =	stream.indirect.gather [spmem:s2], $0x40, s15, s15, $0xb8;
	[tilespmem:$0x1B040] =	vst v63  }
0x24: {  	s28 =	simm.s32 $0x100;
	s17 =	simm.s32 $0x5400  }
0x25: {  	[tilespmem:s17], [sflag:$0x1] =	stream.indirect.gather [spmem:s2], $0x40, s28, s15, $0xb8;
	[tilespmem:$0x1B040] =	vst v63  }
0x26: {  	s18 =	simm.s32 $0x7400;
	s17 =	simm.s32 $0x180  }
0x27: {  	[tilespmem:s18], [sflag:$0x1] =	stream.indirect.gather [spmem:s2], $0x40, s17, s15, $0xb8;
	[tilespmem:$0x1B040] =	vst v63  }
0x28: {  	_ =	swait.ge [sflag:s22], $0x2000  }
0x29: {  	[sflag:s22] =	ssyncset.done $0x0  }
0x2a: {  	[sflag:s22] =	ssyncadd.s32 $0xFFFFE000  }
0x2b: {  	_ =	swait.ge [sflag:s22], $0x2000  }
0x2c: {  	[sflag:s22] =	ssyncset.done $0x0  }
0x2d: {  	[sflag:s22] =	ssyncadd.s32 $0xFFFFE000  }
0x2e: {  	_ =	swait.ge [sflag:s22], $0x2000  }
0x2f: {  	[sflag:s22] =	ssyncset.done $0x0  }
0x30: {  	[sflag:s22] =	ssyncadd.s32 $0xFFFFE000  }
0x31: {  	_ =	swait.ge [sflag:s22], $0x2000  }
0x32: {  	[sflag:s22] =	ssyncset.done $0x0  }
0x33: {  	s19 =	simm.s32 $0x200;
	[sflag:s22] =	ssyncadd.s32 $0xFFFFE000  }
0x34: {  	[tilespmem:s24], [sflag:$0x1] =	stream.indirect.gather [spmem:s2], $0x40, s19, s15, $0xb8;
	[tilespmem:$0x1B040] =	vst v63  }
0x35: {  	s20 =	simm.s32 $0x280;
	s23 =	simm.s32 $0xB400  }
0x36: {  	[tilespmem:s23], [sflag:$0x1] =	stream.indirect.gather [spmem:s2], $0x40, s20, s15, $0xb8;
	[tilespmem:$0x1B040] =	vst v63  }
0x37: {  	s25 =	simm.s32 $0x300  }
0x38: {  	[tilespmem:s29], [sflag:$0x1] =	stream.indirect.gather [spmem:s2], $0x40, s25, s15, $0xb8;
	[tilespmem:$0x1B040] =	vst v63  }
0x39: {  	_ = 	snop  }
0x3a: {  	[tilespmem:s31], [sflag:$0x1] =	stream.indirect.gather [spmem:s2], $0x40, s30, s15, $0xb8;
	[tilespmem:$0x1B040] =	vst v63  }
0x3b: {  	_ = 	snop  }
0x3c: {  	[hbm4b:s8+s3] =	stream.linear.scatter [tilespmem:s16], [sflag:$0x2], $0x8000, $0x38;
	[tilespmem:$0x1B040] =	vst v63  }
0x3d: {  	_ =	swait.ge [sflag:s22], $0x2000  }
0x3e: {  	[sflag:s22] =	ssyncset.done $0x0  }
0x3f: {  	[sflag:s22] =	ssyncadd.s32 $0xFFFFE000  }
0x40: {  	_ =	swait.ge [sflag:s22], $0x2000  }
0x41: {  	[sflag:s22] =	ssyncset.done $0x0  }
0x42: {  	[sflag:s22] =	ssyncadd.s32 $0xFFFFE000  }
0x43: {  	_ =	swait.ge [sflag:s22], $0x2000  }
0x44: {  	[sflag:s22] =	ssyncset.done $0x0  }
0x45: {  	[sflag:s22] =	ssyncadd.s32 $0xFFFFE000  }
0x46: {  	_ =	swait.ge [sflag:s22], $0x2000  }
0x47: {  	[sflag:s22] =	ssyncset.done $0x0  }
0x48: {  	[sflag:s22] =	ssyncadd.s32 $0xFFFFE000  }
0x49: {  	s17 =	simm.s32 $0x10000;
	_ =	swait.ge [sflag:s1], $0x8000  }
0x4a: {  	s28 =	simm.s32 $0x480;
	s10 =	sand.u32 $0x8000, s17;
	[sflag:s1] =	ssyncset.done $0x0  }
0x4b: {  	s18 =	sor.u32 $0x1400, s10;
	s19 =	simm.s32 $0x400;
	[sflag:s1] =	ssyncadd.s32 $0xFFFF8000  }
0x4c: {  	[tilespmem:s18], [sflag:$0x1] =	stream.indirect.gather [spmem:s2], $0x40, s19, s15, $0xb8;
	[tilespmem:$0x1B040] =	vst v63  }
0x4d: {  	s26 =	sor.u32 $0x3400, s10;
	s20 =	sor.u32 $0x5400, s10;
	s23 =	simm.s32 $0x500  }
0x4e: {  	[tilespmem:s26], [sflag:$0x1] =	stream.indirect.gather [spmem:s2], $0x40, s28, s15, $0xb8;
	[tilespmem:$0x1B040] =	vst v63  }
0x4f: {  	s10 =	sor.u32 $0x7400, s10;
	s25 =	simm.s32 $0x20000;
	s18 =	simm.s32 $0x800  }
0x50: {  	[tilespmem:s20], [sflag:$0x1] =	stream.indirect.gather [spmem:s2], $0x40, s23, s15, $0xb8;
	[tilespmem:$0x1B040] =	vst v63  }
0x51: {  	s19 =	simm.s32 $0x40000;
	s26 =	simm.s32 $0x580;
	s28 =	sand.u32 $0x20000, s25  }
0x52: {  	[tilespmem:s10], [sflag:$0x1] =	stream.indirect.gather [spmem:s2], $0x40, s26, s15, $0xb8;
	[tilespmem:$0x1B040] =	vst v63  }
0x53: {  	s23 =	sshrl.u32 s28, $0x2;
	s20 =	smov.u32 s21;
	s10 =	smov.u32 s21  }
.LBB2_2:
0x54: {  	s23 =	sor.u32 $0x1400, s23  }
0x55: {  	s10 =	sadd.s32 $0x1000, s10;
	s17 =	sadd.s32 $0x8000, s17;
	s25 =	smov.u32 s18  }
0x56: {  	[hbm4b:s20+s3] =	stream.linear.scatter [tilespmem:s23], [sflag:$0x2], $0x8000, $0x38;
	[tilespmem:$0x1B040] =	vst v63  }
0x57: {  	p1 =	sne.s32 s18, $0x3800;
	s18 =	sadd.s32 $0x800, s18;
	_ =	swait.ge [sflag:s22], $0x2000  }
0x58: {  	s20 =	smov.u32 s10;
	[sflag:s22] =	ssyncset.done $0x0  }
0x59: {  	[sflag:s22] =	ssyncadd.s32 $0xFFFFE000  }
0x5a: {  	_ =	swait.ge [sflag:s22], $0x2000  }
0x5b: {  	[sflag:s22] =	ssyncset.done $0x0  }
0x5c: {  	[sflag:s22] =	ssyncadd.s32 $0xFFFFE000  }
0x5d: {  	_ =	swait.ge [sflag:s22], $0x2000  }
0x5e: {  	[sflag:s22] =	ssyncset.done $0x0  }
0x5f: {  	[sflag:s22] =	ssyncadd.s32 $0xFFFFE000  }
0x60: {  	_ =	swait.ge [sflag:s22], $0x2000  }
0x61: {  	[sflag:s22] =	ssyncset.done $0x0  }
0x62: {  	[sflag:s22] =	ssyncadd.s32 $0xFFFFE000  }
0x63: {  	_ =	swait.ge [sflag:s1], $0x8000  }
0x64: {  	s23 =	sand.u32 $0x8000, s17;
	s25 =	sshra.s32 s25, $0x2;
	[sflag:s1] =	ssyncset.done $0x0  }
0x65: {  	s26 =	sor.u32 $0x1400, s23;
	s28 =	sadd.s32 $0x400, s25;
	[sflag:s1] =	ssyncadd.s32 $0xFFFF8000  }
0x66: {  	[tilespmem:s26], [sflag:$0x1] =	stream.indirect.gather [spmem:s2], $0x40, s28, s15, $0xb8;
	[tilespmem:$0x1B040] =	vst v63  }
0x67: {  	s26 =	sor.u32 $0x3400, s23;
	s28 =	sadd.s32 $0x480, s25  }
0x68: {  	[tilespmem:s26], [sflag:$0x1] =	stream.indirect.gather [spmem:s2], $0x40, s28, s15, $0xb8;
	[tilespmem:$0x1B040] =	vst v63  }
.Ltmp0:
0x69: {  	s26 =	sor.u32 $0x5400, s23;
	s28 =	sadd.s32 $0x500, s25;
	(pc) =	sbr.rel @p1 .LBB2_2-.Ltmp0, $4  }
0x6a: {  	[tilespmem:s26], [sflag:$0x1] =	stream.indirect.gather [spmem:s2], $0x40, s28, s15, $0xb8;
	[tilespmem:$0x1B040] =	vst v63  }
0x6b: {  	s23 =	sor.u32 $0x7400, s23;
	s25 =	sadd.s32 $0x580, s25;
	s26 =	sand.u32 $0x20000, s19  }
0x6c: {  	[tilespmem:s23], [sflag:$0x1] =	stream.indirect.gather [spmem:s2], $0x40, s25, s15, $0xb8;
	[tilespmem:$0x1B040] =	vst v63  }
0x6d: {  	s19 =	sadd.s32 $0x20000, s19;
	s23 =	sshrl.u32 s26, $0x2  }
0x6e: {  	s10 =	sor.u32 $0x1400, s23  }
0x6f: {  	[hbm4b:s20+s3] =	stream.linear.scatter [tilespmem:s10], [sflag:$0x2], $0x8000, $0x38;
	[tilespmem:$0x1B040] =	vst v63  }
0x70: {  	_ =	swait.ge [sflag:s22], $0x2000  }
0x71: {  	[sflag:s22] =	ssyncset.done $0x0  }
0x72: {  	[sflag:s22] =	ssyncadd.s32 $0xFFFFE000  }
0x73: {  	_ =	swait.ge [sflag:s22], $0x2000  }
0x74: {  	[sflag:s22] =	ssyncset.done $0x0  }
0x75: {  	[sflag:s22] =	ssyncadd.s32 $0xFFFFE000  }
0x76: {  	_ =	swait.ge [sflag:s22], $0x2000  }
0x77: {  	[sflag:s22] =	ssyncset.done $0x0  }
0x78: {  	[sflag:s22] =	ssyncadd.s32 $0xFFFFE000  }
0x79: {  	_ =	swait.ge [sflag:s22], $0x2000  }
0x7a: {  	[sflag:s22] =	ssyncset.done $0x0  }
0x7b: {  	[sflag:s22] =	ssyncadd.s32 $0xFFFFE000  }
0x7c: {  	s0 =	sadd.s32 $0x1, s0;
	_ =	swait.ge [sflag:s1], $0x8000  }
0x7d: {  	p1 =	sne.s32 s0, s7;
	[sflag:s1] =	ssyncset.done $0x0  }
.Ltmp1:
0x7e: {  	[sflag:s1] =	ssyncadd.s32 $0xFFFF8000;
	(pc) =	sbr.rel @p1 .LBB2_1-.Ltmp1, $4  }
0x7f: {  	[hbm4b:s9+s3] =	stream.linear.scatter [tilespmem:s24], [sflag:$0x2], $0x8000, $0x38;
	[tilespmem:$0x1B040] =	vst v63  }
0x80: {  	_ =	swait.ge [sflag:s1], $0x8000  }
0x81: {  	[sflag:s1] =	ssyncset.done $0x0  }
0x82: {  	[sflag:s1] =	ssyncadd.s32 $0xFFFF8000  }
0x83: {  	_ =	sfence.sel $0x180000  }
0x84: {  	[bflag:$0x0] =	sbarrier.arrive $0xFFFF  }
0x85: {  	_ =	strace $0x90000047  }
0x86: {  	s0 =	stileid.u32;
	[bflag:$0x2] =	sbarrier.arrive $0xFFFF  }
0x87: {  	p0 =	sne.s32 s0, $0x0;
	s0 =	rddreg [dreg:$0x2]  }
0x88: {  	s0 =	sadd.s32 @!p0 $0x100000, s0  }
0x89: {  	[sflag:s0] =	ssyncadd.tile.s32 @!p0 $0x1;
	_ =	shalt  }
.Lfunc_end2:
_tile_overlayer_lowered:
.L_overlay_start_2:
0x8a: {  	(tag) =	ssettag $0x2  }
0x8b: {  	s0 =	rddreg [dreg:$0x0];
	s2 =	stileid.u32  }
0x8c: {  	s1 =	rddreg [dreg:$0x1];
	p0 =	sne.s32 s2, $0x0  }
0x8d: {  	s3 =	rddreg [dreg:$0x2];
	[bflag:$0x3] =	sbarrier.arrive $0xFFFF;
	s2 =	simm.s32 @!p0 $0x1C03  }
0x8e: {  	[timem:s3], [sflag:s2] =	dma.local @!p0 [hbm:s0], s1  }
0x8f: {  	s0 =	simm.s32 @!p0 $0x3  }
0x90: {  	_ =	swait.ge @!p0 [sflag:s0], s1  }
0x91: {  	s1 =	ssub.s32 @!p0 $0x0, s1;
	[sflag:s0] =	ssyncset.done @!p0 $0x0  }
0x92: {  	[sflag:s0] =	ssyncadd.s32 @!p0 s1  }
0x93: {  	[bflag:$0x3] =	sbarrier.arrive $0xFFFF  }
0x94: {  	_ =	shalt  }

// kernel: kernel.13.cloned.1.call-start
scs
__scs_entry_jumppad:
0x0: {  	(pc) =	sbr.rel $0x88, $3  }
0x1: {  	(tag) =	ssettag $0x0;
	lr =	simm.s32 $0x1  }
0x2: {  	[smem:$0x3F91] =	sst lr;
	_ =	strace $0xD0000000  }
0x3: {  	_ = 	snop  }
0x4: {  	_ = 	snop  }
0x5: {  	_ = 	snop  }
0x6: {  	_ = 	snop  }
0x7: {  	_ = 	snop  }
__scs_overlays_trampoline_lowered:
0x8: {  	[smem:$0x3FA0] =	sst s0  }
0x9: {  	[smem:$0x3FA1] =	sst s1  }
0xa: {  	[smem:$0x3FA2] =	sst s2  }
0xb: {  	[smem:$0x3FA3] =	sst s3  }
0xc: {  	[smem:$0x3FA4] =	sst s4  }
0xd: {  	[smem:$0x3FA5] =	sst s5  }
0xe: {  	[smem:$0x3FA6] =	sst s6  }
0xf: {  	[smem:$0x3FA7] =	sst s7  }
0x10: {  	[smem:$0x3FA8] =	sst s8  }
0x11: {  	[smem:$0x3FA9] =	sst s9;
	s0 =	simm.s32 @!p0 $0x0  }
0x12: {  	s1 =	sld [smem:$0x3F8F];
	s0 =	simm.s32 @p0 $0x1  }
0x13: {  	[smem:$0x3FAA] =	sst s0;
	s0 =	simm.s32 @!p1 $0x0  }
0x14: {  	s2 =	sld [smem:$0x3F8E];
	s0 =	simm.s32 @p1 $0x1  }
0x15: {  	[smem:$0x3FAB] =	sst s0;
	s0 =	simm.s32 @!p2 $0x0  }
0x16: {  	s3 =	sld [smem:$0x3FDB];
	s0 =	simm.s32 @p2 $0x1  }
0x17: {  	s4 =	simm.s32 $0x1BF5;
	[smem:$0x3FAD] =	sst s0  }
0x18: {  	s0 =	sld [smem:$0x3F90];
	_ =	swait.ge [sflag:s4], $0x0  }
0x19: {  	s7 =	sld [smem:$0x3F91]  }
0x1a: {  	s8 =	sadd.s32 $0xFFFFE003, lr  }
0x1b: {  	s9 =	sadd.s32 $0xFFFFFEF7, lr;
	s5 =	simm.s32 $0xFFFFFFFF;
	p2 =	slt.u32 s8, $0xFFFFF086  }
0x1c: {  	p1 =	slt.u32 s9, $0xF7A;
	s5 =	simm.s32 @!p2 $0x0  }
0x1d: {  	s5 =	simm.s32 @p1 $0x1;
	p0 =	seq.s32 s7, s2  }
0x1e: {  	s7 =	smul.u32 @!p0 $0xF7A, s2;
	p2 =	seq.s32 @!p0 s5, $0x0  }
0x1f: {  	s9 =	smul.u32 $0xF7A, s1;
	s8 =	simm.s32 @!p0 $0x1BF5;
	p2 =	por !p2, p0  }
0x20: {  	[sflag:s8] =	ssyncset.s32 @!p0 $0xFFFFF086;
	s6 =	sadd.s32 @!p0 s3, s7;
	s7 =	simm.s32 @!p0 $0x108  }
0x21: {  	s3 =	sadd.s32 s3, s9;
	s6 =	sadd.s32 @!p0 $0x88, s6;
	s7 =	simm.s32 @p2 $0x1082  }
0x22: {  	[simem:s7], [sflag:s8] =	dma.local @!p0 [hbm:s6], $0xF7A  }
0x23: {  	s9 =	sor.u32 $0xD0000000, s2;
	s6 =	simm.s32 $0x108;
	_ =	swait.ge @!p0 [sflag:s8], $0x0  }
0x24: {  	s3 =	sadd.s32 $0x88, s3;
	s6 =	simm.s32 @!p1 $0x1082;
	[sflag:s4] =	ssyncset.s32 $0xFFFFF086  }
0x25: {  	[simem:s6], [sflag:s4] =	dma.local [hbm:s3], $0xF7A  }
0x26: {  	[smem:$0x3F91] =	sst s1;
	(tag) =	ssettag s2;
	_ =	strace s9  }
0x27: {  	s1 =	sld [smem:$0x3FA1]  }
0x28: {  	s2 =	sld [smem:$0x3FA2]  }
0x29: {  	s4 =	sld [smem:$0x3FA4]  }
0x2a: {  	p0 =	seq.s32 s5, $0x0;
	s5 =	sld [smem:$0x3FA5]  }
0x2b: {  	s6 =	sld [smem:$0x3FA6]  }
0x2c: {  	s7 =	sld [smem:$0x3FA7]  }
0x2d: {  	s3 =	simm.s32 $0x108;
	s8 =	sld [smem:$0x3FA8]  }
0x2e: {  	s3 =	simm.s32 @!p0 $0x1082;
	s9 =	sld [smem:$0x3FA9]  }
0x2f: {  	lr =	sadd.s32 s0, s3;
	s0 =	sld [smem:$0x3FA0]  }
0x30: {  	s3 =	sld [smem:$0x3FA3]  }
0x31: {  	[smem:$0x3FAC] =	sst s10  }
0x32: {  	s10 =	sld [smem:$0x3FAA];
	_ =	sdelay $0x3  }
0x33: {  	p0 =	seq.s32 s10, $0x1;
	s10 =	sld [smem:$0x3FAC];
	_ =	sdelay $0x3  }
0x34: {  	[smem:$0x3FAC] =	sst s10  }
0x35: {  	s10 =	sld [smem:$0x3FAB];
	_ =	sdelay $0x3  }
0x36: {  	p1 =	seq.s32 s10, $0x1;
	s10 =	sld [smem:$0x3FAC];
	_ =	sdelay $0x3  }
0x37: {  	[smem:$0x3FAC] =	sst s10  }
0x38: {  	s10 =	sld [smem:$0x3FAD]  }
0x39: {  	_ = 	snop;
	(pc) =	sbr.ind lr, $3  }
0x3a: {  	_ = 	snop  }
0x3b: {  	_ = 	snop  }
0x3c: {  	p2 =	seq.s32 s10, $0x1;
	s10 =	sld [smem:$0x3FAC]  }
0x3d: {  	_ =	shalt  }
0x3e: {  	_ =	shalt  }
0x3f: {  	_ =	shalt  }
0x40: {  	_ =	shalt  }
0x41: {  	_ =	shalt  }
0x42: {  	_ =	shalt  }
0x43: {  	_ =	shalt  }
0x44: {  	_ =	shalt  }
0x45: {  	_ =	shalt  }
0x46: {  	_ =	shalt  }
0x47: {  	_ =	shalt  }
0x48: {  	_ =	shalt  }
0x49: {  	_ =	shalt  }
0x4a: {  	_ =	shalt  }
0x4b: {  	_ =	shalt  }
0x4c: {  	_ =	shalt  }
0x4d: {  	_ =	shalt  }
0x4e: {  	_ =	shalt  }
0x4f: {  	_ =	shalt  }
0x50: {  	_ =	shalt  }
0x51: {  	_ =	shalt  }
0x52: {  	_ =	shalt  }
0x53: {  	_ =	shalt  }
0x54: {  	_ =	shalt  }
0x55: {  	_ =	shalt  }
0x56: {  	_ =	shalt  }
0x57: {  	_ =	shalt  }
0x58: {  	_ =	shalt  }
0x59: {  	_ =	shalt  }
0x5a: {  	_ =	shalt  }
0x5b: {  	_ =	shalt  }
0x5c: {  	_ =	shalt  }
0x5d: {  	_ =	shalt  }
0x5e: {  	_ =	shalt  }
0x5f: {  	_ =	shalt  }
0x60: {  	_ =	shalt  }
0x61: {  	_ =	shalt  }
0x62: {  	_ =	shalt  }
0x63: {  	_ =	shalt  }
0x64: {  	_ =	shalt  }
0x65: {  	_ =	shalt  }
0x66: {  	_ =	shalt  }
0x67: {  	_ =	shalt  }
0x68: {  	_ =	shalt  }
0x69: {  	_ =	shalt  }
0x6a: {  	_ =	shalt  }
0x6b: {  	_ =	shalt  }
0x6c: {  	_ =	shalt  }
0x6d: {  	_ =	shalt  }
0x6e: {  	_ =	shalt  }
0x6f: {  	_ =	shalt  }
0x70: {  	_ =	shalt  }
0x71: {  	_ =	shalt  }
0x72: {  	_ =	shalt  }
0x73: {  	_ =	shalt  }
0x74: {  	_ =	shalt  }
0x75: {  	_ =	shalt  }
0x76: {  	_ =	shalt  }
0x77: {  	_ =	shalt  }
0x78: {  	_ =	shalt  }
0x79: {  	_ =	shalt  }
0x7a: {  	_ =	shalt  }
0x7b: {  	_ =	shalt  }
0x7c: {  	_ =	shalt  }
0x7d: {  	_ =	shalt  }
0x7e: {  	_ =	shalt  }
0x7f: {  	_ =	shalt  }
0x80: {  	_ =	shalt  }
0x81: {  	_ =	shalt  }
0x82: {  	_ =	shalt  }
0x83: {  	_ =	shalt  }
0x84: {  	_ =	shalt  }
0x85: {  	_ =	shalt  }
0x86: {  	_ =	shalt  }
0x87: {  	_ =	shalt  }
.Lfunc_end0:
.L_simem_size_0:
called_computation.1_lowered:
.L_overlay_start_0:
0x88: {  	s2 =	sld [smem:$0x3FD9]  }
0x89: {  	s3 =	sld [smem:$0x3FFE];
	_ =	sdelay $0x1  }
0x8a: {  	s1 =	srdreg.scid  }
0x8b: {  	s0 =	sand.u32 $0x1, s1  }
0x8c: {  	s16 =	sshll.u32 s0, $0xA;
	s2 =	sadd.s32 s3, s2  }
0x8d: {  	s2 =	sadd.s32 s2, s16  }
0x8e: {  	[smem:$0x3FB8] =	sst s2  }
0x8f: {  	_ = 	snop  }
0x90: {  	(tm) =	ssettm $0x1  }
0x91: {  	s17 =	sld [smem:$0x3FFB];
	_ =	sdelay $0x3  }
0x92: {  	_ =	strace s17  }
0x93: {  	s2 =	sld [smem:$0x3FFC];
	_ =	sdelay $0x3  }
0x94: {  	_ =	strace s2  }
0x95: {  	s2 =	sld [smem:$0x3FFD];
	_ =	sdelay $0x3  }
0x96: {  	_ =	strace s2  }
0x97: {  	_ =	strace $0x8FFFFFFF  }
0x98: {  	s18 =	sld [smem:$0x3FDB];
	_ =	sdelay $0x1  }
0x99: {  	s19 =	simm.s32 $_scs_section_size  }
0x9a: {  	s4 =	simm.s32 $_size__tile_overlayer_lowered;
	s5 =	simm.s32 $_tile_overlayer_lowered  }
0x9b: {  	s22 =	simm.s32 $0x1BFF;
	s21 =	sshll.u32 s5, $0x1;
	s2 =	sadd.s32 s19, s18  }
0x9c: {  	s6 =	simm.s32 $0x0;
	s20 =	sshll.u32 s4, $0x1;
	s4 =	sadd.s32 s21, s2  }
0x9d: {  	[timem:s6], [sflag:s22] =	dma.local [hbm:s4], s20  }
0x9e: {  	_ =	swait.ge [sflag:s22], s20  }
0x9f: {  	s3 =	ssub.s32 $0x0, s20;
	[sflag:s22] =	ssyncset.done $0x0  }
0xa0: {  	[sflag:s22] =	ssyncadd.s32 s3;
	_ =	sdelay $0x1  }
0xa1: {  	s23 =	simm.s32 $0x1B8B  }
0xa2: {  	_ =	swait.ge [sflag:s23], $0x1  }
0xa3: {  	[sflag:s23] =	ssyncset.done $0x0  }
0xa4: {  	s25 =	simm.s32 $0x1B8E;
	s24 =	sld [smem:$0x3FFE];
	[sflag:s23] =	ssyncadd.s32 $0xFFFFFFFF  }
0xa5: {  	s26 =	simm.s32 $execute0_lowered;
	[smem:$0x3FD2] =	sst s25  }
0xa6: {  	s4 =	sshll.u32 s26, $0x1;
	_ =	strace $0x80000049;
	[dreg:$0x1] =	wrdreg $0xFFFFFFFF  }
0xa7: {  	s28 =	simm.s32 $_size_execute0_lowered;
	s2 =	sadd.s32 s2, s4;
	[dreg:$0x0] =	wrdreg $0x0  }
0xa8: {  	s4 =	sshll.u32 s28, $0x1;
	[dreg:$0x2] =	wrdreg s2  }
0xa9: {  	[dreg:$0x3] =	wrdreg s4  }
0xaa: {  	[dreg:$0x4] =	wrdreg $0xC0  }
0xab: {  	_ =	task [dreg:s6], $0x5FFFF  }
0xac: {  	[dreg:$0x1] =	wrdreg $0xFFFFFFFF  }
0xad: {  	[dreg:$0x0] =	wrdreg $0x60  }
0xae: {  	[dreg:$0x2] =	wrdreg s24  }
0xaf: {  	[dreg:$0x3] =	wrdreg $0x114000  }
0xb0: {  	[dreg:$0x4] =	wrdreg $0x9  }
0xb1: {  	_ =	task.clear_ibuf [dreg:s6], $0x5FFFF;
	_ =	strace $0x90000049  }
0xb2: {  	s29 =	simm.s32 $0x9;
	_ =	strace $0x8000004B  }
0xb3: {  	_ =	swait.ge [sflag:s29], $0x1  }
0xb4: {  	[sflag:s29] =	ssyncadd.s32 $0xFFFFFFFF  }
0xb5: {  	_ =	strace $0x9000004B  }
0xb6: {  	_ =	sfence  }
0xb7: {  	s30 =	sld [smem:$0x0];
	_ =	sdelay $0x2  }
0xb8: {  	s31 =	sshll.u32 s1, $0xD;
	s1 =	sshrl.u32 s1, $0x2  }
0xb9: {  	s3 =	sand.u32 $0x4000, s31;
	s1 =	sadd.s32 s1, s30  }
0xba: {  	s0 =	sor.u32 s3, s0;
	s1 =	sshll.u32 s1, $0x11  }
0xbb: {  	s0 =	sor.u32 s1, s0  }
0xbc: {  	s0 =	sadd.s32 $0x8F2B, s0  }
0xbd: {  	[sflag:s0] =	ssyncadd.remote.s32 $0x1  }
0xbe: {  	_ =	sfence.sel $0xFFFF  }
0xbf: {  	[dreg:$0x0] =	wrdreg $0xFFFFFFFF;
	(pc) =	sbr.abs _section_cstart, $3  }
0xc0: {  	[dreg:$0x1] =	wrdreg $0xFFFFFFFF  }
0xc1: {  	_ =	task.clear_ibuf [dreg:s6], $0x2FFFF;
	_ =	strace $0x9FFFFFFF  }
0xc2: {  	(tm) =	ssettm $0x7FFFFFFF  }
0xc3: {  	_ =	shalt  }
tec
execute0_lowered:
.L_overlay_start_1:
0x0: {  	(tag) =	ssettag $0x1  }
0x1: {  	s0 =	srdreg.scid;
	s1 =	rddreg [dreg:$0x0]  }
0x2: {  	s15 =	stileid.u32;
	s2 =	rddreg [dreg:$0x1]  }
0x3: {  	s17 =	simm.s32 $0x80;
	s18 =	simm.s32 $0x2400;
	s20 =	simm.s32 $0x3400  }
0x4: {  	s22 =	simm.s32 $0x4400;
	s29 =	simm.s32 $0x7400;
	s5 =	smul.u32 $0xA00, s15  }
0x5: {  	s31 =	simm.s32 $0x8400;
	s0 =	sand.u32 $0x1, s0;
	s12 =	smul.u32 $0x14000, s15  }
0x6: {  	s3 =	sshll.u32 s15, $0x1;
	s10 =	sadd.s32 $0x160600, s1;
	s13 =	smul.u32 $0x50000, s15  }
0x7: {  	s30 =	sshll.u32 s15, $0x6;
	s6 =	sor.u32 s0, s3;
	s7 =	smul.u32 $0xA000, s0  }
0x8: {  	s3 =	simm.s32 $0x0;
	s11 =	ssub.s32 $0x2, s0;
	s0 =	smul.u32 $0x28000, s0  }
0x9: {  	s15 =	simm.s32 $0x1;
	s4 =	smul.u32 $0x280, s6;
	[smem:$0x7FF] =	sst s3  }
0xa: {  	s9 =	smul.u32 $0x5000, s6;
	s24 =	sshrl.u32 s11, $0x1;
	s25 =	sshrl.u32 s12, $0x2  }
0xb: {  	s26 =	smul.u32 $0x28000, s6;
	s12 =	simm.s32 $0x1400;
	_ =	strace $0x8000004A  }
0xc: {  	s5 =	sadd.s32 s5, s7;
	s11 =	ssub.s32 s11, s24;
	s14 =	sadd.s32 s25, s2  }
0xd: {  	s0 =	sadd.s32 s0, s13;
	s13 =	sor.u32 $0x1C03, s30;
	s24 =	simm.s32 $0x5400  }
0xe: {  	s8 =	sadd.s32 s4, s1;
	s4 =	sadd.s32 $0x2C00, s1;
	s1 =	sadd.s32 s5, s1  }
0xf: {  	s6 =	sadd.s32 s10, s9;
	s28 =	sshrl.u32 s26, $0x3;
	s0 =	sadd.s32 $0x10000, s0  }
0x10: {  	s14 =	sshrl.u32 s14, $0x3;
	s26 =	simm.s32 $0x6400;
	s5 =	sadd.s32 $0x15B600, s8  }
0x11: {  	s7 =	sadd.s32 $0x3600, s1;
	s8 =	smax.u32 s11, $0x1;
	s1 =	sadd.s32 s10, s28  }
0x12: {  	s0 =	sshrl.u32 s0, $0x3;
	s11 =	simm.s32 $0x3;
	s9 =	sadd.s32 $0x1000, s1  }
0x13: {  	s10 =	sadd.s32 s0, s10;
	s1 =	simm.s32 $0x2;
	s0 =	simm.s32 $0x0  }
.LBB2_1:
0x14: {  	[tilespmem:s3], [sflag:$0x3] =	stream.linear.gather [hbm4b:s5+s3], $0x1400, $0x38;
	[tilespmem:$0x16400] =	vst v63  }
0x15: {  	_ =	swait.ge [sflag:s11], $0x1400  }
0x16: {  	[sflag:s11] =	ssyncset.done $0x0  }
0x17: {  	[sflag:s11] =	ssyncadd.s32 $0xFFFFEC00  }
0x18: {  	[tilespmem:s12], [sflag:$0x1] =	stream.linear.gather [hbm4b:s6+s3], $0x8000, $0x38;
	[tilespmem:$0x16400] =	vst v63  }
0x19: {  	[spmem:s14], [sflag:s13] =	dma.local [hbm:s4], $0xA00  }
0x1a: {  	_ =	swait.ge [sflag:s11], $0xA00  }
0x1b: {  	[sflag:s11] =	ssyncset.done $0x0  }
0x1c: {  	[sflag:s11] =	ssyncadd.s32 $0xFFFFF600  }
0x1d: {  	[bflag:$0x0] =	sbarrier.arrive $0xFFFF  }
0x1e: {  	_ =	swait.ge [sflag:s15], $0x8000  }
0x1f: {  	[sflag:s15] =	ssyncset.done $0x0  }
0x20: {  	s16 =	simm.s32 $0x9400;
	[sflag:s15] =	ssyncadd.s32 $0xFFFF8000  }
0x21: {  	[tilespmem:s16], [sflag:$0x1] =	stream.linear.gather [hbm4b:s9+s3], $0x8000, $0x38;
	[tilespmem:$0x16400] =	vst v63  }
0x22: {  	_ = 	snop  }
0x23: {  	[spmem:s2] =	stream.indirect.scatter.add.f32 [tilespmem:s12], [sflag:$0x2], $0x20, s3, s17, $0xb8;
	[tilespmem:$0x16400] =	vst v63  }
0x24: {  	_ = 	snop  }
0x25: {  	[spmem:s2] =	stream.indirect.scatter.add.f32 [tilespmem:s18], [sflag:$0x2], $0x20, s17, s17, $0xb8;
	[tilespmem:$0x16400] =	vst v63  }
0x26: {  	s23 =	simm.s32 $0x100  }
0x27: {  	[spmem:s2] =	stream.indirect.scatter.add.f32 [tilespmem:s20], [sflag:$0x2], $0x20, s23, s17, $0xb8;
	[tilespmem:$0x16400] =	vst v63  }
0x28: {  	s25 =	simm.s32 $0x180  }
0x29: {  	[spmem:s2] =	stream.indirect.scatter.add.f32 [tilespmem:s22], [sflag:$0x2], $0x20, s25, s17, $0xb8;
	[tilespmem:$0x16400] =	vst v63  }
0x2a: {  	s28 =	simm.s32 $0x200  }
0x2b: {  	[spmem:s2] =	stream.indirect.scatter.add.f32 [tilespmem:s24], [sflag:$0x2], $0x20, s28, s17, $0xb8;
	[tilespmem:$0x16400] =	vst v63  }
0x2c: {  	s30 =	simm.s32 $0x280  }
0x2d: {  	[spmem:s2] =	stream.indirect.scatter.add.f32 [tilespmem:s26], [sflag:$0x2], $0x20, s30, s17, $0xb8;
	[tilespmem:$0x16400] =	vst v63  }
0x2e: {  	s19 =	simm.s32 $0x300  }
0x2f: {  	[spmem:s2] =	stream.indirect.scatter.add.f32 [tilespmem:s29], [sflag:$0x2], $0x20, s19, s17, $0xb8;
	[tilespmem:$0x16400] =	vst v63  }
0x30: {  	s21 =	simm.s32 $0x380  }
0x31: {  	[spmem:s2] =	stream.indirect.scatter.add.f32 [tilespmem:s31], [sflag:$0x2], $0x20, s21, s17, $0xb8;
	[tilespmem:$0x16400] =	vst v63  }
0x32: {  	_ =	swait.ge [sflag:s15], $0x8000  }
0x33: {  	[sflag:s15] =	ssyncset.done $0x0  }
0x34: {  	[sflag:s15] =	ssyncadd.s32 $0xFFFF8000  }
0x35: {  	_ =	swait.ge [sflag:s1], $0x1000  }
0x36: {  	[sflag:s1] =	ssyncset.done $0x0  }
0x37: {  	[sflag:s1] =	ssyncadd.s32 $0xFFFFF000  }
0x38: {  	_ =	swait.ge [sflag:s1], $0x1000  }
0x39: {  	[sflag:s1] =	ssyncset.done $0x0  }
0x3a: {  	[sflag:s1] =	ssyncadd.s32 $0xFFFFF000  }
0x3b: {  	_ =	swait.ge [sflag:s1], $0x1000  }
0x3c: {  	[sflag:s1] =	ssyncset.done $0x0  }
0x3d: {  	[sflag:s1] =	ssyncadd.s32 $0xFFFFF000  }
0x3e: {  	_ =	swait.ge [sflag:s1], $0x1000  }
0x3f: {  	[sflag:s1] =	ssyncset.done $0x0  }
0x40: {  	[sflag:s1] =	ssyncadd.s32 $0xFFFFF000  }
0x41: {  	_ =	swait.ge [sflag:s1], $0x1000  }
0x42: {  	[sflag:s1] =	ssyncset.done $0x0  }
0x43: {  	[sflag:s1] =	ssyncadd.s32 $0xFFFFF000  }
0x44: {  	_ =	swait.ge [sflag:s1], $0x1000  }
0x45: {  	[sflag:s1] =	ssyncset.done $0x0  }
0x46: {  	[sflag:s1] =	ssyncadd.s32 $0xFFFFF000  }
0x47: {  	_ =	swait.ge [sflag:s1], $0x1000  }
0x48: {  	s23 =	simm.s32 $0x40000;
	[sflag:s1] =	ssyncset.done $0x0  }
0x49: {  	s16 =	sand.u32 $0x20000, s23;
	[sflag:s1] =	ssyncadd.s32 $0xFFFFF000  }
0x4a: {  	s16 =	sshrl.u32 s16, $0x2;
	_ =	swait.ge [sflag:s1], $0x1000  }
0x4b: {  	s25 =	sadd.s32 $0x0, s10;
	s19 =	simm.s32 $0x8000;
	[sflag:s1] =	ssyncset.done $0x0  }
0x4c: {  	s16 =	sor.u32 $0x1400, s16;
	s21 =	sand.u32 $0x8000, s19;
	[sflag:s1] =	ssyncadd.s32 $0xFFFFF000  }
0x4d: {  	[tilespmem:s16], [sflag:$0x1] =	stream.linear.gather [hbm4b:s25+s3], $0x8000, $0x38;
	[tilespmem:$0x16400] =	vst v63  }
0x4e: {  	s30 =	simm.s32 $0x400;
	s28 =	sor.u32 $0x1400, s21  }
0x4f: {  	[spmem:s2] =	stream.indirect.scatter.add.f32 [tilespmem:s28], [sflag:$0x2], $0x20, s30, s17, $0xb8;
	[tilespmem:$0x16400] =	vst v63  }
0x50: {  	s23 =	sor.u32 $0x2400, s21;
	s25 =	simm.s32 $0x480  }
0x51: {  	[spmem:s2] =	stream.indirect.scatter.add.f32 [tilespmem:s23], [sflag:$0x2], $0x20, s25, s17, $0xb8;
	[tilespmem:$0x16400] =	vst v63  }
0x52: {  	s19 =	simm.s32 $0x10000;
	s28 =	sor.u32 $0x3400, s21;
	s30 =	simm.s32 $0x500  }
0x53: {  	[spmem:s2] =	stream.indirect.scatter.add.f32 [tilespmem:s28], [sflag:$0x2], $0x20, s30, s17, $0xb8;
	[tilespmem:$0x16400] =	vst v63  }
0x54: {  	s16 =	simm.s32 $0x1000;
	s23 =	sor.u32 $0x4400, s21;
	s25 =	simm.s32 $0x580  }
0x55: {  	[spmem:s2] =	stream.indirect.scatter.add.f32 [tilespmem:s23], [sflag:$0x2], $0x20, s25, s17, $0xb8;
	[tilespmem:$0x16400] =	vst v63  }
0x56: {  	s28 =	sor.u32 $0x5400, s21;
	s30 =	simm.s32 $0x600;
	s23 =	sor.u32 $0x6400, s21  }
0x57: {  	[spmem:s2] =	stream.indirect.scatter.add.f32 [tilespmem:s28], [sflag:$0x2], $0x20, s30, s17, $0xb8;
	[tilespmem:$0x16400] =	vst v63  }
0x58: {  	s25 =	simm.s32 $0x680;
	s28 =	sor.u32 $0x7400, s21;
	s30 =	simm.s32 $0x700  }
0x59: {  	[spmem:s2] =	stream.indirect.scatter.add.f32 [tilespmem:s23], [sflag:$0x2], $0x20, s25, s17, $0xb8;
	[tilespmem:$0x16400] =	vst v63  }
0x5a: {  	s23 =	sadd.s32 $0x8400, s21;
	s25 =	simm.s32 $0x780;
	s21 =	simm.s32 $0x60000  }
0x5b: {  	[spmem:s2] =	stream.indirect.scatter.add.f32 [tilespmem:s28], [sflag:$0x2], $0x20, s30, s17, $0xb8;
	[tilespmem:$0x16400] =	vst v63  }
.LBB2_2:
0x5c: {  	[spmem:s2] =	stream.indirect.scatter.add.f32 [tilespmem:s23], [sflag:$0x2], $0x20, s25, s17, $0xb8;
	[tilespmem:$0x16400] =	vst v63  }
0x5d: {  	s23 =	smov.u32 s16  }
0x5e: {  	p0 =	sne.s32 s16, $0x2000;
	s16 =	sadd.s32 $0x1000, s16;
	_ =	swait.ge [sflag:s15], $0x8000  }
0x5f: {  	[sflag:s15] =	ssyncset.done $0x0  }
0x60: {  	[sflag:s15] =	ssyncadd.s32 $0xFFFF8000  }
0x61: {  	_ =	swait.ge [sflag:s1], $0x1000  }
0x62: {  	[sflag:s1] =	ssyncset.done $0x0  }
0x63: {  	[sflag:s1] =	ssyncadd.s32 $0xFFFFF000  }
0x64: {  	_ =	swait.ge [sflag:s1], $0x1000  }
0x65: {  	[sflag:s1] =	ssyncset.done $0x0  }
0x66: {  	[sflag:s1] =	ssyncadd.s32 $0xFFFFF000  }
0x67: {  	_ =	swait.ge [sflag:s1], $0x1000  }
0x68: {  	[sflag:s1] =	ssyncset.done $0x0  }
0x69: {  	[sflag:s1] =	ssyncadd.s32 $0xFFFFF000  }
0x6a: {  	_ =	swait.ge [sflag:s1], $0x1000  }
0x6b: {  	[sflag:s1] =	ssyncset.done $0x0  }
0x6c: {  	[sflag:s1] =	ssyncadd.s32 $0xFFFFF000  }
0x6d: {  	_ =	swait.ge [sflag:s1], $0x1000  }
0x6e: {  	[sflag:s1] =	ssyncset.done $0x0  }
0x6f: {  	[sflag:s1] =	ssyncadd.s32 $0xFFFFF000  }
0x70: {  	_ =	swait.ge [sflag:s1], $0x1000  }
0x71: {  	[sflag:s1] =	ssyncset.done $0x0  }
0x72: {  	[sflag:s1] =	ssyncadd.s32 $0xFFFFF000  }
0x73: {  	_ =	swait.ge [sflag:s1], $0x1000  }
0x74: {  	[sflag:s1] =	ssyncset.done $0x0  }
0x75: {  	[sflag:s1] =	ssyncadd.s32 $0xFFFFF000  }
0x76: {  	s25 =	sand.u32 $0x20000, s21;
	s28 =	sshra.s32 s23, $0x2;
	_ =	swait.ge [sflag:s1], $0x1000  }
0x77: {  	s30 =	sand.u32 $0x8000, s19;
	s25 =	sshrl.u32 s25, $0x2;
	[sflag:s1] =	ssyncset.done $0x0  }
0x78: {  	s23 =	sadd.s32 s23, s10;
	s25 =	sor.u32 $0x1400, s25;
	[sflag:s1] =	ssyncadd.s32 $0xFFFFF000  }
0x79: {  	[tilespmem:s25], [sflag:$0x1] =	stream.linear.gather [hbm4b:s23+s3], $0x8000, $0x38;
	[tilespmem:$0x16400] =	vst v63  }
0x7a: {  	s23 =	sor.u32 $0x1400, s30;
	s25 =	sadd.s32 $0x400, s28  }
0x7b: {  	[spmem:s2] =	stream.indirect.scatter.add.f32 [tilespmem:s23], [sflag:$0x2], $0x20, s25, s17, $0xb8;
	[tilespmem:$0x16400] =	vst v63  }
0x7c: {  	s23 =	sor.u32 $0x2400, s30;
	s25 =	sadd.s32 $0x480, s28  }
0x7d: {  	[spmem:s2] =	stream.indirect.scatter.add.f32 [tilespmem:s23], [sflag:$0x2], $0x20, s25, s17, $0xb8;
	[tilespmem:$0x16400] =	vst v63  }
0x7e: {  	s23 =	sor.u32 $0x3400, s30;
	s25 =	sadd.s32 $0x500, s28  }
0x7f: {  	[spmem:s2] =	stream.indirect.scatter.add.f32 [tilespmem:s23], [sflag:$0x2], $0x20, s25, s17, $0xb8;
	[tilespmem:$0x16400] =	vst v63  }
0x80: {  	s23 =	sor.u32 $0x4400, s30;
	s25 =	sadd.s32 $0x580, s28  }
0x81: {  	[spmem:s2] =	stream.indirect.scatter.add.f32 [tilespmem:s23], [sflag:$0x2], $0x20, s25, s17, $0xb8;
	[tilespmem:$0x16400] =	vst v63  }
0x82: {  	s23 =	sor.u32 $0x5400, s30;
	s25 =	sadd.s32 $0x600, s28  }
0x83: {  	[spmem:s2] =	stream.indirect.scatter.add.f32 [tilespmem:s23], [sflag:$0x2], $0x20, s25, s17, $0xb8;
	[tilespmem:$0x16400] =	vst v63  }
.Ltmp0:
0x84: {  	s23 =	sor.u32 $0x6400, s30;
	s25 =	sadd.s32 $0x680, s28;
	(pc) =	sbr.rel @p0 .LBB2_2-.Ltmp0, $4  }
0x85: {  	[spmem:s2] =	stream.indirect.scatter.add.f32 [tilespmem:s23], [sflag:$0x2], $0x20, s25, s17, $0xb8;
	[tilespmem:$0x16400] =	vst v63  }
0x86: {  	s19 =	sadd.s32 $0x8000, s19;
	s23 =	sor.u32 $0x7400, s30;
	s25 =	sadd.s32 $0x700, s28  }
0x87: {  	[spmem:s2] =	stream.indirect.scatter.add.f32 [tilespmem:s23], [sflag:$0x2], $0x20, s25, s17, $0xb8;
	[tilespmem:$0x16400] =	vst v63  }
0x88: {  	s21 =	sadd.s32 $0x20000, s21;
	s23 =	sadd.s32 $0x8400, s30;
	s25 =	sadd.s32 $0x780, s28  }
0x89: {  	[spmem:s2] =	stream.indirect.scatter.add.f32 [tilespmem:s23], [sflag:$0x2], $0x20, s25, s17, $0xb8;
	[tilespmem:$0x16400] =	vst v63  }
0x8a: {  	_ =	swait.ge [sflag:s15], $0x8000  }
0x8b: {  	[sflag:s15] =	ssyncset.done $0x0  }
0x8c: {  	[sflag:s15] =	ssyncadd.s32 $0xFFFF8000  }
0x8d: {  	_ =	swait.ge [sflag:s1], $0x1000  }
0x8e: {  	[sflag:s1] =	ssyncset.done $0x0  }
0x8f: {  	[sflag:s1] =	ssyncadd.s32 $0xFFFFF000  }
0x90: {  	_ =	swait.ge [sflag:s1], $0x1000  }
0x91: {  	[sflag:s1] =	ssyncset.done $0x0  }
0x92: {  	[sflag:s1] =	ssyncadd.s32 $0xFFFFF000  }
0x93: {  	_ =	swait.ge [sflag:s1], $0x1000  }
0x94: {  	[sflag:s1] =	ssyncset.done $0x0  }
0x95: {  	[sflag:s1] =	ssyncadd.s32 $0xFFFFF000  }
0x96: {  	_ =	swait.ge [sflag:s1], $0x1000  }
0x97: {  	[sflag:s1] =	ssyncset.done $0x0  }
0x98: {  	[sflag:s1] =	ssyncadd.s32 $0xFFFFF000  }
0x99: {  	_ =	swait.ge [sflag:s1], $0x1000  }
0x9a: {  	[sflag:s1] =	ssyncset.done $0x0  }
0x9b: {  	[sflag:s1] =	ssyncadd.s32 $0xFFFFF000  }
0x9c: {  	_ =	swait.ge [sflag:s1], $0x1000  }
0x9d: {  	[sflag:s1] =	ssyncset.done $0x0  }
0x9e: {  	[sflag:s1] =	ssyncadd.s32 $0xFFFFF000  }
0x9f: {  	_ =	swait.ge [sflag:s1], $0x1000  }
0xa0: {  	[sflag:s1] =	ssyncset.done $0x0  }
0xa1: {  	[sflag:s1] =	ssyncadd.s32 $0xFFFFF000  }
0xa2: {  	_ =	swait.ge [sflag:s1], $0x1000  }
0xa3: {  	[sflag:s1] =	ssyncset.done $0x0  }
0xa4: {  	s16 =	simm.s32 $0x1000;
	[sflag:s1] =	ssyncadd.s32 $0xFFFFF000  }
0xa5: {  	[spmem:s2] =	stream.indirect.scatter.add.f32 [tilespmem:s12], [sflag:$0x2], $0x20, s16, s17, $0xb8;
	[tilespmem:$0x16400] =	vst v63  }
0xa6: {  	s30 =	simm.s32 $0x1080  }
0xa7: {  	[spmem:s2] =	stream.indirect.scatter.add.f32 [tilespmem:s18], [sflag:$0x2], $0x20, s30, s17, $0xb8;
	[tilespmem:$0x16400] =	vst v63  }
0xa8: {  	s19 =	simm.s32 $0x1100  }
0xa9: {  	[spmem:s2] =	stream.indirect.scatter.add.f32 [tilespmem:s20], [sflag:$0x2], $0x20, s19, s17, $0xb8;
	[tilespmem:$0x16400] =	vst v63  }
0xaa: {  	s21 =	simm.s32 $0x1180  }
0xab: {  	[spmem:s2] =	stream.indirect.scatter.add.f32 [tilespmem:s22], [sflag:$0x2], $0x20, s21, s17, $0xb8;
	[tilespmem:$0x16400] =	vst v63  }
0xac: {  	s23 =	simm.s32 $0x1200  }
0xad: {  	[spmem:s2] =	stream.indirect.scatter.add.f32 [tilespmem:s24], [sflag:$0x2], $0x20, s23, s17, $0xb8;
	[tilespmem:$0x16400] =	vst v63  }
0xae: {  	s25 =	simm.s32 $0x1280  }
0xaf: {  	[spmem:s2] =	stream.indirect.scatter.add.f32 [tilespmem:s26], [sflag:$0x2], $0x20, s25, s17, $0xb8;
	[tilespmem:$0x16400] =	vst v63  }
0xb0: {  	s28 =	simm.s32 $0x1300  }
0xb1: {  	[spmem:s2] =	stream.indirect.scatter.add.f32 [tilespmem:s29], [sflag:$0x2], $0x20, s28, s17, $0xb8;
	[tilespmem:$0x16400] =	vst v63  }
0xb2: {  	s30 =	simm.s32 $0x1380  }
0xb3: {  	[spmem:s2] =	stream.indirect.scatter.add.f32 [tilespmem:s31], [sflag:$0x2], $0x20, s30, s17, $0xb8;
	[tilespmem:$0x16400] =	vst v63  }
0xb4: {  	_ =	swait.ge [sflag:s1], $0x1000  }
0xb5: {  	[sflag:s1] =	ssyncset.done $0x0  }
0xb6: {  	[sflag:s1] =	ssyncadd.s32 $0xFFFFF000  }
0xb7: {  	_ =	swait.ge [sflag:s1], $0x1000  }
0xb8: {  	[sflag:s1] =	ssyncset.done $0x0  }
0xb9: {  	[sflag:s1] =	ssyncadd.s32 $0xFFFFF000  }
0xba: {  	_ =	swait.ge [sflag:s1], $0x1000  }
0xbb: {  	[sflag:s1] =	ssyncset.done $0x0  }
0xbc: {  	[sflag:s1] =	ssyncadd.s32 $0xFFFFF000  }
0xbd: {  	_ =	swait.ge [sflag:s1], $0x1000  }
0xbe: {  	[sflag:s1] =	ssyncset.done $0x0  }
0xbf: {  	[sflag:s1] =	ssyncadd.s32 $0xFFFFF000  }
0xc0: {  	_ =	swait.ge [sflag:s1], $0x1000  }
0xc1: {  	[sflag:s1] =	ssyncset.done $0x0  }
0xc2: {  	[sflag:s1] =	ssyncadd.s32 $0xFFFFF000  }
0xc3: {  	_ =	swait.ge [sflag:s1], $0x1000  }
0xc4: {  	[sflag:s1] =	ssyncset.done $0x0  }
0xc5: {  	[sflag:s1] =	ssyncadd.s32 $0xFFFFF000  }
0xc6: {  	_ =	swait.ge [sflag:s1], $0x1000  }
0xc7: {  	[sflag:s1] =	ssyncset.done $0x0  }
0xc8: {  	[sflag:s1] =	ssyncadd.s32 $0xFFFFF000  }
0xc9: {  	_ =	swait.ge [sflag:s1], $0x1000  }
0xca: {  	s0 =	sadd.s32 $0x1, s0;
	[sflag:s1] =	ssyncset.done $0x0  }
0xcb: {  	p0 =	sne.s32 s0, s8;
	[sflag:s1] =	ssyncadd.s32 $0xFFFFF000  }
.Ltmp1:
0xcc: {  	[bflag:$0x0] =	sbarrier.arrive $0xFFFF;
	(pc) =	sbr.rel @p0 .LBB2_1-.Ltmp1, $4  }
0xcd: {  	[hbm:s7], [sflag:s13] =	dma.local [spmem:s14], $0xA00  }
0xce: {  	_ =	swait.ge [sflag:s11], $0xA00  }
0xcf: {  	[sflag:s11] =	ssyncset.done $0x0  }
0xd0: {  	[sflag:s11] =	ssyncadd.s32 $0xFFFFF600  }
0xd1: {  	_ =	sfence.sel $0x180000  }
0xd2: {  	[bflag:$0x0] =	sbarrier.arrive $0xFFFF  }
0xd3: {  	_ =	strace $0x9000004A  }
0xd4: {  	s0 =	stileid.u32;
	[bflag:$0x2] =	sbarrier.arrive $0xFFFF  }
0xd5: {  	p0 =	sne.s32 s0, $0x0;
	s0 =	rddreg [dreg:$0x2]  }
0xd6: {  	s0 =	sadd.s32 @!p0 $0x100000, s0  }
0xd7: {  	[sflag:s0] =	ssyncadd.tile.s32 @!p0 $0x1;
	_ =	shalt  }
.Lfunc_end2:
_tile_overlayer_lowered:
.L_overlay_start_2:
0xd8: {  	(tag) =	ssettag $0x2  }
0xd9: {  	s0 =	rddreg [dreg:$0x0];
	s2 =	stileid.u32  }
0xda: {  	s1 =	rddreg [dreg:$0x1];
	p0 =	sne.s32 s2, $0x0  }
0xdb: {  	s3 =	rddreg [dreg:$0x2];
	[bflag:$0x3] =	sbarrier.arrive $0xFFFF;
	s2 =	simm.s32 @!p0 $0x1C03  }
0xdc: {  	[timem:s3], [sflag:s2] =	dma.local @!p0 [hbm:s0], s1  }
0xdd: {  	s0 =	simm.s32 @!p0 $0x3  }
0xde: {  	_ =	swait.ge @!p0 [sflag:s0], s1  }
0xdf: {  	s1 =	ssub.s32 @!p0 $0x0, s1;
	[sflag:s0] =	ssyncset.done @!p0 $0x0  }
0xe0: {  	[sflag:s0] =	ssyncadd.s32 @!p0 s1  }
0xe1: {  	[bflag:$0x3] =	sbarrier.arrive $0xFFFF  }
0xe2: {  	_ =	shalt  }

// kernel: kernel.16.cloned.1.call-start
scs
__scs_entry_jumppad:
0x0: {  	(pc) =	sbr.rel $0x88, $3  }
0x1: {  	(tag) =	ssettag $0x0;
	lr =	simm.s32 $0x1  }
0x2: {  	[smem:$0x3F91] =	sst lr;
	_ =	strace $0xD0000000  }
0x3: {  	_ = 	snop  }
0x4: {  	_ = 	snop  }
0x5: {  	_ = 	snop  }
0x6: {  	_ = 	snop  }
0x7: {  	_ = 	snop  }
__scs_overlays_trampoline_lowered:
0x8: {  	[smem:$0x3FA0] =	sst s0  }
0x9: {  	[smem:$0x3FA1] =	sst s1  }
0xa: {  	[smem:$0x3FA2] =	sst s2  }
0xb: {  	[smem:$0x3FA3] =	sst s3  }
0xc: {  	[smem:$0x3FA4] =	sst s4  }
0xd: {  	[smem:$0x3FA5] =	sst s5  }
0xe: {  	[smem:$0x3FA6] =	sst s6  }
0xf: {  	[smem:$0x3FA7] =	sst s7  }
0x10: {  	[smem:$0x3FA8] =	sst s8  }
0x11: {  	[smem:$0x3FA9] =	sst s9;
	s0 =	simm.s32 @!p0 $0x0  }
0x12: {  	s1 =	sld [smem:$0x3F8F];
	s0 =	simm.s32 @p0 $0x1  }
0x13: {  	[smem:$0x3FAA] =	sst s0;
	s0 =	simm.s32 @!p1 $0x0  }
0x14: {  	s2 =	sld [smem:$0x3F8E];
	s0 =	simm.s32 @p1 $0x1  }
0x15: {  	[smem:$0x3FAB] =	sst s0;
	s0 =	simm.s32 @!p2 $0x0  }
0x16: {  	s3 =	sld [smem:$0x3FDB];
	s0 =	simm.s32 @p2 $0x1  }
0x17: {  	s4 =	simm.s32 $0x1BF5;
	[smem:$0x3FAD] =	sst s0  }
0x18: {  	s0 =	sld [smem:$0x3F90];
	_ =	swait.ge [sflag:s4], $0x0  }
0x19: {  	s7 =	sld [smem:$0x3F91]  }
0x1a: {  	s8 =	sadd.s32 $0xFFFFE003, lr  }
0x1b: {  	s9 =	sadd.s32 $0xFFFFFEF7, lr;
	s5 =	simm.s32 $0xFFFFFFFF;
	p2 =	slt.u32 s8, $0xFFFFF086  }
0x1c: {  	p1 =	slt.u32 s9, $0xF7A;
	s5 =	simm.s32 @!p2 $0x0  }
0x1d: {  	s5 =	simm.s32 @p1 $0x1;
	p0 =	seq.s32 s7, s2  }
0x1e: {  	s7 =	smul.u32 @!p0 $0xF7A, s2;
	p2 =	seq.s32 @!p0 s5, $0x0  }
0x1f: {  	s9 =	smul.u32 $0xF7A, s1;
	s8 =	simm.s32 @!p0 $0x1BF5;
	p2 =	por !p2, p0  }
0x20: {  	[sflag:s8] =	ssyncset.s32 @!p0 $0xFFFFF086;
	s6 =	sadd.s32 @!p0 s3, s7;
	s7 =	simm.s32 @!p0 $0x108  }
0x21: {  	s3 =	sadd.s32 s3, s9;
	s6 =	sadd.s32 @!p0 $0x88, s6;
	s7 =	simm.s32 @p2 $0x1082  }
0x22: {  	[simem:s7], [sflag:s8] =	dma.local @!p0 [hbm:s6], $0xF7A  }
0x23: {  	s9 =	sor.u32 $0xD0000000, s2;
	s6 =	simm.s32 $0x108;
	_ =	swait.ge @!p0 [sflag:s8], $0x0  }
0x24: {  	s3 =	sadd.s32 $0x88, s3;
	s6 =	simm.s32 @!p1 $0x1082;
	[sflag:s4] =	ssyncset.s32 $0xFFFFF086  }
0x25: {  	[simem:s6], [sflag:s4] =	dma.local [hbm:s3], $0xF7A  }
0x26: {  	[smem:$0x3F91] =	sst s1;
	(tag) =	ssettag s2;
	_ =	strace s9  }
0x27: {  	s1 =	sld [smem:$0x3FA1]  }
0x28: {  	s2 =	sld [smem:$0x3FA2]  }
0x29: {  	s4 =	sld [smem:$0x3FA4]  }
0x2a: {  	p0 =	seq.s32 s5, $0x0;
	s5 =	sld [smem:$0x3FA5]  }
0x2b: {  	s6 =	sld [smem:$0x3FA6]  }
0x2c: {  	s7 =	sld [smem:$0x3FA7]  }
0x2d: {  	s3 =	simm.s32 $0x108;
	s8 =	sld [smem:$0x3FA8]  }
0x2e: {  	s3 =	simm.s32 @!p0 $0x1082;
	s9 =	sld [smem:$0x3FA9]  }
0x2f: {  	lr =	sadd.s32 s0, s3;
	s0 =	sld [smem:$0x3FA0]  }
0x30: {  	s3 =	sld [smem:$0x3FA3]  }
0x31: {  	[smem:$0x3FAC] =	sst s10  }
0x32: {  	s10 =	sld [smem:$0x3FAA];
	_ =	sdelay $0x3  }
0x33: {  	p0 =	seq.s32 s10, $0x1;
	s10 =	sld [smem:$0x3FAC];
	_ =	sdelay $0x3  }
0x34: {  	[smem:$0x3FAC] =	sst s10  }
0x35: {  	s10 =	sld [smem:$0x3FAB];
	_ =	sdelay $0x3  }
0x36: {  	p1 =	seq.s32 s10, $0x1;
	s10 =	sld [smem:$0x3FAC];
	_ =	sdelay $0x3  }
0x37: {  	[smem:$0x3FAC] =	sst s10  }
0x38: {  	s10 =	sld [smem:$0x3FAD]  }
0x39: {  	_ = 	snop;
	(pc) =	sbr.ind lr, $3  }
0x3a: {  	_ = 	snop  }
0x3b: {  	_ = 	snop  }
0x3c: {  	p2 =	seq.s32 s10, $0x1;
	s10 =	sld [smem:$0x3FAC]  }
0x3d: {  	_ =	shalt  }
0x3e: {  	_ =	shalt  }
0x3f: {  	_ =	shalt  }
0x40: {  	_ =	shalt  }
0x41: {  	_ =	shalt  }
0x42: {  	_ =	shalt  }
0x43: {  	_ =	shalt  }
0x44: {  	_ =	shalt  }
0x45: {  	_ =	shalt  }
0x46: {  	_ =	shalt  }
0x47: {  	_ =	shalt  }
0x48: {  	_ =	shalt  }
0x49: {  	_ =	shalt  }
0x4a: {  	_ =	shalt  }
0x4b: {  	_ =	shalt  }
0x4c: {  	_ =	shalt  }
0x4d: {  	_ =	shalt  }
0x4e: {  	_ =	shalt  }
0x4f: {  	_ =	shalt  }
0x50: {  	_ =	shalt  }
0x51: {  	_ =	shalt  }
0x52: {  	_ =	shalt  }
0x53: {  	_ =	shalt  }
0x54: {  	_ =	shalt  }
0x55: {  	_ =	shalt  }
0x56: {  	_ =	shalt  }
0x57: {  	_ =	shalt  }
0x58: {  	_ =	shalt  }
0x59: {  	_ =	shalt  }
0x5a: {  	_ =	shalt  }
0x5b: {  	_ =	shalt  }
0x5c: {  	_ =	shalt  }
0x5d: {  	_ =	shalt  }
0x5e: {  	_ =	shalt  }
0x5f: {  	_ =	shalt  }
0x60: {  	_ =	shalt  }
0x61: {  	_ =	shalt  }
0x62: {  	_ =	shalt  }
0x63: {  	_ =	shalt  }
0x64: {  	_ =	shalt  }
0x65: {  	_ =	shalt  }
0x66: {  	_ =	shalt  }
0x67: {  	_ =	shalt  }
0x68: {  	_ =	shalt  }
0x69: {  	_ =	shalt  }
0x6a: {  	_ =	shalt  }
0x6b: {  	_ =	shalt  }
0x6c: {  	_ =	shalt  }
0x6d: {  	_ =	shalt  }
0x6e: {  	_ =	shalt  }
0x6f: {  	_ =	shalt  }
0x70: {  	_ =	shalt  }
0x71: {  	_ =	shalt  }
0x72: {  	_ =	shalt  }
0x73: {  	_ =	shalt  }
0x74: {  	_ =	shalt  }
0x75: {  	_ =	shalt  }
0x76: {  	_ =	shalt  }
0x77: {  	_ =	shalt  }
0x78: {  	_ =	shalt  }
0x79: {  	_ =	shalt  }
0x7a: {  	_ =	shalt  }
0x7b: {  	_ =	shalt  }
0x7c: {  	_ =	shalt  }
0x7d: {  	_ =	shalt  }
0x7e: {  	_ =	shalt  }
0x7f: {  	_ =	shalt  }
0x80: {  	_ =	shalt  }
0x81: {  	_ =	shalt  }
0x82: {  	_ =	shalt  }
0x83: {  	_ =	shalt  }
0x84: {  	_ =	shalt  }
0x85: {  	_ =	shalt  }
0x86: {  	_ =	shalt  }
0x87: {  	_ =	shalt  }
.Lfunc_end0:
.L_simem_size_0:
called_computation.2_lowered:
.L_overlay_start_0:
0x88: {  	s2 =	sld [smem:$0x3FD9]  }
0x89: {  	s3 =	sld [smem:$0x3FFE];
	_ =	sdelay $0x1  }
0x8a: {  	s1 =	srdreg.scid  }
0x8b: {  	s0 =	sand.u32 $0x1, s1  }
0x8c: {  	s16 =	sshll.u32 s0, $0xA;
	s2 =	sadd.s32 s3, s2  }
0x8d: {  	s2 =	sadd.s32 s2, s16  }
0x8e: {  	[smem:$0x3FB8] =	sst s2  }
0x8f: {  	_ = 	snop  }
0x90: {  	(tm) =	ssettm $0x1  }
0x91: {  	s17 =	sld [smem:$0x3FFB];
	_ =	sdelay $0x3  }
0x92: {  	_ =	strace s17  }
0x93: {  	s2 =	sld [smem:$0x3FFC];
	_ =	sdelay $0x3  }
0x94: {  	_ =	strace s2  }
0x95: {  	s2 =	sld [smem:$0x3FFD];
	_ =	sdelay $0x3  }
0x96: {  	_ =	strace s2  }
0x97: {  	_ =	strace $0x8FFFFFFF  }
0x98: {  	s18 =	sld [smem:$0x3FDB];
	_ =	sdelay $0x1  }
0x99: {  	s19 =	simm.s32 $_scs_section_size  }
0x9a: {  	s4 =	simm.s32 $_size__tile_overlayer_lowered;
	s5 =	simm.s32 $_tile_overlayer_lowered  }
0x9b: {  	s22 =	simm.s32 $0x1BFF;
	s21 =	sshll.u32 s5, $0x1;
	s2 =	sadd.s32 s19, s18  }
0x9c: {  	s6 =	simm.s32 $0x0;
	s20 =	sshll.u32 s4, $0x1;
	s4 =	sadd.s32 s21, s2  }
0x9d: {  	[timem:s6], [sflag:s22] =	dma.local [hbm:s4], s20  }
0x9e: {  	_ =	swait.ge [sflag:s22], s20  }
0x9f: {  	s3 =	ssub.s32 $0x0, s20;
	[sflag:s22] =	ssyncset.done $0x0  }
0xa0: {  	[sflag:s22] =	ssyncadd.s32 s3;
	_ =	sdelay $0x1  }
0xa1: {  	s23 =	simm.s32 $0x1B8B  }
0xa2: {  	_ =	swait.ge [sflag:s23], $0x1  }
0xa3: {  	[sflag:s23] =	ssyncset.done $0x0  }
0xa4: {  	s25 =	simm.s32 $0x1B8E;
	s24 =	sld [smem:$0x3FFE];
	[sflag:s23] =	ssyncadd.s32 $0xFFFFFFFF  }
0xa5: {  	s26 =	simm.s32 $execute0_lowered;
	[smem:$0x3FD2] =	sst s25  }
0xa6: {  	s4 =	sshll.u32 s26, $0x1;
	_ =	strace $0x8000004C;
	[dreg:$0x1] =	wrdreg $0xFFFFFFFF  }
0xa7: {  	s28 =	simm.s32 $_size_execute0_lowered;
	s2 =	sadd.s32 s2, s4;
	[dreg:$0x0] =	wrdreg $0x0  }
0xa8: {  	s4 =	sshll.u32 s28, $0x1;
	[dreg:$0x2] =	wrdreg s2  }
0xa9: {  	[dreg:$0x3] =	wrdreg s4  }
0xaa: {  	[dreg:$0x4] =	wrdreg $0xC0  }
0xab: {  	_ =	task [dreg:s6], $0x5FFFF  }
0xac: {  	[dreg:$0x1] =	wrdreg $0xFFFFFFFF  }
0xad: {  	[dreg:$0x0] =	wrdreg $0x60  }
0xae: {  	[dreg:$0x2] =	wrdreg s24  }
0xaf: {  	[dreg:$0x3] =	wrdreg $0x114000  }
0xb0: {  	[dreg:$0x4] =	wrdreg $0x9  }
0xb1: {  	_ =	task.clear_ibuf [dreg:s6], $0x5FFFF;
	_ =	strace $0x9000004C  }
0xb2: {  	s29 =	simm.s32 $0x9;
	_ =	strace $0x8000004E  }
0xb3: {  	_ =	swait.ge [sflag:s29], $0x1  }
0xb4: {  	[sflag:s29] =	ssyncadd.s32 $0xFFFFFFFF  }
0xb5: {  	_ =	strace $0x9000004E  }
0xb6: {  	_ =	sfence  }
0xb7: {  	s30 =	sld [smem:$0x0];
	_ =	sdelay $0x2  }
0xb8: {  	s31 =	sshll.u32 s1, $0xD;
	s1 =	sshrl.u32 s1, $0x2  }
0xb9: {  	s3 =	sand.u32 $0x4000, s31;
	s1 =	sadd.s32 s1, s30  }
0xba: {  	s0 =	sor.u32 s3, s0;
	s1 =	sshll.u32 s1, $0x11  }
0xbb: {  	s0 =	sor.u32 s1, s0  }
0xbc: {  	s0 =	sadd.s32 $0x8F2B, s0  }
0xbd: {  	[sflag:s0] =	ssyncadd.remote.s32 $0x1  }
0xbe: {  	_ =	sfence.sel $0xFFFF  }
0xbf: {  	[dreg:$0x0] =	wrdreg $0xFFFFFFFF;
	(pc) =	sbr.abs _section_cstart, $3  }
0xc0: {  	[dreg:$0x1] =	wrdreg $0xFFFFFFFF  }
0xc1: {  	_ =	task.clear_ibuf [dreg:s6], $0x2FFFF;
	_ =	strace $0x9FFFFFFF  }
0xc2: {  	(tm) =	ssettm $0x7FFFFFFF  }
0xc3: {  	_ =	shalt  }
tec
execute0_lowered:
.L_overlay_start_1:
0x0: {  	(tag) =	ssettag $0x1  }
0x1: {  	s4 =	rddreg [dreg:$0x0]  }
0x2: {  	s2 =	rddreg [dreg:$0x1];
	s3 =	simm.s32 $0x0  }
0x3: {  	s9 =	simm.s32 $0x380;
	[smem:$0x7FF] =	sst s3  }
0x4: {  	s10 =	simm.s32 $0x400;
	_ =	strace $0x8000004D;
	[dreg:$0x13] =	wrdreg s9  }
0x5: {  	s11 =	simm.s32 $0x480;
	[dreg:$0x14] =	wrdreg s10  }
0x6: {  	s12 =	simm.s32 $0x500;
	[dreg:$0x15] =	wrdreg s11  }
0x7: {  	s13 =	simm.s32 $0x580;
	[dreg:$0x16] =	wrdreg s12  }
0x8: {  	s14 =	simm.s32 $0x600;
	[dreg:$0x17] =	wrdreg s13  }
0x9: {  	s15 =	simm.s32 $0x680;
	[dreg:$0x18] =	wrdreg s14  }
0xa: {  	s16 =	simm.s32 $0x700;
	[dreg:$0x19] =	wrdreg s15  }
0xb: {  	s17 =	simm.s32 $0x780;
	[dreg:$0x1a] =	wrdreg s16  }
0xc: {  	s8 =	stileid.u32;
	s18 =	simm.s32 $0x800;
	[dreg:$0x1b] =	wrdreg s17  }
0xd: {  	s0 =	srdreg.scid;
	s19 =	simm.s32 $0x880;
	[dreg:$0x1c] =	wrdreg s18  }
0xe: {  	s20 =	simm.s32 $0x900;
	s21 =	simm.s32 $0x980;
	[dreg:$0x1d] =	wrdreg s19  }
0xf: {  	s1 =	sand.u32 $0x1, s0;
	s22 =	sshll.u32 s8, $0x1;
	[dreg:$0x1e] =	wrdreg s20  }
0x10: {  	s0 =	sor.u32 s1, s22;
	[dreg:$0x1f] =	wrdreg s21;
	s22 =	simm.s32 $0xA00  }
0x11: {  	s9 =	simm.s32 $0xF80;
	[smem:$0x7EE] =	sst s22  }
0x12: {  	s5 =	smul.u32 $0x4F00, s8;
	s10 =	simm.s32 $0x1000;
	[smem:$0x7F9] =	sst s9  }
0x13: {  	s11 =	simm.s32 $0x1080;
	s12 =	simm.s32 $0x1100;
	[smem:$0x7FA] =	sst s10  }
0x14: {  	s14 =	simm.s32 $0x1180;
	s7 =	sshrl.u32 s5, $0x3;
	[smem:$0x7FB] =	sst s11  }
0x15: {  	s6 =	smul.u32 $0x280, s0;
	[smem:$0x7FC] =	sst s12;
	s7 =	sadd.s32 s7, s4  }
0x16: {  	s0 =	smul.u32 $0x28000, s0;
	[smem:$0x7FD] =	sst s14;
	s23 =	sadd.s32 $0x3600, s7  }
0x17: {  	s6 =	sadd.s32 s6, s4;
	s7 =	simm.s32 $0x280;
	[dreg:$0x4] =	wrdreg s23  }
0x18: {  	s0 =	sshrl.u32 s0, $0x3;
	s6 =	sadd.s32 $0x17600, s6;
	[dreg:$0x11] =	wrdreg s7  }
0x19: {  	s0 =	sadd.s32 s0, s4;
	s4 =	sadd.s32 $0xCA20, s4;
	[dreg:$0x3] =	wrdreg s6  }
0x1a: {  	s23 =	simm.s32 $0xA80;
	[dreg:$0x5] =	wrdreg s4  }
0x1b: {  	s7 =	simm.s32 $0xE80;
	[smem:$0x7EF] =	sst s23  }
0x1c: {  	s24 =	sadd.s32 $0x43800, s0;
	[smem:$0x7F7] =	sst s7  }
0x1d: {  	s25 =	sadd.s32 $0x44800, s0;
	[dreg:$0x6] =	wrdreg s24  }
0x1e: {  	s26 =	sadd.s32 $0x45800, s0;
	[dreg:$0x7] =	wrdreg s25  }
0x1f: {  	s28 =	sadd.s32 $0x46800, s0;
	[dreg:$0x8] =	wrdreg s26  }
0x20: {  	p0 =	seq.s32 s8, $0xF;
	s0 =	sadd.s32 $0x47800, s0;
	[dreg:$0x9] =	wrdreg s28  }
0x21: {  	s4 =	sshll.u32 @!p0 s8, $0x6;
	s8 =	simm.s32 $0x300;
	[dreg:$0xa] =	wrdreg s0  }
0x22: {  	s6 =	sadd.s32 $0x4A100, s2;
	[dreg:$0x12] =	wrdreg s8  }
0x23: {  	s0 =	sshrl.u32 @p0 s6, $0x3;
	s13 =	rddreg [dreg:$0x3]  }
0x24: {  	s6 =	simm.s32 $0x200;
	[dreg:$0xd] =	wrdreg s0  }
0x25: {  	s24 =	simm.s32 $0xB00;
	[dreg:$0x10] =	wrdreg s6  }
0x26: {  	s25 =	simm.s32 $0xB80;
	[smem:$0x7F0] =	sst s24  }
0x27: {  	s26 =	simm.s32 $0xC00;
	[smem:$0x7F1] =	sst s25  }
0x28: {  	s28 =	simm.s32 $0xC80;
	[smem:$0x7F2] =	sst s26  }
0x29: {  	s8 =	simm.s32 $0xF00;
	[smem:$0x7F3] =	sst s28  }
0x2a: {  	s0 =	sor.u32 @!p0 $0x1C03, s4;
	[smem:$0x7F8] =	sst s8  }
0x2b: {  	[tilespmem:s3], [sflag:$0x3] =	stream.linear.gather [hbm4b:s13+s3], $0x1400, $0x38;
	[tilespmem:$0x16220] =	vst v63  }
0x2c: {  	s4 =	simm.s32 $0x100;
	[dreg:$0xb] =	wrdreg s0  }
0x2d: {  	s5 =	sadd.s32 s5, s2;
	s6 =	simm.s32 $0xE00;
	[dreg:$0xe] =	wrdreg s4  }
0x2e: {  	s0 =	sshrl.u32 @!p0 s5, $0x3;
	[smem:$0x7F6] =	sst s6  }
0x2f: {  	s5 =	simm.s32 $0x180;
	[dreg:$0xc] =	wrdreg s0  }
0x30: {  	s4 =	simm.s32 $0xD00;
	[dreg:$0xf] =	wrdreg s5  }
0x31: {  	[smem:$0x7F4] =	sst s4;
	s5 =	simm.s32 $0xD80  }
0x32: {  	s4 =	simm.s32 $0x3;
	[smem:$0x7F5] =	sst s5  }
0x33: {  	_ =	swait.ge [sflag:s4], $0x1400  }
0x34: {  	s6 =	simm.s32 @p0 $0x3;
	s0 =	rddreg [dreg:$0x5];
	[sflag:s4] =	ssyncset.done $0x0  }
0x35: {  	s5 =	simm.s32 @p0 $0x1FC3;
	s7 =	rddreg [dreg:$0xd];
	[sflag:s4] =	ssyncadd.s32 $0xFFFFEC00  }
0x36: {  	[spmem:s7], [sflag:s5] =	dma.local @p0 [hbm:s0], $0x820  }
0x37: {  	_ =	swait.ge @p0 [sflag:s6], $0x820  }
0x38: {  	s0 =	rddreg [dreg:$0xc]  }
0x39: {  	s8 =	rddreg [dreg:$0x4];
	[sflag:s6] =	ssyncset.done @p0 $0x0  }
0x3a: {  	s7 =	simm.s32 @!p0 $0x3;
	s9 =	rddreg [dreg:$0xb];
	[sflag:s6] =	ssyncadd.s32 @p0 $0xFFFFF7E0  }
0x3b: {  	[spmem:s0], [sflag:s9] =	dma.local @!p0 [hbm:s8], $0x9E0  }
0x3c: {  	_ =	swait.ge @!p0 [sflag:s7], $0x9E0  }
0x3d: {  	[sflag:s7] =	ssyncset.done @!p0 $0x0  }
0x3e: {  	[sflag:s7] =	ssyncadd.s32 @!p0 $0xFFFFF620  }
0x3f: {  	s9 =	simm.s32 $0x80;
	s8 =	simm.s32 $0x1400;
	[bflag:$0x0] =	sbarrier.arrive $0xFFFF  }
0x40: {  	[tilespmem:s8], [sflag:$0x1] =	stream.indirect.gather [spmem:s2], $0x20, s3, s9, $0xb8;
	[tilespmem:$0x16220] =	vst v63  }
0x41: {  	s10 =	simm.s32 $0x2400  }
0x42: {  	[tilespmem:s10], [sflag:$0x1] =	stream.indirect.gather [spmem:s2], $0x20, s9, s9, $0xb8;
	[tilespmem:$0x16220] =	vst v63  }
0x43: {  	s11 =	simm.s32 $0x3400;
	s15 =	rddreg [dreg:$0xe]  }
0x44: {  	[tilespmem:s11], [sflag:$0x1] =	stream.indirect.gather [spmem:s2], $0x20, s15, s9, $0xb8;
	[tilespmem:$0x16220] =	vst v63  }
0x45: {  	s12 =	simm.s32 $0x4400;
	s13 =	rddreg [dreg:$0xf]  }
0x46: {  	[tilespmem:s12], [sflag:$0x1] =	stream.indirect.gather [spmem:s2], $0x20, s13, s9, $0xb8;
	[tilespmem:$0x16220] =	vst v63  }
0x47: {  	s16 =	rddreg [dreg:$0x10];
	s13 =	simm.s32 $0x5400  }
0x48: {  	[tilespmem:s13], [sflag:$0x1] =	stream.indirect.gather [spmem:s2], $0x20, s16, s9, $0xb8;
	[tilespmem:$0x16220] =	vst v63  }
0x49: {  	s14 =	simm.s32 $0x6400;
	s15 =	rddreg [dreg:$0x11]  }
0x4a: {  	[tilespmem:s14], [sflag:$0x1] =	stream.indirect.gather [spmem:s2], $0x20, s15, s9, $0xb8;
	[tilespmem:$0x16220] =	vst v63  }
0x4b: {  	s17 =	rddreg [dreg:$0x12];
	s15 =	simm.s32 $0x7400  }
0x4c: {  	[tilespmem:s15], [sflag:$0x1] =	stream.indirect.gather [spmem:s2], $0x20, s17, s9, $0xb8;
	[tilespmem:$0x16220] =	vst v63  }
0x4d: {  	s18 =	rddreg [dreg:$0x13];
	s16 =	simm.s32 $0x8400;
	s17 =	simm.s32 $0x1  }
0x4e: {  	[tilespmem:s16], [sflag:$0x1] =	stream.indirect.gather [spmem:s2], $0x20, s18, s9, $0xb8;
	[tilespmem:$0x16220] =	vst v63  }
0x4f: {  	_ =	swait.ge [sflag:s17], $0x1000  }
0x50: {  	[sflag:s17] =	ssyncset.done $0x0  }
0x51: {  	[sflag:s17] =	ssyncadd.s32 $0xFFFFF000  }
0x52: {  	_ =	swait.ge [sflag:s17], $0x1000  }
0x53: {  	[sflag:s17] =	ssyncset.done $0x0  }
0x54: {  	[sflag:s17] =	ssyncadd.s32 $0xFFFFF000  }
0x55: {  	_ =	swait.ge [sflag:s17], $0x1000  }
0x56: {  	[sflag:s17] =	ssyncset.done $0x0  }
0x57: {  	[sflag:s17] =	ssyncadd.s32 $0xFFFFF000  }
0x58: {  	_ =	swait.ge [sflag:s17], $0x1000  }
0x59: {  	[sflag:s17] =	ssyncset.done $0x0  }
0x5a: {  	[sflag:s17] =	ssyncadd.s32 $0xFFFFF000  }
0x5b: {  	_ =	swait.ge [sflag:s17], $0x1000  }
0x5c: {  	[sflag:s17] =	ssyncset.done $0x0  }
0x5d: {  	[sflag:s17] =	ssyncadd.s32 $0xFFFFF000  }
0x5e: {  	_ =	swait.ge [sflag:s17], $0x1000  }
0x5f: {  	[sflag:s17] =	ssyncset.done $0x0  }
0x60: {  	[sflag:s17] =	ssyncadd.s32 $0xFFFFF000  }
0x61: {  	_ =	swait.ge [sflag:s17], $0x1000  }
0x62: {  	[sflag:s17] =	ssyncset.done $0x0  }
0x63: {  	[sflag:s17] =	ssyncadd.s32 $0xFFFFF000  }
0x64: {  	_ =	swait.ge [sflag:s17], $0x1000  }
0x65: {  	[sflag:s17] =	ssyncset.done $0x0  }
0x66: {  	s18 =	simm.s32 $0x9400;
	s19 =	rddreg [dreg:$0x14];
	[sflag:s17] =	ssyncadd.s32 $0xFFFFF000  }
0x67: {  	[tilespmem:s18], [sflag:$0x1] =	stream.indirect.gather [spmem:s2], $0x20, s19, s9, $0xb8;
	[tilespmem:$0x16220] =	vst v63  }
0x68: {  	s20 =	rddreg [dreg:$0x15];
	s19 =	simm.s32 $0xA400  }
0x69: {  	[tilespmem:s19], [sflag:$0x1] =	stream.indirect.gather [spmem:s2], $0x20, s20, s9, $0xb8;
	[tilespmem:$0x16220] =	vst v63  }
0x6a: {  	s21 =	rddreg [dreg:$0x16];
	s20 =	simm.s32 $0xB400  }
0x6b: {  	[tilespmem:s20], [sflag:$0x1] =	stream.indirect.gather [spmem:s2], $0x20, s21, s9, $0xb8;
	[tilespmem:$0x16220] =	vst v63  }
0x6c: {  	s22 =	rddreg [dreg:$0x17];
	s21 =	simm.s32 $0xC400  }
0x6d: {  	[tilespmem:s21], [sflag:$0x1] =	stream.indirect.gather [spmem:s2], $0x20, s22, s9, $0xb8;
	[tilespmem:$0x16220] =	vst v63  }
0x6e: {  	s23 =	rddreg [dreg:$0x18];
	s22 =	simm.s32 $0xD400  }
0x6f: {  	[tilespmem:s22], [sflag:$0x1] =	stream.indirect.gather [spmem:s2], $0x20, s23, s9, $0xb8;
	[tilespmem:$0x16220] =	vst v63  }
0x70: {  	s24 =	rddreg [dreg:$0x19];
	s23 =	simm.s32 $0xE400  }
0x71: {  	[tilespmem:s23], [sflag:$0x1] =	stream.indirect.gather [spmem:s2], $0x20, s24, s9, $0xb8;
	[tilespmem:$0x16220] =	vst v63  }
0x72: {  	s25 =	rddreg [dreg:$0x1a];
	s24 =	simm.s32 $0xF400  }
0x73: {  	[tilespmem:s24], [sflag:$0x1] =	stream.indirect.gather [spmem:s2], $0x20, s25, s9, $0xb8;
	[tilespmem:$0x16220] =	vst v63  }
0x74: {  	s26 =	rddreg [dreg:$0x1b];
	s25 =	simm.s32 $0x10400  }
0x75: {  	[tilespmem:s25], [sflag:$0x1] =	stream.indirect.gather [spmem:s2], $0x20, s26, s9, $0xb8;
	[tilespmem:$0x16220] =	vst v63  }
0x76: {  	s28 =	rddreg [dreg:$0x6]  }
0x77: {  	[hbm4b:s28+s3] =	stream.linear.scatter [tilespmem:s8], [sflag:$0x2], $0x8000, $0x38;
	[tilespmem:$0x16220] =	vst v63  }
0x78: {  	_ =	swait.ge [sflag:s17], $0x1000  }
0x79: {  	[sflag:s17] =	ssyncset.done $0x0  }
0x7a: {  	[sflag:s17] =	ssyncadd.s32 $0xFFFFF000  }
0x7b: {  	_ =	swait.ge [sflag:s17], $0x1000  }
0x7c: {  	[sflag:s17] =	ssyncset.done $0x0  }
0x7d: {  	[sflag:s17] =	ssyncadd.s32 $0xFFFFF000  }
0x7e: {  	_ =	swait.ge [sflag:s17], $0x1000  }
0x7f: {  	[sflag:s17] =	ssyncset.done $0x0  }
0x80: {  	[sflag:s17] =	ssyncadd.s32 $0xFFFFF000  }
0x81: {  	_ =	swait.ge [sflag:s17], $0x1000  }
0x82: {  	[sflag:s17] =	ssyncset.done $0x0  }
0x83: {  	[sflag:s17] =	ssyncadd.s32 $0xFFFFF000  }
0x84: {  	_ =	swait.ge [sflag:s17], $0x1000  }
0x85: {  	[sflag:s17] =	ssyncset.done $0x0  }
0x86: {  	[sflag:s17] =	ssyncadd.s32 $0xFFFFF000  }
0x87: {  	_ =	swait.ge [sflag:s17], $0x1000  }
0x88: {  	[sflag:s17] =	ssyncset.done $0x0  }
0x89: {  	[sflag:s17] =	ssyncadd.s32 $0xFFFFF000  }
0x8a: {  	_ =	swait.ge [sflag:s17], $0x1000  }
0x8b: {  	[sflag:s17] =	ssyncset.done $0x0  }
0x8c: {  	[sflag:s17] =	ssyncadd.s32 $0xFFFFF000  }
0x8d: {  	_ =	swait.ge [sflag:s17], $0x1000  }
0x8e: {  	[sflag:s17] =	ssyncset.done $0x0  }
0x8f: {  	s26 =	simm.s32 $0x2;
	[sflag:s17] =	ssyncadd.s32 $0xFFFFF000  }
0x90: {  	_ =	swait.ge [sflag:s26], $0x8000  }
0x91: {  	s5 =	rddreg [dreg:$0x1c];
	[sflag:s26] =	ssyncset.done $0x0  }
0x92: {  	s28 =	rddreg [dreg:$0x1d];
	[sflag:s26] =	ssyncadd.s32 $0xFFFF8000  }
0x93: {  	[tilespmem:s8], [sflag:$0x1] =	stream.indirect.gather [spmem:s2], $0x20, s5, s9, $0xb8;
	[tilespmem:$0x16220] =	vst v63  }
0x94: {  	s5 =	rddreg [dreg:$0x1e]  }
0x95: {  	[tilespmem:s10], [sflag:$0x1] =	stream.indirect.gather [spmem:s2], $0x20, s28, s9, $0xb8;
	[tilespmem:$0x16220] =	vst v63  }
0x96: {  	s28 =	rddreg [dreg:$0x1f]  }
0x97: {  	[tilespmem:s11], [sflag:$0x1] =	stream.indirect.gather [spmem:s2], $0x20, s5, s9, $0xb8;
	[tilespmem:$0x16220] =	vst v63  }
0x98: {  	s5 =	sld [smem:$0x7EE]  }
0x99: {  	[tilespmem:s12], [sflag:$0x1] =	stream.indirect.gather [spmem:s2], $0x20, s28, s9, $0xb8;
	[tilespmem:$0x16220] =	vst v63  }
0x9a: {  	s28 =	sld [smem:$0x7EF]  }
0x9b: {  	[tilespmem:s13], [sflag:$0x1] =	stream.indirect.gather [spmem:s2], $0x20, s5, s9, $0xb8;
	[tilespmem:$0x16220] =	vst v63  }
0x9c: {  	s5 =	sld [smem:$0x7F0]  }
0x9d: {  	[tilespmem:s14], [sflag:$0x1] =	stream.indirect.gather [spmem:s2], $0x20, s28, s9, $0xb8;
	[tilespmem:$0x16220] =	vst v63  }
0x9e: {  	s28 =	sld [smem:$0x7F1]  }
0x9f: {  	[tilespmem:s15], [sflag:$0x1] =	stream.indirect.gather [spmem:s2], $0x20, s5, s9, $0xb8;
	[tilespmem:$0x16220] =	vst v63  }
0xa0: {  	_ = 	snop  }
0xa1: {  	[tilespmem:s16], [sflag:$0x1] =	stream.indirect.gather [spmem:s2], $0x20, s28, s9, $0xb8;
	[tilespmem:$0x16220] =	vst v63  }
0xa2: {  	s5 =	rddreg [dreg:$0x7]  }
0xa3: {  	[hbm4b:s5+s3] =	stream.linear.scatter [tilespmem:s18], [sflag:$0x2], $0x8000, $0x38;
	[tilespmem:$0x16220] =	vst v63  }
0xa4: {  	_ =	swait.ge [sflag:s17], $0x1000  }
0xa5: {  	[sflag:s17] =	ssyncset.done $0x0  }
0xa6: {  	[sflag:s17] =	ssyncadd.s32 $0xFFFFF000  }
0xa7: {  	_ =	swait.ge [sflag:s17], $0x1000  }
0xa8: {  	[sflag:s17] =	ssyncset.done $0x0  }
0xa9: {  	[sflag:s17] =	ssyncadd.s32 $0xFFFFF000  }
0xaa: {  	_ =	swait.ge [sflag:s17], $0x1000  }
0xab: {  	[sflag:s17] =	ssyncset.done $0x0  }
0xac: {  	[sflag:s17] =	ssyncadd.s32 $0xFFFFF000  }
0xad: {  	_ =	swait.ge [sflag:s17], $0x1000  }
0xae: {  	[sflag:s17] =	ssyncset.done $0x0  }
0xaf: {  	[sflag:s17] =	ssyncadd.s32 $0xFFFFF000  }
0xb0: {  	_ =	swait.ge [sflag:s17], $0x1000  }
0xb1: {  	[sflag:s17] =	ssyncset.done $0x0  }
0xb2: {  	[sflag:s17] =	ssyncadd.s32 $0xFFFFF000  }
0xb3: {  	_ =	swait.ge [sflag:s17], $0x1000  }
0xb4: {  	[sflag:s17] =	ssyncset.done $0x0  }
0xb5: {  	[sflag:s17] =	ssyncadd.s32 $0xFFFFF000  }
0xb6: {  	_ =	swait.ge [sflag:s17], $0x1000  }
0xb7: {  	[sflag:s17] =	ssyncset.done $0x0  }
0xb8: {  	[sflag:s17] =	ssyncadd.s32 $0xFFFFF000  }
0xb9: {  	_ =	swait.ge [sflag:s17], $0x1000  }
0xba: {  	[sflag:s17] =	ssyncset.done $0x0  }
0xbb: {  	[sflag:s17] =	ssyncadd.s32 $0xFFFFF000  }
0xbc: {  	_ =	swait.ge [sflag:s26], $0x8000  }
0xbd: {  	s5 =	sld [smem:$0x7F2]  }
0xbe: {  	[sflag:s26] =	ssyncset.done $0x0  }
0xbf: {  	s28 =	sld [smem:$0x7F3];
	[sflag:s26] =	ssyncadd.s32 $0xFFFF8000  }
0xc0: {  	[tilespmem:s18], [sflag:$0x1] =	stream.indirect.gather [spmem:s2], $0x20, s5, s9, $0xb8;
	[tilespmem:$0x16220] =	vst v63  }
0xc1: {  	s5 =	sld [smem:$0x7F4]  }
0xc2: {  	[tilespmem:s19], [sflag:$0x1] =	stream.indirect.gather [spmem:s2], $0x20, s28, s9, $0xb8;
	[tilespmem:$0x16220] =	vst v63  }
0xc3: {  	s28 =	sld [smem:$0x7F5]  }
0xc4: {  	[tilespmem:s20], [sflag:$0x1] =	stream.indirect.gather [spmem:s2], $0x20, s5, s9, $0xb8;
	[tilespmem:$0x16220] =	vst v63  }
0xc5: {  	s5 =	sld [smem:$0x7F6]  }
0xc6: {  	[tilespmem:s21], [sflag:$0x1] =	stream.indirect.gather [spmem:s2], $0x20, s28, s9, $0xb8;
	[tilespmem:$0x16220] =	vst v63  }
0xc7: {  	s28 =	sld [smem:$0x7F7]  }
0xc8: {  	[tilespmem:s22], [sflag:$0x1] =	stream.indirect.gather [spmem:s2], $0x20, s5, s9, $0xb8;
	[tilespmem:$0x16220] =	vst v63  }
0xc9: {  	s5 =	sld [smem:$0x7F8]  }
0xca: {  	[tilespmem:s23], [sflag:$0x1] =	stream.indirect.gather [spmem:s2], $0x20, s28, s9, $0xb8;
	[tilespmem:$0x16220] =	vst v63  }
0xcb: {  	s28 =	sld [smem:$0x7F9]  }
0xcc: {  	[tilespmem:s24], [sflag:$0x1] =	stream.indirect.gather [spmem:s2], $0x20, s5, s9, $0xb8;
	[tilespmem:$0x16220] =	vst v63  }
0xcd: {  	_ = 	snop  }
0xce: {  	[tilespmem:s25], [sflag:$0x1] =	stream.indirect.gather [spmem:s2], $0x20, s28, s9, $0xb8;
	[tilespmem:$0x16220] =	vst v63  }
0xcf: {  	s5 =	rddreg [dreg:$0x8]  }
0xd0: {  	[hbm4b:s5+s3] =	stream.linear.scatter [tilespmem:s8], [sflag:$0x2], $0x8000, $0x38;
	[tilespmem:$0x16220] =	vst v63  }
0xd1: {  	_ =	swait.ge [sflag:s17], $0x1000  }
0xd2: {  	[sflag:s17] =	ssyncset.done $0x0  }
0xd3: {  	[sflag:s17] =	ssyncadd.s32 $0xFFFFF000  }
0xd4: {  	_ =	swait.ge [sflag:s17], $0x1000  }
0xd5: {  	[sflag:s17] =	ssyncset.done $0x0  }
0xd6: {  	[sflag:s17] =	ssyncadd.s32 $0xFFFFF000  }
0xd7: {  	_ =	swait.ge [sflag:s17], $0x1000  }
0xd8: {  	[sflag:s17] =	ssyncset.done $0x0  }
0xd9: {  	[sflag:s17] =	ssyncadd.s32 $0xFFFFF000  }
0xda: {  	_ =	swait.ge [sflag:s17], $0x1000  }
0xdb: {  	[sflag:s17] =	ssyncset.done $0x0  }
0xdc: {  	[sflag:s17] =	ssyncadd.s32 $0xFFFFF000  }
0xdd: {  	_ =	swait.ge [sflag:s17], $0x1000  }
0xde: {  	[sflag:s17] =	ssyncset.done $0x0  }
0xdf: {  	[sflag:s17] =	ssyncadd.s32 $0xFFFFF000  }
0xe0: {  	_ =	swait.ge [sflag:s17], $0x1000  }
0xe1: {  	[sflag:s17] =	ssyncset.done $0x0  }
0xe2: {  	[sflag:s17] =	ssyncadd.s32 $0xFFFFF000  }
0xe3: {  	_ =	swait.ge [sflag:s17], $0x1000  }
0xe4: {  	[sflag:s17] =	ssyncset.done $0x0  }
0xe5: {  	[sflag:s17] =	ssyncadd.s32 $0xFFFFF000  }
0xe6: {  	_ =	swait.ge [sflag:s17], $0x1000  }
0xe7: {  	[sflag:s17] =	ssyncset.done $0x0  }
0xe8: {  	[sflag:s17] =	ssyncadd.s32 $0xFFFFF000  }
0xe9: {  	_ =	swait.ge [sflag:s26], $0x8000  }
0xea: {  	s0 =	sld [smem:$0x7FA]  }
0xeb: {  	[sflag:s26] =	ssyncset.done $0x0  }
0xec: {  	s5 =	sld [smem:$0x7FB];
	[sflag:s26] =	ssyncadd.s32 $0xFFFF8000  }
0xed: {  	[tilespmem:s8], [sflag:$0x1] =	stream.indirect.gather [spmem:s2], $0x20, s0, s9, $0xb8;
	[tilespmem:$0x16220] =	vst v63  }
0xee: {  	s0 =	sld [smem:$0x7FC]  }
0xef: {  	[tilespmem:s10], [sflag:$0x1] =	stream.indirect.gather [spmem:s2], $0x20, s5, s9, $0xb8;
	[tilespmem:$0x16220] =	vst v63  }
0xf0: {  	s5 =	sld [smem:$0x7FD]  }
0xf1: {  	[tilespmem:s11], [sflag:$0x1] =	stream.indirect.gather [spmem:s2], $0x20, s0, s9, $0xb8;
	[tilespmem:$0x16220] =	vst v63  }
0xf2: {  	_ = 	snop  }
0xf3: {  	[tilespmem:s12], [sflag:$0x1] =	stream.indirect.gather [spmem:s2], $0x20, s5, s9, $0xb8;
	[tilespmem:$0x16220] =	vst v63  }
0xf4: {  	s28 =	simm.s32 $0x1200  }
0xf5: {  	[tilespmem:s13], [sflag:$0x1] =	stream.indirect.gather [spmem:s2], $0x20, s28, s9, $0xb8;
	[tilespmem:$0x16220] =	vst v63  }
0xf6: {  	s29 =	simm.s32 $0x1280  }
0xf7: {  	[tilespmem:s14], [sflag:$0x1] =	stream.indirect.gather [spmem:s2], $0x20, s29, s9, $0xb8;
	[tilespmem:$0x16220] =	vst v63  }
0xf8: {  	s30 =	simm.s32 $0x1300  }
0xf9: {  	[tilespmem:s15], [sflag:$0x1] =	stream.indirect.gather [spmem:s2], $0x20, s30, s9, $0xb8;
	[tilespmem:$0x16220] =	vst v63  }
0xfa: {  	s31 =	simm.s32 $0x1380  }
0xfb: {  	[tilespmem:s16], [sflag:$0x1] =	stream.indirect.gather [spmem:s2], $0x20, s31, s9, $0xb8;
	[tilespmem:$0x16220] =	vst v63  }
0xfc: {  	s5 =	rddreg [dreg:$0x9]  }
0xfd: {  	[hbm4b:s5+s3] =	stream.linear.scatter [tilespmem:s18], [sflag:$0x2], $0x8000, $0x38;
	[tilespmem:$0x16220] =	vst v63  }
0xfe: {  	_ =	swait.ge [sflag:s17], $0x1000  }
0xff: {  	[sflag:s17] =	ssyncset.done $0x0  }
0x100: {  	[sflag:s17] =	ssyncadd.s32 $0xFFFFF000  }
0x101: {  	_ =	swait.ge [sflag:s17], $0x1000  }
0x102: {  	[sflag:s17] =	ssyncset.done $0x0  }
0x103: {  	[sflag:s17] =	ssyncadd.s32 $0xFFFFF000  }
0x104: {  	_ =	swait.ge [sflag:s17], $0x1000  }
0x105: {  	[sflag:s17] =	ssyncset.done $0x0  }
0x106: {  	[sflag:s17] =	ssyncadd.s32 $0xFFFFF000  }
0x107: {  	_ =	swait.ge [sflag:s17], $0x1000  }
0x108: {  	[sflag:s17] =	ssyncset.done $0x0  }
0x109: {  	[sflag:s17] =	ssyncadd.s32 $0xFFFFF000  }
0x10a: {  	_ =	swait.ge [sflag:s17], $0x1000  }
0x10b: {  	[sflag:s17] =	ssyncset.done $0x0  }
0x10c: {  	[sflag:s17] =	ssyncadd.s32 $0xFFFFF000  }
0x10d: {  	_ =	swait.ge [sflag:s17], $0x1000  }
0x10e: {  	s28 =	ssub.s32 $0x2, s1;
	[sflag:s17] =	ssyncset.done $0x0  }
0x10f: {  	s1 =	sshrl.u32 s28, $0x1;
	[sflag:s17] =	ssyncadd.s32 $0xFFFFF000  }
0x110: {  	s0 =	ssub.s32 s28, s1;
	_ =	swait.ge [sflag:s17], $0x1000  }
0x111: {  	s0 =	smax.u32 s0, $0x1;
	[sflag:s17] =	ssyncset.done $0x0  }
0x112: {  	s1 =	sadd.s32 $0xFFFFFFFF, s0;
	[sflag:s17] =	ssyncadd.s32 $0xFFFFF000  }
0x113: {  	p1 =	sne.s32 s1, $0x0;
	_ =	swait.ge [sflag:s17], $0x1000  }
.Ltmp0:
0x114: {  	[sflag:s17] =	ssyncset.done $0x0;
	(pc) =	sbr.rel @!p1 .LBB2_2-.Ltmp0, $4  }
0x115: {  	[sflag:s17] =	ssyncadd.s32 $0xFFFFF000  }
0x116: {  	_ =	swait.ge [sflag:s26], $0x8000  }
0x117: {  	[sflag:s26] =	ssyncset.done $0x0  }
0x118: {  	s0 =	rddreg [dreg:$0xa];
	[sflag:s26] =	ssyncadd.s32 $0xFFFF8000  }
.LBB2_1:
0x119: {  	[hbm4b:s0+s3] =	stream.linear.scatter [tilespmem:s8], [sflag:$0x2], $0x8000, $0x38;
	[tilespmem:$0x16220] =	vst v63  }
0x11a: {  	_ =	swait.ge [sflag:s26], $0x8000  }
0x11b: {  	[sflag:s26] =	ssyncset.done $0x0  }
0x11c: {  	s28 =	rddreg [dreg:$0x3];
	[sflag:s26] =	ssyncadd.s32 $0xFFFF8000  }
0x11d: {  	[tilespmem:s3], [sflag:$0x3] =	stream.linear.gather [hbm4b:s28+s3], $0x1400, $0x38;
	[tilespmem:$0x16220] =	vst v63  }
0x11e: {  	_ =	swait.ge [sflag:s4], $0x1400  }
0x11f: {  	[sflag:s4] =	ssyncset.done $0x0;
	s0 =	rddreg [dreg:$0x5]  }
0x120: {  	s28 =	simm.s32 @p0 $0x1FC3;
	s5 =	rddreg [dreg:$0xd];
	[sflag:s4] =	ssyncadd.s32 $0xFFFFEC00  }
0x121: {  	[spmem:s5], [sflag:s28] =	dma.local @p0 [hbm:s0], $0x820  }
0x122: {  	_ =	swait.ge @p0 [sflag:s6], $0x820  }
0x123: {  	s0 =	rddreg [dreg:$0xc]  }
0x124: {  	[sflag:s6] =	ssyncset.done @p0 $0x0;
	s5 =	rddreg [dreg:$0x4]  }
0x125: {  	s28 =	rddreg [dreg:$0xb];
	[sflag:s6] =	ssyncadd.s32 @p0 $0xFFFFF7E0  }
0x126: {  	[spmem:s0], [sflag:s28] =	dma.local @!p0 [hbm:s5], $0x9E0  }
0x127: {  	_ =	swait.ge @!p0 [sflag:s7], $0x9E0  }
0x128: {  	[sflag:s7] =	ssyncset.done @!p0 $0x0  }
0x129: {  	[sflag:s7] =	ssyncadd.s32 @!p0 $0xFFFFF620  }
0x12a: {  	[bflag:$0x0] =	sbarrier.arrive $0xFFFF  }
0x12b: {  	[tilespmem:s8], [sflag:$0x1] =	stream.indirect.gather [spmem:s2], $0x20, s3, s9, $0xb8;
	[tilespmem:$0x16220] =	vst v63  }
0x12c: {  	_ = 	snop  }
0x12d: {  	[tilespmem:s10], [sflag:$0x1] =	stream.indirect.gather [spmem:s2], $0x20, s9, s9, $0xb8;
	[tilespmem:$0x16220] =	vst v63  }
0x12e: {  	s5 =	rddreg [dreg:$0xe]  }
0x12f: {  	[tilespmem:s11], [sflag:$0x1] =	stream.indirect.gather [spmem:s2], $0x20, s5, s9, $0xb8;
	[tilespmem:$0x16220] =	vst v63  }
0x130: {  	s28 =	rddreg [dreg:$0xf]  }
0x131: {  	[tilespmem:s12], [sflag:$0x1] =	stream.indirect.gather [spmem:s2], $0x20, s28, s9, $0xb8;
	[tilespmem:$0x16220] =	vst v63  }
0x132: {  	s0 =	rddreg [dreg:$0x10]  }
0x133: {  	[tilespmem:s13], [sflag:$0x1] =	stream.indirect.gather [spmem:s2], $0x20, s0, s9, $0xb8;
	[tilespmem:$0x16220] =	vst v63  }
0x134: {  	s28 =	rddreg [dreg:$0x11]  }
0x135: {  	[tilespmem:s14], [sflag:$0x1] =	stream.indirect.gather [spmem:s2], $0x20, s28, s9, $0xb8;
	[tilespmem:$0x16220] =	vst v63  }
0x136: {  	s0 =	rddreg [dreg:$0x12]  }
0x137: {  	[tilespmem:s15], [sflag:$0x1] =	stream.indirect.gather [spmem:s2], $0x20, s0, s9, $0xb8;
	[tilespmem:$0x16220] =	vst v63  }
0x138: {  	s28 =	rddreg [dreg:$0x13]  }
0x139: {  	[tilespmem:s16], [sflag:$0x1] =	stream.indirect.gather [spmem:s2], $0x20, s28, s9, $0xb8;
	[tilespmem:$0x16220] =	vst v63  }
0x13a: {  	_ =	swait.ge [sflag:s17], $0x1000  }
0x13b: {  	[sflag:s17] =	ssyncset.done $0x0  }
0x13c: {  	[sflag:s17] =	ssyncadd.s32 $0xFFFFF000  }
0x13d: {  	_ =	swait.ge [sflag:s17], $0x1000  }
0x13e: {  	[sflag:s17] =	ssyncset.done $0x0  }
0x13f: {  	[sflag:s17] =	ssyncadd.s32 $0xFFFFF000  }
0x140: {  	_ =	swait.ge [sflag:s17], $0x1000  }
0x141: {  	[sflag:s17] =	ssyncset.done $0x0  }
0x142: {  	[sflag:s17] =	ssyncadd.s32 $0xFFFFF000  }
0x143: {  	_ =	swait.ge [sflag:s17], $0x1000  }
0x144: {  	[sflag:s17] =	ssyncset.done $0x0  }
0x145: {  	[sflag:s17] =	ssyncadd.s32 $0xFFFFF000  }
0x146: {  	_ =	swait.ge [sflag:s17], $0x1000  }
0x147: {  	[sflag:s17] =	ssyncset.done $0x0  }
0x148: {  	[sflag:s17] =	ssyncadd.s32 $0xFFFFF000  }
0x149: {  	_ =	swait.ge [sflag:s17], $0x1000  }
0x14a: {  	[sflag:s17] =	ssyncset.done $0x0  }
0x14b: {  	[sflag:s17] =	ssyncadd.s32 $0xFFFFF000  }
0x14c: {  	_ =	swait.ge [sflag:s17], $0x1000  }
0x14d: {  	[sflag:s17] =	ssyncset.done $0x0  }
0x14e: {  	[sflag:s17] =	ssyncadd.s32 $0xFFFFF000  }
0x14f: {  	_ =	swait.ge [sflag:s17], $0x1000  }
0x150: {  	[sflag:s17] =	ssyncset.done $0x0  }
0x151: {  	s28 =	rddreg [dreg:$0x14];
	[sflag:s17] =	ssyncadd.s32 $0xFFFFF000  }
0x152: {  	[tilespmem:s18], [sflag:$0x1] =	stream.indirect.gather [spmem:s2], $0x20, s28, s9, $0xb8;
	[tilespmem:$0x16220] =	vst v63  }
0x153: {  	s5 =	rddreg [dreg:$0x15]  }
0x154: {  	[tilespmem:s19], [sflag:$0x1] =	stream.indirect.gather [spmem:s2], $0x20, s5, s9, $0xb8;
	[tilespmem:$0x16220] =	vst v63  }
0x155: {  	s28 =	rddreg [dreg:$0x16]  }
0x156: {  	[tilespmem:s20], [sflag:$0x1] =	stream.indirect.gather [spmem:s2], $0x20, s28, s9, $0xb8;
	[tilespmem:$0x16220] =	vst v63  }
0x157: {  	s5 =	rddreg [dreg:$0x17]  }
0x158: {  	[tilespmem:s21], [sflag:$0x1] =	stream.indirect.gather [spmem:s2], $0x20, s5, s9, $0xb8;
	[tilespmem:$0x16220] =	vst v63  }
0x159: {  	s28 =	rddreg [dreg:$0x18]  }
0x15a: {  	[tilespmem:s22], [sflag:$0x1] =	stream.indirect.gather [spmem:s2], $0x20, s28, s9, $0xb8;
	[tilespmem:$0x16220] =	vst v63  }
0x15b: {  	s5 =	rddreg [dreg:$0x19]  }
0x15c: {  	[tilespmem:s23], [sflag:$0x1] =	stream.indirect.gather [spmem:s2], $0x20, s5, s9, $0xb8;
	[tilespmem:$0x16220] =	vst v63  }
0x15d: {  	s28 =	rddreg [dreg:$0x1a]  }
0x15e: {  	[tilespmem:s24], [sflag:$0x1] =	stream.indirect.gather [spmem:s2], $0x20, s28, s9, $0xb8;
	[tilespmem:$0x16220] =	vst v63  }
0x15f: {  	s5 =	rddreg [dreg:$0x1b]  }
0x160: {  	[tilespmem:s25], [sflag:$0x1] =	stream.indirect.gather [spmem:s2], $0x20, s5, s9, $0xb8;
	[tilespmem:$0x16220] =	vst v63  }
0x161: {  	s28 =	rddreg [dreg:$0x6]  }
0x162: {  	[hbm4b:s28+s3] =	stream.linear.scatter [tilespmem:s8], [sflag:$0x2], $0x8000, $0x38;
	[tilespmem:$0x16220] =	vst v63  }
0x163: {  	_ =	swait.ge [sflag:s17], $0x1000  }
0x164: {  	[sflag:s17] =	ssyncset.done $0x0  }
0x165: {  	[sflag:s17] =	ssyncadd.s32 $0xFFFFF000  }
0x166: {  	_ =	swait.ge [sflag:s17], $0x1000  }
0x167: {  	[sflag:s17] =	ssyncset.done $0x0  }
0x168: {  	[sflag:s17] =	ssyncadd.s32 $0xFFFFF000  }
0x169: {  	_ =	swait.ge [sflag:s17], $0x1000  }
0x16a: {  	[sflag:s17] =	ssyncset.done $0x0  }
0x16b: {  	[sflag:s17] =	ssyncadd.s32 $0xFFFFF000  }
0x16c: {  	_ =	swait.ge [sflag:s17], $0x1000  }
0x16d: {  	[sflag:s17] =	ssyncset.done $0x0  }
0x16e: {  	[sflag:s17] =	ssyncadd.s32 $0xFFFFF000  }
0x16f: {  	_ =	swait.ge [sflag:s17], $0x1000  }
0x170: {  	[sflag:s17] =	ssyncset.done $0x0  }
0x171: {  	[sflag:s17] =	ssyncadd.s32 $0xFFFFF000  }
0x172: {  	_ =	swait.ge [sflag:s17], $0x1000  }
0x173: {  	[sflag:s17] =	ssyncset.done $0x0  }
0x174: {  	[sflag:s17] =	ssyncadd.s32 $0xFFFFF000  }
0x175: {  	_ =	swait.ge [sflag:s17], $0x1000  }
0x176: {  	[sflag:s17] =	ssyncset.done $0x0  }
0x177: {  	[sflag:s17] =	ssyncadd.s32 $0xFFFFF000  }
0x178: {  	_ =	swait.ge [sflag:s17], $0x1000  }
0x179: {  	[sflag:s17] =	ssyncset.done $0x0  }
0x17a: {  	[sflag:s17] =	ssyncadd.s32 $0xFFFFF000  }
0x17b: {  	_ =	swait.ge [sflag:s26], $0x8000  }
0x17c: {  	[sflag:s26] =	ssyncset.done $0x0;
	s28 =	rddreg [dreg:$0x1c]  }
0x17d: {  	s5 =	rddreg [dreg:$0x1d];
	[sflag:s26] =	ssyncadd.s32 $0xFFFF8000  }
0x17e: {  	[tilespmem:s8], [sflag:$0x1] =	stream.indirect.gather [spmem:s2], $0x20, s28, s9, $0xb8;
	[tilespmem:$0x16220] =	vst v63  }
0x17f: {  	s28 =	rddreg [dreg:$0x1e]  }
0x180: {  	[tilespmem:s10], [sflag:$0x1] =	stream.indirect.gather [spmem:s2], $0x20, s5, s9, $0xb8;
	[tilespmem:$0x16220] =	vst v63  }
0x181: {  	s5 =	rddreg [dreg:$0x1f]  }
0x182: {  	[tilespmem:s11], [sflag:$0x1] =	stream.indirect.gather [spmem:s2], $0x20, s28, s9, $0xb8;
	[tilespmem:$0x16220] =	vst v63  }
0x183: {  	s28 =	sld [smem:$0x7EE]  }
0x184: {  	[tilespmem:s12], [sflag:$0x1] =	stream.indirect.gather [spmem:s2], $0x20, s5, s9, $0xb8;
	[tilespmem:$0x16220] =	vst v63  }
0x185: {  	s5 =	sld [smem:$0x7EF]  }
0x186: {  	[tilespmem:s13], [sflag:$0x1] =	stream.indirect.gather [spmem:s2], $0x20, s28, s9, $0xb8;
	[tilespmem:$0x16220] =	vst v63  }
0x187: {  	s28 =	sld [smem:$0x7F0]  }
0x188: {  	[tilespmem:s14], [sflag:$0x1] =	stream.indirect.gather [spmem:s2], $0x20, s5, s9, $0xb8;
	[tilespmem:$0x16220] =	vst v63  }
0x189: {  	s5 =	sld [smem:$0x7F1]  }
0x18a: {  	[tilespmem:s15], [sflag:$0x1] =	stream.indirect.gather [spmem:s2], $0x20, s28, s9, $0xb8;
	[tilespmem:$0x16220] =	vst v63  }
0x18b: {  	_ = 	snop  }
0x18c: {  	[tilespmem:s16], [sflag:$0x1] =	stream.indirect.gather [spmem:s2], $0x20, s5, s9, $0xb8;
	[tilespmem:$0x16220] =	vst v63  }
0x18d: {  	s28 =	rddreg [dreg:$0x7]  }
0x18e: {  	[hbm4b:s28+s3] =	stream.linear.scatter [tilespmem:s18], [sflag:$0x2], $0x8000, $0x38;
	[tilespmem:$0x16220] =	vst v63  }
0x18f: {  	_ =	swait.ge [sflag:s17], $0x1000  }
0x190: {  	[sflag:s17] =	ssyncset.done $0x0  }
0x191: {  	[sflag:s17] =	ssyncadd.s32 $0xFFFFF000  }
0x192: {  	_ =	swait.ge [sflag:s17], $0x1000  }
0x193: {  	[sflag:s17] =	ssyncset.done $0x0  }
0x194: {  	[sflag:s17] =	ssyncadd.s32 $0xFFFFF000  }
0x195: {  	_ =	swait.ge [sflag:s17], $0x1000  }
0x196: {  	[sflag:s17] =	ssyncset.done $0x0  }
0x197: {  	[sflag:s17] =	ssyncadd.s32 $0xFFFFF000  }
0x198: {  	_ =	swait.ge [sflag:s17], $0x1000  }
0x199: {  	[sflag:s17] =	ssyncset.done $0x0  }
0x19a: {  	[sflag:s17] =	ssyncadd.s32 $0xFFFFF000  }
0x19b: {  	_ =	swait.ge [sflag:s17], $0x1000  }
0x19c: {  	[sflag:s17] =	ssyncset.done $0x0  }
0x19d: {  	[sflag:s17] =	ssyncadd.s32 $0xFFFFF000  }
0x19e: {  	_ =	swait.ge [sflag:s17], $0x1000  }
0x19f: {  	[sflag:s17] =	ssyncset.done $0x0  }
0x1a0: {  	[sflag:s17] =	ssyncadd.s32 $0xFFFFF000  }
0x1a1: {  	_ =	swait.ge [sflag:s17], $0x1000  }
0x1a2: {  	[sflag:s17] =	ssyncset.done $0x0  }
0x1a3: {  	[sflag:s17] =	ssyncadd.s32 $0xFFFFF000  }
0x1a4: {  	_ =	swait.ge [sflag:s17], $0x1000  }
0x1a5: {  	[sflag:s17] =	ssyncset.done $0x0  }
0x1a6: {  	[sflag:s17] =	ssyncadd.s32 $0xFFFFF000  }
0x1a7: {  	_ =	swait.ge [sflag:s26], $0x8000  }
0x1a8: {  	s28 =	sld [smem:$0x7F2]  }
0x1a9: {  	[sflag:s26] =	ssyncset.done $0x0  }
0x1aa: {  	s5 =	sld [smem:$0x7F3];
	[sflag:s26] =	ssyncadd.s32 $0xFFFF8000  }
0x1ab: {  	[tilespmem:s18], [sflag:$0x1] =	stream.indirect.gather [spmem:s2], $0x20, s28, s9, $0xb8;
	[tilespmem:$0x16220] =	vst v63  }
0x1ac: {  	s28 =	sld [smem:$0x7F4]  }
0x1ad: {  	[tilespmem:s19], [sflag:$0x1] =	stream.indirect.gather [spmem:s2], $0x20, s5, s9, $0xb8;
	[tilespmem:$0x16220] =	vst v63  }
0x1ae: {  	s5 =	sld [smem:$0x7F5]  }
0x1af: {  	[tilespmem:s20], [sflag:$0x1] =	stream.indirect.gather [spmem:s2], $0x20, s28, s9, $0xb8;
	[tilespmem:$0x16220] =	vst v63  }
0x1b0: {  	s28 =	sld [smem:$0x7F6]  }
0x1b1: {  	[tilespmem:s21], [sflag:$0x1] =	stream.indirect.gather [spmem:s2], $0x20, s5, s9, $0xb8;
	[tilespmem:$0x16220] =	vst v63  }
0x1b2: {  	s5 =	sld [smem:$0x7F7]  }
0x1b3: {  	[tilespmem:s22], [sflag:$0x1] =	stream.indirect.gather [spmem:s2], $0x20, s28, s9, $0xb8;
	[tilespmem:$0x16220] =	vst v63  }
0x1b4: {  	s28 =	sld [smem:$0x7F8]  }
0x1b5: {  	[tilespmem:s23], [sflag:$0x1] =	stream.indirect.gather [spmem:s2], $0x20, s5, s9, $0xb8;
	[tilespmem:$0x16220] =	vst v63  }
0x1b6: {  	s5 =	sld [smem:$0x7F9]  }
0x1b7: {  	[tilespmem:s24], [sflag:$0x1] =	stream.indirect.gather [spmem:s2], $0x20, s28, s9, $0xb8;
	[tilespmem:$0x16220] =	vst v63  }
0x1b8: {  	_ = 	snop  }
0x1b9: {  	[tilespmem:s25], [sflag:$0x1] =	stream.indirect.gather [spmem:s2], $0x20, s5, s9, $0xb8;
	[tilespmem:$0x16220] =	vst v63  }
0x1ba: {  	s28 =	rddreg [dreg:$0x8]  }
0x1bb: {  	[hbm4b:s28+s3] =	stream.linear.scatter [tilespmem:s8], [sflag:$0x2], $0x8000, $0x38;
	[tilespmem:$0x16220] =	vst v63  }
0x1bc: {  	_ =	swait.ge [sflag:s17], $0x1000  }
0x1bd: {  	[sflag:s17] =	ssyncset.done $0x0  }
0x1be: {  	[sflag:s17] =	ssyncadd.s32 $0xFFFFF000  }
0x1bf: {  	_ =	swait.ge [sflag:s17], $0x1000  }
0x1c0: {  	[sflag:s17] =	ssyncset.done $0x0  }
0x1c1: {  	[sflag:s17] =	ssyncadd.s32 $0xFFFFF000  }
0x1c2: {  	_ =	swait.ge [sflag:s17], $0x1000  }
0x1c3: {  	[sflag:s17] =	ssyncset.done $0x0  }
0x1c4: {  	[sflag:s17] =	ssyncadd.s32 $0xFFFFF000  }
0x1c5: {  	_ =	swait.ge [sflag:s17], $0x1000  }
0x1c6: {  	[sflag:s17] =	ssyncset.done $0x0  }
0x1c7: {  	[sflag:s17] =	ssyncadd.s32 $0xFFFFF000  }
0x1c8: {  	_ =	swait.ge [sflag:s17], $0x1000  }
0x1c9: {  	[sflag:s17] =	ssyncset.done $0x0  }
0x1ca: {  	[sflag:s17] =	ssyncadd.s32 $0xFFFFF000  }
0x1cb: {  	_ =	swait.ge [sflag:s17], $0x1000  }
0x1cc: {  	[sflag:s17] =	ssyncset.done $0x0  }
0x1cd: {  	[sflag:s17] =	ssyncadd.s32 $0xFFFFF000  }
0x1ce: {  	_ =	swait.ge [sflag:s17], $0x1000  }
0x1cf: {  	[sflag:s17] =	ssyncset.done $0x0  }
0x1d0: {  	[sflag:s17] =	ssyncadd.s32 $0xFFFFF000  }
0x1d1: {  	_ =	swait.ge [sflag:s17], $0x1000  }
0x1d2: {  	[sflag:s17] =	ssyncset.done $0x0  }
0x1d3: {  	[sflag:s17] =	ssyncadd.s32 $0xFFFFF000  }
0x1d4: {  	_ =	swait.ge [sflag:s26], $0x8000  }
0x1d5: {  	s5 =	sld [smem:$0x7FA]  }
0x1d6: {  	[sflag:s26] =	ssyncset.done $0x0  }
0x1d7: {  	s28 =	sld [smem:$0x7FB];
	[sflag:s26] =	ssyncadd.s32 $0xFFFF8000  }
0x1d8: {  	[tilespmem:s8], [sflag:$0x1] =	stream.indirect.gather [spmem:s2], $0x20, s5, s9, $0xb8;
	[tilespmem:$0x16220] =	vst v63  }
0x1d9: {  	s0 =	sld [smem:$0x7FC]  }
0x1da: {  	[tilespmem:s10], [sflag:$0x1] =	stream.indirect.gather [spmem:s2], $0x20, s28, s9, $0xb8;
	[tilespmem:$0x16220] =	vst v63  }
0x1db: {  	s28 =	sld [smem:$0x7FD]  }
0x1dc: {  	[tilespmem:s11], [sflag:$0x1] =	stream.indirect.gather [spmem:s2], $0x20, s0, s9, $0xb8;
	[tilespmem:$0x16220] =	vst v63  }
0x1dd: {  	_ = 	snop  }
0x1de: {  	[tilespmem:s12], [sflag:$0x1] =	stream.indirect.gather [spmem:s2], $0x20, s28, s9, $0xb8;
	[tilespmem:$0x16220] =	vst v63  }
0x1df: {  	s5 =	simm.s32 $0x1200  }
0x1e0: {  	[tilespmem:s13], [sflag:$0x1] =	stream.indirect.gather [spmem:s2], $0x20, s5, s9, $0xb8;
	[tilespmem:$0x16220] =	vst v63  }
0x1e1: {  	_ = 	snop  }
0x1e2: {  	[tilespmem:s14], [sflag:$0x1] =	stream.indirect.gather [spmem:s2], $0x20, s29, s9, $0xb8;
	[tilespmem:$0x16220] =	vst v63  }
0x1e3: {  	_ = 	snop  }
0x1e4: {  	[tilespmem:s15], [sflag:$0x1] =	stream.indirect.gather [spmem:s2], $0x20, s30, s9, $0xb8;
	[tilespmem:$0x16220] =	vst v63  }
0x1e5: {  	_ = 	snop  }
0x1e6: {  	[tilespmem:s16], [sflag:$0x1] =	stream.indirect.gather [spmem:s2], $0x20, s31, s9, $0xb8;
	[tilespmem:$0x16220] =	vst v63  }
0x1e7: {  	s28 =	rddreg [dreg:$0x9]  }
0x1e8: {  	[hbm4b:s28+s3] =	stream.linear.scatter [tilespmem:s18], [sflag:$0x2], $0x8000, $0x38;
	[tilespmem:$0x16220] =	vst v63  }
0x1e9: {  	_ =	swait.ge [sflag:s17], $0x1000  }
0x1ea: {  	[sflag:s17] =	ssyncset.done $0x0  }
0x1eb: {  	[sflag:s17] =	ssyncadd.s32 $0xFFFFF000  }
0x1ec: {  	_ =	swait.ge [sflag:s17], $0x1000  }
0x1ed: {  	[sflag:s17] =	ssyncset.done $0x0  }
0x1ee: {  	[sflag:s17] =	ssyncadd.s32 $0xFFFFF000  }
0x1ef: {  	_ =	swait.ge [sflag:s17], $0x1000  }
0x1f0: {  	[sflag:s17] =	ssyncset.done $0x0  }
0x1f1: {  	[sflag:s17] =	ssyncadd.s32 $0xFFFFF000  }
0x1f2: {  	_ =	swait.ge [sflag:s17], $0x1000  }
0x1f3: {  	[sflag:s17] =	ssyncset.done $0x0  }
0x1f4: {  	[sflag:s17] =	ssyncadd.s32 $0xFFFFF000  }
0x1f5: {  	_ =	swait.ge [sflag:s17], $0x1000  }
0x1f6: {  	[sflag:s17] =	ssyncset.done $0x0  }
0x1f7: {  	[sflag:s17] =	ssyncadd.s32 $0xFFFFF000  }
0x1f8: {  	_ =	swait.ge [sflag:s17], $0x1000  }
0x1f9: {  	[sflag:s17] =	ssyncset.done $0x0  }
0x1fa: {  	[sflag:s17] =	ssyncadd.s32 $0xFFFFF000  }
0x1fb: {  	_ =	swait.ge [sflag:s17], $0x1000  }
0x1fc: {  	[sflag:s17] =	ssyncset.done $0x0  }
0x1fd: {  	s1 =	sadd.s32 $0xFFFFFFFF, s1;
	[sflag:s17] =	ssyncadd.s32 $0xFFFFF000  }
0x1fe: {  	p1 =	sne.s32 s1, $0x0;
	_ =	swait.ge [sflag:s17], $0x1000  }
.Ltmp1:
0x1ff: {  	[sflag:s17] =	ssyncset.done $0x0;
	(pc) =	sbr.rel @p1 .LBB2_1-.Ltmp1, $4  }
0x200: {  	[sflag:s17] =	ssyncadd.s32 $0xFFFFF000  }
0x201: {  	_ =	swait.ge [sflag:s26], $0x8000  }
0x202: {  	[sflag:s26] =	ssyncset.done $0x0  }
0x203: {  	s0 =	rddreg [dreg:$0xa];
	[sflag:s26] =	ssyncadd.s32 $0xFFFF8000  }
.LBB2_2:
0x204: {  	[hbm4b:s0+s3] =	stream.linear.scatter [tilespmem:s8], [sflag:$0x2], $0x8000, $0x38;
	[tilespmem:$0x16220] =	vst v63  }
0x205: {  	_ =	swait.ge [sflag:s26], $0x8000  }
0x206: {  	[sflag:s26] =	ssyncset.done $0x0  }
0x207: {  	[sflag:s26] =	ssyncadd.s32 $0xFFFF8000  }
0x208: {  	_ =	sfence.sel $0x180000  }
0x209: {  	[bflag:$0x0] =	sbarrier.arrive $0xFFFF  }
0x20a: {  	_ =	strace $0x9000004D  }
0x20b: {  	s31 =	stileid.u32;
	[bflag:$0x2] =	sbarrier.arrive $0xFFFF  }
0x20c: {  	p0 =	sne.s32 s31, $0x0;
	s0 =	rddreg [dreg:$0x2]  }
0x20d: {  	s0 =	sadd.s32 @!p0 $0x100000, s0  }
0x20e: {  	[sflag:s0] =	ssyncadd.tile.s32 @!p0 $0x1;
	_ =	shalt  }
.Lfunc_end2:
_tile_overlayer_lowered:
.L_overlay_start_2:
0x20f: {  	(tag) =	ssettag $0x2  }
0x210: {  	s0 =	rddreg [dreg:$0x0];
	s2 =	stileid.u32  }
0x211: {  	s1 =	rddreg [dreg:$0x1];
	p0 =	sne.s32 s2, $0x0  }
0x212: {  	s3 =	rddreg [dreg:$0x2];
	[bflag:$0x3] =	sbarrier.arrive $0xFFFF;
	s2 =	simm.s32 @!p0 $0x1C03  }
0x213: {  	[timem:s3], [sflag:s2] =	dma.local @!p0 [hbm:s0], s1  }
0x214: {  	s0 =	simm.s32 @!p0 $0x3  }
0x215: {  	_ =	swait.ge @!p0 [sflag:s0], s1  }
0x216: {  	s1 =	ssub.s32 @!p0 $0x0, s1;
	[sflag:s0] =	ssyncset.done @!p0 $0x0  }
0x217: {  	[sflag:s0] =	ssyncadd.s32 @!p0 s1  }
0x218: {  	[bflag:$0x3] =	sbarrier.arrive $0xFFFF  }
0x219: {  	_ =	shalt  }

// kernel: kernel.19.cloned.1.call-start
scs
__scs_entry_jumppad:
0x0: {  	(pc) =	sbr.rel $0x88, $3  }
0x1: {  	(tag) =	ssettag $0x0;
	lr =	simm.s32 $0x1  }
0x2: {  	[smem:$0x3F91] =	sst lr;
	_ =	strace $0xD0000000  }
0x3: {  	_ = 	snop  }
0x4: {  	_ = 	snop  }
0x5: {  	_ = 	snop  }
0x6: {  	_ = 	snop  }
0x7: {  	_ = 	snop  }
__scs_overlays_trampoline_lowered:
0x8: {  	[smem:$0x3FA0] =	sst s0  }
0x9: {  	[smem:$0x3FA1] =	sst s1  }
0xa: {  	[smem:$0x3FA2] =	sst s2  }
0xb: {  	[smem:$0x3FA3] =	sst s3  }
0xc: {  	[smem:$0x3FA4] =	sst s4  }
0xd: {  	[smem:$0x3FA5] =	sst s5  }
0xe: {  	[smem:$0x3FA6] =	sst s6  }
0xf: {  	[smem:$0x3FA7] =	sst s7  }
0x10: {  	[smem:$0x3FA8] =	sst s8  }
0x11: {  	[smem:$0x3FA9] =	sst s9;
	s0 =	simm.s32 @!p0 $0x0  }
0x12: {  	s1 =	sld [smem:$0x3F8F];
	s0 =	simm.s32 @p0 $0x1  }
0x13: {  	[smem:$0x3FAA] =	sst s0;
	s0 =	simm.s32 @!p1 $0x0  }
0x14: {  	s2 =	sld [smem:$0x3F8E];
	s0 =	simm.s32 @p1 $0x1  }
0x15: {  	[smem:$0x3FAB] =	sst s0;
	s0 =	simm.s32 @!p2 $0x0  }
0x16: {  	s3 =	sld [smem:$0x3FDB];
	s0 =	simm.s32 @p2 $0x1  }
0x17: {  	s4 =	simm.s32 $0x1BF5;
	[smem:$0x3FAD] =	sst s0  }
0x18: {  	s0 =	sld [smem:$0x3F90];
	_ =	swait.ge [sflag:s4], $0x0  }
0x19: {  	s7 =	sld [smem:$0x3F91]  }
0x1a: {  	s8 =	sadd.s32 $0xFFFFE003, lr  }
0x1b: {  	s9 =	sadd.s32 $0xFFFFFEF7, lr;
	s5 =	simm.s32 $0xFFFFFFFF;
	p2 =	slt.u32 s8, $0xFFFFF086  }
0x1c: {  	p1 =	slt.u32 s9, $0xF7A;
	s5 =	simm.s32 @!p2 $0x0  }
0x1d: {  	s5 =	simm.s32 @p1 $0x1;
	p0 =	seq.s32 s7, s2  }
0x1e: {  	s7 =	smul.u32 @!p0 $0xF7A, s2;
	p2 =	seq.s32 @!p0 s5, $0x0  }
0x1f: {  	s9 =	smul.u32 $0xF7A, s1;
	s8 =	simm.s32 @!p0 $0x1BF5;
	p2 =	por !p2, p0  }
0x20: {  	[sflag:s8] =	ssyncset.s32 @!p0 $0xFFFFF086;
	s6 =	sadd.s32 @!p0 s3, s7;
	s7 =	simm.s32 @!p0 $0x108  }
0x21: {  	s3 =	sadd.s32 s3, s9;
	s6 =	sadd.s32 @!p0 $0x88, s6;
	s7 =	simm.s32 @p2 $0x1082  }
0x22: {  	[simem:s7], [sflag:s8] =	dma.local @!p0 [hbm:s6], $0xF7A  }
0x23: {  	s9 =	sor.u32 $0xD0000000, s2;
	s6 =	simm.s32 $0x108;
	_ =	swait.ge @!p0 [sflag:s8], $0x0  }
0x24: {  	s3 =	sadd.s32 $0x88, s3;
	s6 =	simm.s32 @!p1 $0x1082;
	[sflag:s4] =	ssyncset.s32 $0xFFFFF086  }
0x25: {  	[simem:s6], [sflag:s4] =	dma.local [hbm:s3], $0xF7A  }
0x26: {  	[smem:$0x3F91] =	sst s1;
	(tag) =	ssettag s2;
	_ =	strace s9  }
0x27: {  	s1 =	sld [smem:$0x3FA1]  }
0x28: {  	s2 =	sld [smem:$0x3FA2]  }
0x29: {  	s4 =	sld [smem:$0x3FA4]  }
0x2a: {  	p0 =	seq.s32 s5, $0x0;
	s5 =	sld [smem:$0x3FA5]  }
0x2b: {  	s6 =	sld [smem:$0x3FA6]  }
0x2c: {  	s7 =	sld [smem:$0x3FA7]  }
0x2d: {  	s3 =	simm.s32 $0x108;
	s8 =	sld [smem:$0x3FA8]  }
0x2e: {  	s3 =	simm.s32 @!p0 $0x1082;
	s9 =	sld [smem:$0x3FA9]  }
0x2f: {  	lr =	sadd.s32 s0, s3;
	s0 =	sld [smem:$0x3FA0]  }
0x30: {  	s3 =	sld [smem:$0x3FA3]  }
0x31: {  	[smem:$0x3FAC] =	sst s10  }
0x32: {  	s10 =	sld [smem:$0x3FAA];
	_ =	sdelay $0x3  }
0x33: {  	p0 =	seq.s32 s10, $0x1;
	s10 =	sld [smem:$0x3FAC];
	_ =	sdelay $0x3  }
0x34: {  	[smem:$0x3FAC] =	sst s10  }
0x35: {  	s10 =	sld [smem:$0x3FAB];
	_ =	sdelay $0x3  }
0x36: {  	p1 =	seq.s32 s10, $0x1;
	s10 =	sld [smem:$0x3FAC];
	_ =	sdelay $0x3  }
0x37: {  	[smem:$0x3FAC] =	sst s10  }
0x38: {  	s10 =	sld [smem:$0x3FAD]  }
0x39: {  	_ = 	snop;
	(pc) =	sbr.ind lr, $3  }
0x3a: {  	_ = 	snop  }
0x3b: {  	_ = 	snop  }
0x3c: {  	p2 =	seq.s32 s10, $0x1;
	s10 =	sld [smem:$0x3FAC]  }
0x3d: {  	_ =	shalt  }
0x3e: {  	_ =	shalt  }
0x3f: {  	_ =	shalt  }
0x40: {  	_ =	shalt  }
0x41: {  	_ =	shalt  }
0x42: {  	_ =	shalt  }
0x43: {  	_ =	shalt  }
0x44: {  	_ =	shalt  }
0x45: {  	_ =	shalt  }
0x46: {  	_ =	shalt  }
0x47: {  	_ =	shalt  }
0x48: {  	_ =	shalt  }
0x49: {  	_ =	shalt  }
0x4a: {  	_ =	shalt  }
0x4b: {  	_ =	shalt  }
0x4c: {  	_ =	shalt  }
0x4d: {  	_ =	shalt  }
0x4e: {  	_ =	shalt  }
0x4f: {  	_ =	shalt  }
0x50: {  	_ =	shalt  }
0x51: {  	_ =	shalt  }
0x52: {  	_ =	shalt  }
0x53: {  	_ =	shalt  }
0x54: {  	_ =	shalt  }
0x55: {  	_ =	shalt  }
0x56: {  	_ =	shalt  }
0x57: {  	_ =	shalt  }
0x58: {  	_ =	shalt  }
0x59: {  	_ =	shalt  }
0x5a: {  	_ =	shalt  }
0x5b: {  	_ =	shalt  }
0x5c: {  	_ =	shalt  }
0x5d: {  	_ =	shalt  }
0x5e: {  	_ =	shalt  }
0x5f: {  	_ =	shalt  }
0x60: {  	_ =	shalt  }
0x61: {  	_ =	shalt  }
0x62: {  	_ =	shalt  }
0x63: {  	_ =	shalt  }
0x64: {  	_ =	shalt  }
0x65: {  	_ =	shalt  }
0x66: {  	_ =	shalt  }
0x67: {  	_ =	shalt  }
0x68: {  	_ =	shalt  }
0x69: {  	_ =	shalt  }
0x6a: {  	_ =	shalt  }
0x6b: {  	_ =	shalt  }
0x6c: {  	_ =	shalt  }
0x6d: {  	_ =	shalt  }
0x6e: {  	_ =	shalt  }
0x6f: {  	_ =	shalt  }
0x70: {  	_ =	shalt  }
0x71: {  	_ =	shalt  }
0x72: {  	_ =	shalt  }
0x73: {  	_ =	shalt  }
0x74: {  	_ =	shalt  }
0x75: {  	_ =	shalt  }
0x76: {  	_ =	shalt  }
0x77: {  	_ =	shalt  }
0x78: {  	_ =	shalt  }
0x79: {  	_ =	shalt  }
0x7a: {  	_ =	shalt  }
0x7b: {  	_ =	shalt  }
0x7c: {  	_ =	shalt  }
0x7d: {  	_ =	shalt  }
0x7e: {  	_ =	shalt  }
0x7f: {  	_ =	shalt  }
0x80: {  	_ =	shalt  }
0x81: {  	_ =	shalt  }
0x82: {  	_ =	shalt  }
0x83: {  	_ =	shalt  }
0x84: {  	_ =	shalt  }
0x85: {  	_ =	shalt  }
0x86: {  	_ =	shalt  }
0x87: {  	_ =	shalt  }
.Lfunc_end0:
.L_simem_size_0:
called_computation.3_lowered:
.L_overlay_start_0:
0x88: {  	s2 =	sld [smem:$0x3FD9]  }
0x89: {  	s3 =	sld [smem:$0x3FFE];
	_ =	sdelay $0x1  }
0x8a: {  	s1 =	srdreg.scid  }
0x8b: {  	s0 =	sand.u32 $0x1, s1  }
0x8c: {  	s16 =	sshll.u32 s0, $0xA;
	s2 =	sadd.s32 s3, s2  }
0x8d: {  	s2 =	sadd.s32 s2, s16  }
0x8e: {  	[smem:$0x3FB8] =	sst s2  }
0x8f: {  	_ = 	snop  }
0x90: {  	(tm) =	ssettm $0x1  }
0x91: {  	s17 =	sld [smem:$0x3FFB];
	_ =	sdelay $0x3  }
0x92: {  	_ =	strace s17  }
0x93: {  	s2 =	sld [smem:$0x3FFC];
	_ =	sdelay $0x3  }
0x94: {  	_ =	strace s2  }
0x95: {  	s2 =	sld [smem:$0x3FFD];
	_ =	sdelay $0x3  }
0x96: {  	_ =	strace s2  }
0x97: {  	_ =	strace $0x8FFFFFFF  }
0x98: {  	s18 =	sld [smem:$0x3FDB];
	_ =	sdelay $0x1  }
0x99: {  	s19 =	simm.s32 $_scs_section_size  }
0x9a: {  	s4 =	simm.s32 $_size__tile_overlayer_lowered;
	s5 =	simm.s32 $_tile_overlayer_lowered  }
0x9b: {  	s22 =	simm.s32 $0x1BFF;
	s21 =	sshll.u32 s5, $0x1;
	s2 =	sadd.s32 s19, s18  }
0x9c: {  	s6 =	simm.s32 $0x0;
	s20 =	sshll.u32 s4, $0x1;
	s4 =	sadd.s32 s21, s2  }
0x9d: {  	[timem:s6], [sflag:s22] =	dma.local [hbm:s4], s20  }
0x9e: {  	_ =	swait.ge [sflag:s22], s20  }
0x9f: {  	s3 =	ssub.s32 $0x0, s20;
	[sflag:s22] =	ssyncset.done $0x0  }
0xa0: {  	[sflag:s22] =	ssyncadd.s32 s3;
	_ =	sdelay $0x1  }
0xa1: {  	s23 =	simm.s32 $0x1B8B  }
0xa2: {  	_ =	swait.ge [sflag:s23], $0x1  }
0xa3: {  	[sflag:s23] =	ssyncset.done $0x0  }
0xa4: {  	s25 =	simm.s32 $0x1B8E;
	s24 =	sld [smem:$0x3FFE];
	[sflag:s23] =	ssyncadd.s32 $0xFFFFFFFF  }
0xa5: {  	s26 =	simm.s32 $execute0_lowered;
	[smem:$0x3FD2] =	sst s25  }
0xa6: {  	s4 =	sshll.u32 s26, $0x1;
	_ =	strace $0x8000004F;
	[dreg:$0x1] =	wrdreg $0xFFFFFFFF  }
0xa7: {  	s28 =	simm.s32 $_size_execute0_lowered;
	s2 =	sadd.s32 s2, s4;
	[dreg:$0x0] =	wrdreg $0x0  }
0xa8: {  	s4 =	sshll.u32 s28, $0x1;
	[dreg:$0x2] =	wrdreg s2  }
0xa9: {  	[dreg:$0x3] =	wrdreg s4  }
0xaa: {  	[dreg:$0x4] =	wrdreg $0xC0  }
0xab: {  	_ =	task [dreg:s6], $0x5FFFF  }
0xac: {  	[dreg:$0x1] =	wrdreg $0xFFFFFFFF  }
0xad: {  	[dreg:$0x0] =	wrdreg $0x60  }
0xae: {  	[dreg:$0x2] =	wrdreg s24  }
0xaf: {  	[dreg:$0x3] =	wrdreg $0x114000  }
0xb0: {  	[dreg:$0x4] =	wrdreg $0x9  }
0xb1: {  	_ =	task.clear_ibuf [dreg:s6], $0x5FFFF;
	_ =	strace $0x9000004F  }
0xb2: {  	s29 =	simm.s32 $0x9;
	_ =	strace $0x80000051  }
0xb3: {  	_ =	swait.ge [sflag:s29], $0x1  }
0xb4: {  	[sflag:s29] =	ssyncadd.s32 $0xFFFFFFFF  }
0xb5: {  	_ =	strace $0x90000051  }
0xb6: {  	_ =	sfence  }
0xb7: {  	s30 =	sld [smem:$0x0];
	_ =	sdelay $0x2  }
0xb8: {  	s31 =	sshll.u32 s1, $0xD;
	s1 =	sshrl.u32 s1, $0x2  }
0xb9: {  	s3 =	sand.u32 $0x4000, s31;
	s1 =	sadd.s32 s1, s30  }
0xba: {  	s0 =	sor.u32 s3, s0;
	s1 =	sshll.u32 s1, $0x11  }
0xbb: {  	s0 =	sor.u32 s1, s0  }
0xbc: {  	s0 =	sadd.s32 $0x8F2B, s0  }
0xbd: {  	[sflag:s0] =	ssyncadd.remote.s32 $0x1  }
0xbe: {  	_ =	sfence.sel $0xFFFF  }
0xbf: {  	[dreg:$0x0] =	wrdreg $0xFFFFFFFF;
	(pc) =	sbr.abs _section_cstart, $3  }
0xc0: {  	[dreg:$0x1] =	wrdreg $0xFFFFFFFF  }
0xc1: {  	_ =	task.clear_ibuf [dreg:s6], $0x2FFFF;
	_ =	strace $0x9FFFFFFF  }
0xc2: {  	(tm) =	ssettm $0x7FFFFFFF  }
0xc3: {  	_ =	shalt  }
tec
execute0_lowered:
.L_overlay_start_1:
0x0: {  	(tag) =	ssettag $0x1  }
0x1: {  	s0 =	srdreg.scid;
	s1 =	rddreg [dreg:$0x0]  }
0x2: {  	s15 =	stileid.u32;
	s2 =	rddreg [dreg:$0x1]  }
0x3: {  	s17 =	simm.s32 $0x80;
	s18 =	simm.s32 $0x2400;
	s20 =	simm.s32 $0x3400  }
0x4: {  	s22 =	simm.s32 $0x4400;
	s29 =	simm.s32 $0x7400;
	s5 =	smul.u32 $0xA00, s15  }
0x5: {  	s31 =	simm.s32 $0x8400;
	s0 =	sand.u32 $0x1, s0;
	s12 =	smul.u32 $0x14000, s15  }
0x6: {  	s3 =	sshll.u32 s15, $0x1;
	s10 =	sadd.s32 $0x160600, s1;
	s13 =	smul.u32 $0x50000, s15  }
0x7: {  	s30 =	sshll.u32 s15, $0x6;
	s6 =	sor.u32 s0, s3;
	s7 =	smul.u32 $0xA000, s0  }
0x8: {  	s3 =	simm.s32 $0x0;
	s11 =	ssub.s32 $0x2, s0;
	s0 =	smul.u32 $0x28000, s0  }
0x9: {  	s15 =	simm.s32 $0x1;
	s4 =	smul.u32 $0x280, s6;
	[smem:$0x7FF] =	sst s3  }
0xa: {  	s9 =	smul.u32 $0x5000, s6;
	s24 =	sshrl.u32 s11, $0x1;
	s25 =	sshrl.u32 s12, $0x2  }
0xb: {  	s26 =	smul.u32 $0x28000, s6;
	s12 =	simm.s32 $0x1400;
	_ =	strace $0x80000050  }
0xc: {  	s5 =	sadd.s32 s5, s7;
	s11 =	ssub.s32 s11, s24;
	s14 =	sadd.s32 s25, s2  }
0xd: {  	s0 =	sadd.s32 s0, s13;
	s13 =	sor.u32 $0x1C03, s30;
	s24 =	simm.s32 $0x5400  }
0xe: {  	s8 =	sadd.s32 s4, s1;
	s4 =	sadd.s32 $0x2C00, s1;
	s1 =	sadd.s32 s5, s1  }
0xf: {  	s6 =	sadd.s32 s10, s9;
	s28 =	sshrl.u32 s26, $0x3;
	s0 =	sadd.s32 $0x10000, s0  }
0x10: {  	s14 =	sshrl.u32 s14, $0x3;
	s26 =	simm.s32 $0x6400;
	s5 =	sadd.s32 $0x15B600, s8  }
0x11: {  	s7 =	sadd.s32 $0x3600, s1;
	s8 =	smax.u32 s11, $0x1;
	s1 =	sadd.s32 s10, s28  }
0x12: {  	s0 =	sshrl.u32 s0, $0x3;
	s11 =	simm.s32 $0x3;
	s9 =	sadd.s32 $0x1000, s1  }
0x13: {  	s10 =	sadd.s32 s0, s10;
	s1 =	simm.s32 $0x2;
	s0 =	simm.s32 $0x0  }
.LBB2_1:
0x14: {  	[tilespmem:s3], [sflag:$0x3] =	stream.linear.gather [hbm4b:s5+s3], $0x1400, $0x38;
	[tilespmem:$0x16400] =	vst v63  }
0x15: {  	_ =	swait.ge [sflag:s11], $0x1400  }
0x16: {  	[sflag:s11] =	ssyncset.done $0x0  }
0x17: {  	[sflag:s11] =	ssyncadd.s32 $0xFFFFEC00  }
0x18: {  	[tilespmem:s12], [sflag:$0x1] =	stream.linear.gather [hbm4b:s6+s3], $0x8000, $0x38;
	[tilespmem:$0x16400] =	vst v63  }
0x19: {  	[spmem:s14], [sflag:s13] =	dma.local [hbm:s4], $0xA00  }
0x1a: {  	_ =	swait.ge [sflag:s11], $0xA00  }
0x1b: {  	[sflag:s11] =	ssyncset.done $0x0  }
0x1c: {  	[sflag:s11] =	ssyncadd.s32 $0xFFFFF600  }
0x1d: {  	[bflag:$0x0] =	sbarrier.arrive $0xFFFF  }
0x1e: {  	_ =	swait.ge [sflag:s15], $0x8000  }
0x1f: {  	[sflag:s15] =	ssyncset.done $0x0  }
0x20: {  	s16 =	simm.s32 $0x9400;
	[sflag:s15] =	ssyncadd.s32 $0xFFFF8000  }
0x21: {  	[tilespmem:s16], [sflag:$0x1] =	stream.linear.gather [hbm4b:s9+s3], $0x8000, $0x38;
	[tilespmem:$0x16400] =	vst v63  }
0x22: {  	_ = 	snop  }
0x23: {  	[spmem:s2] =	stream.indirect.scatter.add.f32 [tilespmem:s12], [sflag:$0x2], $0x20, s3, s17, $0xb8;
	[tilespmem:$0x16400] =	vst v63  }
0x24: {  	_ = 	snop  }
0x25: {  	[spmem:s2] =	stream.indirect.scatter.add.f32 [tilespmem:s18], [sflag:$0x2], $0x20, s17, s17, $0xb8;
	[tilespmem:$0x16400] =	vst v63  }
0x26: {  	s23 =	simm.s32 $0x100  }
0x27: {  	[spmem:s2] =	stream.indirect.scatter.add.f32 [tilespmem:s20], [sflag:$0x2], $0x20, s23, s17, $0xb8;
	[tilespmem:$0x16400] =	vst v63  }
0x28: {  	s25 =	simm.s32 $0x180  }
0x29: {  	[spmem:s2] =	stream.indirect.scatter.add.f32 [tilespmem:s22], [sflag:$0x2], $0x20, s25, s17, $0xb8;
	[tilespmem:$0x16400] =	vst v63  }
0x2a: {  	s28 =	simm.s32 $0x200  }
0x2b: {  	[spmem:s2] =	stream.indirect.scatter.add.f32 [tilespmem:s24], [sflag:$0x2], $0x20, s28, s17, $0xb8;
	[tilespmem:$0x16400] =	vst v63  }
0x2c: {  	s30 =	simm.s32 $0x280  }
0x2d: {  	[spmem:s2] =	stream.indirect.scatter.add.f32 [tilespmem:s26], [sflag:$0x2], $0x20, s30, s17, $0xb8;
	[tilespmem:$0x16400] =	vst v63  }
0x2e: {  	s19 =	simm.s32 $0x300  }
0x2f: {  	[spmem:s2] =	stream.indirect.scatter.add.f32 [tilespmem:s29], [sflag:$0x2], $0x20, s19, s17, $0xb8;
	[tilespmem:$0x16400] =	vst v63  }
0x30: {  	s21 =	simm.s32 $0x380  }
0x31: {  	[spmem:s2] =	stream.indirect.scatter.add.f32 [tilespmem:s31], [sflag:$0x2], $0x20, s21, s17, $0xb8;
	[tilespmem:$0x16400] =	vst v63  }
0x32: {  	_ =	swait.ge [sflag:s15], $0x8000  }
0x33: {  	[sflag:s15] =	ssyncset.done $0x0  }
0x34: {  	[sflag:s15] =	ssyncadd.s32 $0xFFFF8000  }
0x35: {  	_ =	swait.ge [sflag:s1], $0x1000  }
0x36: {  	[sflag:s1] =	ssyncset.done $0x0  }
0x37: {  	[sflag:s1] =	ssyncadd.s32 $0xFFFFF000  }
0x38: {  	_ =	swait.ge [sflag:s1], $0x1000  }
0x39: {  	[sflag:s1] =	ssyncset.done $0x0  }
0x3a: {  	[sflag:s1] =	ssyncadd.s32 $0xFFFFF000  }
0x3b: {  	_ =	swait.ge [sflag:s1], $0x1000  }
0x3c: {  	[sflag:s1] =	ssyncset.done $0x0  }
0x3d: {  	[sflag:s1] =	ssyncadd.s32 $0xFFFFF000  }
0x3e: {  	_ =	swait.ge [sflag:s1], $0x1000  }
0x3f: {  	[sflag:s1] =	ssyncset.done $0x0  }
0x40: {  	[sflag:s1] =	ssyncadd.s32 $0xFFFFF000  }
0x41: {  	_ =	swait.ge [sflag:s1], $0x1000  }
0x42: {  	[sflag:s1] =	ssyncset.done $0x0  }
0x43: {  	[sflag:s1] =	ssyncadd.s32 $0xFFFFF000  }
0x44: {  	_ =	swait.ge [sflag:s1], $0x1000  }
0x45: {  	[sflag:s1] =	ssyncset.done $0x0  }
0x46: {  	[sflag:s1] =	ssyncadd.s32 $0xFFFFF000  }
0x47: {  	_ =	swait.ge [sflag:s1], $0x1000  }
0x48: {  	s23 =	simm.s32 $0x40000;
	[sflag:s1] =	ssyncset.done $0x0  }
0x49: {  	s16 =	sand.u32 $0x20000, s23;
	[sflag:s1] =	ssyncadd.s32 $0xFFFFF000  }
0x4a: {  	s16 =	sshrl.u32 s16, $0x2;
	_ =	swait.ge [sflag:s1], $0x1000  }
0x4b: {  	s25 =	sadd.s32 $0x0, s10;
	s19 =	simm.s32 $0x8000;
	[sflag:s1] =	ssyncset.done $0x0  }
0x4c: {  	s16 =	sor.u32 $0x1400, s16;
	s21 =	sand.u32 $0x8000, s19;
	[sflag:s1] =	ssyncadd.s32 $0xFFFFF000  }
0x4d: {  	[tilespmem:s16], [sflag:$0x1] =	stream.linear.gather [hbm4b:s25+s3], $0x8000, $0x38;
	[tilespmem:$0x16400] =	vst v63  }
0x4e: {  	s30 =	simm.s32 $0x400;
	s28 =	sor.u32 $0x1400, s21  }
0x4f: {  	[spmem:s2] =	stream.indirect.scatter.add.f32 [tilespmem:s28], [sflag:$0x2], $0x20, s30, s17, $0xb8;
	[tilespmem:$0x16400] =	vst v63  }
0x50: {  	s23 =	sor.u32 $0x2400, s21;
	s25 =	simm.s32 $0x480  }
0x51: {  	[spmem:s2] =	stream.indirect.scatter.add.f32 [tilespmem:s23], [sflag:$0x2], $0x20, s25, s17, $0xb8;
	[tilespmem:$0x16400] =	vst v63  }
0x52: {  	s19 =	simm.s32 $0x10000;
	s28 =	sor.u32 $0x3400, s21;
	s30 =	simm.s32 $0x500  }
0x53: {  	[spmem:s2] =	stream.indirect.scatter.add.f32 [tilespmem:s28], [sflag:$0x2], $0x20, s30, s17, $0xb8;
	[tilespmem:$0x16400] =	vst v63  }
0x54: {  	s16 =	simm.s32 $0x1000;
	s23 =	sor.u32 $0x4400, s21;
	s25 =	simm.s32 $0x580  }
0x55: {  	[spmem:s2] =	stream.indirect.scatter.add.f32 [tilespmem:s23], [sflag:$0x2], $0x20, s25, s17, $0xb8;
	[tilespmem:$0x16400] =	vst v63  }
0x56: {  	s28 =	sor.u32 $0x5400, s21;
	s30 =	simm.s32 $0x600;
	s23 =	sor.u32 $0x6400, s21  }
0x57: {  	[spmem:s2] =	stream.indirect.scatter.add.f32 [tilespmem:s28], [sflag:$0x2], $0x20, s30, s17, $0xb8;
	[tilespmem:$0x16400] =	vst v63  }
0x58: {  	s25 =	simm.s32 $0x680;
	s28 =	sor.u32 $0x7400, s21;
	s30 =	simm.s32 $0x700  }
0x59: {  	[spmem:s2] =	stream.indirect.scatter.add.f32 [tilespmem:s23], [sflag:$0x2], $0x20, s25, s17, $0xb8;
	[tilespmem:$0x16400] =	vst v63  }
0x5a: {  	s23 =	sadd.s32 $0x8400, s21;
	s25 =	simm.s32 $0x780;
	s21 =	simm.s32 $0x60000  }
0x5b: {  	[spmem:s2] =	stream.indirect.scatter.add.f32 [tilespmem:s28], [sflag:$0x2], $0x20, s30, s17, $0xb8;
	[tilespmem:$0x16400] =	vst v63  }
.LBB2_2:
0x5c: {  	[spmem:s2] =	stream.indirect.scatter.add.f32 [tilespmem:s23], [sflag:$0x2], $0x20, s25, s17, $0xb8;
	[tilespmem:$0x16400] =	vst v63  }
0x5d: {  	s23 =	smov.u32 s16  }
0x5e: {  	p0 =	sne.s32 s16, $0x2000;
	s16 =	sadd.s32 $0x1000, s16;
	_ =	swait.ge [sflag:s15], $0x8000  }
0x5f: {  	[sflag:s15] =	ssyncset.done $0x0  }
0x60: {  	[sflag:s15] =	ssyncadd.s32 $0xFFFF8000  }
0x61: {  	_ =	swait.ge [sflag:s1], $0x1000  }
0x62: {  	[sflag:s1] =	ssyncset.done $0x0  }
0x63: {  	[sflag:s1] =	ssyncadd.s32 $0xFFFFF000  }
0x64: {  	_ =	swait.ge [sflag:s1], $0x1000  }
0x65: {  	[sflag:s1] =	ssyncset.done $0x0  }
0x66: {  	[sflag:s1] =	ssyncadd.s32 $0xFFFFF000  }
0x67: {  	_ =	swait.ge [sflag:s1], $0x1000  }
0x68: {  	[sflag:s1] =	ssyncset.done $0x0  }
0x69: {  	[sflag:s1] =	ssyncadd.s32 $0xFFFFF000  }
0x6a: {  	_ =	swait.ge [sflag:s1], $0x1000  }
0x6b: {  	[sflag:s1] =	ssyncset.done $0x0  }
0x6c: {  	[sflag:s1] =	ssyncadd.s32 $0xFFFFF000  }
0x6d: {  	_ =	swait.ge [sflag:s1], $0x1000  }
0x6e: {  	[sflag:s1] =	ssyncset.done $0x0  }
0x6f: {  	[sflag:s1] =	ssyncadd.s32 $0xFFFFF000  }
0x70: {  	_ =	swait.ge [sflag:s1], $0x1000  }
0x71: {  	[sflag:s1] =	ssyncset.done $0x0  }
0x72: {  	[sflag:s1] =	ssyncadd.s32 $0xFFFFF000  }
0x73: {  	_ =	swait.ge [sflag:s1], $0x1000  }
0x74: {  	[sflag:s1] =	ssyncset.done $0x0  }
0x75: {  	[sflag:s1] =	ssyncadd.s32 $0xFFFFF000  }
0x76: {  	s25 =	sand.u32 $0x20000, s21;
	s28 =	sshra.s32 s23, $0x2;
	_ =	swait.ge [sflag:s1], $0x1000  }
0x77: {  	s30 =	sand.u32 $0x8000, s19;
	s25 =	sshrl.u32 s25, $0x2;
	[sflag:s1] =	ssyncset.done $0x0  }
0x78: {  	s23 =	sadd.s32 s23, s10;
	s25 =	sor.u32 $0x1400, s25;
	[sflag:s1] =	ssyncadd.s32 $0xFFFFF000  }
0x79: {  	[tilespmem:s25], [sflag:$0x1] =	stream.linear.gather [hbm4b:s23+s3], $0x8000, $0x38;
	[tilespmem:$0x16400] =	vst v63  }
0x7a: {  	s23 =	sor.u32 $0x1400, s30;
	s25 =	sadd.s32 $0x400, s28  }
0x7b: {  	[spmem:s2] =	stream.indirect.scatter.add.f32 [tilespmem:s23], [sflag:$0x2], $0x20, s25, s17, $0xb8;
	[tilespmem:$0x16400] =	vst v63  }
0x7c: {  	s23 =	sor.u32 $0x2400, s30;
	s25 =	sadd.s32 $0x480, s28  }
0x7d: {  	[spmem:s2] =	stream.indirect.scatter.add.f32 [tilespmem:s23], [sflag:$0x2], $0x20, s25, s17, $0xb8;
	[tilespmem:$0x16400] =	vst v63  }
0x7e: {  	s23 =	sor.u32 $0x3400, s30;
	s25 =	sadd.s32 $0x500, s28  }
0x7f: {  	[spmem:s2] =	stream.indirect.scatter.add.f32 [tilespmem:s23], [sflag:$0x2], $0x20, s25, s17, $0xb8;
	[tilespmem:$0x16400] =	vst v63  }
0x80: {  	s23 =	sor.u32 $0x4400, s30;
	s25 =	sadd.s32 $0x580, s28  }
0x81: {  	[spmem:s2] =	stream.indirect.scatter.add.f32 [tilespmem:s23], [sflag:$0x2], $0x20, s25, s17, $0xb8;
	[tilespmem:$0x16400] =	vst v63  }
0x82: {  	s23 =	sor.u32 $0x5400, s30;
	s25 =	sadd.s32 $0x600, s28  }
0x83: {  	[spmem:s2] =	stream.indirect.scatter.add.f32 [tilespmem:s23], [sflag:$0x2], $0x20, s25, s17, $0xb8;
	[tilespmem:$0x16400] =	vst v63  }
.Ltmp0:
0x84: {  	s23 =	sor.u32 $0x6400, s30;
	s25 =	sadd.s32 $0x680, s28;
	(pc) =	sbr.rel @p0 .LBB2_2-.Ltmp0, $4  }
0x85: {  	[spmem:s2] =	stream.indirect.scatter.add.f32 [tilespmem:s23], [sflag:$0x2], $0x20, s25, s17, $0xb8;
	[tilespmem:$0x16400] =	vst v63  }
0x86: {  	s19 =	sadd.s32 $0x8000, s19;
	s23 =	sor.u32 $0x7400, s30;
	s25 =	sadd.s32 $0x700, s28  }
0x87: {  	[spmem:s2] =	stream.indirect.scatter.add.f32 [tilespmem:s23], [sflag:$0x2], $0x20, s25, s17, $0xb8;
	[tilespmem:$0x16400] =	vst v63  }
0x88: {  	s21 =	sadd.s32 $0x20000, s21;
	s23 =	sadd.s32 $0x8400, s30;
	s25 =	sadd.s32 $0x780, s28  }
0x89: {  	[spmem:s2] =	stream.indirect.scatter.add.f32 [tilespmem:s23], [sflag:$0x2], $0x20, s25, s17, $0xb8;
	[tilespmem:$0x16400] =	vst v63  }
0x8a: {  	_ =	swait.ge [sflag:s15], $0x8000  }
0x8b: {  	[sflag:s15] =	ssyncset.done $0x0  }
0x8c: {  	[sflag:s15] =	ssyncadd.s32 $0xFFFF8000  }
0x8d: {  	_ =	swait.ge [sflag:s1], $0x1000  }
0x8e: {  	[sflag:s1] =	ssyncset.done $0x0  }
0x8f: {  	[sflag:s1] =	ssyncadd.s32 $0xFFFFF000  }
0x90: {  	_ =	swait.ge [sflag:s1], $0x1000  }
0x91: {  	[sflag:s1] =	ssyncset.done $0x0  }
0x92: {  	[sflag:s1] =	ssyncadd.s32 $0xFFFFF000  }
0x93: {  	_ =	swait.ge [sflag:s1], $0x1000  }
0x94: {  	[sflag:s1] =	ssyncset.done $0x0  }
0x95: {  	[sflag:s1] =	ssyncadd.s32 $0xFFFFF000  }
0x96: {  	_ =	swait.ge [sflag:s1], $0x1000  }
0x97: {  	[sflag:s1] =	ssyncset.done $0x0  }
0x98: {  	[sflag:s1] =	ssyncadd.s32 $0xFFFFF000  }
0x99: {  	_ =	swait.ge [sflag:s1], $0x1000  }
0x9a: {  	[sflag:s1] =	ssyncset.done $0x0  }
0x9b: {  	[sflag:s1] =	ssyncadd.s32 $0xFFFFF000  }
0x9c: {  	_ =	swait.ge [sflag:s1], $0x1000  }
0x9d: {  	[sflag:s1] =	ssyncset.done $0x0  }
0x9e: {  	[sflag:s1] =	ssyncadd.s32 $0xFFFFF000  }
0x9f: {  	_ =	swait.ge [sflag:s1], $0x1000  }
0xa0: {  	[sflag:s1] =	ssyncset.done $0x0  }
0xa1: {  	[sflag:s1] =	ssyncadd.s32 $0xFFFFF000  }
0xa2: {  	_ =	swait.ge [sflag:s1], $0x1000  }
0xa3: {  	[sflag:s1] =	ssyncset.done $0x0  }
0xa4: {  	s16 =	simm.s32 $0x1000;
	[sflag:s1] =	ssyncadd.s32 $0xFFFFF000  }
0xa5: {  	[spmem:s2] =	stream.indirect.scatter.add.f32 [tilespmem:s12], [sflag:$0x2], $0x20, s16, s17, $0xb8;
	[tilespmem:$0x16400] =	vst v63  }
0xa6: {  	s30 =	simm.s32 $0x1080  }
0xa7: {  	[spmem:s2] =	stream.indirect.scatter.add.f32 [tilespmem:s18], [sflag:$0x2], $0x20, s30, s17, $0xb8;
	[tilespmem:$0x16400] =	vst v63  }
0xa8: {  	s19 =	simm.s32 $0x1100  }
0xa9: {  	[spmem:s2] =	stream.indirect.scatter.add.f32 [tilespmem:s20], [sflag:$0x2], $0x20, s19, s17, $0xb8;
	[tilespmem:$0x16400] =	vst v63  }
0xaa: {  	s21 =	simm.s32 $0x1180  }
0xab: {  	[spmem:s2] =	stream.indirect.scatter.add.f32 [tilespmem:s22], [sflag:$0x2], $0x20, s21, s17, $0xb8;
	[tilespmem:$0x16400] =	vst v63  }
0xac: {  	s23 =	simm.s32 $0x1200  }
0xad: {  	[spmem:s2] =	stream.indirect.scatter.add.f32 [tilespmem:s24], [sflag:$0x2], $0x20, s23, s17, $0xb8;
	[tilespmem:$0x16400] =	vst v63  }
0xae: {  	s25 =	simm.s32 $0x1280  }
0xaf: {  	[spmem:s2] =	stream.indirect.scatter.add.f32 [tilespmem:s26], [sflag:$0x2], $0x20, s25, s17, $0xb8;
	[tilespmem:$0x16400] =	vst v63  }
0xb0: {  	s28 =	simm.s32 $0x1300  }
0xb1: {  	[spmem:s2] =	stream.indirect.scatter.add.f32 [tilespmem:s29], [sflag:$0x2], $0x20, s28, s17, $0xb8;
	[tilespmem:$0x16400] =	vst v63  }
0xb2: {  	s30 =	simm.s32 $0x1380  }
0xb3: {  	[spmem:s2] =	stream.indirect.scatter.add.f32 [tilespmem:s31], [sflag:$0x2], $0x20, s30, s17, $0xb8;
	[tilespmem:$0x16400] =	vst v63  }
0xb4: {  	_ =	swait.ge [sflag:s1], $0x1000  }
0xb5: {  	[sflag:s1] =	ssyncset.done $0x0  }
0xb6: {  	[sflag:s1] =	ssyncadd.s32 $0xFFFFF000  }
0xb7: {  	_ =	swait.ge [sflag:s1], $0x1000  }
0xb8: {  	[sflag:s1] =	ssyncset.done $0x0  }
0xb9: {  	[sflag:s1] =	ssyncadd.s32 $0xFFFFF000  }
0xba: {  	_ =	swait.ge [sflag:s1], $0x1000  }
0xbb: {  	[sflag:s1] =	ssyncset.done $0x0  }
0xbc: {  	[sflag:s1] =	ssyncadd.s32 $0xFFFFF000  }
0xbd: {  	_ =	swait.ge [sflag:s1], $0x1000  }
0xbe: {  	[sflag:s1] =	ssyncset.done $0x0  }
0xbf: {  	[sflag:s1] =	ssyncadd.s32 $0xFFFFF000  }
0xc0: {  	_ =	swait.ge [sflag:s1], $0x1000  }
0xc1: {  	[sflag:s1] =	ssyncset.done $0x0  }
0xc2: {  	[sflag:s1] =	ssyncadd.s32 $0xFFFFF000  }
0xc3: {  	_ =	swait.ge [sflag:s1], $0x1000  }
0xc4: {  	[sflag:s1] =	ssyncset.done $0x0  }
0xc5: {  	[sflag:s1] =	ssyncadd.s32 $0xFFFFF000  }
0xc6: {  	_ =	swait.ge [sflag:s1], $0x1000  }
0xc7: {  	[sflag:s1] =	ssyncset.done $0x0  }
0xc8: {  	[sflag:s1] =	ssyncadd.s32 $0xFFFFF000  }
0xc9: {  	_ =	swait.ge [sflag:s1], $0x1000  }
0xca: {  	s0 =	sadd.s32 $0x1, s0;
	[sflag:s1] =	ssyncset.done $0x0  }
0xcb: {  	p0 =	sne.s32 s0, s8;
	[sflag:s1] =	ssyncadd.s32 $0xFFFFF000  }
.Ltmp1:
0xcc: {  	[bflag:$0x0] =	sbarrier.arrive $0xFFFF;
	(pc) =	sbr.rel @p0 .LBB2_1-.Ltmp1, $4  }
0xcd: {  	[hbm:s7], [sflag:s13] =	dma.local [spmem:s14], $0xA00  }
0xce: {  	_ =	swait.ge [sflag:s11], $0xA00  }
0xcf: {  	[sflag:s11] =	ssyncset.done $0x0  }
0xd0: {  	[sflag:s11] =	ssyncadd.s32 $0xFFFFF600  }
0xd1: {  	_ =	sfence.sel $0x180000  }
0xd2: {  	[bflag:$0x0] =	sbarrier.arrive $0xFFFF  }
0xd3: {  	_ =	strace $0x90000050  }
0xd4: {  	s0 =	stileid.u32;
	[bflag:$0x2] =	sbarrier.arrive $0xFFFF  }
0xd5: {  	p0 =	sne.s32 s0, $0x0;
	s0 =	rddreg [dreg:$0x2]  }
0xd6: {  	s0 =	sadd.s32 @!p0 $0x100000, s0  }
0xd7: {  	[sflag:s0] =	ssyncadd.tile.s32 @!p0 $0x1;
	_ =	shalt  }
.Lfunc_end2:
_tile_overlayer_lowered:
.L_overlay_start_2:
0xd8: {  	(tag) =	ssettag $0x2  }
0xd9: {  	s0 =	rddreg [dreg:$0x0];
	s2 =	stileid.u32  }
0xda: {  	s1 =	rddreg [dreg:$0x1];
	p0 =	sne.s32 s2, $0x0  }
0xdb: {  	s3 =	rddreg [dreg:$0x2];
	[bflag:$0x3] =	sbarrier.arrive $0xFFFF;
	s2 =	simm.s32 @!p0 $0x1C03  }
0xdc: {  	[timem:s3], [sflag:s2] =	dma.local @!p0 [hbm:s0], s1  }
0xdd: {  	s0 =	simm.s32 @!p0 $0x3  }
0xde: {  	_ =	swait.ge @!p0 [sflag:s0], s1  }
0xdf: {  	s1 =	ssub.s32 @!p0 $0x0, s1;
	[sflag:s0] =	ssyncset.done @!p0 $0x0  }
0xe0: {  	[sflag:s0] =	ssyncadd.s32 @!p0 s1  }
0xe1: {  	[bflag:$0x3] =	sbarrier.arrive $0xFFFF  }
0xe2: {  	_ =	shalt  }

</sc_bundles>
